<compile_context>
chip_gen: v7x
topology: tpu7x:2x2x1
jax: 0.10.2.dev20260603
libtpu: 0.0.44.dev20260713+nightly
codegen_flags: <defaults>
</compile_context>

<pallas_src>
import functools

import jax
import jax.numpy as jnp
from jax import lax
from jax.experimental import pallas as pl
from jax.experimental.pallas import tpu as pltpu
from jax.experimental.pallas import tpu_sc as plsc

NN = 10000
EE = 160000
HID = 128
GW = 256
PW = 128
NC, NS = 2, 16
NWORK = NC * NS
E_PAD = 163840
EPW = E_PAD // NWORK
CH = 128
NCHUNK = EPW // CH
CHG = 64
NCHG = EPW // CHG
N_ACC = 10112
RPS = N_ACC // NS
BL = 1000
NB = NN // BL
EBL = 1024
NEB = E_PAD // EBL

_f32 = jnp.float32


def _wspec(shape):
    return pl.BlockSpec(shape, lambda *_: tuple(0 for _ in shape))


def _prelude_body(ht, cond, tcol, w0a, w0b, w0c, b0, w1, b1, w2, b2, out):
    half = HID // 2
    i = lax.broadcasted_iota(jnp.int32, (1, half), 1).astype(_f32)
    freqs = jnp.exp(-jnp.log(10000.0) * i / (half - 1))
    ang = tcol[...] * freqs
    temb = jnp.concatenate([jnp.sin(ang), jnp.cos(ang)], axis=1)
    h = ht[...] @ w0a[...] + cond[...] @ w0b[...] + temb @ w0c[...] + b0[...]
    h = jax.nn.relu(h)
    h = jax.nn.relu(h @ w1[...] + b1[...])
    out[...] = h @ w2[...] + b2[...]


def _prelude(H_t, cond, tcol, p0, p1, p2):
    w0 = p0["w"]
    return pl.pallas_call(
        _prelude_body,
        grid=(NB,),
        in_specs=[
            pl.BlockSpec((BL, HID), lambda i: (i, 0)),
            pl.BlockSpec((BL, HID), lambda i: (i, 0)),
            pl.BlockSpec((BL, 1), lambda i: (i, 0)),
            _wspec((HID, HID)), _wspec((HID, HID)), _wspec((HID, HID)),
            _wspec((1, HID)), _wspec((HID, HID)), _wspec((1, HID)),
            _wspec((HID, HID)), _wspec((1, HID)),
        ],
        out_specs=pl.BlockSpec((BL, HID), lambda i: (i, 0)),
        out_shape=jax.ShapeDtypeStruct((NN, HID), _f32),
    )(H_t, cond, tcol, w0[:HID], w0[HID:2 * HID], w0[2 * HID:],
      p0["b"][None, :], p1["w"], p1["b"][None, :], p2["w"], p2["b"][None, :])


def _tables_body(h, xp, w1r, w1c, teff, ta, tb):
    a = jnp.concatenate([h[...] @ w1r[...], xp[...]], axis=1)
    ta[...] = a
    b = jnp.concatenate([h[...] @ w1c[...] + teff[0], xp[...]], axis=1)
    tb[...] = b


def _tables(h, xpad, w1r, w1c_b, teff):
    return pl.pallas_call(
        _tables_body,
        grid=(2, NB),
        in_specs=[
            pl.BlockSpec((BL, HID), lambda s, i: (i, 0)),
            pl.BlockSpec((BL, HID), lambda s, i: (i, 0)),
            _wspec((HID, HID)), _wspec((HID, HID)),
            pl.BlockSpec((1, 1, HID), lambda s, i: (s, 0, 0)),
        ],
        out_specs=[
            pl.BlockSpec((BL, GW), lambda s, i: (i, 0)),
            pl.BlockSpec((BL, GW), lambda s, i: (s * NB + i, 0)),
        ],
        out_shape=[
            jax.ShapeDtypeStruct((NN, GW), _f32),
            jax.ShapeDtypeStruct((2 * NN, GW), _f32),
        ],
    )(h, xpad, w1r, w1c_b, teff)


def _sc_gather_body(ta, tb2, rowp, colp, ga, gb,
                    idxr, idxc, bufa, bufb, sema, semb):
    wid = lax.axis_index("s") * NC + lax.axis_index("c")
    base0 = wid * EPW
    crow = wid * NCHG
    pltpu.sync_copy(rowp.at[pl.ds(crow, NCHG)], idxr)
    pltpu.sync_copy(colp.at[pl.ds(crow, NCHG)], idxc)

    pltpu.async_copy(ta.at[idxr.at[0]], bufa.at[0], sema)
    pltpu.async_copy(tb2.at[idxc.at[0]], bufb.at[0], semb)

    def chunk(i, carry):
        base = base0 + i * CHG
        p = i % 2
        q = (i + 1) % 2
        nxt = jnp.minimum(i + 1, NCHG - 1)
        pltpu.async_copy(ta.at[idxr.at[nxt]], bufa.at[q], sema)
        pltpu.async_copy(tb2.at[idxc.at[nxt]], bufb.at[q], semb)
        pltpu.make_async_copy(ta.at[idxr.at[i]], bufa.at[p], sema).wait()
        pltpu.sync_copy(bufa.at[p], ga.at[pl.ds(base, CHG)])
        pltpu.make_async_copy(tb2.at[idxc.at[i]], bufb.at[p], semb).wait()
        pltpu.sync_copy(bufb.at[p], gb.at[pl.ds(base, CHG)])
        return carry

    lax.fori_loop(0, NCHG, chunk, 0)
    pltpu.make_async_copy(ta.at[idxr.at[0]], bufa.at[0], sema).wait()
    pltpu.make_async_copy(tb2.at[idxc.at[0]], bufb.at[0], semb).wait()


def _sc_gather(ta, tb2, rowp, colp):
    mesh = plsc.VectorSubcoreMesh(core_axis_name="c", subcore_axis_name="s",
                                  num_cores=NC, num_subcores=NS)
    return pl.kernel(
        _sc_gather_body,
        out_type=[
            jax.ShapeDtypeStruct((E_PAD, GW), _f32),
            jax.ShapeDtypeStruct((E_PAD, GW), _f32),
        ],
        mesh=mesh,
        scratch_types=[
            pltpu.VMEM((NCHG, CHG), jnp.int32),
            pltpu.VMEM((NCHG, CHG), jnp.int32),
            pltpu.VMEM((2, CHG, GW), _f32),
            pltpu.VMEM((2, CHG, GW), _f32),
            pltpu.SemaphoreType.DMA,
            pltpu.SemaphoreType.DMA,
        ],
    )(ta, tb2, rowp, colp)


def _edge_body(ga, gb, wd2, w2, b2, wc, bc, om, oc):
    a = ga[...]
    b = gb[...]
    rel = a[:, HID:] - b[:, HID:]
    d2 = jnp.sum(rel * rel, axis=1, keepdims=True)
    z = a[:, :HID] + b[:, :HID] + d2 * wd2[...]
    m = jax.nn.silu(z)
    m = jax.nn.silu(m @ w2[...] + b2[...])
    wco = jnp.sum(m * wc[...], axis=1, keepdims=True) + bc[...]
    lane = lax.broadcasted_iota(jnp.int32, (1, PW), 1)
    one3 = jnp.where(lane == 3, 1.0, 0.0).astype(_f32)
    om[...] = m
    oc[...] = rel * wco + one3


def _edge(ga, gb, wd2, w2, b2, wc, bc):
    return pl.pallas_call(
        _edge_body,
        grid=(NEB,),
        in_specs=[
            pl.BlockSpec((EBL, GW), lambda i: (i, 0)),
            pl.BlockSpec((EBL, GW), lambda i: (i, 0)),
            _wspec((1, HID)), _wspec((HID, HID)), _wspec((1, HID)),
            _wspec((1, HID)), _wspec((1, 1)),
        ],
        out_specs=[
            pl.BlockSpec((EBL, PW), lambda i: (i, 0)),
            pl.BlockSpec((EBL, PW), lambda i: (i, 0)),
        ],
        out_shape=[
            jax.ShapeDtypeStruct((E_PAD, PW), _f32),
            jax.ShapeDtypeStruct((E_PAD, PW), _f32),
        ],
    )(ga, gb, wd2, w2, b2, wc, bc)


def _sc_scatter_body(s1, s2, colsp, zsrc, o1, o2, idxv, buf, shared, sem):
    c = lax.axis_index("c")
    s = lax.axis_index("s")
    wid = c * NS + s
    base0 = wid * EPW
    rsl = pl.ds(s * RPS, RPS)
    pltpu.sync_copy(colsp.at[pl.ds(wid * NCHUNK, NCHUNK)], idxv)

    for src, out in ((s1, o1), (s2, o2)):
        pltpu.sync_copy(zsrc.at[rsl], shared.at[rsl])
        plsc.subcore_barrier()
        pltpu.async_copy(src.at[pl.ds(base0, CH)], buf.at[0], sem)

        def chunk(i, carry):
            p = i % 2
            q = (i + 1) % 2
            nxt = jnp.minimum(i + 1, NCHUNK - 1)
            pltpu.async_copy(src.at[pl.ds(base0 + nxt * CH, CH)],
                             buf.at[q], sem)
            pltpu.make_async_copy(src.at[pl.ds(base0 + i * CH, CH)],
                                  buf.at[p], sem).wait()
            pltpu.sync_copy(buf.at[p], shared.at[idxv.at[i]], add=True)
            return carry

        lax.fori_loop(0, NCHUNK, chunk, 0)
        pltpu.make_async_copy(src.at[pl.ds(base0, CH)], buf.at[0], sem).wait()
        plsc.subcore_barrier()
        pltpu.sync_copy(shared.at[rsl], out.at[c, rsl])
        plsc.subcore_barrier()


def _sc_scatter(s1, s2, colsp, zsrc):
    mesh = plsc.VectorSubcoreMesh(core_axis_name="c", subcore_axis_name="s",
                                  num_cores=NC, num_subcores=NS)
    return pl.kernel(
        _sc_scatter_body,
        out_type=[
            jax.ShapeDtypeStruct((NC, N_ACC, PW), _f32),
            jax.ShapeDtypeStruct((NC, N_ACC, PW), _f32),
        ],
        mesh=mesh,
        scratch_types=[
            pltpu.VMEM((NCHUNK, CH), jnp.int32),
            pltpu.VMEM((2, CH, PW), _f32),
            pltpu.VMEM_SHARED((N_ACC, PW), _f32),
            pltpu.SemaphoreType.DMA,
        ],
    )(s1, s2, colsp, zsrc)


def _update_body(m0, m1, c0, c1, h, xp, u1a, u1b, bu1, u2, b2u, hn, xn):
    aggm = m0[0] + m1[0]
    aggc = c0[0] + c1[0]
    lane = lax.broadcasted_iota(jnp.int32, (1, PW), 1)
    mask3 = jnp.where(lane < 3, 1.0, 0.0).astype(_f32)
    deg = aggc[:, 3:4]
    xn[...] = xp[...] + (aggc * mask3) / (deg + 1.0)
    u = jax.nn.silu(h[...] @ u1a[...] + aggm @ u1b[...] + bu1[...])
    hn[...] = h[...] + u @ u2[...] + b2u[...]


def _update(aggm2, aggc2, h, xpad, u1a, u1b, bu1, u2, b2u):
    return pl.pallas_call(
        _update_body,
        grid=(NB,),
        in_specs=[
            pl.BlockSpec((1, BL, PW), lambda i: (0, i, 0)),
            pl.BlockSpec((1, BL, PW), lambda i: (1, i, 0)),
            pl.BlockSpec((1, BL, PW), lambda i: (0, i, 0)),
            pl.BlockSpec((1, BL, PW), lambda i: (1, i, 0)),
            pl.BlockSpec((BL, HID), lambda i: (i, 0)),
            pl.BlockSpec((BL, PW), lambda i: (i, 0)),
            _wspec((HID, HID)), _wspec((HID, HID)), _wspec((1, HID)),
            _wspec((HID, HID)), _wspec((1, HID)),
        ],
        out_specs=[
            pl.BlockSpec((BL, HID), lambda i: (i, 0)),
            pl.BlockSpec((BL, PW), lambda i: (i, 0)),
        ],
        out_shape=[
            jax.ShapeDtypeStruct((NN, HID), _f32),
            jax.ShapeDtypeStruct((NN, PW), _f32),
        ],
    )(aggm2, aggm2, aggc2, aggc2, h, xpad, u1a, u1b, bu1, u2, b2u)


def _final_body(h, xp, mk, wh, bh, vh, vx):
    vh[...] = (h[...] @ wh[...] + bh[...]) * mk[...]
    vx[...] = xp[...] * mk[...]


def _final(h, xpad, maskcol, wh, bh):
    return pl.pallas_call(
        _final_body,
        grid=(NB,),
        in_specs=[
            pl.BlockSpec((BL, HID), lambda i: (i, 0)),
            pl.BlockSpec((BL, PW), lambda i: (i, 0)),
            pl.BlockSpec((BL, 1), lambda i: (i, 0)),
            _wspec((HID, HID)), _wspec((1, HID)),
        ],
        out_specs=[
            pl.BlockSpec((BL, HID), lambda i: (i, 0)),
            pl.BlockSpec((BL, PW), lambda i: (i, 0)),
        ],
        out_shape=[
            jax.ShapeDtypeStruct((NN, HID), _f32),
            jax.ShapeDtypeStruct((NN, PW), _f32),
        ],
    )(h, xpad, maskcol, wh, bh)


@jax.jit
def _run(H_t, X_t, cond_embedding, edges, edge_types, generate_mask, t, params):
    row = edges[0].astype(jnp.int32)
    col = edges[1].astype(jnp.int32)
    et = edge_types.astype(jnp.int32)
    padsp = jnp.arange(E_PAD - EE, dtype=jnp.int32) % NN
    rowp = jnp.concatenate([row, padsp]).reshape(E_PAD // CHG, CHG)
    colp = jnp.concatenate([col + et * NN, padsp]).reshape(E_PAD // CHG, CHG)
    colsp = jnp.concatenate(
        [col, NN + jnp.arange(E_PAD - EE, dtype=jnp.int32) % (N_ACC - NN)]
    ).reshape(E_PAD // CH, CH)
    xpad = jnp.pad(X_t, ((0, 0), (0, PW - 3)))
    tcol = t[:, None]
    maskcol = generate_mask.astype(_f32)[:, None]
    zsrc = jnp.zeros((N_ACC, PW), _f32)

    p0, p1, p2 = params["input_mlp"]
    h = _prelude(H_t, cond_embedding, tcol, p0, p1, p2)

    for lp in params["layers"]:
        w1 = lp["msg1"]["w"]
        b1 = lp["msg1"]["b"]
        teff = (params["edge_table"] @ w1[2 * HID + 1:] + b1[None, :])[:, None, :]
        wd2 = w1[2 * HID:2 * HID + 1]
        ta, tb2 = _tables(h, xpad, w1[:HID], w1[HID:2 * HID], teff)
        ga, gb = _sc_gather(ta, tb2, rowp, colp)
        s1, s2 = _edge(ga, gb, wd2, lp["msg2"]["w"], lp["msg2"]["b"][None, :],
                       lp["coord"]["w"].T, lp["coord"]["b"][None, None, 0])
        aggm2, aggc2 = _sc_scatter(s1, s2, colsp, zsrc)
        u1 = lp["upd1"]["w"]
        h, xpad = _update(aggm2, aggc2, h, xpad, u1[:HID], u1[HID:],
                          lp["upd1"]["b"][None, :], lp["upd2"]["w"],
                          lp["upd2"]["b"][None, :])

    vh, vxp = _final(h, xpad, maskcol, params["hidden2input"]["w"],
                     params["hidden2input"]["b"][None, :])
    return vh, vxp[:, :3]


def kernel(H_t, X_t, cond_embedding, edges, edge_types, generate_mask,
           batch_ids, t, params):
    return _run(H_t, X_t, cond_embedding, edges, edge_types, generate_mask,
                t, params)

# --- scband reference (transcript-rebuilt; emitter-appended) ---
"""Pipeline reference for scband-flow-matching-9268539424829 (READ-ONLY COPY).

The authoritative reference and input builder live on the scoring server;
editing this copy changes nothing except your own understanding.
"""

import jax, jax.numpy as jnp
import numpy as np

N = 10000
E = 160000
HID = 128
LAT = 128
EEMB = 32
NL = 3

def _mk_lin(key, din, dout):
    k1, k2 = jax.random.split(key)
    return {"w": jax.random.normal(k1, (din, dout), jnp.float32) * 0.05,
            "b": jax.random.normal(k2, (dout,), jnp.float32) * 0.05}

def _lin(p, x):
    return x @ p["w"] + p["b"]

def _time_embed(t, dim):
    half = dim // 2
    freqs = jnp.exp(-jnp.log(10000.0) * jnp.arange(half, dtype=jnp.float32) / (half - 1))
    ang = t[:, None] * freqs[None, :]
    return jnp.concatenate([jnp.sin(ang), jnp.cos(ang)], axis=-1)

def _make_params(key):
    ks = jax.random.split(key, 32)
    params = {}
    params["input_mlp"] = [_mk_lin(ks[0], LAT + 2 * HID, HID),
                           _mk_lin(ks[1], HID, HID),
                           _mk_lin(ks[2], HID, HID)]
    params["edge_table"] = jax.random.normal(ks[3], (2, EEMB), jnp.float32) * 0.05
    layers = []
    for i in range(NL):
        b = 4 + i * 5
        layers.append({
            "msg1": _mk_lin(ks[b + 0], 2 * HID + 1 + EEMB, HID),
            "msg2": _mk_lin(ks[b + 1], HID, HID),
            "coord": _mk_lin(ks[b + 2], HID, 1),
            "upd1": _mk_lin(ks[b + 3], 2 * HID, HID),
            "upd2": _mk_lin(ks[b + 4], HID, HID),
        })
    params["layers"] = layers
    params["hidden2input"] = _mk_lin(ks[20], HID, LAT)
    return params

def setup_inputs(seed: int = 0):
    key = jax.random.key(seed)
    ks = jax.random.split(key, 10)
    H_t = jax.random.normal(ks[0], (N, LAT), jnp.float32)
    X_t = jax.random.normal(ks[1], (N, 3), jnp.float32)
    cond_embedding = jax.random.normal(ks[2], (N, HID), jnp.float32)
    edges = jax.random.randint(ks[3], (2, E), 0, N)
    edge_types = jax.random.randint(ks[4], (E,), 0, 2)
    generate_mask = jnp.ones((N,), dtype=bool)
    batch_ids = jnp.sort(jax.random.randint(ks[5], (N,), 0, 64))
    t = jax.random.uniform(ks[6], (N,), jnp.float32)
    params = _make_params(ks[7])
    return {"H_t": H_t, "X_t": X_t, "cond_embedding": cond_embedding,
            "edges": edges, "edge_types": edge_types,
            "generate_mask": generate_mask, "batch_ids": batch_ids,
            "t": t, "params": params}

def _forward(H_t, X_t, cond_embedding, t, params, edges, edge_types, generate_mask, batch_ids):
    # VelocityNet.forward: time embedding + input MLP + EPT-style equivariant message passing encoder
    t_emb = _time_embed(t, HID)
    h = jnp.concatenate([H_t, cond_embedding, t_emb], axis=-1)
    h = jax.nn.relu(_lin(params["input_mlp"][0], h))
    h = jax.nn.relu(_lin(params["input_mlp"][1], h))
    h = _lin(params["input_mlp"][2], h)
    e_emb = jnp.take(params["edge_table"], edge_types, axis=0)
    row, col = edges[0], edges[1]
    deg = jax.ops.segment_sum(jnp.ones((E,), jnp.float32), col, num_segments=N)
    X = X_t
    for lp in params["layers"]:
        rel = X[row] - X[col]
        d2 = jnp.sum(rel * rel, axis=-1, keepdims=True)
        mi = jnp.concatenate([h[row], h[col], d2, e_emb], axis=-1)
        m = jax.nn.silu(_lin(lp["msg1"], mi))
        m = jax.nn.silu(_lin(lp["msg2"], m))
        w = _lin(lp["coord"], m)
        X = X + jax.ops.segment_sum(rel * w, col, num_segments=N) / (deg[:, None] + 1.0)
        agg = jax.ops.segment_sum(m, col, num_segments=N)
        u = jax.nn.silu(_lin(lp["upd1"], jnp.concatenate([h, agg], axis=-1)))
        h = h + _lin(lp["upd2"], u)
    out_H = _lin(params["hidden2input"], h)
    mask = generate_mask[:, None]
    v_H = jnp.where(mask, out_H, jnp.zeros_like(out_H))
    v_X = jnp.where(mask, X, jnp.zeros_like(X))
    return v_H, v_X

def reference(H_t, X_t, cond_embedding, edges, edge_types, generate_mask, batch_ids, t, params):
    return _forward(H_t, X_t, cond_embedding, t, params, edges, edge_types, generate_mask, batch_ids)

if __name__ == "__main__":
    import jax
    _d = setup_inputs()
    print(jax.jit(kernel)(*tuple(_d.values())))

</pallas_src>

<mosaic_0001>
#map = affine_map<(d0, d1) -> (0, 0)>
module attributes {stable_mosaic.version = 14 : i64} {
  func.func @_sc_gather_body(%arg0: i32, %arg1: i32, %arg2: memref<10000x256xf32, #tpu.memory_space<hbm>>, %arg3: memref<20000x256xf32, #tpu.memory_space<hbm>>, %arg4: memref<2560x64xi32, #tpu.memory_space<hbm>>, %arg5: memref<2560x64xi32, #tpu.memory_space<hbm>>, %arg6: memref<163840x256xf32, #tpu.memory_space<hbm>>, %arg7: memref<163840x256xf32, #tpu.memory_space<hbm>>, %arg8: memref<80x64xi32, #tpu.memory_space<vmem>>, %arg9: memref<80x64xi32, #tpu.memory_space<vmem>>, %arg10: memref<2x64x256xf32, #tpu.memory_space<vmem>>, %arg11: memref<2x64x256xf32, #tpu.memory_space<vmem>>, %arg12: memref<!tpu.dma_semaphore, #tpu.memory_space<semaphore_mem>>, %arg13: memref<!tpu.dma_semaphore, #tpu.memory_space<semaphore_mem>>) attributes {dimension_semantics = [#tpu.dimension_semantics<core_parallel>, #tpu.dimension_semantics<subcore_parallel>], iteration_bounds = array<i64: 2, 16>, scalar_prefetch = 0 : i64, scratch_operands = 6 : i64, tpu.core_type = #tpu.core_type<sc_vector_subcore>, window_params = [{transform_indices = #map}, {transform_indices = #map}, {transform_indices = #map}, {transform_indices = #map}, {transform_indices = #map}, {transform_indices = #map}]} {
    %mul3A = arith.constant 2 : i32
    %mul3A_0 = arith.muli %arg1, %mul3A : i32
    %add3A = arith.addi %mul3A_0, %arg0 : i32
    %mul3A_1 = arith.constant 5120 : i32
    %mul3A_2 = arith.muli %add3A, %mul3A_1 : i32
    %mul3A_3 = arith.constant 80 : i32
    %mul3A_4 = arith.muli %add3A, %mul3A_3 : i32
    "tpu.region"() ({
      %run_scoped3A = tpu.sem_alloc : memref<!tpu.dma_semaphore, #tpu.memory_space<semaphore_mem>>
      %dma_start3A_56 = arith.constant 0 : i32
      %dma_start3A_57 = tpu.memref_slice %arg4[%mul3A_4, %dma_start3A_56] : memref<2560x64xi32, #tpu.memory_space<hbm>> -> memref<80x64xi32, #tpu.memory_space<hbm>>
      %dma_start3A_58 = arith.constant 0 : i32
      %dma_start3A_59 = tpu.memref_slice %arg4[%mul3A_4, %dma_start3A_58] : memref<2560x64xi32, #tpu.memory_space<hbm>> -> memref<80x64xi32, #tpu.memory_space<hbm>>
      tpu.enqueue_dma source(%dma_start3A_59 : memref<80x64xi32, #tpu.memory_space<hbm>>) target(%arg8 : memref<80x64xi32, #tpu.memory_space<vmem>>) target_semaphore(%run_scoped3A : memref<!tpu.dma_semaphore, #tpu.memory_space<semaphore_mem>>)
      %dma_wait3A_60 = arith.constant 0 : i32
      %dma_wait3A_61 = tpu.memref_slice %arg4[%mul3A_4, %dma_wait3A_60] : memref<2560x64xi32, #tpu.memory_space<hbm>> -> memref<80x64xi32, #tpu.memory_space<hbm>>
      %dma_wait3A_62 = arith.constant 0 : i32
      %dma_wait3A_63 = tpu.memref_slice %arg4[%mul3A_4, %dma_wait3A_62] : memref<2560x64xi32, #tpu.memory_space<hbm>> -> memref<80x64xi32, #tpu.memory_space<hbm>>
      tpu.wait_dma2 semaphore(%run_scoped3A : memref<!tpu.dma_semaphore, #tpu.memory_space<semaphore_mem>>) src(%dma_wait3A_63 : memref<80x64xi32, #tpu.memory_space<hbm>>) dst(%arg8 : memref<80x64xi32, #tpu.memory_space<vmem>>)
      tpu.yield
    }) : () -> ()
    "tpu.region"() ({
      %run_scoped3A = tpu.sem_alloc : memref<!tpu.dma_semaphore, #tpu.memory_space<semaphore_mem>>
      %dma_start3A_56 = arith.constant 0 : i32
      %dma_start3A_57 = tpu.memref_slice %arg5[%mul3A_4, %dma_start3A_56] : memref<2560x64xi32, #tpu.memory_space<hbm>> -> memref<80x64xi32, #tpu.memory_space<hbm>>
      %dma_start3A_58 = arith.constant 0 : i32
      %dma_start3A_59 = tpu.memref_slice %arg5[%mul3A_4, %dma_start3A_58] : memref<2560x64xi32, #tpu.memory_space<hbm>> -> memref<80x64xi32, #tpu.memory_space<hbm>>
      tpu.enqueue_dma source(%dma_start3A_59 : memref<80x64xi32, #tpu.memory_space<hbm>>) target(%arg9 : memref<80x64xi32, #tpu.memory_space<vmem>>) target_semaphore(%run_scoped3A : memref<!tpu.dma_semaphore, #tpu.memory_space<semaphore_mem>>)
      %dma_wait3A_60 = arith.constant 0 : i32
      %dma_wait3A_61 = tpu.memref_slice %arg5[%mul3A_4, %dma_wait3A_60] : memref<2560x64xi32, #tpu.memory_space<hbm>> -> memref<80x64xi32, #tpu.memory_space<hbm>>
      %dma_wait3A_62 = arith.constant 0 : i32
      %dma_wait3A_63 = tpu.memref_slice %arg5[%mul3A_4, %dma_wait3A_62] : memref<2560x64xi32, #tpu.memory_space<hbm>> -> memref<80x64xi32, #tpu.memory_space<hbm>>
      tpu.wait_dma2 semaphore(%run_scoped3A : memref<!tpu.dma_semaphore, #tpu.memory_space<semaphore_mem>>) src(%dma_wait3A_63 : memref<80x64xi32, #tpu.memory_space<hbm>>) dst(%arg9 : memref<80x64xi32, #tpu.memory_space<vmem>>)
      tpu.yield
    }) : () -> ()
    %dma_start3A = arith.constant 0 : i32
    %dma_start3A_5 = arith.constant 0 : i32
    %dma_start3A_6 = arith.constant 0 : i32
    %dma_start3A_7 = arith.constant 0 : i32
    %dma_start3A_8 = tpu.memref_slice %arg10[%dma_start3A_5, %dma_start3A_6, %dma_start3A_7] : memref<2x64x256xf32, #tpu.memory_space<vmem>> -> memref<1x64x256xf32, #tpu.memory_space<vmem>>
    %dma_start3A_9 = tpu.memref_squeeze %dma_start3A_8 : memref<1x64x256xf32, #tpu.memory_space<vmem>> -> memref<64x256xf32, #tpu.memory_space<vmem>>
    %dma_start3A_10 = arith.constant 0 : i32
    %dma_start3A_11 = tpu.memref_slice %arg8[%dma_start3A, %dma_start3A_10] : memref<80x64xi32, #tpu.memory_space<vmem>> -> memref<1x64xi32, #tpu.memory_space<vmem>>
    %dma_start3A_12 = tpu.memref_squeeze %dma_start3A_11 : memref<1x64xi32, #tpu.memory_space<vmem>> -> memref<64xi32, #tpu.memory_space<vmem>>
    %dma_start3A_13 = arith.constant 0 : i32
    %dma_start3A_14 = arith.constant 0 : i32
    %dma_start3A_15 = tpu.memref_slice %arg2[%dma_start3A_13, %dma_start3A_14] : memref<10000x256xf32, #tpu.memory_space<hbm>> -> memref<10000x256xf32, #tpu.memory_space<hbm>>
    tpu.enqueue_indirect_dma source(%dma_start3A_15 : memref<10000x256xf32, #tpu.memory_space<hbm>>) target(%dma_start3A_9 : memref<64x256xf32, #tpu.memory_space<vmem>>) offsets(%dma_start3A_12 : memref<64xi32, #tpu.memory_space<vmem>>) semaphore(%arg12 : memref<!tpu.dma_semaphore, #tpu.memory_space<semaphore_mem>>)
    %dma_start3A_16 = arith.constant 0 : i32
    %dma_start3A_17 = arith.constant 0 : i32
    %dma_start3A_18 = arith.constant 0 : i32
    %dma_start3A_19 = arith.constant 0 : i32
    %dma_start3A_20 = tpu.memref_slice %arg11[%dma_start3A_17, %dma_start3A_18, %dma_start3A_19] : memref<2x64x256xf32, #tpu.memory_space<vmem>> -> memref<1x64x256xf32, #tpu.memory_space<vmem>>
    %dma_start3A_21 = tpu.memref_squeeze %dma_start3A_20 : memref<1x64x256xf32, #tpu.memory_space<vmem>> -> memref<64x256xf32, #tpu.memory_space<vmem>>
    %dma_start3A_22 = arith.constant 0 : i32
    %dma_start3A_23 = tpu.memref_slice %arg9[%dma_start3A_16, %dma_start3A_22] : memref<80x64xi32, #tpu.memory_space<vmem>> -> memref<1x64xi32, #tpu.memory_space<vmem>>
    %dma_start3A_24 = tpu.memref_squeeze %dma_start3A_23 : memref<1x64xi32, #tpu.memory_space<vmem>> -> memref<64xi32, #tpu.memory_space<vmem>>
    %dma_start3A_25 = arith.constant 0 : i32
    %dma_start3A_26 = arith.constant 0 : i32
    %dma_start3A_27 = tpu.memref_slice %arg3[%dma_start3A_25, %dma_start3A_26] : memref<20000x256xf32, #tpu.memory_space<hbm>> -> memref<20000x256xf32, #tpu.memory_space<hbm>>
    tpu.enqueue_indirect_dma source(%dma_start3A_27 : memref<20000x256xf32, #tpu.memory_space<hbm>>) target(%dma_start3A_21 : memref<64x256xf32, #tpu.memory_space<vmem>>) offsets(%dma_start3A_24 : memref<64xi32, #tpu.memory_space<vmem>>) semaphore(%arg13 : memref<!tpu.dma_semaphore, #tpu.memory_space<semaphore_mem>>)
    %scan3A = arith.constant 0 : i32
    %scan3A_28 = arith.constant 0 : i32
    %scan3A_29 = arith.constant 80 : i32
    %scan3A_30 = arith.addi %scan3A_28, %scan3A_29 : i32
    %scan3A_31 = arith.constant 1 : i32
    scf.for %scan3A_56 = %scan3A_28 to %scan3A_30 step %scan3A_31  : i32 {
      %mul3A_57 = arith.constant 64 : i32
      %mul3A_58 = arith.muli %scan3A_56, %mul3A_57 : i32
      %add3A_59 = arith.addi %mul3A_2, %mul3A_58 : i32
      %jit3A = arith.constant 2 : i32
      %eq3A = arith.constant 0 : i32
      %eq3A_60 = arith.cmpi eq, %jit3A, %eq3A : i32
      %jit3A_61 = arith.constant 1 : i32
      %select_n3A = arith.select %eq3A_60, %jit3A_61, %jit3A : i32
      %rem3A = arith.remsi %scan3A_56, %select_n3A : i32
      %ne3A = arith.constant 0 : i32
      %ne3A_62 = arith.cmpi ne, %rem3A, %ne3A : i32
      %lt3A = arith.constant 0 : i32
      %lt3A_63 = arith.cmpi slt, %rem3A, %lt3A : i32
      %lt3A_64 = arith.constant 0 : i32
      %lt3A_65 = arith.cmpi slt, %select_n3A, %lt3A_64 : i32
      %ne3A_66 = arith.xori %lt3A_63, %lt3A_65 : i1
      %and3A = arith.andi %ne3A_66, %ne3A_62 : i1
      %add3A_67 = arith.addi %rem3A, %select_n3A : i32
      %select_n3A_68 = arith.select %and3A, %add3A_67, %rem3A : i32
      %add3A_69 = arith.constant 1 : i32
      %add3A_70 = arith.addi %scan3A_56, %add3A_69 : i32
      %jit3A_71 = arith.constant 2 : i32
      %eq3A_72 = arith.constant 0 : i32
      %eq3A_73 = arith.cmpi eq, %jit3A_71, %eq3A_72 : i32
      %jit3A_74 = arith.constant 1 : i32
      %select_n3A_75 = arith.select %eq3A_73, %jit3A_74, %jit3A_71 : i32
      %rem3A_76 = arith.remsi %add3A_70, %select_n3A_75 : i32
      %ne3A_77 = arith.constant 0 : i32
      %ne3A_78 = arith.cmpi ne, %rem3A_76, %ne3A_77 : i32
      %lt3A_79 = arith.constant 0 : i32
      %lt3A_80 = arith.cmpi slt, %rem3A_76, %lt3A_79 : i32
      %lt3A_81 = arith.constant 0 : i32
      %lt3A_82 = arith.cmpi slt, %select_n3A_75, %lt3A_81 : i32
      %ne3A_83 = arith.xori %lt3A_80, %lt3A_82 : i1
      %and3A_84 = arith.andi %ne3A_83, %ne3A_78 : i1
      %add3A_85 = arith.addi %rem3A_76, %select_n3A_75 : i32
      %select_n3A_86 = arith.select %and3A_84, %add3A_85, %rem3A_76 : i32
      %add3A_87 = arith.constant 1 : i32
      %add3A_88 = arith.addi %scan3A_56, %add3A_87 : i32
      %min3A = arith.constant 79 : i32
      %min3A_89 = arith.minsi %add3A_88, %min3A : i32
      %dma_start3A_90 = arith.constant 0 : i32
      %dma_start3A_91 = arith.constant 0 : i32
      %dma_start3A_92 = tpu.memref_slice %arg10[%select_n3A_86, %dma_start3A_90, %dma_start3A_91] : memref<2x64x256xf32, #tpu.memory_space<vmem>> -> memref<1x64x256xf32, #tpu.memory_space<vmem>>
      %dma_start3A_93 = tpu.memref_squeeze %dma_start3A_92 : memref<1x64x256xf32, #tpu.memory_space<vmem>> -> memref<64x256xf32, #tpu.memory_space<vmem>>
      %dma_start3A_94 = arith.constant 0 : i32
      %dma_start3A_95 = tpu.memref_slice %arg8[%min3A_89, %dma_start3A_94] : memref<80x64xi32, #tpu.memory_space<vmem>> -> memref<1x64xi32, #tpu.memory_space<vmem>>
      %dma_start3A_96 = tpu.memref_squeeze %dma_start3A_95 : memref<1x64xi32, #tpu.memory_space<vmem>> -> memref<64xi32, #tpu.memory_space<vmem>>
      %dma_start3A_97 = arith.constant 0 : i32
      %dma_start3A_98 = arith.constant 0 : i32
      %dma_start3A_99 = tpu.memref_slice %arg2[%dma_start3A_97, %dma_start3A_98] : memref<10000x256xf32, #tpu.memory_space<hbm>> -> memref<10000x256xf32, #tpu.memory_space<hbm>>
      tpu.enqueue_indirect_dma source(%dma_start3A_99 : memref<10000x256xf32, #tpu.memory_space<hbm>>) target(%dma_start3A_93 : memref<64x256xf32, #tpu.memory_space<vmem>>) offsets(%dma_start3A_96 : memref<64xi32, #tpu.memory_space<vmem>>) semaphore(%arg12 : memref<!tpu.dma_semaphore, #tpu.memory_space<semaphore_mem>>)
      %dma_start3A_100 = arith.constant 0 : i32
      %dma_start3A_101 = arith.constant 0 : i32
      %dma_start3A_102 = tpu.memref_slice %arg11[%select_n3A_86, %dma_start3A_100, %dma_start3A_101] : memref<2x64x256xf32, #tpu.memory_space<vmem>> -> memref<1x64x256xf32, #tpu.memory_space<vmem>>
      %dma_start3A_103 = tpu.memref_squeeze %dma_start3A_102 : memref<1x64x256xf32, #tpu.memory_space<vmem>> -> memref<64x256xf32, #tpu.memory_space<vmem>>
      %dma_start3A_104 = arith.constant 0 : i32
      %dma_start3A_105 = tpu.memref_slice %arg9[%min3A_89, %dma_start3A_104] : memref<80x64xi32, #tpu.memory_space<vmem>> -> memref<1x64xi32, #tpu.memory_space<vmem>>
      %dma_start3A_106 = tpu.memref_squeeze %dma_start3A_105 : memref<1x64xi32, #tpu.memory_space<vmem>> -> memref<64xi32, #tpu.memory_space<vmem>>
      %dma_start3A_107 = arith.constant 0 : i32
      %dma_start3A_108 = arith.constant 0 : i32
      %dma_start3A_109 = tpu.memref_slice %arg3[%dma_start3A_107, %dma_start3A_108] : memref<20000x256xf32, #tpu.memory_space<hbm>> -> memref<20000x256xf32, #tpu.memory_space<hbm>>
      tpu.enqueue_indirect_dma source(%dma_start3A_109 : memref<20000x256xf32, #tpu.memory_space<hbm>>) target(%dma_start3A_103 : memref<64x256xf32, #tpu.memory_space<vmem>>) offsets(%dma_start3A_106 : memref<64xi32, #tpu.memory_space<vmem>>) semaphore(%arg13 : memref<!tpu.dma_semaphore, #tpu.memory_space<semaphore_mem>>)
      %dma_wait3A_110 = arith.constant 0 : i32
      %dma_wait3A_111 = arith.constant 0 : i32
      %dma_wait3A_112 = tpu.memref_slice %arg10[%select_n3A_68, %dma_wait3A_110, %dma_wait3A_111] : memref<2x64x256xf32, #tpu.memory_space<vmem>> -> memref<1x64x256xf32, #tpu.memory_space<vmem>>
      %dma_wait3A_113 = tpu.memref_squeeze %dma_wait3A_112 : memref<1x64x256xf32, #tpu.memory_space<vmem>> -> memref<64x256xf32, #tpu.memory_space<vmem>>
      %dma_wait3A_114 = arith.constant 0 : i32
      %dma_wait3A_115 = tpu.memref_slice %arg8[%scan3A_56, %dma_wait3A_114] : memref<80x64xi32, #tpu.memory_space<vmem>> -> memref<1x64xi32, #tpu.memory_space<vmem>>
      %dma_wait3A_116 = tpu.memref_squeeze %dma_wait3A_115 : memref<1x64xi32, #tpu.memory_space<vmem>> -> memref<64xi32, #tpu.memory_space<vmem>>
      %dma_wait3A_117 = arith.constant 0 : i32
      %dma_wait3A_118 = arith.constant 0 : i32
      %dma_wait3A_119 = tpu.memref_slice %arg2[%dma_wait3A_117, %dma_wait3A_118] : memref<10000x256xf32, #tpu.memory_space<hbm>> -> memref<10000x256xf32, #tpu.memory_space<hbm>>
      tpu.wait_indirect_dma semaphore(%arg12 : memref<!tpu.dma_semaphore, #tpu.memory_space<semaphore_mem>>) src(%dma_wait3A_119 : memref<10000x256xf32, #tpu.memory_space<hbm>>) dst(%dma_wait3A_113 : memref<64x256xf32, #tpu.memory_space<vmem>>)
      "tpu.region"() ({
        %run_scoped3A = tpu.sem_alloc : memref<!tpu.dma_semaphore, #tpu.memory_space<semaphore_mem>>
        %dma_start3A_130 = arith.constant 0 : i32
        %dma_start3A_131 = arith.constant 0 : i32
        %dma_start3A_132 = tpu.memref_slice %arg10[%select_n3A_68, %dma_start3A_130, %dma_start3A_131] : memref<2x64x256xf32, #tpu.memory_space<vmem>> -> memref<1x64x256xf32, #tpu.memory_space<vmem>>
        %dma_start3A_133 = tpu.memref_squeeze %dma_start3A_132 : memref<1x64x256xf32, #tpu.memory_space<vmem>> -> memref<64x256xf32, #tpu.memory_space<vmem>>
        %dma_start3A_134 = arith.constant 0 : i32
        %dma_start3A_135 = tpu.memref_slice %arg6[%add3A_59, %dma_start3A_134] : memref<163840x256xf32, #tpu.memory_space<hbm>> -> memref<64x256xf32, #tpu.memory_space<hbm>>
        %dma_start3A_136 = arith.constant 0 : i32
        %dma_start3A_137 = tpu.memref_slice %arg6[%add3A_59, %dma_start3A_136] : memref<163840x256xf32, #tpu.memory_space<hbm>> -> memref<64x256xf32, #tpu.memory_space<hbm>>
        %dma_start3A_138 = arith.constant 0 : i32
        %dma_start3A_139 = arith.constant 0 : i32
        %dma_start3A_140 = tpu.memref_slice %arg10[%select_n3A_68, %dma_start3A_138, %dma_start3A_139] : memref<2x64x256xf32, #tpu.memory_space<vmem>> -> memref<1x64x256xf32, #tpu.memory_space<vmem>>
        %dma_start3A_141 = tpu.memref_squeeze %dma_start3A_140 : memref<1x64x256xf32, #tpu.memory_space<vmem>> -> memref<64x256xf32, #tpu.memory_space<vmem>>
        tpu.enqueue_dma source(%dma_start3A_141 : memref<64x256xf32, #tpu.memory_space<vmem>>) target(%dma_start3A_137 : memref<64x256xf32, #tpu.memory_space<hbm>>) target_semaphore(%run_scoped3A : memref<!tpu.dma_semaphore, #tpu.memory_space<semaphore_mem>>)
        %dma_wait3A_142 = arith.constant 0 : i32
        %dma_wait3A_143 = arith.constant 0 : i32
        %dma_wait3A_144 = tpu.memref_slice %arg10[%select_n3A_68, %dma_wait3A_142, %dma_wait3A_143] : memref<2x64x256xf32, #tpu.memory_space<vmem>> -> memref<1x64x256xf32, #tpu.memory_space<vmem>>
        %dma_wait3A_145 = tpu.memref_squeeze %dma_wait3A_144 : memref<1x64x256xf32, #tpu.memory_space<vmem>> -> memref<64x256xf32, #tpu.memory_space<vmem>>
        %dma_wait3A_146 = arith.constant 0 : i32
        %dma_wait3A_147 = tpu.memref_slice %arg6[%add3A_59, %dma_wait3A_146] : memref<163840x256xf32, #tpu.memory_space<hbm>> -> memref<64x256xf32, #tpu.memory_space<hbm>>
        %dma_wait3A_148 = arith.constant 0 : i32
        %dma_wait3A_149 = tpu.memref_slice %arg6[%add3A_59, %dma_wait3A_148] : memref<163840x256xf32, #tpu.memory_space<hbm>> -> memref<64x256xf32, #tpu.memory_space<hbm>>
        %dma_wait3A_150 = arith.constant 0 : i32
        %dma_wait3A_151 = arith.constant 0 : i32
        %dma_wait3A_152 = tpu.memref_slice %arg10[%select_n3A_68, %dma_wait3A_150, %dma_wait3A_151] : memref<2x64x256xf32, #tpu.memory_space<vmem>> -> memref<1x64x256xf32, #tpu.memory_space<vmem>>
        %dma_wait3A_153 = tpu.memref_squeeze %dma_wait3A_152 : memref<1x64x256xf32, #tpu.memory_space<vmem>> -> memref<64x256xf32, #tpu.memory_space<vmem>>
        tpu.wait_dma2 semaphore(%run_scoped3A : memref<!tpu.dma_semaphore, #tpu.memory_space<semaphore_mem>>) src(%dma_wait3A_153 : memref<64x256xf32, #tpu.memory_space<vmem>>) dst(%dma_wait3A_149 : memref<64x256xf32, #tpu.memory_space<hbm>>)
        tpu.yield
      }) : () -> ()
      %dma_wait3A_120 = arith.constant 0 : i32
      %dma_wait3A_121 = arith.constant 0 : i32
      %dma_wait3A_122 = tpu.memref_slice %arg11[%select_n3A_68, %dma_wait3A_120, %dma_wait3A_121] : memref<2x64x256xf32, #tpu.memory_space<vmem>> -> memref<1x64x256xf32, #tpu.memory_space<vmem>>
      %dma_wait3A_123 = tpu.memref_squeeze %dma_wait3A_122 : memref<1x64x256xf32, #tpu.memory_space<vmem>> -> memref<64x256xf32, #tpu.memory_space<vmem>>
      %dma_wait3A_124 = arith.constant 0 : i32
      %dma_wait3A_125 = tpu.memref_slice %arg9[%scan3A_56, %dma_wait3A_124] : memref<80x64xi32, #tpu.memory_space<vmem>> -> memref<1x64xi32, #tpu.memory_space<vmem>>
      %dma_wait3A_126 = tpu.memref_squeeze %dma_wait3A_125 : memref<1x64xi32, #tpu.memory_space<vmem>> -> memref<64xi32, #tpu.memory_space<vmem>>
      %dma_wait3A_127 = arith.constant 0 : i32
      %dma_wait3A_128 = arith.constant 0 : i32
      %dma_wait3A_129 = tpu.memref_slice %arg3[%dma_wait3A_127, %dma_wait3A_128] : memref<20000x256xf32, #tpu.memory_space<hbm>> -> memref<20000x256xf32, #tpu.memory_space<hbm>>
      tpu.wait_indirect_dma semaphore(%arg13 : memref<!tpu.dma_semaphore, #tpu.memory_space<semaphore_mem>>) src(%dma_wait3A_129 : memref<20000x256xf32, #tpu.memory_space<hbm>>) dst(%dma_wait3A_123 : memref<64x256xf32, #tpu.memory_space<vmem>>)
      "tpu.region"() ({
        %run_scoped3A = tpu.sem_alloc : memref<!tpu.dma_semaphore, #tpu.memory_space<semaphore_mem>>
        %dma_start3A_130 = arith.constant 0 : i32
        %dma_start3A_131 = arith.constant 0 : i32
        %dma_start3A_132 = tpu.memref_slice %arg11[%select_n3A_68, %dma_start3A_130, %dma_start3A_131] : memref<2x64x256xf32, #tpu.memory_space<vmem>> -> memref<1x64x256xf32, #tpu.memory_space<vmem>>
        %dma_start3A_133 = tpu.memref_squeeze %dma_start3A_132 : memref<1x64x256xf32, #tpu.memory_space<vmem>> -> memref<64x256xf32, #tpu.memory_space<vmem>>
        %dma_start3A_134 = arith.constant 0 : i32
        %dma_start3A_135 = tpu.memref_slice %arg7[%add3A_59, %dma_start3A_134] : memref<163840x256xf32, #tpu.memory_space<hbm>> -> memref<64x256xf32, #tpu.memory_space<hbm>>
        %dma_start3A_136 = arith.constant 0 : i32
        %dma_start3A_137 = tpu.memref_slice %arg7[%add3A_59, %dma_start3A_136] : memref<163840x256xf32, #tpu.memory_space<hbm>> -> memref<64x256xf32, #tpu.memory_space<hbm>>
        %dma_start3A_138 = arith.constant 0 : i32
        %dma_start3A_139 = arith.constant 0 : i32
        %dma_start3A_140 = tpu.memref_slice %arg11[%select_n3A_68, %dma_start3A_138, %dma_start3A_139] : memref<2x64x256xf32, #tpu.memory_space<vmem>> -> memref<1x64x256xf32, #tpu.memory_space<vmem>>
        %dma_start3A_141 = tpu.memref_squeeze %dma_start3A_140 : memref<1x64x256xf32, #tpu.memory_space<vmem>> -> memref<64x256xf32, #tpu.memory_space<vmem>>
        tpu.enqueue_dma source(%dma_start3A_141 : memref<64x256xf32, #tpu.memory_space<vmem>>) target(%dma_start3A_137 : memref<64x256xf32, #tpu.memory_space<hbm>>) target_semaphore(%run_scoped3A : memref<!tpu.dma_semaphore, #tpu.memory_space<semaphore_mem>>)
        %dma_wait3A_142 = arith.constant 0 : i32
        %dma_wait3A_143 = arith.constant 0 : i32
        %dma_wait3A_144 = tpu.memref_slice %arg11[%select_n3A_68, %dma_wait3A_142, %dma_wait3A_143] : memref<2x64x256xf32, #tpu.memory_space<vmem>> -> memref<1x64x256xf32, #tpu.memory_space<vmem>>
        %dma_wait3A_145 = tpu.memref_squeeze %dma_wait3A_144 : memref<1x64x256xf32, #tpu.memory_space<vmem>> -> memref<64x256xf32, #tpu.memory_space<vmem>>
        %dma_wait3A_146 = arith.constant 0 : i32
        %dma_wait3A_147 = tpu.memref_slice %arg7[%add3A_59, %dma_wait3A_146] : memref<163840x256xf32, #tpu.memory_space<hbm>> -> memref<64x256xf32, #tpu.memory_space<hbm>>
        %dma_wait3A_148 = arith.constant 0 : i32
        %dma_wait3A_149 = tpu.memref_slice %arg7[%add3A_59, %dma_wait3A_148] : memref<163840x256xf32, #tpu.memory_space<hbm>> -> memref<64x256xf32, #tpu.memory_space<hbm>>
        %dma_wait3A_150 = arith.constant 0 : i32
        %dma_wait3A_151 = arith.constant 0 : i32
        %dma_wait3A_152 = tpu.memref_slice %arg11[%select_n3A_68, %dma_wait3A_150, %dma_wait3A_151] : memref<2x64x256xf32, #tpu.memory_space<vmem>> -> memref<1x64x256xf32, #tpu.memory_space<vmem>>
        %dma_wait3A_153 = tpu.memref_squeeze %dma_wait3A_152 : memref<1x64x256xf32, #tpu.memory_space<vmem>> -> memref<64x256xf32, #tpu.memory_space<vmem>>
        tpu.wait_dma2 semaphore(%run_scoped3A : memref<!tpu.dma_semaphore, #tpu.memory_space<semaphore_mem>>) src(%dma_wait3A_153 : memref<64x256xf32, #tpu.memory_space<vmem>>) dst(%dma_wait3A_149 : memref<64x256xf32, #tpu.memory_space<hbm>>)
        tpu.yield
      }) : () -> ()
    }
    %scan3A_32 = arith.constant 80 : i32
    %dma_wait3A = arith.constant 0 : i32
    %dma_wait3A_33 = arith.constant 0 : i32
    %dma_wait3A_34 = arith.constant 0 : i32
    %dma_wait3A_35 = arith.constant 0 : i32
    %dma_wait3A_36 = tpu.memref_slice %arg10[%dma_wait3A_33, %dma_wait3A_34, %dma_wait3A_35] : memref<2x64x256xf32, #tpu.memory_space<vmem>> -> memref<1x64x256xf32, #tpu.memory_space<vmem>>
    %dma_wait3A_37 = tpu.memref_squeeze %dma_wait3A_36 : memref<1x64x256xf32, #tpu.memory_space<vmem>> -> memref<64x256xf32, #tpu.memory_space<vmem>>
    %dma_wait3A_38 = arith.constant 0 : i32
    %dma_wait3A_39 = tpu.memref_slice %arg8[%dma_wait3A, %dma_wait3A_38] : memref<80x64xi32, #tpu.memory_space<vmem>> -> memref<1x64xi32, #tpu.memory_space<vmem>>
    %dma_wait3A_40 = tpu.memref_squeeze %dma_wait3A_39 : memref<1x64xi32, #tpu.memory_space<vmem>> -> memref<64xi32, #tpu.memory_space<vmem>>
    %dma_wait3A_41 = arith.constant 0 : i32
    %dma_wait3A_42 = arith.constant 0 : i32
    %dma_wait3A_43 = tpu.memref_slice %arg2[%dma_wait3A_41, %dma_wait3A_42] : memref<10000x256xf32, #tpu.memory_space<hbm>> -> memref<10000x256xf32, #tpu.memory_space<hbm>>
    tpu.wait_indirect_dma semaphore(%arg12 : memref<!tpu.dma_semaphore, #tpu.memory_space<semaphore_mem>>) src(%dma_wait3A_43 : memref<10000x256xf32, #tpu.memory_space<hbm>>) dst(%dma_wait3A_37 : memref<64x256xf32, #tpu.memory_space<vmem>>)
    %dma_wait3A_44 = arith.constant 0 : i32
    %dma_wait3A_45 = arith.constant 0 : i32
    %dma_wait3A_46 = arith.constant 0 : i32
    %dma_wait3A_47 = arith.constant 0 : i32
    %dma_wait3A_48 = tpu.memref_slice %arg11[%dma_wait3A_45, %dma_wait3A_46, %dma_wait3A_47] : memref<2x64x256xf32, #tpu.memory_space<vmem>> -> memref<1x64x256xf32, #tpu.memory_space<vmem>>
    %dma_wait3A_49 = tpu.memref_squeeze %dma_wait3A_48 : memref<1x64x256xf32, #tpu.memory_space<vmem>> -> memref<64x256xf32, #tpu.memory_space<vmem>>
    %dma_wait3A_50 = arith.constant 0 : i32
    %dma_wait3A_51 = tpu.memref_slice %arg9[%dma_wait3A_44, %dma_wait3A_50] : memref<80x64xi32, #tpu.memory_space<vmem>> -> memref<1x64xi32, #tpu.memory_space<vmem>>
    %dma_wait3A_52 = tpu.memref_squeeze %dma_wait3A_51 : memref<1x64xi32, #tpu.memory_space<vmem>> -> memref<64xi32, #tpu.memory_space<vmem>>
    %dma_wait3A_53 = arith.constant 0 : i32
    %dma_wait3A_54 = arith.constant 0 : i32
    %dma_wait3A_55 = tpu.memref_slice %arg3[%dma_wait3A_53, %dma_wait3A_54] : memref<20000x256xf32, #tpu.memory_space<hbm>> -> memref<20000x256xf32, #tpu.memory_space<hbm>>
    tpu.wait_indirect_dma semaphore(%arg13 : memref<!tpu.dma_semaphore, #tpu.memory_space<semaphore_mem>>) src(%dma_wait3A_55 : memref<20000x256xf32, #tpu.memory_space<hbm>>) dst(%dma_wait3A_49 : memref<64x256xf32, #tpu.memory_space<vmem>>)
    return
  }
}

#map = affine_map<(d0, d1) -> (0, 0)>
#map1 = affine_map<(d0, d1) -> (0, 0, 0)>
module attributes {stable_mosaic.version = 14 : i64} {
  func.func @_sc_scatter_body(%arg0: i32, %arg1: i32, %arg2: memref<163840x128xf32, #tpu.memory_space<hbm>>, %arg3: memref<163840x128xf32, #tpu.memory_space<hbm>>, %arg4: memref<1280x128xi32, #tpu.memory_space<hbm>>, %arg5: memref<10112x128xf32, #tpu.memory_space<hbm>>, %arg6: memref<2x10112x128xf32, #tpu.memory_space<hbm>>, %arg7: memref<2x10112x128xf32, #tpu.memory_space<hbm>>, %arg8: memref<40x128xi32, #tpu.memory_space<vmem>>, %arg9: memref<2x128x128xf32, #tpu.memory_space<vmem>>, %arg10: memref<10112x128xf32, #tpu.memory_space<vmem_shared>>, %arg11: memref<!tpu.dma_semaphore, #tpu.memory_space<semaphore_mem>>) attributes {dimension_semantics = [#tpu.dimension_semantics<core_parallel>, #tpu.dimension_semantics<subcore_parallel>], iteration_bounds = array<i64: 2, 16>, scalar_prefetch = 0 : i64, scratch_operands = 4 : i64, tpu.core_type = #tpu.core_type<sc_vector_subcore>, window_params = [{transform_indices = #map}, {transform_indices = #map}, {transform_indices = #map}, {transform_indices = #map}, {transform_indices = #map1}, {transform_indices = #map1}]} {
    %mul3A = arith.constant 16 : i32
    %mul3A_0 = arith.muli %arg0, %mul3A : i32
    %add3A = arith.addi %mul3A_0, %arg1 : i32
    %mul3A_1 = arith.constant 5120 : i32
    %mul3A_2 = arith.muli %add3A, %mul3A_1 : i32
    %mul3A_3 = arith.constant 632 : i32
    %mul3A_4 = arith.muli %arg1, %mul3A_3 : i32
    %mul3A_5 = arith.constant 40 : i32
    %mul3A_6 = arith.muli %add3A, %mul3A_5 : i32
    "tpu.region"() ({
      %run_scoped3A = tpu.sem_alloc : memref<!tpu.dma_semaphore, #tpu.memory_space<semaphore_mem>>
      %dma_start3A_73 = arith.constant 0 : i32
      %dma_start3A_74 = tpu.memref_slice %arg4[%mul3A_6, %dma_start3A_73] : memref<1280x128xi32, #tpu.memory_space<hbm>> -> memref<40x128xi32, #tpu.memory_space<hbm>>
      %dma_start3A_75 = arith.constant 0 : i32
      %dma_start3A_76 = tpu.memref_slice %arg4[%mul3A_6, %dma_start3A_75] : memref<1280x128xi32, #tpu.memory_space<hbm>> -> memref<40x128xi32, #tpu.memory_space<hbm>>
      tpu.enqueue_dma source(%dma_start3A_76 : memref<40x128xi32, #tpu.memory_space<hbm>>) target(%arg8 : memref<40x128xi32, #tpu.memory_space<vmem>>) target_semaphore(%run_scoped3A : memref<!tpu.dma_semaphore, #tpu.memory_space<semaphore_mem>>)
      %dma_wait3A_77 = arith.constant 0 : i32
      %dma_wait3A_78 = tpu.memref_slice %arg4[%mul3A_6, %dma_wait3A_77] : memref<1280x128xi32, #tpu.memory_space<hbm>> -> memref<40x128xi32, #tpu.memory_space<hbm>>
      %dma_wait3A_79 = arith.constant 0 : i32
      %dma_wait3A_80 = tpu.memref_slice %arg4[%mul3A_6, %dma_wait3A_79] : memref<1280x128xi32, #tpu.memory_space<hbm>> -> memref<40x128xi32, #tpu.memory_space<hbm>>
      tpu.wait_dma2 semaphore(%run_scoped3A : memref<!tpu.dma_semaphore, #tpu.memory_space<semaphore_mem>>) src(%dma_wait3A_80 : memref<40x128xi32, #tpu.memory_space<hbm>>) dst(%arg8 : memref<40x128xi32, #tpu.memory_space<vmem>>)
      tpu.yield
    }) : () -> ()
    "tpu.region"() ({
      %run_scoped3A = tpu.sem_alloc : memref<!tpu.dma_semaphore, #tpu.memory_space<semaphore_mem>>
      %dma_start3A_73 = arith.constant 0 : i32
      %dma_start3A_74 = tpu.memref_slice %arg10[%mul3A_4, %dma_start3A_73] : memref<10112x128xf32, #tpu.memory_space<vmem_shared>> -> memref<632x128xf32, #tpu.memory_space<vmem_shared>>
      %dma_start3A_75 = arith.constant 0 : i32
      %dma_start3A_76 = tpu.memref_slice %arg5[%mul3A_4, %dma_start3A_75] : memref<10112x128xf32, #tpu.memory_space<hbm>> -> memref<632x128xf32, #tpu.memory_space<hbm>>
      tpu.enqueue_dma source(%dma_start3A_76 : memref<632x128xf32, #tpu.memory_space<hbm>>) target(%dma_start3A_74 : memref<632x128xf32, #tpu.memory_space<vmem_shared>>) target_semaphore(%run_scoped3A : memref<!tpu.dma_semaphore, #tpu.memory_space<semaphore_mem>>)
      %dma_wait3A_77 = arith.constant 0 : i32
      %dma_wait3A_78 = tpu.memref_slice %arg10[%mul3A_4, %dma_wait3A_77] : memref<10112x128xf32, #tpu.memory_space<vmem_shared>> -> memref<632x128xf32, #tpu.memory_space<vmem_shared>>
      %dma_wait3A_79 = arith.constant 0 : i32
      %dma_wait3A_80 = tpu.memref_slice %arg5[%mul3A_4, %dma_wait3A_79] : memref<10112x128xf32, #tpu.memory_space<hbm>> -> memref<632x128xf32, #tpu.memory_space<hbm>>
      tpu.wait_dma2 semaphore(%run_scoped3A : memref<!tpu.dma_semaphore, #tpu.memory_space<semaphore_mem>>) src(%dma_wait3A_80 : memref<632x128xf32, #tpu.memory_space<hbm>>) dst(%dma_wait3A_78 : memref<632x128xf32, #tpu.memory_space<vmem_shared>>)
      tpu.yield
    }) : () -> ()
    %barrier3A = arith.constant 0 : index
    tpu.barrier barrier_id(%barrier3A)
    %dma_start3A = arith.constant 0 : i32
    %dma_start3A_7 = arith.constant 0 : i32
    %dma_start3A_8 = arith.constant 0 : i32
    %dma_start3A_9 = tpu.memref_slice %arg9[%dma_start3A, %dma_start3A_7, %dma_start3A_8] : memref<2x128x128xf32, #tpu.memory_space<vmem>> -> memref<1x128x128xf32, #tpu.memory_space<vmem>>
    %dma_start3A_10 = tpu.memref_squeeze %dma_start3A_9 : memref<1x128x128xf32, #tpu.memory_space<vmem>> -> memref<128x128xf32, #tpu.memory_space<vmem>>
    %dma_start3A_11 = arith.constant 0 : i32
    %dma_start3A_12 = tpu.memref_slice %arg2[%mul3A_2, %dma_start3A_11] : memref<163840x128xf32, #tpu.memory_space<hbm>> -> memref<128x128xf32, #tpu.memory_space<hbm>>
    %dma_start3A_13 = arith.constant 0 : i32
    %dma_start3A_14 = arith.constant 0 : i32
    %dma_start3A_15 = tpu.memref_slice %arg9[%dma_start3A, %dma_start3A_13, %dma_start3A_14] : memref<2x128x128xf32, #tpu.memory_space<vmem>> -> memref<1x128x128xf32, #tpu.memory_space<vmem>>
    %dma_start3A_16 = tpu.memref_squeeze %dma_start3A_15 : memref<1x128x128xf32, #tpu.memory_space<vmem>> -> memref<128x128xf32, #tpu.memory_space<vmem>>
    %dma_start3A_17 = arith.constant 0 : i32
    %dma_start3A_18 = tpu.memref_slice %arg2[%mul3A_2, %dma_start3A_17] : memref<163840x128xf32, #tpu.memory_space<hbm>> -> memref<128x128xf32, #tpu.memory_space<hbm>>
    tpu.enqueue_dma source(%dma_start3A_18 : memref<128x128xf32, #tpu.memory_space<hbm>>) target(%dma_start3A_16 : memref<128x128xf32, #tpu.memory_space<vmem>>) target_semaphore(%arg11 : memref<!tpu.dma_semaphore, #tpu.memory_space<semaphore_mem>>)
    %scan3A = arith.constant 0 : i32
    %scan3A_19 = arith.constant 0 : i32
    %scan3A_20 = arith.constant 40 : i32
    %scan3A_21 = arith.addi %scan3A_19, %scan3A_20 : i32
    %scan3A_22 = arith.constant 1 : i32
    scf.for %scan3A_73 = %scan3A_19 to %scan3A_21 step %scan3A_22  : i32 {
      %jit3A = arith.constant 2 : i32
      %eq3A = arith.constant 0 : i32
      %eq3A_74 = arith.cmpi eq, %jit3A, %eq3A : i32
      %jit3A_75 = arith.constant 1 : i32
      %select_n3A = arith.select %eq3A_74, %jit3A_75, %jit3A : i32
      %rem3A = arith.remsi %scan3A_73, %select_n3A : i32
      %ne3A = arith.constant 0 : i32
      %ne3A_76 = arith.cmpi ne, %rem3A, %ne3A : i32
      %lt3A = arith.constant 0 : i32
      %lt3A_77 = arith.cmpi slt, %rem3A, %lt3A : i32
      %lt3A_78 = arith.constant 0 : i32
      %lt3A_79 = arith.cmpi slt, %select_n3A, %lt3A_78 : i32
      %ne3A_80 = arith.xori %lt3A_77, %lt3A_79 : i1
      %and3A = arith.andi %ne3A_80, %ne3A_76 : i1
      %add3A_81 = arith.addi %rem3A, %select_n3A : i32
      %select_n3A_82 = arith.select %and3A, %add3A_81, %rem3A : i32
      %add3A_83 = arith.constant 1 : i32
      %add3A_84 = arith.addi %scan3A_73, %add3A_83 : i32
      %jit3A_85 = arith.constant 2 : i32
      %eq3A_86 = arith.constant 0 : i32
      %eq3A_87 = arith.cmpi eq, %jit3A_85, %eq3A_86 : i32
      %jit3A_88 = arith.constant 1 : i32
      %select_n3A_89 = arith.select %eq3A_87, %jit3A_88, %jit3A_85 : i32
      %rem3A_90 = arith.remsi %add3A_84, %select_n3A_89 : i32
      %ne3A_91 = arith.constant 0 : i32
      %ne3A_92 = arith.cmpi ne, %rem3A_90, %ne3A_91 : i32
      %lt3A_93 = arith.constant 0 : i32
      %lt3A_94 = arith.cmpi slt, %rem3A_90, %lt3A_93 : i32
      %lt3A_95 = arith.constant 0 : i32
      %lt3A_96 = arith.cmpi slt, %select_n3A_89, %lt3A_95 : i32
      %ne3A_97 = arith.xori %lt3A_94, %lt3A_96 : i1
      %and3A_98 = arith.andi %ne3A_97, %ne3A_92 : i1
      %add3A_99 = arith.addi %rem3A_90, %select_n3A_89 : i32
      %select_n3A_100 = arith.select %and3A_98, %add3A_99, %rem3A_90 : i32
      %add3A_101 = arith.constant 1 : i32
      %add3A_102 = arith.addi %scan3A_73, %add3A_101 : i32
      %min3A = arith.constant 39 : i32
      %min3A_103 = arith.minsi %add3A_102, %min3A : i32
      %mul3A_104 = arith.constant 128 : i32
      %mul3A_105 = arith.muli %min3A_103, %mul3A_104 : i32
      %add3A_106 = arith.addi %mul3A_2, %mul3A_105 : i32
      %dma_start3A_107 = arith.constant 0 : i32
      %dma_start3A_108 = arith.constant 0 : i32
      %dma_start3A_109 = tpu.memref_slice %arg9[%select_n3A_100, %dma_start3A_107, %dma_start3A_108] : memref<2x128x128xf32, #tpu.memory_space<vmem>> -> memref<1x128x128xf32, #tpu.memory_space<vmem>>
      %dma_start3A_110 = tpu.memref_squeeze %dma_start3A_109 : memref<1x128x128xf32, #tpu.memory_space<vmem>> -> memref<128x128xf32, #tpu.memory_space<vmem>>
      %dma_start3A_111 = arith.constant 0 : i32
      %dma_start3A_112 = tpu.memref_slice %arg2[%add3A_106, %dma_start3A_111] : memref<163840x128xf32, #tpu.memory_space<hbm>> -> memref<128x128xf32, #tpu.memory_space<hbm>>
      %dma_start3A_113 = arith.constant 0 : i32
      %dma_start3A_114 = arith.constant 0 : i32
      %dma_start3A_115 = tpu.memref_slice %arg9[%select_n3A_100, %dma_start3A_113, %dma_start3A_114] : memref<2x128x128xf32, #tpu.memory_space<vmem>> -> memref<1x128x128xf32, #tpu.memory_space<vmem>>
      %dma_start3A_116 = tpu.memref_squeeze %dma_start3A_115 : memref<1x128x128xf32, #tpu.memory_space<vmem>> -> memref<128x128xf32, #tpu.memory_space<vmem>>
      %dma_start3A_117 = arith.constant 0 : i32
      %dma_start3A_118 = tpu.memref_slice %arg2[%add3A_106, %dma_start3A_117] : memref<163840x128xf32, #tpu.memory_space<hbm>> -> memref<128x128xf32, #tpu.memory_space<hbm>>
      tpu.enqueue_dma source(%dma_start3A_118 : memref<128x128xf32, #tpu.memory_space<hbm>>) target(%dma_start3A_116 : memref<128x128xf32, #tpu.memory_space<vmem>>) target_semaphore(%arg11 : memref<!tpu.dma_semaphore, #tpu.memory_space<semaphore_mem>>)
      %mul3A_119 = arith.constant 128 : i32
      %mul3A_120 = arith.muli %scan3A_73, %mul3A_119 : i32
      %add3A_121 = arith.addi %mul3A_2, %mul3A_120 : i32
      %dma_wait3A_122 = arith.constant 0 : i32
      %dma_wait3A_123 = arith.constant 0 : i32
      %dma_wait3A_124 = tpu.memref_slice %arg9[%select_n3A_82, %dma_wait3A_122, %dma_wait3A_123] : memref<2x128x128xf32, #tpu.memory_space<vmem>> -> memref<1x128x128xf32, #tpu.memory_space<vmem>>
      %dma_wait3A_125 = tpu.memref_squeeze %dma_wait3A_124 : memref<1x128x128xf32, #tpu.memory_space<vmem>> -> memref<128x128xf32, #tpu.memory_space<vmem>>
      %dma_wait3A_126 = arith.constant 0 : i32
      %dma_wait3A_127 = tpu.memref_slice %arg2[%add3A_121, %dma_wait3A_126] : memref<163840x128xf32, #tpu.memory_space<hbm>> -> memref<128x128xf32, #tpu.memory_space<hbm>>
      %dma_wait3A_128 = arith.constant 0 : i32
      %dma_wait3A_129 = arith.constant 0 : i32
      %dma_wait3A_130 = tpu.memref_slice %arg9[%select_n3A_82, %dma_wait3A_128, %dma_wait3A_129] : memref<2x128x128xf32, #tpu.memory_space<vmem>> -> memref<1x128x128xf32, #tpu.memory_space<vmem>>
      %dma_wait3A_131 = tpu.memref_squeeze %dma_wait3A_130 : memref<1x128x128xf32, #tpu.memory_space<vmem>> -> memref<128x128xf32, #tpu.memory_space<vmem>>
      %dma_wait3A_132 = arith.constant 0 : i32
      %dma_wait3A_133 = tpu.memref_slice %arg2[%add3A_121, %dma_wait3A_132] : memref<163840x128xf32, #tpu.memory_space<hbm>> -> memref<128x128xf32, #tpu.memory_space<hbm>>
      tpu.wait_dma2 semaphore(%arg11 : memref<!tpu.dma_semaphore, #tpu.memory_space<semaphore_mem>>) src(%dma_wait3A_133 : memref<128x128xf32, #tpu.memory_space<hbm>>) dst(%dma_wait3A_131 : memref<128x128xf32, #tpu.memory_space<vmem>>)
      "tpu.region"() ({
        %run_scoped3A = tpu.sem_alloc : memref<!tpu.dma_semaphore, #tpu.memory_space<semaphore_mem>>
        %dma_start3A_134 = arith.constant 0 : i32
        %dma_start3A_135 = arith.constant 0 : i32
        %dma_start3A_136 = tpu.memref_slice %arg9[%select_n3A_82, %dma_start3A_134, %dma_start3A_135] : memref<2x128x128xf32, #tpu.memory_space<vmem>> -> memref<1x128x128xf32, #tpu.memory_space<vmem>>
        %dma_start3A_137 = tpu.memref_squeeze %dma_start3A_136 : memref<1x128x128xf32, #tpu.memory_space<vmem>> -> memref<128x128xf32, #tpu.memory_space<vmem>>
        %dma_start3A_138 = arith.constant 0 : i32
        %dma_start3A_139 = tpu.memref_slice %arg8[%scan3A_73, %dma_start3A_138] : memref<40x128xi32, #tpu.memory_space<vmem>> -> memref<1x128xi32, #tpu.memory_space<vmem>>
        %dma_start3A_140 = tpu.memref_squeeze %dma_start3A_139 : memref<1x128xi32, #tpu.memory_space<vmem>> -> memref<128xi32, #tpu.memory_space<vmem>>
        %dma_start3A_141 = arith.constant 0 : i32
        %dma_start3A_142 = arith.constant 0 : i32
        %dma_start3A_143 = tpu.memref_slice %arg10[%dma_start3A_141, %dma_start3A_142] : memref<10112x128xf32, #tpu.memory_space<vmem_shared>> -> memref<10112x128xf32, #tpu.memory_space<vmem_shared>>
        tpu.enqueue_indirect_dma source(%dma_start3A_137 : memref<128x128xf32, #tpu.memory_space<vmem>>) target(%dma_start3A_143 : memref<10112x128xf32, #tpu.memory_space<vmem_shared>>) offsets(%dma_start3A_140 : memref<128xi32, #tpu.memory_space<vmem>>) semaphore(%run_scoped3A : memref<!tpu.dma_semaphore, #tpu.memory_space<semaphore_mem>>) {add = true}
        %dma_wait3A_144 = arith.constant 0 : i32
        %dma_wait3A_145 = arith.constant 0 : i32
        %dma_wait3A_146 = tpu.memref_slice %arg9[%select_n3A_82, %dma_wait3A_144, %dma_wait3A_145] : memref<2x128x128xf32, #tpu.memory_space<vmem>> -> memref<1x128x128xf32, #tpu.memory_space<vmem>>
        %dma_wait3A_147 = tpu.memref_squeeze %dma_wait3A_146 : memref<1x128x128xf32, #tpu.memory_space<vmem>> -> memref<128x128xf32, #tpu.memory_space<vmem>>
        %dma_wait3A_148 = arith.constant 0 : i32
        %dma_wait3A_149 = tpu.memref_slice %arg8[%scan3A_73, %dma_wait3A_148] : memref<40x128xi32, #tpu.memory_space<vmem>> -> memref<1x128xi32, #tpu.memory_space<vmem>>
        %dma_wait3A_150 = tpu.memref_squeeze %dma_wait3A_149 : memref<1x128xi32, #tpu.memory_space<vmem>> -> memref<128xi32, #tpu.memory_space<vmem>>
        %dma_wait3A_151 = arith.constant 0 : i32
        %dma_wait3A_152 = arith.constant 0 : i32
        %dma_wait3A_153 = tpu.memref_slice %arg10[%dma_wait3A_151, %dma_wait3A_152] : memref<10112x128xf32, #tpu.memory_space<vmem_shared>> -> memref<10112x128xf32, #tpu.memory_space<vmem_shared>>
        tpu.wait_indirect_dma semaphore(%run_scoped3A : memref<!tpu.dma_semaphore, #tpu.memory_space<semaphore_mem>>) src(%dma_wait3A_147 : memref<128x128xf32, #tpu.memory_space<vmem>>) dst(%dma_wait3A_153 : memref<10112x128xf32, #tpu.memory_space<vmem_shared>>)
        tpu.yield
      }) : () -> ()
    }
    %scan3A_23 = arith.constant 40 : i32
    %dma_wait3A = arith.constant 0 : i32
    %dma_wait3A_24 = arith.constant 0 : i32
    %dma_wait3A_25 = arith.constant 0 : i32
    %dma_wait3A_26 = tpu.memref_slice %arg9[%dma_wait3A, %dma_wait3A_24, %dma_wait3A_25] : memref<2x128x128xf32, #tpu.memory_space<vmem>> -> memref<1x128x128xf32, #tpu.memory_space<vmem>>
    %dma_wait3A_27 = tpu.memref_squeeze %dma_wait3A_26 : memref<1x128x128xf32, #tpu.memory_space<vmem>> -> memref<128x128xf32, #tpu.memory_space<vmem>>
    %dma_wait3A_28 = arith.constant 0 : i32
    %dma_wait3A_29 = tpu.memref_slice %arg2[%mul3A_2, %dma_wait3A_28] : memref<163840x128xf32, #tpu.memory_space<hbm>> -> memref<128x128xf32, #tpu.memory_space<hbm>>
    %dma_wait3A_30 = arith.constant 0 : i32
    %dma_wait3A_31 = arith.constant 0 : i32
    %dma_wait3A_32 = tpu.memref_slice %arg9[%dma_wait3A, %dma_wait3A_30, %dma_wait3A_31] : memref<2x128x128xf32, #tpu.memory_space<vmem>> -> memref<1x128x128xf32, #tpu.memory_space<vmem>>
    %dma_wait3A_33 = tpu.memref_squeeze %dma_wait3A_32 : memref<1x128x128xf32, #tpu.memory_space<vmem>> -> memref<128x128xf32, #tpu.memory_space<vmem>>
    %dma_wait3A_34 = arith.constant 0 : i32
    %dma_wait3A_35 = tpu.memref_slice %arg2[%mul3A_2, %dma_wait3A_34] : memref<163840x128xf32, #tpu.memory_space<hbm>> -> memref<128x128xf32, #tpu.memory_space<hbm>>
    tpu.wait_dma2 semaphore(%arg11 : memref<!tpu.dma_semaphore, #tpu.memory_space<semaphore_mem>>) src(%dma_wait3A_35 : memref<128x128xf32, #tpu.memory_space<hbm>>) dst(%dma_wait3A_33 : memref<128x128xf32, #tpu.memory_space<vmem>>)
    %barrier3A_36 = arith.constant 0 : index
    tpu.barrier barrier_id(%barrier3A_36)
    "tpu.region"() ({
      %run_scoped3A = tpu.sem_alloc : memref<!tpu.dma_semaphore, #tpu.memory_space<semaphore_mem>>
      %dma_start3A_73 = arith.constant 0 : i32
      %dma_start3A_74 = tpu.memref_slice %arg6[%arg0, %mul3A_4, %dma_start3A_73] : memref<2x10112x128xf32, #tpu.memory_space<hbm>> -> memref<1x632x128xf32, #tpu.memory_space<hbm>>
      %dma_start3A_75 = tpu.memref_squeeze %dma_start3A_74 : memref<1x632x128xf32, #tpu.memory_space<hbm>> -> memref<632x128xf32, #tpu.memory_space<hbm>>
      %dma_start3A_76 = arith.constant 0 : i32
      %dma_start3A_77 = tpu.memref_slice %arg10[%mul3A_4, %dma_start3A_76] : memref<10112x128xf32, #tpu.memory_space<vmem_shared>> -> memref<632x128xf32, #tpu.memory_space<vmem_shared>>
      tpu.enqueue_dma source(%dma_start3A_77 : memref<632x128xf32, #tpu.memory_space<vmem_shared>>) target(%dma_start3A_75 : memref<632x128xf32, #tpu.memory_space<hbm>>) target_semaphore(%run_scoped3A : memref<!tpu.dma_semaphore, #tpu.memory_space<semaphore_mem>>)
      %dma_wait3A_78 = arith.constant 0 : i32
      %dma_wait3A_79 = tpu.memref_slice %arg6[%arg0, %mul3A_4, %dma_wait3A_78] : memref<2x10112x128xf32, #tpu.memory_space<hbm>> -> memref<1x632x128xf32, #tpu.memory_space<hbm>>
      %dma_wait3A_80 = tpu.memref_squeeze %dma_wait3A_79 : memref<1x632x128xf32, #tpu.memory_space<hbm>> -> memref<632x128xf32, #tpu.memory_space<hbm>>
      %dma_wait3A_81 = arith.constant 0 : i32
      %dma_wait3A_82 = tpu.memref_slice %arg10[%mul3A_4, %dma_wait3A_81] : memref<10112x128xf32, #tpu.memory_space<vmem_shared>> -> memref<632x128xf32, #tpu.memory_space<vmem_shared>>
      tpu.wait_dma2 semaphore(%run_scoped3A : memref<!tpu.dma_semaphore, #tpu.memory_space<semaphore_mem>>) src(%dma_wait3A_82 : memref<632x128xf32, #tpu.memory_space<vmem_shared>>) dst(%dma_wait3A_80 : memref<632x128xf32, #tpu.memory_space<hbm>>)
      tpu.yield
    }) : () -> ()
    %barrier3A_37 = arith.constant 0 : index
    tpu.barrier barrier_id(%barrier3A_37)
    "tpu.region"() ({
      %run_scoped3A = tpu.sem_alloc : memref<!tpu.dma_semaphore, #tpu.memory_space<semaphore_mem>>
      %dma_start3A_73 = arith.constant 0 : i32
      %dma_start3A_74 = tpu.memref_slice %arg10[%mul3A_4, %dma_start3A_73] : memref<10112x128xf32, #tpu.memory_space<vmem_shared>> -> memref<632x128xf32, #tpu.memory_space<vmem_shared>>
      %dma_start3A_75 = arith.constant 0 : i32
      %dma_start3A_76 = tpu.memref_slice %arg5[%mul3A_4, %dma_start3A_75] : memref<10112x128xf32, #tpu.memory_space<hbm>> -> memref<632x128xf32, #tpu.memory_space<hbm>>
      tpu.enqueue_dma source(%dma_start3A_76 : memref<632x128xf32, #tpu.memory_space<hbm>>) target(%dma_start3A_74 : memref<632x128xf32, #tpu.memory_space<vmem_shared>>) target_semaphore(%run_scoped3A : memref<!tpu.dma_semaphore, #tpu.memory_space<semaphore_mem>>)
      %dma_wait3A_77 = arith.constant 0 : i32
      %dma_wait3A_78 = tpu.memref_slice %arg10[%mul3A_4, %dma_wait3A_77] : memref<10112x128xf32, #tpu.memory_space<vmem_shared>> -> memref<632x128xf32, #tpu.memory_space<vmem_shared>>
      %dma_wait3A_79 = arith.constant 0 : i32
      %dma_wait3A_80 = tpu.memref_slice %arg5[%mul3A_4, %dma_wait3A_79] : memref<10112x128xf32, #tpu.memory_space<hbm>> -> memref<632x128xf32, #tpu.memory_space<hbm>>
      tpu.wait_dma2 semaphore(%run_scoped3A : memref<!tpu.dma_semaphore, #tpu.memory_space<semaphore_mem>>) src(%dma_wait3A_80 : memref<632x128xf32, #tpu.memory_space<hbm>>) dst(%dma_wait3A_78 : memref<632x128xf32, #tpu.memory_space<vmem_shared>>)
      tpu.yield
    }) : () -> ()
    %barrier3A_38 = arith.constant 0 : index
    tpu.barrier barrier_id(%barrier3A_38)
    %dma_start3A_39 = arith.constant 0 : i32
    %dma_start3A_40 = arith.constant 0 : i32
    %dma_start3A_41 = arith.constant 0 : i32
    %dma_start3A_42 = tpu.memref_slice %arg9[%dma_start3A_39, %dma_start3A_40, %dma_start3A_41] : memref<2x128x128xf32, #tpu.memory_space<vmem>> -> memref<1x128x128xf32, #tpu.memory_space<vmem>>
    %dma_start3A_43 = tpu.memref_squeeze %dma_start3A_42 : memref<1x128x128xf32, #tpu.memory_space<vmem>> -> memref<128x128xf32, #tpu.memory_space<vmem>>
    %dma_start3A_44 = arith.constant 0 : i32
    %dma_start3A_45 = tpu.memref_slice %arg3[%mul3A_2, %dma_start3A_44] : memref<163840x128xf32, #tpu.memory_space<hbm>> -> memref<128x128xf32, #tpu.memory_space<hbm>>
    %dma_start3A_46 = arith.constant 0 : i32
    %dma_start3A_47 = arith.constant 0 : i32
    %dma_start3A_48 = tpu.memref_slice %arg9[%dma_start3A_39, %dma_start3A_46, %dma_start3A_47] : memref<2x128x128xf32, #tpu.memory_space<vmem>> -> memref<1x128x128xf32, #tpu.memory_space<vmem>>
    %dma_start3A_49 = tpu.memref_squeeze %dma_start3A_48 : memref<1x128x128xf32, #tpu.memory_space<vmem>> -> memref<128x128xf32, #tpu.memory_space<vmem>>
    %dma_start3A_50 = arith.constant 0 : i32
    %dma_start3A_51 = tpu.memref_slice %arg3[%mul3A_2, %dma_start3A_50] : memref<163840x128xf32, #tpu.memory_space<hbm>> -> memref<128x128xf32, #tpu.memory_space<hbm>>
    tpu.enqueue_dma source(%dma_start3A_51 : memref<128x128xf32, #tpu.memory_space<hbm>>) target(%dma_start3A_49 : memref<128x128xf32, #tpu.memory_space<vmem>>) target_semaphore(%arg11 : memref<!tpu.dma_semaphore, #tpu.memory_space<semaphore_mem>>)
    %scan3A_52 = arith.constant 0 : i32
    %scan3A_53 = arith.constant 0 : i32
    %scan3A_54 = arith.constant 40 : i32
    %scan3A_55 = arith.addi %scan3A_53, %scan3A_54 : i32
    %scan3A_56 = arith.constant 1 : i32
    scf.for %scan3A_73 = %scan3A_53 to %scan3A_55 step %scan3A_56  : i32 {
      %jit3A = arith.constant 2 : i32
      %eq3A = arith.constant 0 : i32
      %eq3A_74 = arith.cmpi eq, %jit3A, %eq3A : i32
      %jit3A_75 = arith.constant 1 : i32
      %select_n3A = arith.select %eq3A_74, %jit3A_75, %jit3A : i32
      %rem3A = arith.remsi %scan3A_73, %select_n3A : i32
      %ne3A = arith.constant 0 : i32
      %ne3A_76 = arith.cmpi ne, %rem3A, %ne3A : i32
      %lt3A = arith.constant 0 : i32
      %lt3A_77 = arith.cmpi slt, %rem3A, %lt3A : i32
      %lt3A_78 = arith.constant 0 : i32
      %lt3A_79 = arith.cmpi slt, %select_n3A, %lt3A_78 : i32
      %ne3A_80 = arith.xori %lt3A_77, %lt3A_79 : i1
      %and3A = arith.andi %ne3A_80, %ne3A_76 : i1
      %add3A_81 = arith.addi %rem3A, %select_n3A : i32
      %select_n3A_82 = arith.select %and3A, %add3A_81, %rem3A : i32
      %add3A_83 = arith.constant 1 : i32
      %add3A_84 = arith.addi %scan3A_73, %add3A_83 : i32
      %jit3A_85 = arith.constant 2 : i32
      %eq3A_86 = arith.constant 0 : i32
      %eq3A_87 = arith.cmpi eq, %jit3A_85, %eq3A_86 : i32
      %jit3A_88 = arith.constant 1 : i32
      %select_n3A_89 = arith.select %eq3A_87, %jit3A_88, %jit3A_85 : i32
      %rem3A_90 = arith.remsi %add3A_84, %select_n3A_89 : i32
      %ne3A_91 = arith.constant 0 : i32
      %ne3A_92 = arith.cmpi ne, %rem3A_90, %ne3A_91 : i32
      %lt3A_93 = arith.constant 0 : i32
      %lt3A_94 = arith.cmpi slt, %rem3A_90, %lt3A_93 : i32
      %lt3A_95 = arith.constant 0 : i32
      %lt3A_96 = arith.cmpi slt, %select_n3A_89, %lt3A_95 : i32
      %ne3A_97 = arith.xori %lt3A_94, %lt3A_96 : i1
      %and3A_98 = arith.andi %ne3A_97, %ne3A_92 : i1
      %add3A_99 = arith.addi %rem3A_90, %select_n3A_89 : i32
      %select_n3A_100 = arith.select %and3A_98, %add3A_99, %rem3A_90 : i32
      %add3A_101 = arith.constant 1 : i32
      %add3A_102 = arith.addi %scan3A_73, %add3A_101 : i32
      %min3A = arith.constant 39 : i32
      %min3A_103 = arith.minsi %add3A_102, %min3A : i32
      %mul3A_104 = arith.constant 128 : i32
      %mul3A_105 = arith.muli %min3A_103, %mul3A_104 : i32
      %add3A_106 = arith.addi %mul3A_2, %mul3A_105 : i32
      %dma_start3A_107 = arith.constant 0 : i32
      %dma_start3A_108 = arith.constant 0 : i32
      %dma_start3A_109 = tpu.memref_slice %arg9[%select_n3A_100, %dma_start3A_107, %dma_start3A_108] : memref<2x128x128xf32, #tpu.memory_space<vmem>> -> memref<1x128x128xf32, #tpu.memory_space<vmem>>
      %dma_start3A_110 = tpu.memref_squeeze %dma_start3A_109 : memref<1x128x128xf32, #tpu.memory_space<vmem>> -> memref<128x128xf32, #tpu.memory_space<vmem>>
      %dma_start3A_111 = arith.constant 0 : i32
      %dma_start3A_112 = tpu.memref_slice %arg3[%add3A_106, %dma_start3A_111] : memref<163840x128xf32, #tpu.memory_space<hbm>> -> memref<128x128xf32, #tpu.memory_space<hbm>>
      %dma_start3A_113 = arith.constant 0 : i32
      %dma_start3A_114 = arith.constant 0 : i32
      %dma_start3A_115 = tpu.memref_slice %arg9[%select_n3A_100, %dma_start3A_113, %dma_start3A_114] : memref<2x128x128xf32, #tpu.memory_space<vmem>> -> memref<1x128x128xf32, #tpu.memory_space<vmem>>
      %dma_start3A_116 = tpu.memref_squeeze %dma_start3A_115 : memref<1x128x128xf32, #tpu.memory_space<vmem>> -> memref<128x128xf32, #tpu.memory_space<vmem>>
      %dma_start3A_117 = arith.constant 0 : i32
      %dma_start3A_118 = tpu.memref_slice %arg3[%add3A_106, %dma_start3A_117] : memref<163840x128xf32, #tpu.memory_space<hbm>> -> memref<128x128xf32, #tpu.memory_space<hbm>>
      tpu.enqueue_dma source(%dma_start3A_118 : memref<128x128xf32, #tpu.memory_space<hbm>>) target(%dma_start3A_116 : memref<128x128xf32, #tpu.memory_space<vmem>>) target_semaphore(%arg11 : memref<!tpu.dma_semaphore, #tpu.memory_space<semaphore_mem>>)
      %mul3A_119 = arith.constant 128 : i32
      %mul3A_120 = arith.muli %scan3A_73, %mul3A_119 : i32
      %add3A_121 = arith.addi %mul3A_2, %mul3A_120 : i32
      %dma_wait3A_122 = arith.constant 0 : i32
      %dma_wait3A_123 = arith.constant 0 : i32
      %dma_wait3A_124 = tpu.memref_slice %arg9[%select_n3A_82, %dma_wait3A_122, %dma_wait3A_123] : memref<2x128x128xf32, #tpu.memory_space<vmem>> -> memref<1x128x128xf32, #tpu.memory_space<vmem>>
      %dma_wait3A_125 = tpu.memref_squeeze %dma_wait3A_124 : memref<1x128x128xf32, #tpu.memory_space<vmem>> -> memref<128x128xf32, #tpu.memory_space<vmem>>
      %dma_wait3A_126 = arith.constant 0 : i32
      %dma_wait3A_127 = tpu.memref_slice %arg3[%add3A_121, %dma_wait3A_126] : memref<163840x128xf32, #tpu.memory_space<hbm>> -> memref<128x128xf32, #tpu.memory_space<hbm>>
      %dma_wait3A_128 = arith.constant 0 : i32
      %dma_wait3A_129 = arith.constant 0 : i32
      %dma_wait3A_130 = tpu.memref_slice %arg9[%select_n3A_82, %dma_wait3A_128, %dma_wait3A_129] : memref<2x128x128xf32, #tpu.memory_space<vmem>> -> memref<1x128x128xf32, #tpu.memory_space<vmem>>
      %dma_wait3A_131 = tpu.memref_squeeze %dma_wait3A_130 : memref<1x128x128xf32, #tpu.memory_space<vmem>> -> memref<128x128xf32, #tpu.memory_space<vmem>>
      %dma_wait3A_132 = arith.constant 0 : i32
      %dma_wait3A_133 = tpu.memref_slice %arg3[%add3A_121, %dma_wait3A_132] : memref<163840x128xf32, #tpu.memory_space<hbm>> -> memref<128x128xf32, #tpu.memory_space<hbm>>
      tpu.wait_dma2 semaphore(%arg11 : memref<!tpu.dma_semaphore, #tpu.memory_space<semaphore_mem>>) src(%dma_wait3A_133 : memref<128x128xf32, #tpu.memory_space<hbm>>) dst(%dma_wait3A_131 : memref<128x128xf32, #tpu.memory_space<vmem>>)
      "tpu.region"() ({
        %run_scoped3A = tpu.sem_alloc : memref<!tpu.dma_semaphore, #tpu.memory_space<semaphore_mem>>
        %dma_start3A_134 = arith.constant 0 : i32
        %dma_start3A_135 = arith.constant 0 : i32
        %dma_start3A_136 = tpu.memref_slice %arg9[%select_n3A_82, %dma_start3A_134, %dma_start3A_135] : memref<2x128x128xf32, #tpu.memory_space<vmem>> -> memref<1x128x128xf32, #tpu.memory_space<vmem>>
        %dma_start3A_137 = tpu.memref_squeeze %dma_start3A_136 : memref<1x128x128xf32, #tpu.memory_space<vmem>> -> memref<128x128xf32, #tpu.memory_space<vmem>>
        %dma_start3A_138 = arith.constant 0 : i32
        %dma_start3A_139 = tpu.memref_slice %arg8[%scan3A_73, %dma_start3A_138] : memref<40x128xi32, #tpu.memory_space<vmem>> -> memref<1x128xi32, #tpu.memory_space<vmem>>
        %dma_start3A_140 = tpu.memref_squeeze %dma_start3A_139 : memref<1x128xi32, #tpu.memory_space<vmem>> -> memref<128xi32, #tpu.memory_space<vmem>>
        %dma_start3A_141 = arith.constant 0 : i32
        %dma_start3A_142 = arith.constant 0 : i32
        %dma_start3A_143 = tpu.memref_slice %arg10[%dma_start3A_141, %dma_start3A_142] : memref<10112x128xf32, #tpu.memory_space<vmem_shared>> -> memref<10112x128xf32, #tpu.memory_space<vmem_shared>>
        tpu.enqueue_indirect_dma source(%dma_start3A_137 : memref<128x128xf32, #tpu.memory_space<vmem>>) target(%dma_start3A_143 : memref<10112x128xf32, #tpu.memory_space<vmem_shared>>) offsets(%dma_start3A_140 : memref<128xi32, #tpu.memory_space<vmem>>) semaphore(%run_scoped3A : memref<!tpu.dma_semaphore, #tpu.memory_space<semaphore_mem>>) {add = true}
        %dma_wait3A_144 = arith.constant 0 : i32
        %dma_wait3A_145 = arith.constant 0 : i32
        %dma_wait3A_146 = tpu.memref_slice %arg9[%select_n3A_82, %dma_wait3A_144, %dma_wait3A_145] : memref<2x128x128xf32, #tpu.memory_space<vmem>> -> memref<1x128x128xf32, #tpu.memory_space<vmem>>
        %dma_wait3A_147 = tpu.memref_squeeze %dma_wait3A_146 : memref<1x128x128xf32, #tpu.memory_space<vmem>> -> memref<128x128xf32, #tpu.memory_space<vmem>>
        %dma_wait3A_148 = arith.constant 0 : i32
        %dma_wait3A_149 = tpu.memref_slice %arg8[%scan3A_73, %dma_wait3A_148] : memref<40x128xi32, #tpu.memory_space<vmem>> -> memref<1x128xi32, #tpu.memory_space<vmem>>
        %dma_wait3A_150 = tpu.memref_squeeze %dma_wait3A_149 : memref<1x128xi32, #tpu.memory_space<vmem>> -> memref<128xi32, #tpu.memory_space<vmem>>
        %dma_wait3A_151 = arith.constant 0 : i32
        %dma_wait3A_152 = arith.constant 0 : i32
        %dma_wait3A_153 = tpu.memref_slice %arg10[%dma_wait3A_151, %dma_wait3A_152] : memref<10112x128xf32, #tpu.memory_space<vmem_shared>> -> memref<10112x128xf32, #tpu.memory_space<vmem_shared>>
        tpu.wait_indirect_dma semaphore(%run_scoped3A : memref<!tpu.dma_semaphore, #tpu.memory_space<semaphore_mem>>) src(%dma_wait3A_147 : memref<128x128xf32, #tpu.memory_space<vmem>>) dst(%dma_wait3A_153 : memref<10112x128xf32, #tpu.memory_space<vmem_shared>>)
        tpu.yield
      }) : () -> ()
    }
    %scan3A_57 = arith.constant 40 : i32
    %dma_wait3A_58 = arith.constant 0 : i32
    %dma_wait3A_59 = arith.constant 0 : i32
    %dma_wait3A_60 = arith.constant 0 : i32
    %dma_wait3A_61 = tpu.memref_slice %arg9[%dma_wait3A_58, %dma_wait3A_59, %dma_wait3A_60] : memref<2x128x128xf32, #tpu.memory_space<vmem>> -> memref<1x128x128xf32, #tpu.memory_space<vmem>>
    %dma_wait3A_62 = tpu.memref_squeeze %dma_wait3A_61 : memref<1x128x128xf32, #tpu.memory_space<vmem>> -> memref<128x128xf32, #tpu.memory_space<vmem>>
    %dma_wait3A_63 = arith.constant 0 : i32
    %dma_wait3A_64 = tpu.memref_slice %arg3[%mul3A_2, %dma_wait3A_63] : memref<163840x128xf32, #tpu.memory_space<hbm>> -> memref<128x128xf32, #tpu.memory_space<hbm>>
    %dma_wait3A_65 = arith.constant 0 : i32
    %dma_wait3A_66 = arith.constant 0 : i32
    %dma_wait3A_67 = tpu.memref_slice %arg9[%dma_wait3A_58, %dma_wait3A_65, %dma_wait3A_66] : memref<2x128x128xf32, #tpu.memory_space<vmem>> -> memref<1x128x128xf32, #tpu.memory_space<vmem>>
    %dma_wait3A_68 = tpu.memref_squeeze %dma_wait3A_67 : memref<1x128x128xf32, #tpu.memory_space<vmem>> -> memref<128x128xf32, #tpu.memory_space<vmem>>
    %dma_wait3A_69 = arith.constant 0 : i32
    %dma_wait3A_70 = tpu.memref_slice %arg3[%mul3A_2, %dma_wait3A_69] : memref<163840x128xf32, #tpu.memory_space<hbm>> -> memref<128x128xf32, #tpu.memory_space<hbm>>
    tpu.wait_dma2 semaphore(%arg11 : memref<!tpu.dma_semaphore, #tpu.memory_space<semaphore_mem>>) src(%dma_wait3A_70 : memref<128x128xf32, #tpu.memory_space<hbm>>) dst(%dma_wait3A_68 : memref<128x128xf32, #tpu.memory_space<vmem>>)
    %barrier3A_71 = arith.constant 0 : index
    tpu.barrier barrier_id(%barrier3A_71)
    "tpu.region"() ({
      %run_scoped3A = tpu.sem_alloc : memref<!tpu.dma_semaphore, #tpu.memory_space<semaphore_mem>>
      %dma_start3A_73 = arith.constant 0 : i32
      %dma_start3A_74 = tpu.memref_slice %arg7[%arg0, %mul3A_4, %dma_start3A_73] : memref<2x10112x128xf32, #tpu.memory_space<hbm>> -> memref<1x632x128xf32, #tpu.memory_space<hbm>>
      %dma_start3A_75 = tpu.memref_squeeze %dma_start3A_74 : memref<1x632x128xf32, #tpu.memory_space<hbm>> -> memref<632x128xf32, #tpu.memory_space<hbm>>
      %dma_start3A_76 = arith.constant 0 : i32
      %dma_start3A_77 = tpu.memref_slice %arg10[%mul3A_4, %dma_start3A_76] : memref<10112x128xf32, #tpu.memory_space<vmem_shared>> -> memref<632x128xf32, #tpu.memory_space<vmem_shared>>
      tpu.enqueue_dma source(%dma_start3A_77 : memref<632x128xf32, #tpu.memory_space<vmem_shared>>) target(%dma_start3A_75 : memref<632x128xf32, #tpu.memory_space<hbm>>) target_semaphore(%run_scoped3A : memref<!tpu.dma_semaphore, #tpu.memory_space<semaphore_mem>>)
      %dma_wait3A_78 = arith.constant 0 : i32
      %dma_wait3A_79 = tpu.memref_slice %arg7[%arg0, %mul3A_4, %dma_wait3A_78] : memref<2x10112x128xf32, #tpu.memory_space<hbm>> -> memref<1x632x128xf32, #tpu.memory_space<hbm>>
      %dma_wait3A_80 = tpu.memref_squeeze %dma_wait3A_79 : memref<1x632x128xf32, #tpu.memory_space<hbm>> -> memref<632x128xf32, #tpu.memory_space<hbm>>
      %dma_wait3A_81 = arith.constant 0 : i32
      %dma_wait3A_82 = tpu.memref_slice %arg10[%mul3A_4, %dma_wait3A_81] : memref<10112x128xf32, #tpu.memory_space<vmem_shared>> -> memref<632x128xf32, #tpu.memory_space<vmem_shared>>
      tpu.wait_dma2 semaphore(%run_scoped3A : memref<!tpu.dma_semaphore, #tpu.memory_space<semaphore_mem>>) src(%dma_wait3A_82 : memref<632x128xf32, #tpu.memory_space<vmem_shared>>) dst(%dma_wait3A_80 : memref<632x128xf32, #tpu.memory_space<hbm>>)
      tpu.yield
    }) : () -> ()
    %barrier3A_72 = arith.constant 0 : index
    tpu.barrier barrier_id(%barrier3A_72)
    return
  }
}

#map = affine_map<(d0, d1) -> (0, 0)>
module attributes {stable_mosaic.version = 14 : i64} {
  func.func @_sc_gather_body(%arg0: i32, %arg1: i32, %arg2: memref<10000x256xf32, #tpu.memory_space<hbm>>, %arg3: memref<20000x256xf32, #tpu.memory_space<hbm>>, %arg4: memref<2560x64xi32, #tpu.memory_space<hbm>>, %arg5: memref<2560x64xi32, #tpu.memory_space<hbm>>, %arg6: memref<163840x256xf32, #tpu.memory_space<hbm>>, %arg7: memref<163840x256xf32, #tpu.memory_space<hbm>>, %arg8: memref<80x64xi32, #tpu.memory_space<vmem>>, %arg9: memref<80x64xi32, #tpu.memory_space<vmem>>, %arg10: memref<2x64x256xf32, #tpu.memory_space<vmem>>, %arg11: memref<2x64x256xf32, #tpu.memory_space<vmem>>, %arg12: memref<!tpu.dma_semaphore, #tpu.memory_space<semaphore_mem>>, %arg13: memref<!tpu.dma_semaphore, #tpu.memory_space<semaphore_mem>>) attributes {dimension_semantics = [#tpu.dimension_semantics<core_parallel>, #tpu.dimension_semantics<subcore_parallel>], iteration_bounds = array<i64: 2, 16>, scalar_prefetch = 0 : i64, scratch_operands = 6 : i64, tpu.core_type = #tpu.core_type<sc_vector_subcore>, window_params = [{transform_indices = #map}, {transform_indices = #map}, {transform_indices = #map}, {transform_indices = #map}, {transform_indices = #map}, {transform_indices = #map}]} {
    %mul3A = arith.constant 2 : i32
    %mul3A_0 = arith.muli %arg1, %mul3A : i32
    %add3A = arith.addi %mul3A_0, %arg0 : i32
    %mul3A_1 = arith.constant 5120 : i32
    %mul3A_2 = arith.muli %add3A, %mul3A_1 : i32
    %mul3A_3 = arith.constant 80 : i32
    %mul3A_4 = arith.muli %add3A, %mul3A_3 : i32
    "tpu.region"() ({
      %run_scoped3A = tpu.sem_alloc : memref<!tpu.dma_semaphore, #tpu.memory_space<semaphore_mem>>
      %dma_start3A_56 = arith.constant 0 : i32
      %dma_start3A_57 = tpu.memref_slice %arg4[%mul3A_4, %dma_start3A_56] : memref<2560x64xi32, #tpu.memory_space<hbm>> -> memref<80x64xi32, #tpu.memory_space<hbm>>
      %dma_start3A_58 = arith.constant 0 : i32
      %dma_start3A_59 = tpu.memref_slice %arg4[%mul3A_4, %dma_start3A_58] : memref<2560x64xi32, #tpu.memory_space<hbm>> -> memref<80x64xi32, #tpu.memory_space<hbm>>
      tpu.enqueue_dma source(%dma_start3A_59 : memref<80x64xi32, #tpu.memory_space<hbm>>) target(%arg8 : memref<80x64xi32, #tpu.memory_space<vmem>>) target_semaphore(%run_scoped3A : memref<!tpu.dma_semaphore, #tpu.memory_space<semaphore_mem>>)
      %dma_wait3A_60 = arith.constant 0 : i32
      %dma_wait3A_61 = tpu.memref_slice %arg4[%mul3A_4, %dma_wait3A_60] : memref<2560x64xi32, #tpu.memory_space<hbm>> -> memref<80x64xi32, #tpu.memory_space<hbm>>
      %dma_wait3A_62 = arith.constant 0 : i32
      %dma_wait3A_63 = tpu.memref_slice %arg4[%mul3A_4, %dma_wait3A_62] : memref<2560x64xi32, #tpu.memory_space<hbm>> -> memref<80x64xi32, #tpu.memory_space<hbm>>
      tpu.wait_dma2 semaphore(%run_scoped3A : memref<!tpu.dma_semaphore, #tpu.memory_space<semaphore_mem>>) src(%dma_wait3A_63 : memref<80x64xi32, #tpu.memory_space<hbm>>) dst(%arg8 : memref<80x64xi32, #tpu.memory_space<vmem>>)
      tpu.yield
    }) : () -> ()
    "tpu.region"() ({
      %run_scoped3A = tpu.sem_alloc : memref<!tpu.dma_semaphore, #tpu.memory_space<semaphore_mem>>
      %dma_start3A_56 = arith.constant 0 : i32
      %dma_start3A_57 = tpu.memref_slice %arg5[%mul3A_4, %dma_start3A_56] : memref<2560x64xi32, #tpu.memory_space<hbm>> -> memref<80x64xi32, #tpu.memory_space<hbm>>
      %dma_start3A_58 = arith.constant 0 : i32
      %dma_start3A_59 = tpu.memref_slice %arg5[%mul3A_4, %dma_start3A_58] : memref<2560x64xi32, #tpu.memory_space<hbm>> -> memref<80x64xi32, #tpu.memory_space<hbm>>
      tpu.enqueue_dma source(%dma_start3A_59 : memref<80x64xi32, #tpu.memory_space<hbm>>) target(%arg9 : memref<80x64xi32, #tpu.memory_space<vmem>>) target_semaphore(%run_scoped3A : memref<!tpu.dma_semaphore, #tpu.memory_space<semaphore_mem>>)
      %dma_wait3A_60 = arith.constant 0 : i32
      %dma_wait3A_61 = tpu.memref_slice %arg5[%mul3A_4, %dma_wait3A_60] : memref<2560x64xi32, #tpu.memory_space<hbm>> -> memref<80x64xi32, #tpu.memory_space<hbm>>
      %dma_wait3A_62 = arith.constant 0 : i32
      %dma_wait3A_63 = tpu.memref_slice %arg5[%mul3A_4, %dma_wait3A_62] : memref<2560x64xi32, #tpu.memory_space<hbm>> -> memref<80x64xi32, #tpu.memory_space<hbm>>
      tpu.wait_dma2 semaphore(%run_scoped3A : memref<!tpu.dma_semaphore, #tpu.memory_space<semaphore_mem>>) src(%dma_wait3A_63 : memref<80x64xi32, #tpu.memory_space<hbm>>) dst(%arg9 : memref<80x64xi32, #tpu.memory_space<vmem>>)
      tpu.yield
    }) : () -> ()
    %dma_start3A = arith.constant 0 : i32
    %dma_start3A_5 = arith.constant 0 : i32
    %dma_start3A_6 = arith.constant 0 : i32
    %dma_start3A_7 = arith.constant 0 : i32
    %dma_start3A_8 = tpu.memref_slice %arg10[%dma_start3A_5, %dma_start3A_6, %dma_start3A_7] : memref<2x64x256xf32, #tpu.memory_space<vmem>> -> memref<1x64x256xf32, #tpu.memory_space<vmem>>
    %dma_start3A_9 = tpu.memref_squeeze %dma_start3A_8 : memref<1x64x256xf32, #tpu.memory_space<vmem>> -> memref<64x256xf32, #tpu.memory_space<vmem>>
    %dma_start3A_10 = arith.constant 0 : i32
    %dma_start3A_11 = tpu.memref_slice %arg8[%dma_start3A, %dma_start3A_10] : memref<80x64xi32, #tpu.memory_space<vmem>> -> memref<1x64xi32, #tpu.memory_space<vmem>>
    %dma_start3A_12 = tpu.memref_squeeze %dma_start3A_11 : memref<1x64xi32, #tpu.memory_space<vmem>> -> memref<64xi32, #tpu.memory_space<vmem>>
    %dma_start3A_13 = arith.constant 0 : i32
    %dma_start3A_14 = arith.constant 0 : i32
    %dma_start3A_15 = tpu.memref_slice %arg2[%dma_start3A_13, %dma_start3A_14] : memref<10000x256xf32, #tpu.memory_space<hbm>> -> memref<10000x256xf32, #tpu.memory_space<hbm>>
    tpu.enqueue_indirect_dma source(%dma_start3A_15 : memref<10000x256xf32, #tpu.memory_space<hbm>>) target(%dma_start3A_9 : memref<64x256xf32, #tpu.memory_space<vmem>>) offsets(%dma_start3A_12 : memref<64xi32, #tpu.memory_space<vmem>>) semaphore(%arg12 : memref<!tpu.dma_semaphore, #tpu.memory_space<semaphore_mem>>)
    %dma_start3A_16 = arith.constant 0 : i32
    %dma_start3A_17 = arith.constant 0 : i32
    %dma_start3A_18 = arith.constant 0 : i32
    %dma_start3A_19 = arith.constant 0 : i32
    %dma_start3A_20 = tpu.memref_slice %arg11[%dma_start3A_17, %dma_start3A_18, %dma_start3A_19] : memref<2x64x256xf32, #tpu.memory_space<vmem>> -> memref<1x64x256xf32, #tpu.memory_space<vmem>>
    %dma_start3A_21 = tpu.memref_squeeze %dma_start3A_20 : memref<1x64x256xf32, #tpu.memory_space<vmem>> -> memref<64x256xf32, #tpu.memory_space<vmem>>
    %dma_start3A_22 = arith.constant 0 : i32
    %dma_start3A_23 = tpu.memref_slice %arg9[%dma_start3A_16, %dma_start3A_22] : memref<80x64xi32, #tpu.memory_space<vmem>> -> memref<1x64xi32, #tpu.memory_space<vmem>>
    %dma_start3A_24 = tpu.memref_squeeze %dma_start3A_23 : memref<1x64xi32, #tpu.memory_space<vmem>> -> memref<64xi32, #tpu.memory_space<vmem>>
    %dma_start3A_25 = arith.constant 0 : i32
    %dma_start3A_26 = arith.constant 0 : i32
    %dma_start3A_27 = tpu.memref_slice %arg3[%dma_start3A_25, %dma_start3A_26] : memref<20000x256xf32, #tpu.memory_space<hbm>> -> memref<20000x256xf32, #tpu.memory_space<hbm>>
    tpu.enqueue_indirect_dma source(%dma_start3A_27 : memref<20000x256xf32, #tpu.memory_space<hbm>>) target(%dma_start3A_21 : memref<64x256xf32, #tpu.memory_space<vmem>>) offsets(%dma_start3A_24 : memref<64xi32, #tpu.memory_space<vmem>>) semaphore(%arg13 : memref<!tpu.dma_semaphore, #tpu.memory_space<semaphore_mem>>)
    %scan3A = arith.constant 0 : i32
    %scan3A_28 = arith.constant 0 : i32
    %scan3A_29 = arith.constant 80 : i32
    %scan3A_30 = arith.addi %scan3A_28, %scan3A_29 : i32
    %scan3A_31 = arith.constant 1 : i32
    scf.for %scan3A_56 = %scan3A_28 to %scan3A_30 step %scan3A_31  : i32 {
      %mul3A_57 = arith.constant 64 : i32
      %mul3A_58 = arith.muli %scan3A_56, %mul3A_57 : i32
      %add3A_59 = arith.addi %mul3A_2, %mul3A_58 : i32
      %jit3A = arith.constant 2 : i32
      %eq3A = arith.constant 0 : i32
      %eq3A_60 = arith.cmpi eq, %jit3A, %eq3A : i32
      %jit3A_61 = arith.constant 1 : i32
      %select_n3A = arith.select %eq3A_60, %jit3A_61, %jit3A : i32
      %rem3A = arith.remsi %scan3A_56, %select_n3A : i32
      %ne3A = arith.constant 0 : i32
      %ne3A_62 = arith.cmpi ne, %rem3A, %ne3A : i32
      %lt3A = arith.constant 0 : i32
      %lt3A_63 = arith.cmpi slt, %rem3A, %lt3A : i32
      %lt3A_64 = arith.constant 0 : i32
      %lt3A_65 = arith.cmpi slt, %select_n3A, %lt3A_64 : i32
      %ne3A_66 = arith.xori %lt3A_63, %lt3A_65 : i1
      %and3A = arith.andi %ne3A_66, %ne3A_62 : i1
      %add3A_67 = arith.addi %rem3A, %select_n3A : i32
      %select_n3A_68 = arith.select %and3A, %add3A_67, %rem3A : i32
      %add3A_69 = arith.constant 1 : i32
      %add3A_70 = arith.addi %scan3A_56, %add3A_69 : i32
      %jit3A_71 = arith.constant 2 : i32
      %eq3A_72 = arith.constant 0 : i32
      %eq3A_73 = arith.cmpi eq, %jit3A_71, %eq3A_72 : i32
      %jit3A_74 = arith.constant 1 : i32
      %select_n3A_75 = arith.select %eq3A_73, %jit3A_74, %jit3A_71 : i32
      %rem3A_76 = arith.remsi %add3A_70, %select_n3A_75 : i32
      %ne3A_77 = arith.constant 0 : i32
      %ne3A_78 = arith.cmpi ne, %rem3A_76, %ne3A_77 : i32
      %lt3A_79 = arith.constant 0 : i32
      %lt3A_80 = arith.cmpi slt, %rem3A_76, %lt3A_79 : i32
      %lt3A_81 = arith.constant 0 : i32
      %lt3A_82 = arith.cmpi slt, %select_n3A_75, %lt3A_81 : i32
      %ne3A_83 = arith.xori %lt3A_80, %lt3A_82 : i1
      %and3A_84 = arith.andi %ne3A_83, %ne3A_78 : i1
      %add3A_85 = arith.addi %rem3A_76, %select_n3A_75 : i32
      %select_n3A_86 = arith.select %and3A_84, %add3A_85, %rem3A_76 : i32
      %add3A_87 = arith.constant 1 : i32
      %add3A_88 = arith.addi %scan3A_56, %add3A_87 : i32
      %min3A = arith.constant 79 : i32
      %min3A_89 = arith.minsi %add3A_88, %min3A : i32
      %dma_start3A_90 = arith.constant 0 : i32
      %dma_start3A_91 = arith.constant 0 : i32
      %dma_start3A_92 = tpu.memref_slice %arg10[%select_n3A_86, %dma_start3A_90, %dma_start3A_91] : memref<2x64x256xf32, #tpu.memory_space<vmem>> -> memref<1x64x256xf32, #tpu.memory_space<vmem>>
      %dma_start3A_93 = tpu.memref_squeeze %dma_start3A_92 : memref<1x64x256xf32, #tpu.memory_space<vmem>> -> memref<64x256xf32, #tpu.memory_space<vmem>>
      %dma_start3A_94 = arith.constant 0 : i32
      %dma_start3A_95 = tpu.memref_slice %arg8[%min3A_89, %dma_start3A_94] : memref<80x64xi32, #tpu.memory_space<vmem>> -> memref<1x64xi32, #tpu.memory_space<vmem>>
      %dma_start3A_96 = tpu.memref_squeeze %dma_start3A_95 : memref<1x64xi32, #tpu.memory_space<vmem>> -> memref<64xi32, #tpu.memory_space<vmem>>
      %dma_start3A_97 = arith.constant 0 : i32
      %dma_start3A_98 = arith.constant 0 : i32
      %dma_start3A_99 = tpu.memref_slice %arg2[%dma_start3A_97, %dma_start3A_98] : memref<10000x256xf32, #tpu.memory_space<hbm>> -> memref<10000x256xf32, #tpu.memory_space<hbm>>
      tpu.enqueue_indirect_dma source(%dma_start3A_99 : memref<10000x256xf32, #tpu.memory_space<hbm>>) target(%dma_start3A_93 : memref<64x256xf32, #tpu.memory_space<vmem>>) offsets(%dma_start3A_96 : memref<64xi32, #tpu.memory_space<vmem>>) semaphore(%arg12 : memref<!tpu.dma_semaphore, #tpu.memory_space<semaphore_mem>>)
      %dma_start3A_100 = arith.constant 0 : i32
      %dma_start3A_101 = arith.constant 0 : i32
      %dma_start3A_102 = tpu.memref_slice %arg11[%select_n3A_86, %dma_start3A_100, %dma_start3A_101] : memref<2x64x256xf32, #tpu.memory_space<vmem>> -> memref<1x64x256xf32, #tpu.memory_space<vmem>>
      %dma_start3A_103 = tpu.memref_squeeze %dma_start3A_102 : memref<1x64x256xf32, #tpu.memory_space<vmem>> -> memref<64x256xf32, #tpu.memory_space<vmem>>
      %dma_start3A_104 = arith.constant 0 : i32
      %dma_start3A_105 = tpu.memref_slice %arg9[%min3A_89, %dma_start3A_104] : memref<80x64xi32, #tpu.memory_space<vmem>> -> memref<1x64xi32, #tpu.memory_space<vmem>>
      %dma_start3A_106 = tpu.memref_squeeze %dma_start3A_105 : memref<1x64xi32, #tpu.memory_space<vmem>> -> memref<64xi32, #tpu.memory_space<vmem>>
      %dma_start3A_107 = arith.constant 0 : i32
      %dma_start3A_108 = arith.constant 0 : i32
      %dma_start3A_109 = tpu.memref_slice %arg3[%dma_start3A_107, %dma_start3A_108] : memref<20000x256xf32, #tpu.memory_space<hbm>> -> memref<20000x256xf32, #tpu.memory_space<hbm>>
      tpu.enqueue_indirect_dma source(%dma_start3A_109 : memref<20000x256xf32, #tpu.memory_space<hbm>>) target(%dma_start3A_103 : memref<64x256xf32, #tpu.memory_space<vmem>>) offsets(%dma_start3A_106 : memref<64xi32, #tpu.memory_space<vmem>>) semaphore(%arg13 : memref<!tpu.dma_semaphore, #tpu.memory_space<semaphore_mem>>)
      %dma_wait3A_110 = arith.constant 0 : i32
      %dma_wait3A_111 = arith.constant 0 : i32
      %dma_wait3A_112 = tpu.memref_slice %arg10[%select_n3A_68, %dma_wait3A_110, %dma_wait3A_111] : memref<2x64x256xf32, #tpu.memory_space<vmem>> -> memref<1x64x256xf32, #tpu.memory_space<vmem>>
      %dma_wait3A_113 = tpu.memref_squeeze %dma_wait3A_112 : memref<1x64x256xf32, #tpu.memory_space<vmem>> -> memref<64x256xf32, #tpu.memory_space<vmem>>
      %dma_wait3A_114 = arith.constant 0 : i32
      %dma_wait3A_115 = tpu.memref_slice %arg8[%scan3A_56, %dma_wait3A_114] : memref<80x64xi32, #tpu.memory_space<vmem>> -> memref<1x64xi32, #tpu.memory_space<vmem>>
      %dma_wait3A_116 = tpu.memref_squeeze %dma_wait3A_115 : memref<1x64xi32, #tpu.memory_space<vmem>> -> memref<64xi32, #tpu.memory_space<vmem>>
      %dma_wait3A_117 = arith.constant 0 : i32
      %dma_wait3A_118 = arith.constant 0 : i32
      %dma_wait3A_119 = tpu.memref_slice %arg2[%dma_wait3A_117, %dma_wait3A_118] : memref<10000x256xf32, #tpu.memory_space<hbm>> -> memref<10000x256xf32, #tpu.memory_space<hbm>>
      tpu.wait_indirect_dma semaphore(%arg12 : memref<!tpu.dma_semaphore, #tpu.memory_space<semaphore_mem>>) src(%dma_wait3A_119 : memref<10000x256xf32, #tpu.memory_space<hbm>>) dst(%dma_wait3A_113 : memref<64x256xf32, #tpu.memory_space<vmem>>)
      "tpu.region"() ({
        %run_scoped3A = tpu.sem_alloc : memref<!tpu.dma_semaphore, #tpu.memory_space<semaphore_mem>>
        %dma_start3A_130 = arith.constant 0 : i32
        %dma_start3A_131 = arith.constant 0 : i32
        %dma_start3A_132 = tpu.memref_slice %arg10[%select_n3A_68, %dma_start3A_130, %dma_start3A_131] : memref<2x64x256xf32, #tpu.memory_space<vmem>> -> memref<1x64x256xf32, #tpu.memory_space<vmem>>
        %dma_start3A_133 = tpu.memref_squeeze %dma_start3A_132 : memref<1x64x256xf32, #tpu.memory_space<vmem>> -> memref<64x256xf32, #tpu.memory_space<vmem>>
        %dma_start3A_134 = arith.constant 0 : i32
        %dma_start3A_135 = tpu.memref_slice %arg6[%add3A_59, %dma_start3A_134] : memref<163840x256xf32, #tpu.memory_space<hbm>> -> memref<64x256xf32, #tpu.memory_space<hbm>>
        %dma_start3A_136 = arith.constant 0 : i32
        %dma_start3A_137 = tpu.memref_slice %arg6[%add3A_59, %dma_start3A_136] : memref<163840x256xf32, #tpu.memory_space<hbm>> -> memref<64x256xf32, #tpu.memory_space<hbm>>
        %dma_start3A_138 = arith.constant 0 : i32
        %dma_start3A_139 = arith.constant 0 : i32
        %dma_start3A_140 = tpu.memref_slice %arg10[%select_n3A_68, %dma_start3A_138, %dma_start3A_139] : memref<2x64x256xf32, #tpu.memory_space<vmem>> -> memref<1x64x256xf32, #tpu.memory_space<vmem>>
        %dma_start3A_141 = tpu.memref_squeeze %dma_start3A_140 : memref<1x64x256xf32, #tpu.memory_space<vmem>> -> memref<64x256xf32, #tpu.memory_space<vmem>>
        tpu.enqueue_dma source(%dma_start3A_141 : memref<64x256xf32, #tpu.memory_space<vmem>>) target(%dma_start3A_137 : memref<64x256xf32, #tpu.memory_space<hbm>>) target_semaphore(%run_scoped3A : memref<!tpu.dma_semaphore, #tpu.memory_space<semaphore_mem>>)
        %dma_wait3A_142 = arith.constant 0 : i32
        %dma_wait3A_143 = arith.constant 0 : i32
        %dma_wait3A_144 = tpu.memref_slice %arg10[%select_n3A_68, %dma_wait3A_142, %dma_wait3A_143] : memref<2x64x256xf32, #tpu.memory_space<vmem>> -> memref<1x64x256xf32, #tpu.memory_space<vmem>>
        %dma_wait3A_145 = tpu.memref_squeeze %dma_wait3A_144 : memref<1x64x256xf32, #tpu.memory_space<vmem>> -> memref<64x256xf32, #tpu.memory_space<vmem>>
        %dma_wait3A_146 = arith.constant 0 : i32
        %dma_wait3A_147 = tpu.memref_slice %arg6[%add3A_59, %dma_wait3A_146] : memref<163840x256xf32, #tpu.memory_space<hbm>> -> memref<64x256xf32, #tpu.memory_space<hbm>>
        %dma_wait3A_148 = arith.constant 0 : i32
        %dma_wait3A_149 = tpu.memref_slice %arg6[%add3A_59, %dma_wait3A_148] : memref<163840x256xf32, #tpu.memory_space<hbm>> -> memref<64x256xf32, #tpu.memory_space<hbm>>
        %dma_wait3A_150 = arith.constant 0 : i32
        %dma_wait3A_151 = arith.constant 0 : i32
        %dma_wait3A_152 = tpu.memref_slice %arg10[%select_n3A_68, %dma_wait3A_150, %dma_wait3A_151] : memref<2x64x256xf32, #tpu.memory_space<vmem>> -> memref<1x64x256xf32, #tpu.memory_space<vmem>>
        %dma_wait3A_153 = tpu.memref_squeeze %dma_wait3A_152 : memref<1x64x256xf32, #tpu.memory_space<vmem>> -> memref<64x256xf32, #tpu.memory_space<vmem>>
        tpu.wait_dma2 semaphore(%run_scoped3A : memref<!tpu.dma_semaphore, #tpu.memory_space<semaphore_mem>>) src(%dma_wait3A_153 : memref<64x256xf32, #tpu.memory_space<vmem>>) dst(%dma_wait3A_149 : memref<64x256xf32, #tpu.memory_space<hbm>>)
        tpu.yield
      }) : () -> ()
      %dma_wait3A_120 = arith.constant 0 : i32
      %dma_wait3A_121 = arith.constant 0 : i32
      %dma_wait3A_122 = tpu.memref_slice %arg11[%select_n3A_68, %dma_wait3A_120, %dma_wait3A_121] : memref<2x64x256xf32, #tpu.memory_space<vmem>> -> memref<1x64x256xf32, #tpu.memory_space<vmem>>
      %dma_wait3A_123 = tpu.memref_squeeze %dma_wait3A_122 : memref<1x64x256xf32, #tpu.memory_space<vmem>> -> memref<64x256xf32, #tpu.memory_space<vmem>>
      %dma_wait3A_124 = arith.constant 0 : i32
      %dma_wait3A_125 = tpu.memref_slice %arg9[%scan3A_56, %dma_wait3A_124] : memref<80x64xi32, #tpu.memory_space<vmem>> -> memref<1x64xi32, #tpu.memory_space<vmem>>
      %dma_wait3A_126 = tpu.memref_squeeze %dma_wait3A_125 : memref<1x64xi32, #tpu.memory_space<vmem>> -> memref<64xi32, #tpu.memory_space<vmem>>
      %dma_wait3A_127 = arith.constant 0 : i32
      %dma_wait3A_128 = arith.constant 0 : i32
      %dma_wait3A_129 = tpu.memref_slice %arg3[%dma_wait3A_127, %dma_wait3A_128] : memref<20000x256xf32, #tpu.memory_space<hbm>> -> memref<20000x256xf32, #tpu.memory_space<hbm>>
      tpu.wait_indirect_dma semaphore(%arg13 : memref<!tpu.dma_semaphore, #tpu.memory_space<semaphore_mem>>) src(%dma_wait3A_129 : memref<20000x256xf32, #tpu.memory_space<hbm>>) dst(%dma_wait3A_123 : memref<64x256xf32, #tpu.memory_space<vmem>>)
      "tpu.region"() ({
        %run_scoped3A = tpu.sem_alloc : memref<!tpu.dma_semaphore, #tpu.memory_space<semaphore_mem>>
        %dma_start3A_130 = arith.constant 0 : i32
        %dma_start3A_131 = arith.constant 0 : i32
        %dma_start3A_132 = tpu.memref_slice %arg11[%select_n3A_68, %dma_start3A_130, %dma_start3A_131] : memref<2x64x256xf32, #tpu.memory_space<vmem>> -> memref<1x64x256xf32, #tpu.memory_space<vmem>>
        %dma_start3A_133 = tpu.memref_squeeze %dma_start3A_132 : memref<1x64x256xf32, #tpu.memory_space<vmem>> -> memref<64x256xf32, #tpu.memory_space<vmem>>
        %dma_start3A_134 = arith.constant 0 : i32
        %dma_start3A_135 = tpu.memref_slice %arg7[%add3A_59, %dma_start3A_134] : memref<163840x256xf32, #tpu.memory_space<hbm>> -> memref<64x256xf32, #tpu.memory_space<hbm>>
        %dma_start3A_136 = arith.constant 0 : i32
        %dma_start3A_137 = tpu.memref_slice %arg7[%add3A_59, %dma_start3A_136] : memref<163840x256xf32, #tpu.memory_space<hbm>> -> memref<64x256xf32, #tpu.memory_space<hbm>>
        %dma_start3A_138 = arith.constant 0 : i32
        %dma_start3A_139 = arith.constant 0 : i32
        %dma_start3A_140 = tpu.memref_slice %arg11[%select_n3A_68, %dma_start3A_138, %dma_start3A_139] : memref<2x64x256xf32, #tpu.memory_space<vmem>> -> memref<1x64x256xf32, #tpu.memory_space<vmem>>
        %dma_start3A_141 = tpu.memref_squeeze %dma_start3A_140 : memref<1x64x256xf32, #tpu.memory_space<vmem>> -> memref<64x256xf32, #tpu.memory_space<vmem>>
        tpu.enqueue_dma source(%dma_start3A_141 : memref<64x256xf32, #tpu.memory_space<vmem>>) target(%dma_start3A_137 : memref<64x256xf32, #tpu.memory_space<hbm>>) target_semaphore(%run_scoped3A : memref<!tpu.dma_semaphore, #tpu.memory_space<semaphore_mem>>)
        %dma_wait3A_142 = arith.constant 0 : i32
        %dma_wait3A_143 = arith.constant 0 : i32
        %dma_wait3A_144 = tpu.memref_slice %arg11[%select_n3A_68, %dma_wait3A_142, %dma_wait3A_143] : memref<2x64x256xf32, #tpu.memory_space<vmem>> -> memref<1x64x256xf32, #tpu.memory_space<vmem>>
        %dma_wait3A_145 = tpu.memref_squeeze %dma_wait3A_144 : memref<1x64x256xf32, #tpu.memory_space<vmem>> -> memref<64x256xf32, #tpu.memory_space<vmem>>
        %dma_wait3A_146 = arith.constant 0 : i32
        %dma_wait3A_147 = tpu.memref_slice %arg7[%add3A_59, %dma_wait3A_146] : memref<163840x256xf32, #tpu.memory_space<hbm>> -> memref<64x256xf32, #tpu.memory_space<hbm>>
        %dma_wait3A_148 = arith.constant 0 : i32
        %dma_wait3A_149 = tpu.memref_slice %arg7[%add3A_59, %dma_wait3A_148] : memref<163840x256xf32, #tpu.memory_space<hbm>> -> memref<64x256xf32, #tpu.memory_space<hbm>>
        %dma_wait3A_150 = arith.constant 0 : i32
        %dma_wait3A_151 = arith.constant 0 : i32
        %dma_wait3A_152 = tpu.memref_slice %arg11[%select_n3A_68, %dma_wait3A_150, %dma_wait3A_151] : memref<2x64x256xf32, #tpu.memory_space<vmem>> -> memref<1x64x256xf32, #tpu.memory_space<vmem>>
        %dma_wait3A_153 = tpu.memref_squeeze %dma_wait3A_152 : memref<1x64x256xf32, #tpu.memory_space<vmem>> -> memref<64x256xf32, #tpu.memory_space<vmem>>
        tpu.wait_dma2 semaphore(%run_scoped3A : memref<!tpu.dma_semaphore, #tpu.memory_space<semaphore_mem>>) src(%dma_wait3A_153 : memref<64x256xf32, #tpu.memory_space<vmem>>) dst(%dma_wait3A_149 : memref<64x256xf32, #tpu.memory_space<hbm>>)
        tpu.yield
      }) : () -> ()
    }
    %scan3A_32 = arith.constant 80 : i32
    %dma_wait3A = arith.constant 0 : i32
    %dma_wait3A_33 = arith.constant 0 : i32
    %dma_wait3A_34 = arith.constant 0 : i32
    %dma_wait3A_35 = arith.constant 0 : i32
    %dma_wait3A_36 = tpu.memref_slice %arg10[%dma_wait3A_33, %dma_wait3A_34, %dma_wait3A_35] : memref<2x64x256xf32, #tpu.memory_space<vmem>> -> memref<1x64x256xf32, #tpu.memory_space<vmem>>
    %dma_wait3A_37 = tpu.memref_squeeze %dma_wait3A_36 : memref<1x64x256xf32, #tpu.memory_space<vmem>> -> memref<64x256xf32, #tpu.memory_space<vmem>>
    %dma_wait3A_38 = arith.constant 0 : i32
    %dma_wait3A_39 = tpu.memref_slice %arg8[%dma_wait3A, %dma_wait3A_38] : memref<80x64xi32, #tpu.memory_space<vmem>> -> memref<1x64xi32, #tpu.memory_space<vmem>>
    %dma_wait3A_40 = tpu.memref_squeeze %dma_wait3A_39 : memref<1x64xi32, #tpu.memory_space<vmem>> -> memref<64xi32, #tpu.memory_space<vmem>>
    %dma_wait3A_41 = arith.constant 0 : i32
    %dma_wait3A_42 = arith.constant 0 : i32
    %dma_wait3A_43 = tpu.memref_slice %arg2[%dma_wait3A_41, %dma_wait3A_42] : memref<10000x256xf32, #tpu.memory_space<hbm>> -> memref<10000x256xf32, #tpu.memory_space<hbm>>
    tpu.wait_indirect_dma semaphore(%arg12 : memref<!tpu.dma_semaphore, #tpu.memory_space<semaphore_mem>>) src(%dma_wait3A_43 : memref<10000x256xf32, #tpu.memory_space<hbm>>) dst(%dma_wait3A_37 : memref<64x256xf32, #tpu.memory_space<vmem>>)
    %dma_wait3A_44 = arith.constant 0 : i32
    %dma_wait3A_45 = arith.constant 0 : i32
    %dma_wait3A_46 = arith.constant 0 : i32
    %dma_wait3A_47 = arith.constant 0 : i32
    %dma_wait3A_48 = tpu.memref_slice %arg11[%dma_wait3A_45, %dma_wait3A_46, %dma_wait3A_47] : memref<2x64x256xf32, #tpu.memory_space<vmem>> -> memref<1x64x256xf32, #tpu.memory_space<vmem>>
    %dma_wait3A_49 = tpu.memref_squeeze %dma_wait3A_48 : memref<1x64x256xf32, #tpu.memory_space<vmem>> -> memref<64x256xf32, #tpu.memory_space<vmem>>
    %dma_wait3A_50 = arith.constant 0 : i32
    %dma_wait3A_51 = tpu.memref_slice %arg9[%dma_wait3A_44, %dma_wait3A_50] : memref<80x64xi32, #tpu.memory_space<vmem>> -> memref<1x64xi32, #tpu.memory_space<vmem>>
    %dma_wait3A_52 = tpu.memref_squeeze %dma_wait3A_51 : memref<1x64xi32, #tpu.memory_space<vmem>> -> memref<64xi32, #tpu.memory_space<vmem>>
    %dma_wait3A_53 = arith.constant 0 : i32
    %dma_wait3A_54 = arith.constant 0 : i32
    %dma_wait3A_55 = tpu.memref_slice %arg3[%dma_wait3A_53, %dma_wait3A_54] : memref<20000x256xf32, #tpu.memory_space<hbm>> -> memref<20000x256xf32, #tpu.memory_space<hbm>>
    tpu.wait_indirect_dma semaphore(%arg13 : memref<!tpu.dma_semaphore, #tpu.memory_space<semaphore_mem>>) src(%dma_wait3A_55 : memref<20000x256xf32, #tpu.memory_space<hbm>>) dst(%dma_wait3A_49 : memref<64x256xf32, #tpu.memory_space<vmem>>)
    return
  }
}

#map = affine_map<(d0, d1) -> (0, 0)>
#map1 = affine_map<(d0, d1) -> (0, 0, 0)>
module attributes {stable_mosaic.version = 14 : i64} {
  func.func @_sc_scatter_body(%arg0: i32, %arg1: i32, %arg2: memref<163840x128xf32, #tpu.memory_space<hbm>>, %arg3: memref<163840x128xf32, #tpu.memory_space<hbm>>, %arg4: memref<1280x128xi32, #tpu.memory_space<hbm>>, %arg5: memref<10112x128xf32, #tpu.memory_space<hbm>>, %arg6: memref<2x10112x128xf32, #tpu.memory_space<hbm>>, %arg7: memref<2x10112x128xf32, #tpu.memory_space<hbm>>, %arg8: memref<40x128xi32, #tpu.memory_space<vmem>>, %arg9: memref<2x128x128xf32, #tpu.memory_space<vmem>>, %arg10: memref<10112x128xf32, #tpu.memory_space<vmem_shared>>, %arg11: memref<!tpu.dma_semaphore, #tpu.memory_space<semaphore_mem>>) attributes {dimension_semantics = [#tpu.dimension_semantics<core_parallel>, #tpu.dimension_semantics<subcore_parallel>], iteration_bounds = array<i64: 2, 16>, scalar_prefetch = 0 : i64, scratch_operands = 4 : i64, tpu.core_type = #tpu.core_type<sc_vector_subcore>, window_params = [{transform_indices = #map}, {transform_indices = #map}, {transform_indices = #map}, {transform_indices = #map}, {transform_indices = #map1}, {transform_indices = #map1}]} {
    %mul3A = arith.constant 16 : i32
    %mul3A_0 = arith.muli %arg0, %mul3A : i32
    %add3A = arith.addi %mul3A_0, %arg1 : i32
    %mul3A_1 = arith.constant 5120 : i32
    %mul3A_2 = arith.muli %add3A, %mul3A_1 : i32
    %mul3A_3 = arith.constant 632 : i32
    %mul3A_4 = arith.muli %arg1, %mul3A_3 : i32
    %mul3A_5 = arith.constant 40 : i32
    %mul3A_6 = arith.muli %add3A, %mul3A_5 : i32
    "tpu.region"() ({
      %run_scoped3A = tpu.sem_alloc : memref<!tpu.dma_semaphore, #tpu.memory_space<semaphore_mem>>
      %dma_start3A_73 = arith.constant 0 : i32
      %dma_start3A_74 = tpu.memref_slice %arg4[%mul3A_6, %dma_start3A_73] : memref<1280x128xi32, #tpu.memory_space<hbm>> -> memref<40x128xi32, #tpu.memory_space<hbm>>
      %dma_start3A_75 = arith.constant 0 : i32
      %dma_start3A_76 = tpu.memref_slice %arg4[%mul3A_6, %dma_start3A_75] : memref<1280x128xi32, #tpu.memory_space<hbm>> -> memref<40x128xi32, #tpu.memory_space<hbm>>
      tpu.enqueue_dma source(%dma_start3A_76 : memref<40x128xi32, #tpu.memory_space<hbm>>) target(%arg8 : memref<40x128xi32, #tpu.memory_space<vmem>>) target_semaphore(%run_scoped3A : memref<!tpu.dma_semaphore, #tpu.memory_space<semaphore_mem>>)
      %dma_wait3A_77 = arith.constant 0 : i32
      %dma_wait3A_78 = tpu.memref_slice %arg4[%mul3A_6, %dma_wait3A_77] : memref<1280x128xi32, #tpu.memory_space<hbm>> -> memref<40x128xi32, #tpu.memory_space<hbm>>
      %dma_wait3A_79 = arith.constant 0 : i32
      %dma_wait3A_80 = tpu.memref_slice %arg4[%mul3A_6, %dma_wait3A_79] : memref<1280x128xi32, #tpu.memory_space<hbm>> -> memref<40x128xi32, #tpu.memory_space<hbm>>
      tpu.wait_dma2 semaphore(%run_scoped3A : memref<!tpu.dma_semaphore, #tpu.memory_space<semaphore_mem>>) src(%dma_wait3A_80 : memref<40x128xi32, #tpu.memory_space<hbm>>) dst(%arg8 : memref<40x128xi32, #tpu.memory_space<vmem>>)
      tpu.yield
    }) : () -> ()
    "tpu.region"() ({
      %run_scoped3A = tpu.sem_alloc : memref<!tpu.dma_semaphore, #tpu.memory_space<semaphore_mem>>
      %dma_start3A_73 = arith.constant 0 : i32
      %dma_start3A_74 = tpu.memref_slice %arg10[%mul3A_4, %dma_start3A_73] : memref<10112x128xf32, #tpu.memory_space<vmem_shared>> -> memref<632x128xf32, #tpu.memory_space<vmem_shared>>
      %dma_start3A_75 = arith.constant 0 : i32
      %dma_start3A_76 = tpu.memref_slice %arg5[%mul3A_4, %dma_start3A_75] : memref<10112x128xf32, #tpu.memory_space<hbm>> -> memref<632x128xf32, #tpu.memory_space<hbm>>
      tpu.enqueue_dma source(%dma_start3A_76 : memref<632x128xf32, #tpu.memory_space<hbm>>) target(%dma_start3A_74 : memref<632x128xf32, #tpu.memory_space<vmem_shared>>) target_semaphore(%run_scoped3A : memref<!tpu.dma_semaphore, #tpu.memory_space<semaphore_mem>>)
      %dma_wait3A_77 = arith.constant 0 : i32
      %dma_wait3A_78 = tpu.memref_slice %arg10[%mul3A_4, %dma_wait3A_77] : memref<10112x128xf32, #tpu.memory_space<vmem_shared>> -> memref<632x128xf32, #tpu.memory_space<vmem_shared>>
      %dma_wait3A_79 = arith.constant 0 : i32
      %dma_wait3A_80 = tpu.memref_slice %arg5[%mul3A_4, %dma_wait3A_79] : memref<10112x128xf32, #tpu.memory_space<hbm>> -> memref<632x128xf32, #tpu.memory_space<hbm>>
      tpu.wait_dma2 semaphore(%run_scoped3A : memref<!tpu.dma_semaphore, #tpu.memory_space<semaphore_mem>>) src(%dma_wait3A_80 : memref<632x128xf32, #tpu.memory_space<hbm>>) dst(%dma_wait3A_78 : memref<632x128xf32, #tpu.memory_space<vmem_shared>>)
      tpu.yield
    }) : () -> ()
    %barrier3A = arith.constant 0 : index
    tpu.barrier barrier_id(%barrier3A)
    %dma_start3A = arith.constant 0 : i32
    %dma_start3A_7 = arith.constant 0 : i32
    %dma_start3A_8 = arith.constant 0 : i32
    %dma_start3A_9 = tpu.memref_slice %arg9[%dma_start3A, %dma_start3A_7, %dma_start3A_8] : memref<2x128x128xf32, #tpu.memory_space<vmem>> -> memref<1x128x128xf32, #tpu.memory_space<vmem>>
    %dma_start3A_10 = tpu.memref_squeeze %dma_start3A_9 : memref<1x128x128xf32, #tpu.memory_space<vmem>> -> memref<128x128xf32, #tpu.memory_space<vmem>>
    %dma_start3A_11 = arith.constant 0 : i32
    %dma_start3A_12 = tpu.memref_slice %arg2[%mul3A_2, %dma_start3A_11] : memref<163840x128xf32, #tpu.memory_space<hbm>> -> memref<128x128xf32, #tpu.memory_space<hbm>>
    %dma_start3A_13 = arith.constant 0 : i32
    %dma_start3A_14 = arith.constant 0 : i32
    %dma_start3A_15 = tpu.memref_slice %arg9[%dma_start3A, %dma_start3A_13, %dma_start3A_14] : memref<2x128x128xf32, #tpu.memory_space<vmem>> -> memref<1x128x128xf32, #tpu.memory_space<vmem>>
    %dma_start3A_16 = tpu.memref_squeeze %dma_start3A_15 : memref<1x128x128xf32, #tpu.memory_space<vmem>> -> memref<128x128xf32, #tpu.memory_space<vmem>>
    %dma_start3A_17 = arith.constant 0 : i32
    %dma_start3A_18 = tpu.memref_slice %arg2[%mul3A_2, %dma_start3A_17] : memref<163840x128xf32, #tpu.memory_space<hbm>> -> memref<128x128xf32, #tpu.memory_space<hbm>>
    tpu.enqueue_dma source(%dma_start3A_18 : memref<128x128xf32, #tpu.memory_space<hbm>>) target(%dma_start3A_16 : memref<128x128xf32, #tpu.memory_space<vmem>>) target_semaphore(%arg11 : memref<!tpu.dma_semaphore, #tpu.memory_space<semaphore_mem>>)
    %scan3A = arith.constant 0 : i32
    %scan3A_19 = arith.constant 0 : i32
    %scan3A_20 = arith.constant 40 : i32
    %scan3A_21 = arith.addi %scan3A_19, %scan3A_20 : i32
    %scan3A_22 = arith.constant 1 : i32
    scf.for %scan3A_73 = %scan3A_19 to %scan3A_21 step %scan3A_22  : i32 {
      %jit3A = arith.constant 2 : i32
      %eq3A = arith.constant 0 : i32
      %eq3A_74 = arith.cmpi eq, %jit3A, %eq3A : i32
      %jit3A_75 = arith.constant 1 : i32
      %select_n3A = arith.select %eq3A_74, %jit3A_75, %jit3A : i32
      %rem3A = arith.remsi %scan3A_73, %select_n3A : i32
      %ne3A = arith.constant 0 : i32
      %ne3A_76 = arith.cmpi ne, %rem3A, %ne3A : i32
      %lt3A = arith.constant 0 : i32
      %lt3A_77 = arith.cmpi slt, %rem3A, %lt3A : i32
      %lt3A_78 = arith.constant 0 : i32
      %lt3A_79 = arith.cmpi slt, %select_n3A, %lt3A_78 : i32
      %ne3A_80 = arith.xori %lt3A_77, %lt3A_79 : i1
      %and3A = arith.andi %ne3A_80, %ne3A_76 : i1
      %add3A_81 = arith.addi %rem3A, %select_n3A : i32
      %select_n3A_82 = arith.select %and3A, %add3A_81, %rem3A : i32
      %add3A_83 = arith.constant 1 : i32
      %add3A_84 = arith.addi %scan3A_73, %add3A_83 : i32
      %jit3A_85 = arith.constant 2 : i32
      %eq3A_86 = arith.constant 0 : i32
      %eq3A_87 = arith.cmpi eq, %jit3A_85, %eq3A_86 : i32
      %jit3A_88 = arith.constant 1 : i32
      %select_n3A_89 = arith.select %eq3A_87, %jit3A_88, %jit3A_85 : i32
      %rem3A_90 = arith.remsi %add3A_84, %select_n3A_89 : i32
      %ne3A_91 = arith.constant 0 : i32
      %ne3A_92 = arith.cmpi ne, %rem3A_90, %ne3A_91 : i32
      %lt3A_93 = arith.constant 0 : i32
      %lt3A_94 = arith.cmpi slt, %rem3A_90, %lt3A_93 : i32
      %lt3A_95 = arith.constant 0 : i32
      %lt3A_96 = arith.cmpi slt, %select_n3A_89, %lt3A_95 : i32
      %ne3A_97 = arith.xori %lt3A_94, %lt3A_96 : i1
      %and3A_98 = arith.andi %ne3A_97, %ne3A_92 : i1
      %add3A_99 = arith.addi %rem3A_90, %select_n3A_89 : i32
      %select_n3A_100 = arith.select %and3A_98, %add3A_99, %rem3A_90 : i32
      %add3A_101 = arith.constant 1 : i32
      %add3A_102 = arith.addi %scan3A_73, %add3A_101 : i32
      %min3A = arith.constant 39 : i32
      %min3A_103 = arith.minsi %add3A_102, %min3A : i32
      %mul3A_104 = arith.constant 128 : i32
      %mul3A_105 = arith.muli %min3A_103, %mul3A_104 : i32
      %add3A_106 = arith.addi %mul3A_2, %mul3A_105 : i32
      %dma_start3A_107 = arith.constant 0 : i32
      %dma_start3A_108 = arith.constant 0 : i32
      %dma_start3A_109 = tpu.memref_slice %arg9[%select_n3A_100, %dma_start3A_107, %dma_start3A_108] : memref<2x128x128xf32, #tpu.memory_space<vmem>> -> memref<1x128x128xf32, #tpu.memory_space<vmem>>
      %dma_start3A_110 = tpu.memref_squeeze %dma_start3A_109 : memref<1x128x128xf32, #tpu.memory_space<vmem>> -> memref<128x128xf32, #tpu.memory_space<vmem>>
      %dma_start3A_111 = arith.constant 0 : i32
      %dma_start3A_112 = tpu.memref_slice %arg2[%add3A_106, %dma_start3A_111] : memref<163840x128xf32, #tpu.memory_space<hbm>> -> memref<128x128xf32, #tpu.memory_space<hbm>>
      %dma_start3A_113 = arith.constant 0 : i32
      %dma_start3A_114 = arith.constant 0 : i32
      %dma_start3A_115 = tpu.memref_slice %arg9[%select_n3A_100, %dma_start3A_113, %dma_start3A_114] : memref<2x128x128xf32, #tpu.memory_space<vmem>> -> memref<1x128x128xf32, #tpu.memory_space<vmem>>
      %dma_start3A_116 = tpu.memref_squeeze %dma_start3A_115 : memref<1x128x128xf32, #tpu.memory_space<vmem>> -> memref<128x128xf32, #tpu.memory_space<vmem>>
      %dma_start3A_117 = arith.constant 0 : i32
      %dma_start3A_118 = tpu.memref_slice %arg2[%add3A_106, %dma_start3A_117] : memref<163840x128xf32, #tpu.memory_space<hbm>> -> memref<128x128xf32, #tpu.memory_space<hbm>>
      tpu.enqueue_dma source(%dma_start3A_118 : memref<128x128xf32, #tpu.memory_space<hbm>>) target(%dma_start3A_116 : memref<128x128xf32, #tpu.memory_space<vmem>>) target_semaphore(%arg11 : memref<!tpu.dma_semaphore, #tpu.memory_space<semaphore_mem>>)
      %mul3A_119 = arith.constant 128 : i32
      %mul3A_120 = arith.muli %scan3A_73, %mul3A_119 : i32
      %add3A_121 = arith.addi %mul3A_2, %mul3A_120 : i32
      %dma_wait3A_122 = arith.constant 0 : i32
      %dma_wait3A_123 = arith.constant 0 : i32
      %dma_wait3A_124 = tpu.memref_slice %arg9[%select_n3A_82, %dma_wait3A_122, %dma_wait3A_123] : memref<2x128x128xf32, #tpu.memory_space<vmem>> -> memref<1x128x128xf32, #tpu.memory_space<vmem>>
      %dma_wait3A_125 = tpu.memref_squeeze %dma_wait3A_124 : memref<1x128x128xf32, #tpu.memory_space<vmem>> -> memref<128x128xf32, #tpu.memory_space<vmem>>
      %dma_wait3A_126 = arith.constant 0 : i32
      %dma_wait3A_127 = tpu.memref_slice %arg2[%add3A_121, %dma_wait3A_126] : memref<163840x128xf32, #tpu.memory_space<hbm>> -> memref<128x128xf32, #tpu.memory_space<hbm>>
      %dma_wait3A_128 = arith.constant 0 : i32
      %dma_wait3A_129 = arith.constant 0 : i32
      %dma_wait3A_130 = tpu.memref_slice %arg9[%select_n3A_82, %dma_wait3A_128, %dma_wait3A_129] : memref<2x128x128xf32, #tpu.memory_space<vmem>> -> memref<1x128x128xf32, #tpu.memory_space<vmem>>
      %dma_wait3A_131 = tpu.memref_squeeze %dma_wait3A_130 : memref<1x128x128xf32, #tpu.memory_space<vmem>> -> memref<128x128xf32, #tpu.memory_space<vmem>>
      %dma_wait3A_132 = arith.constant 0 : i32
      %dma_wait3A_133 = tpu.memref_slice %arg2[%add3A_121, %dma_wait3A_132] : memref<163840x128xf32, #tpu.memory_space<hbm>> -> memref<128x128xf32, #tpu.memory_space<hbm>>
      tpu.wait_dma2 semaphore(%arg11 : memref<!tpu.dma_semaphore, #tpu.memory_space<semaphore_mem>>) src(%dma_wait3A_133 : memref<128x128xf32, #tpu.memory_space<hbm>>) dst(%dma_wait3A_131 : memref<128x128xf32, #tpu.memory_space<vmem>>)
      "tpu.region"() ({
        %run_scoped3A = tpu.sem_alloc : memref<!tpu.dma_semaphore, #tpu.memory_space<semaphore_mem>>
        %dma_start3A_134 = arith.constant 0 : i32
        %dma_start3A_135 = arith.constant 0 : i32
        %dma_start3A_136 = tpu.memref_slice %arg9[%select_n3A_82, %dma_start3A_134, %dma_start3A_135] : memref<2x128x128xf32, #tpu.memory_space<vmem>> -> memref<1x128x128xf32, #tpu.memory_space<vmem>>
        %dma_start3A_137 = tpu.memref_squeeze %dma_start3A_136 : memref<1x128x128xf32, #tpu.memory_space<vmem>> -> memref<128x128xf32, #tpu.memory_space<vmem>>
        %dma_start3A_138 = arith.constant 0 : i32
        %dma_start3A_139 = tpu.memref_slice %arg8[%scan3A_73, %dma_start3A_138] : memref<40x128xi32, #tpu.memory_space<vmem>> -> memref<1x128xi32, #tpu.memory_space<vmem>>
        %dma_start3A_140 = tpu.memref_squeeze %dma_start3A_139 : memref<1x128xi32, #tpu.memory_space<vmem>> -> memref<128xi32, #tpu.memory_space<vmem>>
        %dma_start3A_141 = arith.constant 0 : i32
        %dma_start3A_142 = arith.constant 0 : i32
        %dma_start3A_143 = tpu.memref_slice %arg10[%dma_start3A_141, %dma_start3A_142] : memref<10112x128xf32, #tpu.memory_space<vmem_shared>> -> memref<10112x128xf32, #tpu.memory_space<vmem_shared>>
        tpu.enqueue_indirect_dma source(%dma_start3A_137 : memref<128x128xf32, #tpu.memory_space<vmem>>) target(%dma_start3A_143 : memref<10112x128xf32, #tpu.memory_space<vmem_shared>>) offsets(%dma_start3A_140 : memref<128xi32, #tpu.memory_space<vmem>>) semaphore(%run_scoped3A : memref<!tpu.dma_semaphore, #tpu.memory_space<semaphore_mem>>) {add = true}
        %dma_wait3A_144 = arith.constant 0 : i32
        %dma_wait3A_145 = arith.constant 0 : i32
        %dma_wait3A_146 = tpu.memref_slice %arg9[%select_n3A_82, %dma_wait3A_144, %dma_wait3A_145] : memref<2x128x128xf32, #tpu.memory_space<vmem>> -> memref<1x128x128xf32, #tpu.memory_space<vmem>>
        %dma_wait3A_147 = tpu.memref_squeeze %dma_wait3A_146 : memref<1x128x128xf32, #tpu.memory_space<vmem>> -> memref<128x128xf32, #tpu.memory_space<vmem>>
        %dma_wait3A_148 = arith.constant 0 : i32
        %dma_wait3A_149 = tpu.memref_slice %arg8[%scan3A_73, %dma_wait3A_148] : memref<40x128xi32, #tpu.memory_space<vmem>> -> memref<1x128xi32, #tpu.memory_space<vmem>>
        %dma_wait3A_150 = tpu.memref_squeeze %dma_wait3A_149 : memref<1x128xi32, #tpu.memory_space<vmem>> -> memref<128xi32, #tpu.memory_space<vmem>>
        %dma_wait3A_151 = arith.constant 0 : i32
        %dma_wait3A_152 = arith.constant 0 : i32
        %dma_wait3A_153 = tpu.memref_slice %arg10[%dma_wait3A_151, %dma_wait3A_152] : memref<10112x128xf32, #tpu.memory_space<vmem_shared>> -> memref<10112x128xf32, #tpu.memory_space<vmem_shared>>
        tpu.wait_indirect_dma semaphore(%run_scoped3A : memref<!tpu.dma_semaphore, #tpu.memory_space<semaphore_mem>>) src(%dma_wait3A_147 : memref<128x128xf32, #tpu.memory_space<vmem>>) dst(%dma_wait3A_153 : memref<10112x128xf32, #tpu.memory_space<vmem_shared>>)
        tpu.yield
      }) : () -> ()
    }
    %scan3A_23 = arith.constant 40 : i32
    %dma_wait3A = arith.constant 0 : i32
    %dma_wait3A_24 = arith.constant 0 : i32
    %dma_wait3A_25 = arith.constant 0 : i32
    %dma_wait3A_26 = tpu.memref_slice %arg9[%dma_wait3A, %dma_wait3A_24, %dma_wait3A_25] : memref<2x128x128xf32, #tpu.memory_space<vmem>> -> memref<1x128x128xf32, #tpu.memory_space<vmem>>
    %dma_wait3A_27 = tpu.memref_squeeze %dma_wait3A_26 : memref<1x128x128xf32, #tpu.memory_space<vmem>> -> memref<128x128xf32, #tpu.memory_space<vmem>>
    %dma_wait3A_28 = arith.constant 0 : i32
    %dma_wait3A_29 = tpu.memref_slice %arg2[%mul3A_2, %dma_wait3A_28] : memref<163840x128xf32, #tpu.memory_space<hbm>> -> memref<128x128xf32, #tpu.memory_space<hbm>>
    %dma_wait3A_30 = arith.constant 0 : i32
    %dma_wait3A_31 = arith.constant 0 : i32
    %dma_wait3A_32 = tpu.memref_slice %arg9[%dma_wait3A, %dma_wait3A_30, %dma_wait3A_31] : memref<2x128x128xf32, #tpu.memory_space<vmem>> -> memref<1x128x128xf32, #tpu.memory_space<vmem>>
    %dma_wait3A_33 = tpu.memref_squeeze %dma_wait3A_32 : memref<1x128x128xf32, #tpu.memory_space<vmem>> -> memref<128x128xf32, #tpu.memory_space<vmem>>
    %dma_wait3A_34 = arith.constant 0 : i32
    %dma_wait3A_35 = tpu.memref_slice %arg2[%mul3A_2, %dma_wait3A_34] : memref<163840x128xf32, #tpu.memory_space<hbm>> -> memref<128x128xf32, #tpu.memory_space<hbm>>
    tpu.wait_dma2 semaphore(%arg11 : memref<!tpu.dma_semaphore, #tpu.memory_space<semaphore_mem>>) src(%dma_wait3A_35 : memref<128x128xf32, #tpu.memory_space<hbm>>) dst(%dma_wait3A_33 : memref<128x128xf32, #tpu.memory_space<vmem>>)
    %barrier3A_36 = arith.constant 0 : index
    tpu.barrier barrier_id(%barrier3A_36)
    "tpu.region"() ({
      %run_scoped3A = tpu.sem_alloc : memref<!tpu.dma_semaphore, #tpu.memory_space<semaphore_mem>>
      %dma_start3A_73 = arith.constant 0 : i32
      %dma_start3A_74 = tpu.memref_slice %arg6[%arg0, %mul3A_4, %dma_start3A_73] : memref<2x10112x128xf32, #tpu.memory_space<hbm>> -> memref<1x632x128xf32, #tpu.memory_space<hbm>>
      %dma_start3A_75 = tpu.memref_squeeze %dma_start3A_74 : memref<1x632x128xf32, #tpu.memory_space<hbm>> -> memref<632x128xf32, #tpu.memory_space<hbm>>
      %dma_start3A_76 = arith.constant 0 : i32
      %dma_start3A_77 = tpu.memref_slice %arg10[%mul3A_4, %dma_start3A_76] : memref<10112x128xf32, #tpu.memory_space<vmem_shared>> -> memref<632x128xf32, #tpu.memory_space<vmem_shared>>
      tpu.enqueue_dma source(%dma_start3A_77 : memref<632x128xf32, #tpu.memory_space<vmem_shared>>) target(%dma_start3A_75 : memref<632x128xf32, #tpu.memory_space<hbm>>) target_semaphore(%run_scoped3A : memref<!tpu.dma_semaphore, #tpu.memory_space<semaphore_mem>>)
      %dma_wait3A_78 = arith.constant 0 : i32
      %dma_wait3A_79 = tpu.memref_slice %arg6[%arg0, %mul3A_4, %dma_wait3A_78] : memref<2x10112x128xf32, #tpu.memory_space<hbm>> -> memref<1x632x128xf32, #tpu.memory_space<hbm>>
      %dma_wait3A_80 = tpu.memref_squeeze %dma_wait3A_79 : memref<1x632x128xf32, #tpu.memory_space<hbm>> -> memref<632x128xf32, #tpu.memory_space<hbm>>
      %dma_wait3A_81 = arith.constant 0 : i32
      %dma_wait3A_82 = tpu.memref_slice %arg10[%mul3A_4, %dma_wait3A_81] : memref<10112x128xf32, #tpu.memory_space<vmem_shared>> -> memref<632x128xf32, #tpu.memory_space<vmem_shared>>
      tpu.wait_dma2 semaphore(%run_scoped3A : memref<!tpu.dma_semaphore, #tpu.memory_space<semaphore_mem>>) src(%dma_wait3A_82 : memref<632x128xf32, #tpu.memory_space<vmem_shared>>) dst(%dma_wait3A_80 : memref<632x128xf32, #tpu.memory_space<hbm>>)
      tpu.yield
    }) : () -> ()
    %barrier3A_37 = arith.constant 0 : index
    tpu.barrier barrier_id(%barrier3A_37)
    "tpu.region"() ({
      %run_scoped3A = tpu.sem_alloc : memref<!tpu.dma_semaphore, #tpu.memory_space<semaphore_mem>>
      %dma_start3A_73 = arith.constant 0 : i32
      %dma_start3A_74 = tpu.memref_slice %arg10[%mul3A_4, %dma_start3A_73] : memref<10112x128xf32, #tpu.memory_space<vmem_shared>> -> memref<632x128xf32, #tpu.memory_space<vmem_shared>>
      %dma_start3A_75 = arith.constant 0 : i32
      %dma_start3A_76 = tpu.memref_slice %arg5[%mul3A_4, %dma_start3A_75] : memref<10112x128xf32, #tpu.memory_space<hbm>> -> memref<632x128xf32, #tpu.memory_space<hbm>>
      tpu.enqueue_dma source(%dma_start3A_76 : memref<632x128xf32, #tpu.memory_space<hbm>>) target(%dma_start3A_74 : memref<632x128xf32, #tpu.memory_space<vmem_shared>>) target_semaphore(%run_scoped3A : memref<!tpu.dma_semaphore, #tpu.memory_space<semaphore_mem>>)
      %dma_wait3A_77 = arith.constant 0 : i32
      %dma_wait3A_78 = tpu.memref_slice %arg10[%mul3A_4, %dma_wait3A_77] : memref<10112x128xf32, #tpu.memory_space<vmem_shared>> -> memref<632x128xf32, #tpu.memory_space<vmem_shared>>
      %dma_wait3A_79 = arith.constant 0 : i32
      %dma_wait3A_80 = tpu.memref_slice %arg5[%mul3A_4, %dma_wait3A_79] : memref<10112x128xf32, #tpu.memory_space<hbm>> -> memref<632x128xf32, #tpu.memory_space<hbm>>
      tpu.wait_dma2 semaphore(%run_scoped3A : memref<!tpu.dma_semaphore, #tpu.memory_space<semaphore_mem>>) src(%dma_wait3A_80 : memref<632x128xf32, #tpu.memory_space<hbm>>) dst(%dma_wait3A_78 : memref<632x128xf32, #tpu.memory_space<vmem_shared>>)
      tpu.yield
    }) : () -> ()
    %barrier3A_38 = arith.constant 0 : index
    tpu.barrier barrier_id(%barrier3A_38)
    %dma_start3A_39 = arith.constant 0 : i32
    %dma_start3A_40 = arith.constant 0 : i32
    %dma_start3A_41 = arith.constant 0 : i32
    %dma_start3A_42 = tpu.memref_slice %arg9[%dma_start3A_39, %dma_start3A_40, %dma_start3A_41] : memref<2x128x128xf32, #tpu.memory_space<vmem>> -> memref<1x128x128xf32, #tpu.memory_space<vmem>>
    %dma_start3A_43 = tpu.memref_squeeze %dma_start3A_42 : memref<1x128x128xf32, #tpu.memory_space<vmem>> -> memref<128x128xf32, #tpu.memory_space<vmem>>
    %dma_start3A_44 = arith.constant 0 : i32
    %dma_start3A_45 = tpu.memref_slice %arg3[%mul3A_2, %dma_start3A_44] : memref<163840x128xf32, #tpu.memory_space<hbm>> -> memref<128x128xf32, #tpu.memory_space<hbm>>
    %dma_start3A_46 = arith.constant 0 : i32
    %dma_start3A_47 = arith.constant 0 : i32
    %dma_start3A_48 = tpu.memref_slice %arg9[%dma_start3A_39, %dma_start3A_46, %dma_start3A_47] : memref<2x128x128xf32, #tpu.memory_space<vmem>> -> memref<1x128x128xf32, #tpu.memory_space<vmem>>
    %dma_start3A_49 = tpu.memref_squeeze %dma_start3A_48 : memref<1x128x128xf32, #tpu.memory_space<vmem>> -> memref<128x128xf32, #tpu.memory_space<vmem>>
    %dma_start3A_50 = arith.constant 0 : i32
    %dma_start3A_51 = tpu.memref_slice %arg3[%mul3A_2, %dma_start3A_50] : memref<163840x128xf32, #tpu.memory_space<hbm>> -> memref<128x128xf32, #tpu.memory_space<hbm>>
    tpu.enqueue_dma source(%dma_start3A_51 : memref<128x128xf32, #tpu.memory_space<hbm>>) target(%dma_start3A_49 : memref<128x128xf32, #tpu.memory_space<vmem>>) target_semaphore(%arg11 : memref<!tpu.dma_semaphore, #tpu.memory_space<semaphore_mem>>)
    %scan3A_52 = arith.constant 0 : i32
    %scan3A_53 = arith.constant 0 : i32
    %scan3A_54 = arith.constant 40 : i32
    %scan3A_55 = arith.addi %scan3A_53, %scan3A_54 : i32
    %scan3A_56 = arith.constant 1 : i32
    scf.for %scan3A_73 = %scan3A_53 to %scan3A_55 step %scan3A_56  : i32 {
      %jit3A = arith.constant 2 : i32
      %eq3A = arith.constant 0 : i32
      %eq3A_74 = arith.cmpi eq, %jit3A, %eq3A : i32
      %jit3A_75 = arith.constant 1 : i32
      %select_n3A = arith.select %eq3A_74, %jit3A_75, %jit3A : i32
      %rem3A = arith.remsi %scan3A_73, %select_n3A : i32
      %ne3A = arith.constant 0 : i32
      %ne3A_76 = arith.cmpi ne, %rem3A, %ne3A : i32
      %lt3A = arith.constant 0 : i32
      %lt3A_77 = arith.cmpi slt, %rem3A, %lt3A : i32
      %lt3A_78 = arith.constant 0 : i32
      %lt3A_79 = arith.cmpi slt, %select_n3A, %lt3A_78 : i32
      %ne3A_80 = arith.xori %lt3A_77, %lt3A_79 : i1
      %and3A = arith.andi %ne3A_80, %ne3A_76 : i1
      %add3A_81 = arith.addi %rem3A, %select_n3A : i32
      %select_n3A_82 = arith.select %and3A, %add3A_81, %rem3A : i32
      %add3A_83 = arith.constant 1 : i32
      %add3A_84 = arith.addi %scan3A_73, %add3A_83 : i32
      %jit3A_85 = arith.constant 2 : i32
      %eq3A_86 = arith.constant 0 : i32
      %eq3A_87 = arith.cmpi eq, %jit3A_85, %eq3A_86 : i32
      %jit3A_88 = arith.constant 1 : i32
      %select_n3A_89 = arith.select %eq3A_87, %jit3A_88, %jit3A_85 : i32
      %rem3A_90 = arith.remsi %add3A_84, %select_n3A_89 : i32
      %ne3A_91 = arith.constant 0 : i32
      %ne3A_92 = arith.cmpi ne, %rem3A_90, %ne3A_91 : i32
      %lt3A_93 = arith.constant 0 : i32
      %lt3A_94 = arith.cmpi slt, %rem3A_90, %lt3A_93 : i32
      %lt3A_95 = arith.constant 0 : i32
      %lt3A_96 = arith.cmpi slt, %select_n3A_89, %lt3A_95 : i32
      %ne3A_97 = arith.xori %lt3A_94, %lt3A_96 : i1
      %and3A_98 = arith.andi %ne3A_97, %ne3A_92 : i1
      %add3A_99 = arith.addi %rem3A_90, %select_n3A_89 : i32
      %select_n3A_100 = arith.select %and3A_98, %add3A_99, %rem3A_90 : i32
      %add3A_101 = arith.constant 1 : i32
      %add3A_102 = arith.addi %scan3A_73, %add3A_101 : i32
      %min3A = arith.constant 39 : i32
      %min3A_103 = arith.minsi %add3A_102, %min3A : i32
      %mul3A_104 = arith.constant 128 : i32
      %mul3A_105 = arith.muli %min3A_103, %mul3A_104 : i32
      %add3A_106 = arith.addi %mul3A_2, %mul3A_105 : i32
      %dma_start3A_107 = arith.constant 0 : i32
      %dma_start3A_108 = arith.constant 0 : i32
      %dma_start3A_109 = tpu.memref_slice %arg9[%select_n3A_100, %dma_start3A_107, %dma_start3A_108] : memref<2x128x128xf32, #tpu.memory_space<vmem>> -> memref<1x128x128xf32, #tpu.memory_space<vmem>>
      %dma_start3A_110 = tpu.memref_squeeze %dma_start3A_109 : memref<1x128x128xf32, #tpu.memory_space<vmem>> -> memref<128x128xf32, #tpu.memory_space<vmem>>
      %dma_start3A_111 = arith.constant 0 : i32
      %dma_start3A_112 = tpu.memref_slice %arg3[%add3A_106, %dma_start3A_111] : memref<163840x128xf32, #tpu.memory_space<hbm>> -> memref<128x128xf32, #tpu.memory_space<hbm>>
      %dma_start3A_113 = arith.constant 0 : i32
      %dma_start3A_114 = arith.constant 0 : i32
      %dma_start3A_115 = tpu.memref_slice %arg9[%select_n3A_100, %dma_start3A_113, %dma_start3A_114] : memref<2x128x128xf32, #tpu.memory_space<vmem>> -> memref<1x128x128xf32, #tpu.memory_space<vmem>>
      %dma_start3A_116 = tpu.memref_squeeze %dma_start3A_115 : memref<1x128x128xf32, #tpu.memory_space<vmem>> -> memref<128x128xf32, #tpu.memory_space<vmem>>
      %dma_start3A_117 = arith.constant 0 : i32
      %dma_start3A_118 = tpu.memref_slice %arg3[%add3A_106, %dma_start3A_117] : memref<163840x128xf32, #tpu.memory_space<hbm>> -> memref<128x128xf32, #tpu.memory_space<hbm>>
      tpu.enqueue_dma source(%dma_start3A_118 : memref<128x128xf32, #tpu.memory_space<hbm>>) target(%dma_start3A_116 : memref<128x128xf32, #tpu.memory_space<vmem>>) target_semaphore(%arg11 : memref<!tpu.dma_semaphore, #tpu.memory_space<semaphore_mem>>)
      %mul3A_119 = arith.constant 128 : i32
      %mul3A_120 = arith.muli %scan3A_73, %mul3A_119 : i32
      %add3A_121 = arith.addi %mul3A_2, %mul3A_120 : i32
      %dma_wait3A_122 = arith.constant 0 : i32
      %dma_wait3A_123 = arith.constant 0 : i32
      %dma_wait3A_124 = tpu.memref_slice %arg9[%select_n3A_82, %dma_wait3A_122, %dma_wait3A_123] : memref<2x128x128xf32, #tpu.memory_space<vmem>> -> memref<1x128x128xf32, #tpu.memory_space<vmem>>
      %dma_wait3A_125 = tpu.memref_squeeze %dma_wait3A_124 : memref<1x128x128xf32, #tpu.memory_space<vmem>> -> memref<128x128xf32, #tpu.memory_space<vmem>>
      %dma_wait3A_126 = arith.constant 0 : i32
      %dma_wait3A_127 = tpu.memref_slice %arg3[%add3A_121, %dma_wait3A_126] : memref<163840x128xf32, #tpu.memory_space<hbm>> -> memref<128x128xf32, #tpu.memory_space<hbm>>
      %dma_wait3A_128 = arith.constant 0 : i32
      %dma_wait3A_129 = arith.constant 0 : i32
      %dma_wait3A_130 = tpu.memref_slice %arg9[%select_n3A_82, %dma_wait3A_128, %dma_wait3A_129] : memref<2x128x128xf32, #tpu.memory_space<vmem>> -> memref<1x128x128xf32, #tpu.memory_space<vmem>>
      %dma_wait3A_131 = tpu.memref_squeeze %dma_wait3A_130 : memref<1x128x128xf32, #tpu.memory_space<vmem>> -> memref<128x128xf32, #tpu.memory_space<vmem>>
      %dma_wait3A_132 = arith.constant 0 : i32
      %dma_wait3A_133 = tpu.memref_slice %arg3[%add3A_121, %dma_wait3A_132] : memref<163840x128xf32, #tpu.memory_space<hbm>> -> memref<128x128xf32, #tpu.memory_space<hbm>>
      tpu.wait_dma2 semaphore(%arg11 : memref<!tpu.dma_semaphore, #tpu.memory_space<semaphore_mem>>) src(%dma_wait3A_133 : memref<128x128xf32, #tpu.memory_space<hbm>>) dst(%dma_wait3A_131 : memref<128x128xf32, #tpu.memory_space<vmem>>)
      "tpu.region"() ({
        %run_scoped3A = tpu.sem_alloc : memref<!tpu.dma_semaphore, #tpu.memory_space<semaphore_mem>>
        %dma_start3A_134 = arith.constant 0 : i32
        %dma_start3A_135 = arith.constant 0 : i32
        %dma_start3A_136 = tpu.memref_slice %arg9[%select_n3A_82, %dma_start3A_134, %dma_start3A_135] : memref<2x128x128xf32, #tpu.memory_space<vmem>> -> memref<1x128x128xf32, #tpu.memory_space<vmem>>
        %dma_start3A_137 = tpu.memref_squeeze %dma_start3A_136 : memref<1x128x128xf32, #tpu.memory_space<vmem>> -> memref<128x128xf32, #tpu.memory_space<vmem>>
        %dma_start3A_138 = arith.constant 0 : i32
        %dma_start3A_139 = tpu.memref_slice %arg8[%scan3A_73, %dma_start3A_138] : memref<40x128xi32, #tpu.memory_space<vmem>> -> memref<1x128xi32, #tpu.memory_space<vmem>>
        %dma_start3A_140 = tpu.memref_squeeze %dma_start3A_139 : memref<1x128xi32, #tpu.memory_space<vmem>> -> memref<128xi32, #tpu.memory_space<vmem>>
        %dma_start3A_141 = arith.constant 0 : i32
        %dma_start3A_142 = arith.constant 0 : i32
        %dma_start3A_143 = tpu.memref_slice %arg10[%dma_start3A_141, %dma_start3A_142] : memref<10112x128xf32, #tpu.memory_space<vmem_shared>> -> memref<10112x128xf32, #tpu.memory_space<vmem_shared>>
        tpu.enqueue_indirect_dma source(%dma_start3A_137 : memref<128x128xf32, #tpu.memory_space<vmem>>) target(%dma_start3A_143 : memref<10112x128xf32, #tpu.memory_space<vmem_shared>>) offsets(%dma_start3A_140 : memref<128xi32, #tpu.memory_space<vmem>>) semaphore(%run_scoped3A : memref<!tpu.dma_semaphore, #tpu.memory_space<semaphore_mem>>) {add = true}
        %dma_wait3A_144 = arith.constant 0 : i32
        %dma_wait3A_145 = arith.constant 0 : i32
        %dma_wait3A_146 = tpu.memref_slice %arg9[%select_n3A_82, %dma_wait3A_144, %dma_wait3A_145] : memref<2x128x128xf32, #tpu.memory_space<vmem>> -> memref<1x128x128xf32, #tpu.memory_space<vmem>>
        %dma_wait3A_147 = tpu.memref_squeeze %dma_wait3A_146 : memref<1x128x128xf32, #tpu.memory_space<vmem>> -> memref<128x128xf32, #tpu.memory_space<vmem>>
        %dma_wait3A_148 = arith.constant 0 : i32
        %dma_wait3A_149 = tpu.memref_slice %arg8[%scan3A_73, %dma_wait3A_148] : memref<40x128xi32, #tpu.memory_space<vmem>> -> memref<1x128xi32, #tpu.memory_space<vmem>>
        %dma_wait3A_150 = tpu.memref_squeeze %dma_wait3A_149 : memref<1x128xi32, #tpu.memory_space<vmem>> -> memref<128xi32, #tpu.memory_space<vmem>>
        %dma_wait3A_151 = arith.constant 0 : i32
        %dma_wait3A_152 = arith.constant 0 : i32
        %dma_wait3A_153 = tpu.memref_slice %arg10[%dma_wait3A_151, %dma_wait3A_152] : memref<10112x128xf32, #tpu.memory_space<vmem_shared>> -> memref<10112x128xf32, #tpu.memory_space<vmem_shared>>
        tpu.wait_indirect_dma semaphore(%run_scoped3A : memref<!tpu.dma_semaphore, #tpu.memory_space<semaphore_mem>>) src(%dma_wait3A_147 : memref<128x128xf32, #tpu.memory_space<vmem>>) dst(%dma_wait3A_153 : memref<10112x128xf32, #tpu.memory_space<vmem_shared>>)
        tpu.yield
      }) : () -> ()
    }
    %scan3A_57 = arith.constant 40 : i32
    %dma_wait3A_58 = arith.constant 0 : i32
    %dma_wait3A_59 = arith.constant 0 : i32
    %dma_wait3A_60 = arith.constant 0 : i32
    %dma_wait3A_61 = tpu.memref_slice %arg9[%dma_wait3A_58, %dma_wait3A_59, %dma_wait3A_60] : memref<2x128x128xf32, #tpu.memory_space<vmem>> -> memref<1x128x128xf32, #tpu.memory_space<vmem>>
    %dma_wait3A_62 = tpu.memref_squeeze %dma_wait3A_61 : memref<1x128x128xf32, #tpu.memory_space<vmem>> -> memref<128x128xf32, #tpu.memory_space<vmem>>
    %dma_wait3A_63 = arith.constant 0 : i32
    %dma_wait3A_64 = tpu.memref_slice %arg3[%mul3A_2, %dma_wait3A_63] : memref<163840x128xf32, #tpu.memory_space<hbm>> -> memref<128x128xf32, #tpu.memory_space<hbm>>
    %dma_wait3A_65 = arith.constant 0 : i32
    %dma_wait3A_66 = arith.constant 0 : i32
    %dma_wait3A_67 = tpu.memref_slice %arg9[%dma_wait3A_58, %dma_wait3A_65, %dma_wait3A_66] : memref<2x128x128xf32, #tpu.memory_space<vmem>> -> memref<1x128x128xf32, #tpu.memory_space<vmem>>
    %dma_wait3A_68 = tpu.memref_squeeze %dma_wait3A_67 : memref<1x128x128xf32, #tpu.memory_space<vmem>> -> memref<128x128xf32, #tpu.memory_space<vmem>>
    %dma_wait3A_69 = arith.constant 0 : i32
    %dma_wait3A_70 = tpu.memref_slice %arg3[%mul3A_2, %dma_wait3A_69] : memref<163840x128xf32, #tpu.memory_space<hbm>> -> memref<128x128xf32, #tpu.memory_space<hbm>>
    tpu.wait_dma2 semaphore(%arg11 : memref<!tpu.dma_semaphore, #tpu.memory_space<semaphore_mem>>) src(%dma_wait3A_70 : memref<128x128xf32, #tpu.memory_space<hbm>>) dst(%dma_wait3A_68 : memref<128x128xf32, #tpu.memory_space<vmem>>)
    %barrier3A_71 = arith.constant 0 : index
    tpu.barrier barrier_id(%barrier3A_71)
    "tpu.region"() ({
      %run_scoped3A = tpu.sem_alloc : memref<!tpu.dma_semaphore, #tpu.memory_space<semaphore_mem>>
      %dma_start3A_73 = arith.constant 0 : i32
      %dma_start3A_74 = tpu.memref_slice %arg7[%arg0, %mul3A_4, %dma_start3A_73] : memref<2x10112x128xf32, #tpu.memory_space<hbm>> -> memref<1x632x128xf32, #tpu.memory_space<hbm>>
      %dma_start3A_75 = tpu.memref_squeeze %dma_start3A_74 : memref<1x632x128xf32, #tpu.memory_space<hbm>> -> memref<632x128xf32, #tpu.memory_space<hbm>>
      %dma_start3A_76 = arith.constant 0 : i32
      %dma_start3A_77 = tpu.memref_slice %arg10[%mul3A_4, %dma_start3A_76] : memref<10112x128xf32, #tpu.memory_space<vmem_shared>> -> memref<632x128xf32, #tpu.memory_space<vmem_shared>>
      tpu.enqueue_dma source(%dma_start3A_77 : memref<632x128xf32, #tpu.memory_space<vmem_shared>>) target(%dma_start3A_75 : memref<632x128xf32, #tpu.memory_space<hbm>>) target_semaphore(%run_scoped3A : memref<!tpu.dma_semaphore, #tpu.memory_space<semaphore_mem>>)
      %dma_wait3A_78 = arith.constant 0 : i32
      %dma_wait3A_79 = tpu.memref_slice %arg7[%arg0, %mul3A_4, %dma_wait3A_78] : memref<2x10112x128xf32, #tpu.memory_space<hbm>> -> memref<1x632x128xf32, #tpu.memory_space<hbm>>
      %dma_wait3A_80 = tpu.memref_squeeze %dma_wait3A_79 : memref<1x632x128xf32, #tpu.memory_space<hbm>> -> memref<632x128xf32, #tpu.memory_space<hbm>>
      %dma_wait3A_81 = arith.constant 0 : i32
      %dma_wait3A_82 = tpu.memref_slice %arg10[%mul3A_4, %dma_wait3A_81] : memref<10112x128xf32, #tpu.memory_space<vmem_shared>> -> memref<632x128xf32, #tpu.memory_space<vmem_shared>>
      tpu.wait_dma2 semaphore(%run_scoped3A : memref<!tpu.dma_semaphore, #tpu.memory_space<semaphore_mem>>) src(%dma_wait3A_82 : memref<632x128xf32, #tpu.memory_space<vmem_shared>>) dst(%dma_wait3A_80 : memref<632x128xf32, #tpu.memory_space<hbm>>)
      tpu.yield
    }) : () -> ()
    %barrier3A_72 = arith.constant 0 : index
    tpu.barrier barrier_id(%barrier3A_72)
    return
  }
}

#map = affine_map<(d0, d1) -> (0, 0)>
module attributes {stable_mosaic.version = 14 : i64} {
  func.func @_sc_gather_body(%arg0: i32, %arg1: i32, %arg2: memref<10000x256xf32, #tpu.memory_space<hbm>>, %arg3: memref<20000x256xf32, #tpu.memory_space<hbm>>, %arg4: memref<2560x64xi32, #tpu.memory_space<hbm>>, %arg5: memref<2560x64xi32, #tpu.memory_space<hbm>>, %arg6: memref<163840x256xf32, #tpu.memory_space<hbm>>, %arg7: memref<163840x256xf32, #tpu.memory_space<hbm>>, %arg8: memref<80x64xi32, #tpu.memory_space<vmem>>, %arg9: memref<80x64xi32, #tpu.memory_space<vmem>>, %arg10: memref<2x64x256xf32, #tpu.memory_space<vmem>>, %arg11: memref<2x64x256xf32, #tpu.memory_space<vmem>>, %arg12: memref<!tpu.dma_semaphore, #tpu.memory_space<semaphore_mem>>, %arg13: memref<!tpu.dma_semaphore, #tpu.memory_space<semaphore_mem>>) attributes {dimension_semantics = [#tpu.dimension_semantics<core_parallel>, #tpu.dimension_semantics<subcore_parallel>], iteration_bounds = array<i64: 2, 16>, scalar_prefetch = 0 : i64, scratch_operands = 6 : i64, tpu.core_type = #tpu.core_type<sc_vector_subcore>, window_params = [{transform_indices = #map}, {transform_indices = #map}, {transform_indices = #map}, {transform_indices = #map}, {transform_indices = #map}, {transform_indices = #map}]} {
    %mul3A = arith.constant 2 : i32
    %mul3A_0 = arith.muli %arg1, %mul3A : i32
    %add3A = arith.addi %mul3A_0, %arg0 : i32
    %mul3A_1 = arith.constant 5120 : i32
    %mul3A_2 = arith.muli %add3A, %mul3A_1 : i32
    %mul3A_3 = arith.constant 80 : i32
    %mul3A_4 = arith.muli %add3A, %mul3A_3 : i32
    "tpu.region"() ({
      %run_scoped3A = tpu.sem_alloc : memref<!tpu.dma_semaphore, #tpu.memory_space<semaphore_mem>>
      %dma_start3A_56 = arith.constant 0 : i32
      %dma_start3A_57 = tpu.memref_slice %arg4[%mul3A_4, %dma_start3A_56] : memref<2560x64xi32, #tpu.memory_space<hbm>> -> memref<80x64xi32, #tpu.memory_space<hbm>>
      %dma_start3A_58 = arith.constant 0 : i32
      %dma_start3A_59 = tpu.memref_slice %arg4[%mul3A_4, %dma_start3A_58] : memref<2560x64xi32, #tpu.memory_space<hbm>> -> memref<80x64xi32, #tpu.memory_space<hbm>>
      tpu.enqueue_dma source(%dma_start3A_59 : memref<80x64xi32, #tpu.memory_space<hbm>>) target(%arg8 : memref<80x64xi32, #tpu.memory_space<vmem>>) target_semaphore(%run_scoped3A : memref<!tpu.dma_semaphore, #tpu.memory_space<semaphore_mem>>)
      %dma_wait3A_60 = arith.constant 0 : i32
      %dma_wait3A_61 = tpu.memref_slice %arg4[%mul3A_4, %dma_wait3A_60] : memref<2560x64xi32, #tpu.memory_space<hbm>> -> memref<80x64xi32, #tpu.memory_space<hbm>>
      %dma_wait3A_62 = arith.constant 0 : i32
      %dma_wait3A_63 = tpu.memref_slice %arg4[%mul3A_4, %dma_wait3A_62] : memref<2560x64xi32, #tpu.memory_space<hbm>> -> memref<80x64xi32, #tpu.memory_space<hbm>>
      tpu.wait_dma2 semaphore(%run_scoped3A : memref<!tpu.dma_semaphore, #tpu.memory_space<semaphore_mem>>) src(%dma_wait3A_63 : memref<80x64xi32, #tpu.memory_space<hbm>>) dst(%arg8 : memref<80x64xi32, #tpu.memory_space<vmem>>)
      tpu.yield
    }) : () -> ()
    "tpu.region"() ({
      %run_scoped3A = tpu.sem_alloc : memref<!tpu.dma_semaphore, #tpu.memory_space<semaphore_mem>>
      %dma_start3A_56 = arith.constant 0 : i32
      %dma_start3A_57 = tpu.memref_slice %arg5[%mul3A_4, %dma_start3A_56] : memref<2560x64xi32, #tpu.memory_space<hbm>> -> memref<80x64xi32, #tpu.memory_space<hbm>>
      %dma_start3A_58 = arith.constant 0 : i32
      %dma_start3A_59 = tpu.memref_slice %arg5[%mul3A_4, %dma_start3A_58] : memref<2560x64xi32, #tpu.memory_space<hbm>> -> memref<80x64xi32, #tpu.memory_space<hbm>>
      tpu.enqueue_dma source(%dma_start3A_59 : memref<80x64xi32, #tpu.memory_space<hbm>>) target(%arg9 : memref<80x64xi32, #tpu.memory_space<vmem>>) target_semaphore(%run_scoped3A : memref<!tpu.dma_semaphore, #tpu.memory_space<semaphore_mem>>)
      %dma_wait3A_60 = arith.constant 0 : i32
      %dma_wait3A_61 = tpu.memref_slice %arg5[%mul3A_4, %dma_wait3A_60] : memref<2560x64xi32, #tpu.memory_space<hbm>> -> memref<80x64xi32, #tpu.memory_space<hbm>>
      %dma_wait3A_62 = arith.constant 0 : i32
      %dma_wait3A_63 = tpu.memref_slice %arg5[%mul3A_4, %dma_wait3A_62] : memref<2560x64xi32, #tpu.memory_space<hbm>> -> memref<80x64xi32, #tpu.memory_space<hbm>>
      tpu.wait_dma2 semaphore(%run_scoped3A : memref<!tpu.dma_semaphore, #tpu.memory_space<semaphore_mem>>) src(%dma_wait3A_63 : memref<80x64xi32, #tpu.memory_space<hbm>>) dst(%arg9 : memref<80x64xi32, #tpu.memory_space<vmem>>)
      tpu.yield
    }) : () -> ()
    %dma_start3A = arith.constant 0 : i32
    %dma_start3A_5 = arith.constant 0 : i32
    %dma_start3A_6 = arith.constant 0 : i32
    %dma_start3A_7 = arith.constant 0 : i32
    %dma_start3A_8 = tpu.memref_slice %arg10[%dma_start3A_5, %dma_start3A_6, %dma_start3A_7] : memref<2x64x256xf32, #tpu.memory_space<vmem>> -> memref<1x64x256xf32, #tpu.memory_space<vmem>>
    %dma_start3A_9 = tpu.memref_squeeze %dma_start3A_8 : memref<1x64x256xf32, #tpu.memory_space<vmem>> -> memref<64x256xf32, #tpu.memory_space<vmem>>
    %dma_start3A_10 = arith.constant 0 : i32
    %dma_start3A_11 = tpu.memref_slice %arg8[%dma_start3A, %dma_start3A_10] : memref<80x64xi32, #tpu.memory_space<vmem>> -> memref<1x64xi32, #tpu.memory_space<vmem>>
    %dma_start3A_12 = tpu.memref_squeeze %dma_start3A_11 : memref<1x64xi32, #tpu.memory_space<vmem>> -> memref<64xi32, #tpu.memory_space<vmem>>
    %dma_start3A_13 = arith.constant 0 : i32
    %dma_start3A_14 = arith.constant 0 : i32
    %dma_start3A_15 = tpu.memref_slice %arg2[%dma_start3A_13, %dma_start3A_14] : memref<10000x256xf32, #tpu.memory_space<hbm>> -> memref<10000x256xf32, #tpu.memory_space<hbm>>
    tpu.enqueue_indirect_dma source(%dma_start3A_15 : memref<10000x256xf32, #tpu.memory_space<hbm>>) target(%dma_start3A_9 : memref<64x256xf32, #tpu.memory_space<vmem>>) offsets(%dma_start3A_12 : memref<64xi32, #tpu.memory_space<vmem>>) semaphore(%arg12 : memref<!tpu.dma_semaphore, #tpu.memory_space<semaphore_mem>>)
    %dma_start3A_16 = arith.constant 0 : i32
    %dma_start3A_17 = arith.constant 0 : i32
    %dma_start3A_18 = arith.constant 0 : i32
    %dma_start3A_19 = arith.constant 0 : i32
    %dma_start3A_20 = tpu.memref_slice %arg11[%dma_start3A_17, %dma_start3A_18, %dma_start3A_19] : memref<2x64x256xf32, #tpu.memory_space<vmem>> -> memref<1x64x256xf32, #tpu.memory_space<vmem>>
    %dma_start3A_21 = tpu.memref_squeeze %dma_start3A_20 : memref<1x64x256xf32, #tpu.memory_space<vmem>> -> memref<64x256xf32, #tpu.memory_space<vmem>>
    %dma_start3A_22 = arith.constant 0 : i32
    %dma_start3A_23 = tpu.memref_slice %arg9[%dma_start3A_16, %dma_start3A_22] : memref<80x64xi32, #tpu.memory_space<vmem>> -> memref<1x64xi32, #tpu.memory_space<vmem>>
    %dma_start3A_24 = tpu.memref_squeeze %dma_start3A_23 : memref<1x64xi32, #tpu.memory_space<vmem>> -> memref<64xi32, #tpu.memory_space<vmem>>
    %dma_start3A_25 = arith.constant 0 : i32
    %dma_start3A_26 = arith.constant 0 : i32
    %dma_start3A_27 = tpu.memref_slice %arg3[%dma_start3A_25, %dma_start3A_26] : memref<20000x256xf32, #tpu.memory_space<hbm>> -> memref<20000x256xf32, #tpu.memory_space<hbm>>
    tpu.enqueue_indirect_dma source(%dma_start3A_27 : memref<20000x256xf32, #tpu.memory_space<hbm>>) target(%dma_start3A_21 : memref<64x256xf32, #tpu.memory_space<vmem>>) offsets(%dma_start3A_24 : memref<64xi32, #tpu.memory_space<vmem>>) semaphore(%arg13 : memref<!tpu.dma_semaphore, #tpu.memory_space<semaphore_mem>>)
    %scan3A = arith.constant 0 : i32
    %scan3A_28 = arith.constant 0 : i32
    %scan3A_29 = arith.constant 80 : i32
    %scan3A_30 = arith.addi %scan3A_28, %scan3A_29 : i32
    %scan3A_31 = arith.constant 1 : i32
    scf.for %scan3A_56 = %scan3A_28 to %scan3A_30 step %scan3A_31  : i32 {
      %mul3A_57 = arith.constant 64 : i32
      %mul3A_58 = arith.muli %scan3A_56, %mul3A_57 : i32
      %add3A_59 = arith.addi %mul3A_2, %mul3A_58 : i32
      %jit3A = arith.constant 2 : i32
      %eq3A = arith.constant 0 : i32
      %eq3A_60 = arith.cmpi eq, %jit3A, %eq3A : i32
      %jit3A_61 = arith.constant 1 : i32
      %select_n3A = arith.select %eq3A_60, %jit3A_61, %jit3A : i32
      %rem3A = arith.remsi %scan3A_56, %select_n3A : i32
      %ne3A = arith.constant 0 : i32
      %ne3A_62 = arith.cmpi ne, %rem3A, %ne3A : i32
      %lt3A = arith.constant 0 : i32
      %lt3A_63 = arith.cmpi slt, %rem3A, %lt3A : i32
      %lt3A_64 = arith.constant 0 : i32
      %lt3A_65 = arith.cmpi slt, %select_n3A, %lt3A_64 : i32
      %ne3A_66 = arith.xori %lt3A_63, %lt3A_65 : i1
      %and3A = arith.andi %ne3A_66, %ne3A_62 : i1
      %add3A_67 = arith.addi %rem3A, %select_n3A : i32
      %select_n3A_68 = arith.select %and3A, %add3A_67, %rem3A : i32
      %add3A_69 = arith.constant 1 : i32
      %add3A_70 = arith.addi %scan3A_56, %add3A_69 : i32
      %jit3A_71 = arith.constant 2 : i32
      %eq3A_72 = arith.constant 0 : i32
      %eq3A_73 = arith.cmpi eq, %jit3A_71, %eq3A_72 : i32
      %jit3A_74 = arith.constant 1 : i32
      %select_n3A_75 = arith.select %eq3A_73, %jit3A_74, %jit3A_71 : i32
      %rem3A_76 = arith.remsi %add3A_70, %select_n3A_75 : i32
      %ne3A_77 = arith.constant 0 : i32
      %ne3A_78 = arith.cmpi ne, %rem3A_76, %ne3A_77 : i32
      %lt3A_79 = arith.constant 0 : i32
      %lt3A_80 = arith.cmpi slt, %rem3A_76, %lt3A_79 : i32
      %lt3A_81 = arith.constant 0 : i32
      %lt3A_82 = arith.cmpi slt, %select_n3A_75, %lt3A_81 : i32
      %ne3A_83 = arith.xori %lt3A_80, %lt3A_82 : i1
      %and3A_84 = arith.andi %ne3A_83, %ne3A_78 : i1
      %add3A_85 = arith.addi %rem3A_76, %select_n3A_75 : i32
      %select_n3A_86 = arith.select %and3A_84, %add3A_85, %rem3A_76 : i32
      %add3A_87 = arith.constant 1 : i32
      %add3A_88 = arith.addi %scan3A_56, %add3A_87 : i32
      %min3A = arith.constant 79 : i32
      %min3A_89 = arith.minsi %add3A_88, %min3A : i32
      %dma_start3A_90 = arith.constant 0 : i32
      %dma_start3A_91 = arith.constant 0 : i32
      %dma_start3A_92 = tpu.memref_slice %arg10[%select_n3A_86, %dma_start3A_90, %dma_start3A_91] : memref<2x64x256xf32, #tpu.memory_space<vmem>> -> memref<1x64x256xf32, #tpu.memory_space<vmem>>
      %dma_start3A_93 = tpu.memref_squeeze %dma_start3A_92 : memref<1x64x256xf32, #tpu.memory_space<vmem>> -> memref<64x256xf32, #tpu.memory_space<vmem>>
      %dma_start3A_94 = arith.constant 0 : i32
      %dma_start3A_95 = tpu.memref_slice %arg8[%min3A_89, %dma_start3A_94] : memref<80x64xi32, #tpu.memory_space<vmem>> -> memref<1x64xi32, #tpu.memory_space<vmem>>
      %dma_start3A_96 = tpu.memref_squeeze %dma_start3A_95 : memref<1x64xi32, #tpu.memory_space<vmem>> -> memref<64xi32, #tpu.memory_space<vmem>>
      %dma_start3A_97 = arith.constant 0 : i32
      %dma_start3A_98 = arith.constant 0 : i32
      %dma_start3A_99 = tpu.memref_slice %arg2[%dma_start3A_97, %dma_start3A_98] : memref<10000x256xf32, #tpu.memory_space<hbm>> -> memref<10000x256xf32, #tpu.memory_space<hbm>>
      tpu.enqueue_indirect_dma source(%dma_start3A_99 : memref<10000x256xf32, #tpu.memory_space<hbm>>) target(%dma_start3A_93 : memref<64x256xf32, #tpu.memory_space<vmem>>) offsets(%dma_start3A_96 : memref<64xi32, #tpu.memory_space<vmem>>) semaphore(%arg12 : memref<!tpu.dma_semaphore, #tpu.memory_space<semaphore_mem>>)
      %dma_start3A_100 = arith.constant 0 : i32
      %dma_start3A_101 = arith.constant 0 : i32
      %dma_start3A_102 = tpu.memref_slice %arg11[%select_n3A_86, %dma_start3A_100, %dma_start3A_101] : memref<2x64x256xf32, #tpu.memory_space<vmem>> -> memref<1x64x256xf32, #tpu.memory_space<vmem>>
      %dma_start3A_103 = tpu.memref_squeeze %dma_start3A_102 : memref<1x64x256xf32, #tpu.memory_space<vmem>> -> memref<64x256xf32, #tpu.memory_space<vmem>>
      %dma_start3A_104 = arith.constant 0 : i32
      %dma_start3A_105 = tpu.memref_slice %arg9[%min3A_89, %dma_start3A_104] : memref<80x64xi32, #tpu.memory_space<vmem>> -> memref<1x64xi32, #tpu.memory_space<vmem>>
      %dma_start3A_106 = tpu.memref_squeeze %dma_start3A_105 : memref<1x64xi32, #tpu.memory_space<vmem>> -> memref<64xi32, #tpu.memory_space<vmem>>
      %dma_start3A_107 = arith.constant 0 : i32
      %dma_start3A_108 = arith.constant 0 : i32
      %dma_start3A_109 = tpu.memref_slice %arg3[%dma_start3A_107, %dma_start3A_108] : memref<20000x256xf32, #tpu.memory_space<hbm>> -> memref<20000x256xf32, #tpu.memory_space<hbm>>
      tpu.enqueue_indirect_dma source(%dma_start3A_109 : memref<20000x256xf32, #tpu.memory_space<hbm>>) target(%dma_start3A_103 : memref<64x256xf32, #tpu.memory_space<vmem>>) offsets(%dma_start3A_106 : memref<64xi32, #tpu.memory_space<vmem>>) semaphore(%arg13 : memref<!tpu.dma_semaphore, #tpu.memory_space<semaphore_mem>>)
      %dma_wait3A_110 = arith.constant 0 : i32
      %dma_wait3A_111 = arith.constant 0 : i32
      %dma_wait3A_112 = tpu.memref_slice %arg10[%select_n3A_68, %dma_wait3A_110, %dma_wait3A_111] : memref<2x64x256xf32, #tpu.memory_space<vmem>> -> memref<1x64x256xf32, #tpu.memory_space<vmem>>
      %dma_wait3A_113 = tpu.memref_squeeze %dma_wait3A_112 : memref<1x64x256xf32, #tpu.memory_space<vmem>> -> memref<64x256xf32, #tpu.memory_space<vmem>>
      %dma_wait3A_114 = arith.constant 0 : i32
      %dma_wait3A_115 = tpu.memref_slice %arg8[%scan3A_56, %dma_wait3A_114] : memref<80x64xi32, #tpu.memory_space<vmem>> -> memref<1x64xi32, #tpu.memory_space<vmem>>
      %dma_wait3A_116 = tpu.memref_squeeze %dma_wait3A_115 : memref<1x64xi32, #tpu.memory_space<vmem>> -> memref<64xi32, #tpu.memory_space<vmem>>
      %dma_wait3A_117 = arith.constant 0 : i32
      %dma_wait3A_118 = arith.constant 0 : i32
      %dma_wait3A_119 = tpu.memref_slice %arg2[%dma_wait3A_117, %dma_wait3A_118] : memref<10000x256xf32, #tpu.memory_space<hbm>> -> memref<10000x256xf32, #tpu.memory_space<hbm>>
      tpu.wait_indirect_dma semaphore(%arg12 : memref<!tpu.dma_semaphore, #tpu.memory_space<semaphore_mem>>) src(%dma_wait3A_119 : memref<10000x256xf32, #tpu.memory_space<hbm>>) dst(%dma_wait3A_113 : memref<64x256xf32, #tpu.memory_space<vmem>>)
      "tpu.region"() ({
        %run_scoped3A = tpu.sem_alloc : memref<!tpu.dma_semaphore, #tpu.memory_space<semaphore_mem>>
        %dma_start3A_130 = arith.constant 0 : i32
        %dma_start3A_131 = arith.constant 0 : i32
        %dma_start3A_132 = tpu.memref_slice %arg10[%select_n3A_68, %dma_start3A_130, %dma_start3A_131] : memref<2x64x256xf32, #tpu.memory_space<vmem>> -> memref<1x64x256xf32, #tpu.memory_space<vmem>>
        %dma_start3A_133 = tpu.memref_squeeze %dma_start3A_132 : memref<1x64x256xf32, #tpu.memory_space<vmem>> -> memref<64x256xf32, #tpu.memory_space<vmem>>
        %dma_start3A_134 = arith.constant 0 : i32
        %dma_start3A_135 = tpu.memref_slice %arg6[%add3A_59, %dma_start3A_134] : memref<163840x256xf32, #tpu.memory_space<hbm>> -> memref<64x256xf32, #tpu.memory_space<hbm>>
        %dma_start3A_136 = arith.constant 0 : i32
        %dma_start3A_137 = tpu.memref_slice %arg6[%add3A_59, %dma_start3A_136] : memref<163840x256xf32, #tpu.memory_space<hbm>> -> memref<64x256xf32, #tpu.memory_space<hbm>>
        %dma_start3A_138 = arith.constant 0 : i32
        %dma_start3A_139 = arith.constant 0 : i32
        %dma_start3A_140 = tpu.memref_slice %arg10[%select_n3A_68, %dma_start3A_138, %dma_start3A_139] : memref<2x64x256xf32, #tpu.memory_space<vmem>> -> memref<1x64x256xf32, #tpu.memory_space<vmem>>
        %dma_start3A_141 = tpu.memref_squeeze %dma_start3A_140 : memref<1x64x256xf32, #tpu.memory_space<vmem>> -> memref<64x256xf32, #tpu.memory_space<vmem>>
        tpu.enqueue_dma source(%dma_start3A_141 : memref<64x256xf32, #tpu.memory_space<vmem>>) target(%dma_start3A_137 : memref<64x256xf32, #tpu.memory_space<hbm>>) target_semaphore(%run_scoped3A : memref<!tpu.dma_semaphore, #tpu.memory_space<semaphore_mem>>)
        %dma_wait3A_142 = arith.constant 0 : i32
        %dma_wait3A_143 = arith.constant 0 : i32
        %dma_wait3A_144 = tpu.memref_slice %arg10[%select_n3A_68, %dma_wait3A_142, %dma_wait3A_143] : memref<2x64x256xf32, #tpu.memory_space<vmem>> -> memref<1x64x256xf32, #tpu.memory_space<vmem>>
        %dma_wait3A_145 = tpu.memref_squeeze %dma_wait3A_144 : memref<1x64x256xf32, #tpu.memory_space<vmem>> -> memref<64x256xf32, #tpu.memory_space<vmem>>
        %dma_wait3A_146 = arith.constant 0 : i32
        %dma_wait3A_147 = tpu.memref_slice %arg6[%add3A_59, %dma_wait3A_146] : memref<163840x256xf32, #tpu.memory_space<hbm>> -> memref<64x256xf32, #tpu.memory_space<hbm>>
        %dma_wait3A_148 = arith.constant 0 : i32
        %dma_wait3A_149 = tpu.memref_slice %arg6[%add3A_59, %dma_wait3A_148] : memref<163840x256xf32, #tpu.memory_space<hbm>> -> memref<64x256xf32, #tpu.memory_space<hbm>>
        %dma_wait3A_150 = arith.constant 0 : i32
        %dma_wait3A_151 = arith.constant 0 : i32
        %dma_wait3A_152 = tpu.memref_slice %arg10[%select_n3A_68, %dma_wait3A_150, %dma_wait3A_151] : memref<2x64x256xf32, #tpu.memory_space<vmem>> -> memref<1x64x256xf32, #tpu.memory_space<vmem>>
        %dma_wait3A_153 = tpu.memref_squeeze %dma_wait3A_152 : memref<1x64x256xf32, #tpu.memory_space<vmem>> -> memref<64x256xf32, #tpu.memory_space<vmem>>
        tpu.wait_dma2 semaphore(%run_scoped3A : memref<!tpu.dma_semaphore, #tpu.memory_space<semaphore_mem>>) src(%dma_wait3A_153 : memref<64x256xf32, #tpu.memory_space<vmem>>) dst(%dma_wait3A_149 : memref<64x256xf32, #tpu.memory_space<hbm>>)
        tpu.yield
      }) : () -> ()
      %dma_wait3A_120 = arith.constant 0 : i32
      %dma_wait3A_121 = arith.constant 0 : i32
      %dma_wait3A_122 = tpu.memref_slice %arg11[%select_n3A_68, %dma_wait3A_120, %dma_wait3A_121] : memref<2x64x256xf32, #tpu.memory_space<vmem>> -> memref<1x64x256xf32, #tpu.memory_space<vmem>>
      %dma_wait3A_123 = tpu.memref_squeeze %dma_wait3A_122 : memref<1x64x256xf32, #tpu.memory_space<vmem>> -> memref<64x256xf32, #tpu.memory_space<vmem>>
      %dma_wait3A_124 = arith.constant 0 : i32
      %dma_wait3A_125 = tpu.memref_slice %arg9[%scan3A_56, %dma_wait3A_124] : memref<80x64xi32, #tpu.memory_space<vmem>> -> memref<1x64xi32, #tpu.memory_space<vmem>>
      %dma_wait3A_126 = tpu.memref_squeeze %dma_wait3A_125 : memref<1x64xi32, #tpu.memory_space<vmem>> -> memref<64xi32, #tpu.memory_space<vmem>>
      %dma_wait3A_127 = arith.constant 0 : i32
      %dma_wait3A_128 = arith.constant 0 : i32
      %dma_wait3A_129 = tpu.memref_slice %arg3[%dma_wait3A_127, %dma_wait3A_128] : memref<20000x256xf32, #tpu.memory_space<hbm>> -> memref<20000x256xf32, #tpu.memory_space<hbm>>
      tpu.wait_indirect_dma semaphore(%arg13 : memref<!tpu.dma_semaphore, #tpu.memory_space<semaphore_mem>>) src(%dma_wait3A_129 : memref<20000x256xf32, #tpu.memory_space<hbm>>) dst(%dma_wait3A_123 : memref<64x256xf32, #tpu.memory_space<vmem>>)
      "tpu.region"() ({
        %run_scoped3A = tpu.sem_alloc : memref<!tpu.dma_semaphore, #tpu.memory_space<semaphore_mem>>
        %dma_start3A_130 = arith.constant 0 : i32
        %dma_start3A_131 = arith.constant 0 : i32
        %dma_start3A_132 = tpu.memref_slice %arg11[%select_n3A_68, %dma_start3A_130, %dma_start3A_131] : memref<2x64x256xf32, #tpu.memory_space<vmem>> -> memref<1x64x256xf32, #tpu.memory_space<vmem>>
        %dma_start3A_133 = tpu.memref_squeeze %dma_start3A_132 : memref<1x64x256xf32, #tpu.memory_space<vmem>> -> memref<64x256xf32, #tpu.memory_space<vmem>>
        %dma_start3A_134 = arith.constant 0 : i32
        %dma_start3A_135 = tpu.memref_slice %arg7[%add3A_59, %dma_start3A_134] : memref<163840x256xf32, #tpu.memory_space<hbm>> -> memref<64x256xf32, #tpu.memory_space<hbm>>
        %dma_start3A_136 = arith.constant 0 : i32
        %dma_start3A_137 = tpu.memref_slice %arg7[%add3A_59, %dma_start3A_136] : memref<163840x256xf32, #tpu.memory_space<hbm>> -> memref<64x256xf32, #tpu.memory_space<hbm>>
        %dma_start3A_138 = arith.constant 0 : i32
        %dma_start3A_139 = arith.constant 0 : i32
        %dma_start3A_140 = tpu.memref_slice %arg11[%select_n3A_68, %dma_start3A_138, %dma_start3A_139] : memref<2x64x256xf32, #tpu.memory_space<vmem>> -> memref<1x64x256xf32, #tpu.memory_space<vmem>>
        %dma_start3A_141 = tpu.memref_squeeze %dma_start3A_140 : memref<1x64x256xf32, #tpu.memory_space<vmem>> -> memref<64x256xf32, #tpu.memory_space<vmem>>
        tpu.enqueue_dma source(%dma_start3A_141 : memref<64x256xf32, #tpu.memory_space<vmem>>) target(%dma_start3A_137 : memref<64x256xf32, #tpu.memory_space<hbm>>) target_semaphore(%run_scoped3A : memref<!tpu.dma_semaphore, #tpu.memory_space<semaphore_mem>>)
        %dma_wait3A_142 = arith.constant 0 : i32
        %dma_wait3A_143 = arith.constant 0 : i32
        %dma_wait3A_144 = tpu.memref_slice %arg11[%select_n3A_68, %dma_wait3A_142, %dma_wait3A_143] : memref<2x64x256xf32, #tpu.memory_space<vmem>> -> memref<1x64x256xf32, #tpu.memory_space<vmem>>
        %dma_wait3A_145 = tpu.memref_squeeze %dma_wait3A_144 : memref<1x64x256xf32, #tpu.memory_space<vmem>> -> memref<64x256xf32, #tpu.memory_space<vmem>>
        %dma_wait3A_146 = arith.constant 0 : i32
        %dma_wait3A_147 = tpu.memref_slice %arg7[%add3A_59, %dma_wait3A_146] : memref<163840x256xf32, #tpu.memory_space<hbm>> -> memref<64x256xf32, #tpu.memory_space<hbm>>
        %dma_wait3A_148 = arith.constant 0 : i32
        %dma_wait3A_149 = tpu.memref_slice %arg7[%add3A_59, %dma_wait3A_148] : memref<163840x256xf32, #tpu.memory_space<hbm>> -> memref<64x256xf32, #tpu.memory_space<hbm>>
        %dma_wait3A_150 = arith.constant 0 : i32
        %dma_wait3A_151 = arith.constant 0 : i32
        %dma_wait3A_152 = tpu.memref_slice %arg11[%select_n3A_68, %dma_wait3A_150, %dma_wait3A_151] : memref<2x64x256xf32, #tpu.memory_space<vmem>> -> memref<1x64x256xf32, #tpu.memory_space<vmem>>
        %dma_wait3A_153 = tpu.memref_squeeze %dma_wait3A_152 : memref<1x64x256xf32, #tpu.memory_space<vmem>> -> memref<64x256xf32, #tpu.memory_space<vmem>>
        tpu.wait_dma2 semaphore(%run_scoped3A : memref<!tpu.dma_semaphore, #tpu.memory_space<semaphore_mem>>) src(%dma_wait3A_153 : memref<64x256xf32, #tpu.memory_space<vmem>>) dst(%dma_wait3A_149 : memref<64x256xf32, #tpu.memory_space<hbm>>)
        tpu.yield
      }) : () -> ()
    }
    %scan3A_32 = arith.constant 80 : i32
    %dma_wait3A = arith.constant 0 : i32
    %dma_wait3A_33 = arith.constant 0 : i32
    %dma_wait3A_34 = arith.constant 0 : i32
    %dma_wait3A_35 = arith.constant 0 : i32
    %dma_wait3A_36 = tpu.memref_slice %arg10[%dma_wait3A_33, %dma_wait3A_34, %dma_wait3A_35] : memref<2x64x256xf32, #tpu.memory_space<vmem>> -> memref<1x64x256xf32, #tpu.memory_space<vmem>>
    %dma_wait3A_37 = tpu.memref_squeeze %dma_wait3A_36 : memref<1x64x256xf32, #tpu.memory_space<vmem>> -> memref<64x256xf32, #tpu.memory_space<vmem>>
    %dma_wait3A_38 = arith.constant 0 : i32
    %dma_wait3A_39 = tpu.memref_slice %arg8[%dma_wait3A, %dma_wait3A_38] : memref<80x64xi32, #tpu.memory_space<vmem>> -> memref<1x64xi32, #tpu.memory_space<vmem>>
    %dma_wait3A_40 = tpu.memref_squeeze %dma_wait3A_39 : memref<1x64xi32, #tpu.memory_space<vmem>> -> memref<64xi32, #tpu.memory_space<vmem>>
    %dma_wait3A_41 = arith.constant 0 : i32
    %dma_wait3A_42 = arith.constant 0 : i32
    %dma_wait3A_43 = tpu.memref_slice %arg2[%dma_wait3A_41, %dma_wait3A_42] : memref<10000x256xf32, #tpu.memory_space<hbm>> -> memref<10000x256xf32, #tpu.memory_space<hbm>>
    tpu.wait_indirect_dma semaphore(%arg12 : memref<!tpu.dma_semaphore, #tpu.memory_space<semaphore_mem>>) src(%dma_wait3A_43 : memref<10000x256xf32, #tpu.memory_space<hbm>>) dst(%dma_wait3A_37 : memref<64x256xf32, #tpu.memory_space<vmem>>)
    %dma_wait3A_44 = arith.constant 0 : i32
    %dma_wait3A_45 = arith.constant 0 : i32
    %dma_wait3A_46 = arith.constant 0 : i32
    %dma_wait3A_47 = arith.constant 0 : i32
    %dma_wait3A_48 = tpu.memref_slice %arg11[%dma_wait3A_45, %dma_wait3A_46, %dma_wait3A_47] : memref<2x64x256xf32, #tpu.memory_space<vmem>> -> memref<1x64x256xf32, #tpu.memory_space<vmem>>
    %dma_wait3A_49 = tpu.memref_squeeze %dma_wait3A_48 : memref<1x64x256xf32, #tpu.memory_space<vmem>> -> memref<64x256xf32, #tpu.memory_space<vmem>>
    %dma_wait3A_50 = arith.constant 0 : i32
    %dma_wait3A_51 = tpu.memref_slice %arg9[%dma_wait3A_44, %dma_wait3A_50] : memref<80x64xi32, #tpu.memory_space<vmem>> -> memref<1x64xi32, #tpu.memory_space<vmem>>
    %dma_wait3A_52 = tpu.memref_squeeze %dma_wait3A_51 : memref<1x64xi32, #tpu.memory_space<vmem>> -> memref<64xi32, #tpu.memory_space<vmem>>
    %dma_wait3A_53 = arith.constant 0 : i32
    %dma_wait3A_54 = arith.constant 0 : i32
    %dma_wait3A_55 = tpu.memref_slice %arg3[%dma_wait3A_53, %dma_wait3A_54] : memref<20000x256xf32, #tpu.memory_space<hbm>> -> memref<20000x256xf32, #tpu.memory_space<hbm>>
    tpu.wait_indirect_dma semaphore(%arg13 : memref<!tpu.dma_semaphore, #tpu.memory_space<semaphore_mem>>) src(%dma_wait3A_55 : memref<20000x256xf32, #tpu.memory_space<hbm>>) dst(%dma_wait3A_49 : memref<64x256xf32, #tpu.memory_space<vmem>>)
    return
  }
}

#map = affine_map<(d0, d1) -> (0, 0)>
#map1 = affine_map<(d0, d1) -> (0, 0, 0)>
module attributes {stable_mosaic.version = 14 : i64} {
  func.func @_sc_scatter_body(%arg0: i32, %arg1: i32, %arg2: memref<163840x128xf32, #tpu.memory_space<hbm>>, %arg3: memref<163840x128xf32, #tpu.memory_space<hbm>>, %arg4: memref<1280x128xi32, #tpu.memory_space<hbm>>, %arg5: memref<10112x128xf32, #tpu.memory_space<hbm>>, %arg6: memref<2x10112x128xf32, #tpu.memory_space<hbm>>, %arg7: memref<2x10112x128xf32, #tpu.memory_space<hbm>>, %arg8: memref<40x128xi32, #tpu.memory_space<vmem>>, %arg9: memref<2x128x128xf32, #tpu.memory_space<vmem>>, %arg10: memref<10112x128xf32, #tpu.memory_space<vmem_shared>>, %arg11: memref<!tpu.dma_semaphore, #tpu.memory_space<semaphore_mem>>) attributes {dimension_semantics = [#tpu.dimension_semantics<core_parallel>, #tpu.dimension_semantics<subcore_parallel>], iteration_bounds = array<i64: 2, 16>, scalar_prefetch = 0 : i64, scratch_operands = 4 : i64, tpu.core_type = #tpu.core_type<sc_vector_subcore>, window_params = [{transform_indices = #map}, {transform_indices = #map}, {transform_indices = #map}, {transform_indices = #map}, {transform_indices = #map1}, {transform_indices = #map1}]} {
    %mul3A = arith.constant 16 : i32
    %mul3A_0 = arith.muli %arg0, %mul3A : i32
    %add3A = arith.addi %mul3A_0, %arg1 : i32
    %mul3A_1 = arith.constant 5120 : i32
    %mul3A_2 = arith.muli %add3A, %mul3A_1 : i32
    %mul3A_3 = arith.constant 632 : i32
    %mul3A_4 = arith.muli %arg1, %mul3A_3 : i32
    %mul3A_5 = arith.constant 40 : i32
    %mul3A_6 = arith.muli %add3A, %mul3A_5 : i32
    "tpu.region"() ({
      %run_scoped3A = tpu.sem_alloc : memref<!tpu.dma_semaphore, #tpu.memory_space<semaphore_mem>>
      %dma_start3A_73 = arith.constant 0 : i32
      %dma_start3A_74 = tpu.memref_slice %arg4[%mul3A_6, %dma_start3A_73] : memref<1280x128xi32, #tpu.memory_space<hbm>> -> memref<40x128xi32, #tpu.memory_space<hbm>>
      %dma_start3A_75 = arith.constant 0 : i32
      %dma_start3A_76 = tpu.memref_slice %arg4[%mul3A_6, %dma_start3A_75] : memref<1280x128xi32, #tpu.memory_space<hbm>> -> memref<40x128xi32, #tpu.memory_space<hbm>>
      tpu.enqueue_dma source(%dma_start3A_76 : memref<40x128xi32, #tpu.memory_space<hbm>>) target(%arg8 : memref<40x128xi32, #tpu.memory_space<vmem>>) target_semaphore(%run_scoped3A : memref<!tpu.dma_semaphore, #tpu.memory_space<semaphore_mem>>)
      %dma_wait3A_77 = arith.constant 0 : i32
      %dma_wait3A_78 = tpu.memref_slice %arg4[%mul3A_6, %dma_wait3A_77] : memref<1280x128xi32, #tpu.memory_space<hbm>> -> memref<40x128xi32, #tpu.memory_space<hbm>>
      %dma_wait3A_79 = arith.constant 0 : i32
      %dma_wait3A_80 = tpu.memref_slice %arg4[%mul3A_6, %dma_wait3A_79] : memref<1280x128xi32, #tpu.memory_space<hbm>> -> memref<40x128xi32, #tpu.memory_space<hbm>>
      tpu.wait_dma2 semaphore(%run_scoped3A : memref<!tpu.dma_semaphore, #tpu.memory_space<semaphore_mem>>) src(%dma_wait3A_80 : memref<40x128xi32, #tpu.memory_space<hbm>>) dst(%arg8 : memref<40x128xi32, #tpu.memory_space<vmem>>)
      tpu.yield
    }) : () -> ()
    "tpu.region"() ({
      %run_scoped3A = tpu.sem_alloc : memref<!tpu.dma_semaphore, #tpu.memory_space<semaphore_mem>>
      %dma_start3A_73 = arith.constant 0 : i32
      %dma_start3A_74 = tpu.memref_slice %arg10[%mul3A_4, %dma_start3A_73] : memref<10112x128xf32, #tpu.memory_space<vmem_shared>> -> memref<632x128xf32, #tpu.memory_space<vmem_shared>>
      %dma_start3A_75 = arith.constant 0 : i32
      %dma_start3A_76 = tpu.memref_slice %arg5[%mul3A_4, %dma_start3A_75] : memref<10112x128xf32, #tpu.memory_space<hbm>> -> memref<632x128xf32, #tpu.memory_space<hbm>>
      tpu.enqueue_dma source(%dma_start3A_76 : memref<632x128xf32, #tpu.memory_space<hbm>>) target(%dma_start3A_74 : memref<632x128xf32, #tpu.memory_space<vmem_shared>>) target_semaphore(%run_scoped3A : memref<!tpu.dma_semaphore, #tpu.memory_space<semaphore_mem>>)
      %dma_wait3A_77 = arith.constant 0 : i32
      %dma_wait3A_78 = tpu.memref_slice %arg10[%mul3A_4, %dma_wait3A_77] : memref<10112x128xf32, #tpu.memory_space<vmem_shared>> -> memref<632x128xf32, #tpu.memory_space<vmem_shared>>
      %dma_wait3A_79 = arith.constant 0 : i32
      %dma_wait3A_80 = tpu.memref_slice %arg5[%mul3A_4, %dma_wait3A_79] : memref<10112x128xf32, #tpu.memory_space<hbm>> -> memref<632x128xf32, #tpu.memory_space<hbm>>
      tpu.wait_dma2 semaphore(%run_scoped3A : memref<!tpu.dma_semaphore, #tpu.memory_space<semaphore_mem>>) src(%dma_wait3A_80 : memref<632x128xf32, #tpu.memory_space<hbm>>) dst(%dma_wait3A_78 : memref<632x128xf32, #tpu.memory_space<vmem_shared>>)
      tpu.yield
    }) : () -> ()
    %barrier3A = arith.constant 0 : index
    tpu.barrier barrier_id(%barrier3A)
    %dma_start3A = arith.constant 0 : i32
    %dma_start3A_7 = arith.constant 0 : i32
    %dma_start3A_8 = arith.constant 0 : i32
    %dma_start3A_9 = tpu.memref_slice %arg9[%dma_start3A, %dma_start3A_7, %dma_start3A_8] : memref<2x128x128xf32, #tpu.memory_space<vmem>> -> memref<1x128x128xf32, #tpu.memory_space<vmem>>
    %dma_start3A_10 = tpu.memref_squeeze %dma_start3A_9 : memref<1x128x128xf32, #tpu.memory_space<vmem>> -> memref<128x128xf32, #tpu.memory_space<vmem>>
    %dma_start3A_11 = arith.constant 0 : i32
    %dma_start3A_12 = tpu.memref_slice %arg2[%mul3A_2, %dma_start3A_11] : memref<163840x128xf32, #tpu.memory_space<hbm>> -> memref<128x128xf32, #tpu.memory_space<hbm>>
    %dma_start3A_13 = arith.constant 0 : i32
    %dma_start3A_14 = arith.constant 0 : i32
    %dma_start3A_15 = tpu.memref_slice %arg9[%dma_start3A, %dma_start3A_13, %dma_start3A_14] : memref<2x128x128xf32, #tpu.memory_space<vmem>> -> memref<1x128x128xf32, #tpu.memory_space<vmem>>
    %dma_start3A_16 = tpu.memref_squeeze %dma_start3A_15 : memref<1x128x128xf32, #tpu.memory_space<vmem>> -> memref<128x128xf32, #tpu.memory_space<vmem>>
    %dma_start3A_17 = arith.constant 0 : i32
    %dma_start3A_18 = tpu.memref_slice %arg2[%mul3A_2, %dma_start3A_17] : memref<163840x128xf32, #tpu.memory_space<hbm>> -> memref<128x128xf32, #tpu.memory_space<hbm>>
    tpu.enqueue_dma source(%dma_start3A_18 : memref<128x128xf32, #tpu.memory_space<hbm>>) target(%dma_start3A_16 : memref<128x128xf32, #tpu.memory_space<vmem>>) target_semaphore(%arg11 : memref<!tpu.dma_semaphore, #tpu.memory_space<semaphore_mem>>)
    %scan3A = arith.constant 0 : i32
    %scan3A_19 = arith.constant 0 : i32
    %scan3A_20 = arith.constant 40 : i32
    %scan3A_21 = arith.addi %scan3A_19, %scan3A_20 : i32
    %scan3A_22 = arith.constant 1 : i32
    scf.for %scan3A_73 = %scan3A_19 to %scan3A_21 step %scan3A_22  : i32 {
      %jit3A = arith.constant 2 : i32
      %eq3A = arith.constant 0 : i32
      %eq3A_74 = arith.cmpi eq, %jit3A, %eq3A : i32
      %jit3A_75 = arith.constant 1 : i32
      %select_n3A = arith.select %eq3A_74, %jit3A_75, %jit3A : i32
      %rem3A = arith.remsi %scan3A_73, %select_n3A : i32
      %ne3A = arith.constant 0 : i32
      %ne3A_76 = arith.cmpi ne, %rem3A, %ne3A : i32
      %lt3A = arith.constant 0 : i32
      %lt3A_77 = arith.cmpi slt, %rem3A, %lt3A : i32
      %lt3A_78 = arith.constant 0 : i32
      %lt3A_79 = arith.cmpi slt, %select_n3A, %lt3A_78 : i32
      %ne3A_80 = arith.xori %lt3A_77, %lt3A_79 : i1
      %and3A = arith.andi %ne3A_80, %ne3A_76 : i1
      %add3A_81 = arith.addi %rem3A, %select_n3A : i32
      %select_n3A_82 = arith.select %and3A, %add3A_81, %rem3A : i32
      %add3A_83 = arith.constant 1 : i32
      %add3A_84 = arith.addi %scan3A_73, %add3A_83 : i32
      %jit3A_85 = arith.constant 2 : i32
      %eq3A_86 = arith.constant 0 : i32
      %eq3A_87 = arith.cmpi eq, %jit3A_85, %eq3A_86 : i32
      %jit3A_88 = arith.constant 1 : i32
      %select_n3A_89 = arith.select %eq3A_87, %jit3A_88, %jit3A_85 : i32
      %rem3A_90 = arith.remsi %add3A_84, %select_n3A_89 : i32
      %ne3A_91 = arith.constant 0 : i32
      %ne3A_92 = arith.cmpi ne, %rem3A_90, %ne3A_91 : i32
      %lt3A_93 = arith.constant 0 : i32
      %lt3A_94 = arith.cmpi slt, %rem3A_90, %lt3A_93 : i32
      %lt3A_95 = arith.constant 0 : i32
      %lt3A_96 = arith.cmpi slt, %select_n3A_89, %lt3A_95 : i32
      %ne3A_97 = arith.xori %lt3A_94, %lt3A_96 : i1
      %and3A_98 = arith.andi %ne3A_97, %ne3A_92 : i1
      %add3A_99 = arith.addi %rem3A_90, %select_n3A_89 : i32
      %select_n3A_100 = arith.select %and3A_98, %add3A_99, %rem3A_90 : i32
      %add3A_101 = arith.constant 1 : i32
      %add3A_102 = arith.addi %scan3A_73, %add3A_101 : i32
      %min3A = arith.constant 39 : i32
      %min3A_103 = arith.minsi %add3A_102, %min3A : i32
      %mul3A_104 = arith.constant 128 : i32
      %mul3A_105 = arith.muli %min3A_103, %mul3A_104 : i32
      %add3A_106 = arith.addi %mul3A_2, %mul3A_105 : i32
      %dma_start3A_107 = arith.constant 0 : i32
      %dma_start3A_108 = arith.constant 0 : i32
      %dma_start3A_109 = tpu.memref_slice %arg9[%select_n3A_100, %dma_start3A_107, %dma_start3A_108] : memref<2x128x128xf32, #tpu.memory_space<vmem>> -> memref<1x128x128xf32, #tpu.memory_space<vmem>>
      %dma_start3A_110 = tpu.memref_squeeze %dma_start3A_109 : memref<1x128x128xf32, #tpu.memory_space<vmem>> -> memref<128x128xf32, #tpu.memory_space<vmem>>
      %dma_start3A_111 = arith.constant 0 : i32
      %dma_start3A_112 = tpu.memref_slice %arg2[%add3A_106, %dma_start3A_111] : memref<163840x128xf32, #tpu.memory_space<hbm>> -> memref<128x128xf32, #tpu.memory_space<hbm>>
      %dma_start3A_113 = arith.constant 0 : i32
      %dma_start3A_114 = arith.constant 0 : i32
      %dma_start3A_115 = tpu.memref_slice %arg9[%select_n3A_100, %dma_start3A_113, %dma_start3A_114] : memref<2x128x128xf32, #tpu.memory_space<vmem>> -> memref<1x128x128xf32, #tpu.memory_space<vmem>>
      %dma_start3A_116 = tpu.memref_squeeze %dma_start3A_115 : memref<1x128x128xf32, #tpu.memory_space<vmem>> -> memref<128x128xf32, #tpu.memory_space<vmem>>
      %dma_start3A_117 = arith.constant 0 : i32
      %dma_start3A_118 = tpu.memref_slice %arg2[%add3A_106, %dma_start3A_117] : memref<163840x128xf32, #tpu.memory_space<hbm>> -> memref<128x128xf32, #tpu.memory_space<hbm>>
      tpu.enqueue_dma source(%dma_start3A_118 : memref<128x128xf32, #tpu.memory_space<hbm>>) target(%dma_start3A_116 : memref<128x128xf32, #tpu.memory_space<vmem>>) target_semaphore(%arg11 : memref<!tpu.dma_semaphore, #tpu.memory_space<semaphore_mem>>)
      %mul3A_119 = arith.constant 128 : i32
      %mul3A_120 = arith.muli %scan3A_73, %mul3A_119 : i32
      %add3A_121 = arith.addi %mul3A_2, %mul3A_120 : i32
      %dma_wait3A_122 = arith.constant 0 : i32
      %dma_wait3A_123 = arith.constant 0 : i32
      %dma_wait3A_124 = tpu.memref_slice %arg9[%select_n3A_82, %dma_wait3A_122, %dma_wait3A_123] : memref<2x128x128xf32, #tpu.memory_space<vmem>> -> memref<1x128x128xf32, #tpu.memory_space<vmem>>
      %dma_wait3A_125 = tpu.memref_squeeze %dma_wait3A_124 : memref<1x128x128xf32, #tpu.memory_space<vmem>> -> memref<128x128xf32, #tpu.memory_space<vmem>>
      %dma_wait3A_126 = arith.constant 0 : i32
      %dma_wait3A_127 = tpu.memref_slice %arg2[%add3A_121, %dma_wait3A_126] : memref<163840x128xf32, #tpu.memory_space<hbm>> -> memref<128x128xf32, #tpu.memory_space<hbm>>
      %dma_wait3A_128 = arith.constant 0 : i32
      %dma_wait3A_129 = arith.constant 0 : i32
      %dma_wait3A_130 = tpu.memref_slice %arg9[%select_n3A_82, %dma_wait3A_128, %dma_wait3A_129] : memref<2x128x128xf32, #tpu.memory_space<vmem>> -> memref<1x128x128xf32, #tpu.memory_space<vmem>>
      %dma_wait3A_131 = tpu.memref_squeeze %dma_wait3A_130 : memref<1x128x128xf32, #tpu.memory_space<vmem>> -> memref<128x128xf32, #tpu.memory_space<vmem>>
      %dma_wait3A_132 = arith.constant 0 : i32
      %dma_wait3A_133 = tpu.memref_slice %arg2[%add3A_121, %dma_wait3A_132] : memref<163840x128xf32, #tpu.memory_space<hbm>> -> memref<128x128xf32, #tpu.memory_space<hbm>>
      tpu.wait_dma2 semaphore(%arg11 : memref<!tpu.dma_semaphore, #tpu.memory_space<semaphore_mem>>) src(%dma_wait3A_133 : memref<128x128xf32, #tpu.memory_space<hbm>>) dst(%dma_wait3A_131 : memref<128x128xf32, #tpu.memory_space<vmem>>)
      "tpu.region"() ({
        %run_scoped3A = tpu.sem_alloc : memref<!tpu.dma_semaphore, #tpu.memory_space<semaphore_mem>>
        %dma_start3A_134 = arith.constant 0 : i32
        %dma_start3A_135 = arith.constant 0 : i32
        %dma_start3A_136 = tpu.memref_slice %arg9[%select_n3A_82, %dma_start3A_134, %dma_start3A_135] : memref<2x128x128xf32, #tpu.memory_space<vmem>> -> memref<1x128x128xf32, #tpu.memory_space<vmem>>
        %dma_start3A_137 = tpu.memref_squeeze %dma_start3A_136 : memref<1x128x128xf32, #tpu.memory_space<vmem>> -> memref<128x128xf32, #tpu.memory_space<vmem>>
        %dma_start3A_138 = arith.constant 0 : i32
        %dma_start3A_139 = tpu.memref_slice %arg8[%scan3A_73, %dma_start3A_138] : memref<40x128xi32, #tpu.memory_space<vmem>> -> memref<1x128xi32, #tpu.memory_space<vmem>>
        %dma_start3A_140 = tpu.memref_squeeze %dma_start3A_139 : memref<1x128xi32, #tpu.memory_space<vmem>> -> memref<128xi32, #tpu.memory_space<vmem>>
        %dma_start3A_141 = arith.constant 0 : i32
        %dma_start3A_142 = arith.constant 0 : i32
        %dma_start3A_143 = tpu.memref_slice %arg10[%dma_start3A_141, %dma_start3A_142] : memref<10112x128xf32, #tpu.memory_space<vmem_shared>> -> memref<10112x128xf32, #tpu.memory_space<vmem_shared>>
        tpu.enqueue_indirect_dma source(%dma_start3A_137 : memref<128x128xf32, #tpu.memory_space<vmem>>) target(%dma_start3A_143 : memref<10112x128xf32, #tpu.memory_space<vmem_shared>>) offsets(%dma_start3A_140 : memref<128xi32, #tpu.memory_space<vmem>>) semaphore(%run_scoped3A : memref<!tpu.dma_semaphore, #tpu.memory_space<semaphore_mem>>) {add = true}
        %dma_wait3A_144 = arith.constant 0 : i32
        %dma_wait3A_145 = arith.constant 0 : i32
        %dma_wait3A_146 = tpu.memref_slice %arg9[%select_n3A_82, %dma_wait3A_144, %dma_wait3A_145] : memref<2x128x128xf32, #tpu.memory_space<vmem>> -> memref<1x128x128xf32, #tpu.memory_space<vmem>>
        %dma_wait3A_147 = tpu.memref_squeeze %dma_wait3A_146 : memref<1x128x128xf32, #tpu.memory_space<vmem>> -> memref<128x128xf32, #tpu.memory_space<vmem>>
        %dma_wait3A_148 = arith.constant 0 : i32
        %dma_wait3A_149 = tpu.memref_slice %arg8[%scan3A_73, %dma_wait3A_148] : memref<40x128xi32, #tpu.memory_space<vmem>> -> memref<1x128xi32, #tpu.memory_space<vmem>>
        %dma_wait3A_150 = tpu.memref_squeeze %dma_wait3A_149 : memref<1x128xi32, #tpu.memory_space<vmem>> -> memref<128xi32, #tpu.memory_space<vmem>>
        %dma_wait3A_151 = arith.constant 0 : i32
        %dma_wait3A_152 = arith.constant 0 : i32
        %dma_wait3A_153 = tpu.memref_slice %arg10[%dma_wait3A_151, %dma_wait3A_152] : memref<10112x128xf32, #tpu.memory_space<vmem_shared>> -> memref<10112x128xf32, #tpu.memory_space<vmem_shared>>
        tpu.wait_indirect_dma semaphore(%run_scoped3A : memref<!tpu.dma_semaphore, #tpu.memory_space<semaphore_mem>>) src(%dma_wait3A_147 : memref<128x128xf32, #tpu.memory_space<vmem>>) dst(%dma_wait3A_153 : memref<10112x128xf32, #tpu.memory_space<vmem_shared>>)
        tpu.yield
      }) : () -> ()
    }
    %scan3A_23 = arith.constant 40 : i32
    %dma_wait3A = arith.constant 0 : i32
    %dma_wait3A_24 = arith.constant 0 : i32
    %dma_wait3A_25 = arith.constant 0 : i32
    %dma_wait3A_26 = tpu.memref_slice %arg9[%dma_wait3A, %dma_wait3A_24, %dma_wait3A_25] : memref<2x128x128xf32, #tpu.memory_space<vmem>> -> memref<1x128x128xf32, #tpu.memory_space<vmem>>
    %dma_wait3A_27 = tpu.memref_squeeze %dma_wait3A_26 : memref<1x128x128xf32, #tpu.memory_space<vmem>> -> memref<128x128xf32, #tpu.memory_space<vmem>>
    %dma_wait3A_28 = arith.constant 0 : i32
    %dma_wait3A_29 = tpu.memref_slice %arg2[%mul3A_2, %dma_wait3A_28] : memref<163840x128xf32, #tpu.memory_space<hbm>> -> memref<128x128xf32, #tpu.memory_space<hbm>>
    %dma_wait3A_30 = arith.constant 0 : i32
    %dma_wait3A_31 = arith.constant 0 : i32
    %dma_wait3A_32 = tpu.memref_slice %arg9[%dma_wait3A, %dma_wait3A_30, %dma_wait3A_31] : memref<2x128x128xf32, #tpu.memory_space<vmem>> -> memref<1x128x128xf32, #tpu.memory_space<vmem>>
    %dma_wait3A_33 = tpu.memref_squeeze %dma_wait3A_32 : memref<1x128x128xf32, #tpu.memory_space<vmem>> -> memref<128x128xf32, #tpu.memory_space<vmem>>
    %dma_wait3A_34 = arith.constant 0 : i32
    %dma_wait3A_35 = tpu.memref_slice %arg2[%mul3A_2, %dma_wait3A_34] : memref<163840x128xf32, #tpu.memory_space<hbm>> -> memref<128x128xf32, #tpu.memory_space<hbm>>
    tpu.wait_dma2 semaphore(%arg11 : memref<!tpu.dma_semaphore, #tpu.memory_space<semaphore_mem>>) src(%dma_wait3A_35 : memref<128x128xf32, #tpu.memory_space<hbm>>) dst(%dma_wait3A_33 : memref<128x128xf32, #tpu.memory_space<vmem>>)
    %barrier3A_36 = arith.constant 0 : index
    tpu.barrier barrier_id(%barrier3A_36)
    "tpu.region"() ({
      %run_scoped3A = tpu.sem_alloc : memref<!tpu.dma_semaphore, #tpu.memory_space<semaphore_mem>>
      %dma_start3A_73 = arith.constant 0 : i32
      %dma_start3A_74 = tpu.memref_slice %arg6[%arg0, %mul3A_4, %dma_start3A_73] : memref<2x10112x128xf32, #tpu.memory_space<hbm>> -> memref<1x632x128xf32, #tpu.memory_space<hbm>>
      %dma_start3A_75 = tpu.memref_squeeze %dma_start3A_74 : memref<1x632x128xf32, #tpu.memory_space<hbm>> -> memref<632x128xf32, #tpu.memory_space<hbm>>
      %dma_start3A_76 = arith.constant 0 : i32
      %dma_start3A_77 = tpu.memref_slice %arg10[%mul3A_4, %dma_start3A_76] : memref<10112x128xf32, #tpu.memory_space<vmem_shared>> -> memref<632x128xf32, #tpu.memory_space<vmem_shared>>
      tpu.enqueue_dma source(%dma_start3A_77 : memref<632x128xf32, #tpu.memory_space<vmem_shared>>) target(%dma_start3A_75 : memref<632x128xf32, #tpu.memory_space<hbm>>) target_semaphore(%run_scoped3A : memref<!tpu.dma_semaphore, #tpu.memory_space<semaphore_mem>>)
      %dma_wait3A_78 = arith.constant 0 : i32
      %dma_wait3A_79 = tpu.memref_slice %arg6[%arg0, %mul3A_4, %dma_wait3A_78] : memref<2x10112x128xf32, #tpu.memory_space<hbm>> -> memref<1x632x128xf32, #tpu.memory_space<hbm>>
      %dma_wait3A_80 = tpu.memref_squeeze %dma_wait3A_79 : memref<1x632x128xf32, #tpu.memory_space<hbm>> -> memref<632x128xf32, #tpu.memory_space<hbm>>
      %dma_wait3A_81 = arith.constant 0 : i32
      %dma_wait3A_82 = tpu.memref_slice %arg10[%mul3A_4, %dma_wait3A_81] : memref<10112x128xf32, #tpu.memory_space<vmem_shared>> -> memref<632x128xf32, #tpu.memory_space<vmem_shared>>
      tpu.wait_dma2 semaphore(%run_scoped3A : memref<!tpu.dma_semaphore, #tpu.memory_space<semaphore_mem>>) src(%dma_wait3A_82 : memref<632x128xf32, #tpu.memory_space<vmem_shared>>) dst(%dma_wait3A_80 : memref<632x128xf32, #tpu.memory_space<hbm>>)
      tpu.yield
    }) : () -> ()
    %barrier3A_37 = arith.constant 0 : index
    tpu.barrier barrier_id(%barrier3A_37)
    "tpu.region"() ({
      %run_scoped3A = tpu.sem_alloc : memref<!tpu.dma_semaphore, #tpu.memory_space<semaphore_mem>>
      %dma_start3A_73 = arith.constant 0 : i32
      %dma_start3A_74 = tpu.memref_slice %arg10[%mul3A_4, %dma_start3A_73] : memref<10112x128xf32, #tpu.memory_space<vmem_shared>> -> memref<632x128xf32, #tpu.memory_space<vmem_shared>>
      %dma_start3A_75 = arith.constant 0 : i32
      %dma_start3A_76 = tpu.memref_slice %arg5[%mul3A_4, %dma_start3A_75] : memref<10112x128xf32, #tpu.memory_space<hbm>> -> memref<632x128xf32, #tpu.memory_space<hbm>>
      tpu.enqueue_dma source(%dma_start3A_76 : memref<632x128xf32, #tpu.memory_space<hbm>>) target(%dma_start3A_74 : memref<632x128xf32, #tpu.memory_space<vmem_shared>>) target_semaphore(%run_scoped3A : memref<!tpu.dma_semaphore, #tpu.memory_space<semaphore_mem>>)
      %dma_wait3A_77 = arith.constant 0 : i32
      %dma_wait3A_78 = tpu.memref_slice %arg10[%mul3A_4, %dma_wait3A_77] : memref<10112x128xf32, #tpu.memory_space<vmem_shared>> -> memref<632x128xf32, #tpu.memory_space<vmem_shared>>
      %dma_wait3A_79 = arith.constant 0 : i32
      %dma_wait3A_80 = tpu.memref_slice %arg5[%mul3A_4, %dma_wait3A_79] : memref<10112x128xf32, #tpu.memory_space<hbm>> -> memref<632x128xf32, #tpu.memory_space<hbm>>
      tpu.wait_dma2 semaphore(%run_scoped3A : memref<!tpu.dma_semaphore, #tpu.memory_space<semaphore_mem>>) src(%dma_wait3A_80 : memref<632x128xf32, #tpu.memory_space<hbm>>) dst(%dma_wait3A_78 : memref<632x128xf32, #tpu.memory_space<vmem_shared>>)
      tpu.yield
    }) : () -> ()
    %barrier3A_38 = arith.constant 0 : index
    tpu.barrier barrier_id(%barrier3A_38)
    %dma_start3A_39 = arith.constant 0 : i32
    %dma_start3A_40 = arith.constant 0 : i32
    %dma_start3A_41 = arith.constant 0 : i32
    %dma_start3A_42 = tpu.memref_slice %arg9[%dma_start3A_39, %dma_start3A_40, %dma_start3A_41] : memref<2x128x128xf32, #tpu.memory_space<vmem>> -> memref<1x128x128xf32, #tpu.memory_space<vmem>>
    %dma_start3A_43 = tpu.memref_squeeze %dma_start3A_42 : memref<1x128x128xf32, #tpu.memory_space<vmem>> -> memref<128x128xf32, #tpu.memory_space<vmem>>
    %dma_start3A_44 = arith.constant 0 : i32
    %dma_start3A_45 = tpu.memref_slice %arg3[%mul3A_2, %dma_start3A_44] : memref<163840x128xf32, #tpu.memory_space<hbm>> -> memref<128x128xf32, #tpu.memory_space<hbm>>
    %dma_start3A_46 = arith.constant 0 : i32
    %dma_start3A_47 = arith.constant 0 : i32
    %dma_start3A_48 = tpu.memref_slice %arg9[%dma_start3A_39, %dma_start3A_46, %dma_start3A_47] : memref<2x128x128xf32, #tpu.memory_space<vmem>> -> memref<1x128x128xf32, #tpu.memory_space<vmem>>
    %dma_start3A_49 = tpu.memref_squeeze %dma_start3A_48 : memref<1x128x128xf32, #tpu.memory_space<vmem>> -> memref<128x128xf32, #tpu.memory_space<vmem>>
    %dma_start3A_50 = arith.constant 0 : i32
    %dma_start3A_51 = tpu.memref_slice %arg3[%mul3A_2, %dma_start3A_50] : memref<163840x128xf32, #tpu.memory_space<hbm>> -> memref<128x128xf32, #tpu.memory_space<hbm>>
    tpu.enqueue_dma source(%dma_start3A_51 : memref<128x128xf32, #tpu.memory_space<hbm>>) target(%dma_start3A_49 : memref<128x128xf32, #tpu.memory_space<vmem>>) target_semaphore(%arg11 : memref<!tpu.dma_semaphore, #tpu.memory_space<semaphore_mem>>)
    %scan3A_52 = arith.constant 0 : i32
    %scan3A_53 = arith.constant 0 : i32
    %scan3A_54 = arith.constant 40 : i32
    %scan3A_55 = arith.addi %scan3A_53, %scan3A_54 : i32
    %scan3A_56 = arith.constant 1 : i32
    scf.for %scan3A_73 = %scan3A_53 to %scan3A_55 step %scan3A_56  : i32 {
      %jit3A = arith.constant 2 : i32
      %eq3A = arith.constant 0 : i32
      %eq3A_74 = arith.cmpi eq, %jit3A, %eq3A : i32
      %jit3A_75 = arith.constant 1 : i32
      %select_n3A = arith.select %eq3A_74, %jit3A_75, %jit3A : i32
      %rem3A = arith.remsi %scan3A_73, %select_n3A : i32
      %ne3A = arith.constant 0 : i32
      %ne3A_76 = arith.cmpi ne, %rem3A, %ne3A : i32
      %lt3A = arith.constant 0 : i32
      %lt3A_77 = arith.cmpi slt, %rem3A, %lt3A : i32
      %lt3A_78 = arith.constant 0 : i32
      %lt3A_79 = arith.cmpi slt, %select_n3A, %lt3A_78 : i32
      %ne3A_80 = arith.xori %lt3A_77, %lt3A_79 : i1
      %and3A = arith.andi %ne3A_80, %ne3A_76 : i1
      %add3A_81 = arith.addi %rem3A, %select_n3A : i32
      %select_n3A_82 = arith.select %and3A, %add3A_81, %rem3A : i32
      %add3A_83 = arith.constant 1 : i32
      %add3A_84 = arith.addi %scan3A_73, %add3A_83 : i32
      %jit3A_85 = arith.constant 2 : i32
      %eq3A_86 = arith.constant 0 : i32
      %eq3A_87 = arith.cmpi eq, %jit3A_85, %eq3A_86 : i32
      %jit3A_88 = arith.constant 1 : i32
      %select_n3A_89 = arith.select %eq3A_87, %jit3A_88, %jit3A_85 : i32
      %rem3A_90 = arith.remsi %add3A_84, %select_n3A_89 : i32
      %ne3A_91 = arith.constant 0 : i32
      %ne3A_92 = arith.cmpi ne, %rem3A_90, %ne3A_91 : i32
      %lt3A_93 = arith.constant 0 : i32
      %lt3A_94 = arith.cmpi slt, %rem3A_90, %lt3A_93 : i32
      %lt3A_95 = arith.constant 0 : i32
      %lt3A_96 = arith.cmpi slt, %select_n3A_89, %lt3A_95 : i32
      %ne3A_97 = arith.xori %lt3A_94, %lt3A_96 : i1
      %and3A_98 = arith.andi %ne3A_97, %ne3A_92 : i1
      %add3A_99 = arith.addi %rem3A_90, %select_n3A_89 : i32
      %select_n3A_100 = arith.select %and3A_98, %add3A_99, %rem3A_90 : i32
      %add3A_101 = arith.constant 1 : i32
      %add3A_102 = arith.addi %scan3A_73, %add3A_101 : i32
      %min3A = arith.constant 39 : i32
      %min3A_103 = arith.minsi %add3A_102, %min3A : i32
      %mul3A_104 = arith.constant 128 : i32
      %mul3A_105 = arith.muli %min3A_103, %mul3A_104 : i32
      %add3A_106 = arith.addi %mul3A_2, %mul3A_105 : i32
      %dma_start3A_107 = arith.constant 0 : i32
      %dma_start3A_108 = arith.constant 0 : i32
      %dma_start3A_109 = tpu.memref_slice %arg9[%select_n3A_100, %dma_start3A_107, %dma_start3A_108] : memref<2x128x128xf32, #tpu.memory_space<vmem>> -> memref<1x128x128xf32, #tpu.memory_space<vmem>>
      %dma_start3A_110 = tpu.memref_squeeze %dma_start3A_109 : memref<1x128x128xf32, #tpu.memory_space<vmem>> -> memref<128x128xf32, #tpu.memory_space<vmem>>
      %dma_start3A_111 = arith.constant 0 : i32
      %dma_start3A_112 = tpu.memref_slice %arg3[%add3A_106, %dma_start3A_111] : memref<163840x128xf32, #tpu.memory_space<hbm>> -> memref<128x128xf32, #tpu.memory_space<hbm>>
      %dma_start3A_113 = arith.constant 0 : i32
      %dma_start3A_114 = arith.constant 0 : i32
      %dma_start3A_115 = tpu.memref_slice %arg9[%select_n3A_100, %dma_start3A_113, %dma_start3A_114] : memref<2x128x128xf32, #tpu.memory_space<vmem>> -> memref<1x128x128xf32, #tpu.memory_space<vmem>>
      %dma_start3A_116 = tpu.memref_squeeze %dma_start3A_115 : memref<1x128x128xf32, #tpu.memory_space<vmem>> -> memref<128x128xf32, #tpu.memory_space<vmem>>
      %dma_start3A_117 = arith.constant 0 : i32
      %dma_start3A_118 = tpu.memref_slice %arg3[%add3A_106, %dma_start3A_117] : memref<163840x128xf32, #tpu.memory_space<hbm>> -> memref<128x128xf32, #tpu.memory_space<hbm>>
      tpu.enqueue_dma source(%dma_start3A_118 : memref<128x128xf32, #tpu.memory_space<hbm>>) target(%dma_start3A_116 : memref<128x128xf32, #tpu.memory_space<vmem>>) target_semaphore(%arg11 : memref<!tpu.dma_semaphore, #tpu.memory_space<semaphore_mem>>)
      %mul3A_119 = arith.constant 128 : i32
      %mul3A_120 = arith.muli %scan3A_73, %mul3A_119 : i32
      %add3A_121 = arith.addi %mul3A_2, %mul3A_120 : i32
      %dma_wait3A_122 = arith.constant 0 : i32
      %dma_wait3A_123 = arith.constant 0 : i32
      %dma_wait3A_124 = tpu.memref_slice %arg9[%select_n3A_82, %dma_wait3A_122, %dma_wait3A_123] : memref<2x128x128xf32, #tpu.memory_space<vmem>> -> memref<1x128x128xf32, #tpu.memory_space<vmem>>
      %dma_wait3A_125 = tpu.memref_squeeze %dma_wait3A_124 : memref<1x128x128xf32, #tpu.memory_space<vmem>> -> memref<128x128xf32, #tpu.memory_space<vmem>>
      %dma_wait3A_126 = arith.constant 0 : i32
      %dma_wait3A_127 = tpu.memref_slice %arg3[%add3A_121, %dma_wait3A_126] : memref<163840x128xf32, #tpu.memory_space<hbm>> -> memref<128x128xf32, #tpu.memory_space<hbm>>
      %dma_wait3A_128 = arith.constant 0 : i32
      %dma_wait3A_129 = arith.constant 0 : i32
      %dma_wait3A_130 = tpu.memref_slice %arg9[%select_n3A_82, %dma_wait3A_128, %dma_wait3A_129] : memref<2x128x128xf32, #tpu.memory_space<vmem>> -> memref<1x128x128xf32, #tpu.memory_space<vmem>>
      %dma_wait3A_131 = tpu.memref_squeeze %dma_wait3A_130 : memref<1x128x128xf32, #tpu.memory_space<vmem>> -> memref<128x128xf32, #tpu.memory_space<vmem>>
      %dma_wait3A_132 = arith.constant 0 : i32
      %dma_wait3A_133 = tpu.memref_slice %arg3[%add3A_121, %dma_wait3A_132] : memref<163840x128xf32, #tpu.memory_space<hbm>> -> memref<128x128xf32, #tpu.memory_space<hbm>>
      tpu.wait_dma2 semaphore(%arg11 : memref<!tpu.dma_semaphore, #tpu.memory_space<semaphore_mem>>) src(%dma_wait3A_133 : memref<128x128xf32, #tpu.memory_space<hbm>>) dst(%dma_wait3A_131 : memref<128x128xf32, #tpu.memory_space<vmem>>)
      "tpu.region"() ({
        %run_scoped3A = tpu.sem_alloc : memref<!tpu.dma_semaphore, #tpu.memory_space<semaphore_mem>>
        %dma_start3A_134 = arith.constant 0 : i32
        %dma_start3A_135 = arith.constant 0 : i32
        %dma_start3A_136 = tpu.memref_slice %arg9[%select_n3A_82, %dma_start3A_134, %dma_start3A_135] : memref<2x128x128xf32, #tpu.memory_space<vmem>> -> memref<1x128x128xf32, #tpu.memory_space<vmem>>
        %dma_start3A_137 = tpu.memref_squeeze %dma_start3A_136 : memref<1x128x128xf32, #tpu.memory_space<vmem>> -> memref<128x128xf32, #tpu.memory_space<vmem>>
        %dma_start3A_138 = arith.constant 0 : i32
        %dma_start3A_139 = tpu.memref_slice %arg8[%scan3A_73, %dma_start3A_138] : memref<40x128xi32, #tpu.memory_space<vmem>> -> memref<1x128xi32, #tpu.memory_space<vmem>>
        %dma_start3A_140 = tpu.memref_squeeze %dma_start3A_139 : memref<1x128xi32, #tpu.memory_space<vmem>> -> memref<128xi32, #tpu.memory_space<vmem>>
        %dma_start3A_141 = arith.constant 0 : i32
        %dma_start3A_142 = arith.constant 0 : i32
        %dma_start3A_143 = tpu.memref_slice %arg10[%dma_start3A_141, %dma_start3A_142] : memref<10112x128xf32, #tpu.memory_space<vmem_shared>> -> memref<10112x128xf32, #tpu.memory_space<vmem_shared>>
        tpu.enqueue_indirect_dma source(%dma_start3A_137 : memref<128x128xf32, #tpu.memory_space<vmem>>) target(%dma_start3A_143 : memref<10112x128xf32, #tpu.memory_space<vmem_shared>>) offsets(%dma_start3A_140 : memref<128xi32, #tpu.memory_space<vmem>>) semaphore(%run_scoped3A : memref<!tpu.dma_semaphore, #tpu.memory_space<semaphore_mem>>) {add = true}
        %dma_wait3A_144 = arith.constant 0 : i32
        %dma_wait3A_145 = arith.constant 0 : i32
        %dma_wait3A_146 = tpu.memref_slice %arg9[%select_n3A_82, %dma_wait3A_144, %dma_wait3A_145] : memref<2x128x128xf32, #tpu.memory_space<vmem>> -> memref<1x128x128xf32, #tpu.memory_space<vmem>>
        %dma_wait3A_147 = tpu.memref_squeeze %dma_wait3A_146 : memref<1x128x128xf32, #tpu.memory_space<vmem>> -> memref<128x128xf32, #tpu.memory_space<vmem>>
        %dma_wait3A_148 = arith.constant 0 : i32
        %dma_wait3A_149 = tpu.memref_slice %arg8[%scan3A_73, %dma_wait3A_148] : memref<40x128xi32, #tpu.memory_space<vmem>> -> memref<1x128xi32, #tpu.memory_space<vmem>>
        %dma_wait3A_150 = tpu.memref_squeeze %dma_wait3A_149 : memref<1x128xi32, #tpu.memory_space<vmem>> -> memref<128xi32, #tpu.memory_space<vmem>>
        %dma_wait3A_151 = arith.constant 0 : i32
        %dma_wait3A_152 = arith.constant 0 : i32
        %dma_wait3A_153 = tpu.memref_slice %arg10[%dma_wait3A_151, %dma_wait3A_152] : memref<10112x128xf32, #tpu.memory_space<vmem_shared>> -> memref<10112x128xf32, #tpu.memory_space<vmem_shared>>
        tpu.wait_indirect_dma semaphore(%run_scoped3A : memref<!tpu.dma_semaphore, #tpu.memory_space<semaphore_mem>>) src(%dma_wait3A_147 : memref<128x128xf32, #tpu.memory_space<vmem>>) dst(%dma_wait3A_153 : memref<10112x128xf32, #tpu.memory_space<vmem_shared>>)
        tpu.yield
      }) : () -> ()
    }
    %scan3A_57 = arith.constant 40 : i32
    %dma_wait3A_58 = arith.constant 0 : i32
    %dma_wait3A_59 = arith.constant 0 : i32
    %dma_wait3A_60 = arith.constant 0 : i32
    %dma_wait3A_61 = tpu.memref_slice %arg9[%dma_wait3A_58, %dma_wait3A_59, %dma_wait3A_60] : memref<2x128x128xf32, #tpu.memory_space<vmem>> -> memref<1x128x128xf32, #tpu.memory_space<vmem>>
    %dma_wait3A_62 = tpu.memref_squeeze %dma_wait3A_61 : memref<1x128x128xf32, #tpu.memory_space<vmem>> -> memref<128x128xf32, #tpu.memory_space<vmem>>
    %dma_wait3A_63 = arith.constant 0 : i32
    %dma_wait3A_64 = tpu.memref_slice %arg3[%mul3A_2, %dma_wait3A_63] : memref<163840x128xf32, #tpu.memory_space<hbm>> -> memref<128x128xf32, #tpu.memory_space<hbm>>
    %dma_wait3A_65 = arith.constant 0 : i32
    %dma_wait3A_66 = arith.constant 0 : i32
    %dma_wait3A_67 = tpu.memref_slice %arg9[%dma_wait3A_58, %dma_wait3A_65, %dma_wait3A_66] : memref<2x128x128xf32, #tpu.memory_space<vmem>> -> memref<1x128x128xf32, #tpu.memory_space<vmem>>
    %dma_wait3A_68 = tpu.memref_squeeze %dma_wait3A_67 : memref<1x128x128xf32, #tpu.memory_space<vmem>> -> memref<128x128xf32, #tpu.memory_space<vmem>>
    %dma_wait3A_69 = arith.constant 0 : i32
    %dma_wait3A_70 = tpu.memref_slice %arg3[%mul3A_2, %dma_wait3A_69] : memref<163840x128xf32, #tpu.memory_space<hbm>> -> memref<128x128xf32, #tpu.memory_space<hbm>>
    tpu.wait_dma2 semaphore(%arg11 : memref<!tpu.dma_semaphore, #tpu.memory_space<semaphore_mem>>) src(%dma_wait3A_70 : memref<128x128xf32, #tpu.memory_space<hbm>>) dst(%dma_wait3A_68 : memref<128x128xf32, #tpu.memory_space<vmem>>)
    %barrier3A_71 = arith.constant 0 : index
    tpu.barrier barrier_id(%barrier3A_71)
    "tpu.region"() ({
      %run_scoped3A = tpu.sem_alloc : memref<!tpu.dma_semaphore, #tpu.memory_space<semaphore_mem>>
      %dma_start3A_73 = arith.constant 0 : i32
      %dma_start3A_74 = tpu.memref_slice %arg7[%arg0, %mul3A_4, %dma_start3A_73] : memref<2x10112x128xf32, #tpu.memory_space<hbm>> -> memref<1x632x128xf32, #tpu.memory_space<hbm>>
      %dma_start3A_75 = tpu.memref_squeeze %dma_start3A_74 : memref<1x632x128xf32, #tpu.memory_space<hbm>> -> memref<632x128xf32, #tpu.memory_space<hbm>>
      %dma_start3A_76 = arith.constant 0 : i32
      %dma_start3A_77 = tpu.memref_slice %arg10[%mul3A_4, %dma_start3A_76] : memref<10112x128xf32, #tpu.memory_space<vmem_shared>> -> memref<632x128xf32, #tpu.memory_space<vmem_shared>>
      tpu.enqueue_dma source(%dma_start3A_77 : memref<632x128xf32, #tpu.memory_space<vmem_shared>>) target(%dma_start3A_75 : memref<632x128xf32, #tpu.memory_space<hbm>>) target_semaphore(%run_scoped3A : memref<!tpu.dma_semaphore, #tpu.memory_space<semaphore_mem>>)
      %dma_wait3A_78 = arith.constant 0 : i32
      %dma_wait3A_79 = tpu.memref_slice %arg7[%arg0, %mul3A_4, %dma_wait3A_78] : memref<2x10112x128xf32, #tpu.memory_space<hbm>> -> memref<1x632x128xf32, #tpu.memory_space<hbm>>
      %dma_wait3A_80 = tpu.memref_squeeze %dma_wait3A_79 : memref<1x632x128xf32, #tpu.memory_space<hbm>> -> memref<632x128xf32, #tpu.memory_space<hbm>>
      %dma_wait3A_81 = arith.constant 0 : i32
      %dma_wait3A_82 = tpu.memref_slice %arg10[%mul3A_4, %dma_wait3A_81] : memref<10112x128xf32, #tpu.memory_space<vmem_shared>> -> memref<632x128xf32, #tpu.memory_space<vmem_shared>>
      tpu.wait_dma2 semaphore(%run_scoped3A : memref<!tpu.dma_semaphore, #tpu.memory_space<semaphore_mem>>) src(%dma_wait3A_82 : memref<632x128xf32, #tpu.memory_space<vmem_shared>>) dst(%dma_wait3A_80 : memref<632x128xf32, #tpu.memory_space<hbm>>)
      tpu.yield
    }) : () -> ()
    %barrier3A_72 = arith.constant 0 : index
    tpu.barrier barrier_id(%barrier3A_72)
    return
  }
}

module attributes {stable_mosaic.version = 14 : i64} {
  func.func @_prelude_body(%arg0: i32, %arg1: memref<1000x128xf32, #tpu.memory_space<vmem>>, %arg2: memref<1000x128xf32, #tpu.memory_space<vmem>>, %arg3: memref<1000x1xf32, #tpu.memory_space<vmem>>, %arg4: memref<128x128xf32, #tpu.memory_space<vmem>>, %arg5: memref<128x128xf32, #tpu.memory_space<vmem>>, %arg6: memref<128x128xf32, #tpu.memory_space<vmem>>, %arg7: memref<1x128xf32, #tpu.memory_space<vmem>>, %arg8: memref<128x128xf32, #tpu.memory_space<vmem>>, %arg9: memref<1x128xf32, #tpu.memory_space<vmem>>, %arg10: memref<128x128xf32, #tpu.memory_space<vmem>>, %arg11: memref<1x128xf32, #tpu.memory_space<vmem>>, %arg12: memref<1000x128xf32, #tpu.memory_space<vmem>>) attributes {dimension_semantics = [#tpu.dimension_semantics<arbitrary>], iteration_bounds = array<i64: 10>, scalar_prefetch = 0 : i64, scratch_operands = 0 : i64, tpu.core_type = #tpu.core_type<tc>, window_params = [{transform_indices = @transform_0, window_bounds = array<i64: 1000, 128>}, {transform_indices = @transform_1, window_bounds = array<i64: 1000, 128>}, {transform_indices = @transform_2, window_bounds = array<i64: 1000, 1>}, {pipeline_mode = #tpu.pipeline_mode<synchronous>, transform_indices = @transform_3, window_bounds = array<i64: 128, 128>}, {pipeline_mode = #tpu.pipeline_mode<synchronous>, transform_indices = @transform_4, window_bounds = array<i64: 128, 128>}, {pipeline_mode = #tpu.pipeline_mode<synchronous>, transform_indices = @transform_5, window_bounds = array<i64: 128, 128>}, {pipeline_mode = #tpu.pipeline_mode<synchronous>, transform_indices = @transform_6, window_bounds = array<i64: 1, 128>}, {pipeline_mode = #tpu.pipeline_mode<synchronous>, transform_indices = @transform_7, window_bounds = array<i64: 128, 128>}, {pipeline_mode = #tpu.pipeline_mode<synchronous>, transform_indices = @transform_8, window_bounds = array<i64: 1, 128>}, {pipeline_mode = #tpu.pipeline_mode<synchronous>, transform_indices = @transform_9, window_bounds = array<i64: 128, 128>}, {pipeline_mode = #tpu.pipeline_mode<synchronous>, transform_indices = @transform_10, window_bounds = array<i64: 1, 128>}, {transform_indices = @transform_11, window_bounds = array<i64: 1000, 128>}]} {
    %iota3A = tpu.iota {dimensions = array<i32: 1>} : vector<1x64xi32>
    %convert_element_type3A = arith.sitofp %iota3A : vector<1x64xi32> to vector<1x64xf32>
    %log3A = arith.constant 1.000000e+04 : f32
    %log3A_0 = math.log %log3A : f32
    %neg3A = arith.constant 0.000000e+00 : f32
    %neg3A_1 = arith.subf %neg3A, %log3A_0 : f32
    %mul3A = vector.broadcast %neg3A_1 : f32 to vector<1x64xf32>
    %mul3A_2 = arith.mulf %mul3A, %convert_element_type3A : vector<1x64xf32>
    %div3A = arith.constant 6.300000e+01 : f32
    %div3A_3 = vector.broadcast %div3A : f32 to vector<1x64xf32>
    %div3A_4 = arith.divf %mul3A_2, %div3A_3 : vector<1x64xf32>
    %exp3A = math.exp %div3A_4 : vector<1x64xf32>
    %get3A = arith.constant 0 : index
    %get3A_5 = arith.constant 0 : index
    %get3A_6 = vector.load %arg3[%get3A, %get3A_5] : memref<1000x1xf32, #tpu.memory_space<vmem>>, vector<1000x1xf32>
    %mul3A_7 = vector.broadcast %get3A_6 : vector<1000x1xf32> to vector<1000x64xf32>
    %mul3A_8 = vector.broadcast %exp3A : vector<1x64xf32> to vector<1000x64xf32>
    %mul3A_9 = arith.mulf %mul3A_7, %mul3A_8 : vector<1000x64xf32>
    %sin3A = math.sin %mul3A_9 : vector<1000x64xf32>
    %cos3A = math.cos %mul3A_9 : vector<1000x64xf32>
    %concatenate3A = tpu.concatenate %sin3A, %cos3A in 1 : vector<1000x64xf32>, vector<1000x64xf32> -> vector<1000x128xf32>
    %get3A_10 = arith.constant 0 : index
    %get3A_11 = arith.constant 0 : index
    %get3A_12 = vector.load %arg1[%get3A_10, %get3A_11] : memref<1000x128xf32, #tpu.memory_space<vmem>>, vector<1000x128xf32>
    %get3A_13 = arith.constant 0 : index
    %get3A_14 = arith.constant 0 : index
    %get3A_15 = vector.load %arg4[%get3A_13, %get3A_14] : memref<128x128xf32, #tpu.memory_space<vmem>>, vector<128x128xf32>
    %dot_general3A = arith.constant dense<0.000000e+00> : vector<1000x128xf32>
    %dot_general3A_16 = tpu.matmul %get3A_12, %get3A_15, %dot_general3A {dimension_numbers = #tpu.dot_dimension_numbers<[1], [0], [0], [1], [0, 0, 1, 1], [], []>, transpose_lhs_hint = false} : vector<1000x128xf32>, vector<128x128xf32>, vector<1000x128xf32> -> vector<1000x128xf32>
    %get3A_17 = arith.constant 0 : index
    %get3A_18 = arith.constant 0 : index
    %get3A_19 = vector.load %arg2[%get3A_17, %get3A_18] : memref<1000x128xf32, #tpu.memory_space<vmem>>, vector<1000x128xf32>
    %get3A_20 = arith.constant 0 : index
    %get3A_21 = arith.constant 0 : index
    %get3A_22 = vector.load %arg5[%get3A_20, %get3A_21] : memref<128x128xf32, #tpu.memory_space<vmem>>, vector<128x128xf32>
    %dot_general3A_23 = arith.constant dense<0.000000e+00> : vector<1000x128xf32>
    %dot_general3A_24 = tpu.matmul %get3A_19, %get3A_22, %dot_general3A_23 {dimension_numbers = #tpu.dot_dimension_numbers<[1], [0], [0], [1], [0, 0, 1, 1], [], []>, transpose_lhs_hint = false} : vector<1000x128xf32>, vector<128x128xf32>, vector<1000x128xf32> -> vector<1000x128xf32>
    %add3A = arith.addf %dot_general3A_16, %dot_general3A_24 : vector<1000x128xf32>
    %get3A_25 = arith.constant 0 : index
    %get3A_26 = arith.constant 0 : index
    %get3A_27 = vector.load %arg6[%get3A_25, %get3A_26] : memref<128x128xf32, #tpu.memory_space<vmem>>, vector<128x128xf32>
    %dot_general3A_28 = arith.constant dense<0.000000e+00> : vector<1000x128xf32>
    %dot_general3A_29 = tpu.matmul %concatenate3A, %get3A_27, %dot_general3A_28 {dimension_numbers = #tpu.dot_dimension_numbers<[1], [0], [0], [1], [0, 0, 1, 1], [], []>, transpose_lhs_hint = false} : vector<1000x128xf32>, vector<128x128xf32>, vector<1000x128xf32> -> vector<1000x128xf32>
    %add3A_30 = arith.addf %add3A, %dot_general3A_29 : vector<1000x128xf32>
    %get3A_31 = arith.constant 0 : index
    %get3A_32 = arith.constant 0 : index
    %get3A_33 = vector.load %arg7[%get3A_31, %get3A_32] : memref<1x128xf32, #tpu.memory_space<vmem>>, vector<1x128xf32>
    %add3A_34 = vector.broadcast %get3A_33 : vector<1x128xf32> to vector<1000x128xf32>
    %add3A_35 = arith.addf %add3A_30, %add3A_34 : vector<1000x128xf32>
    %max3A = arith.constant 0.000000e+00 : f32
    %max3A_36 = vector.broadcast %max3A : f32 to vector<1000x128xf32>
    %max3A_37 = arith.maximumf %add3A_35, %max3A_36 : vector<1000x128xf32>
    %get3A_38 = arith.constant 0 : index
    %get3A_39 = arith.constant 0 : index
    %get3A_40 = vector.load %arg8[%get3A_38, %get3A_39] : memref<128x128xf32, #tpu.memory_space<vmem>>, vector<128x128xf32>
    %dot_general3A_41 = arith.constant dense<0.000000e+00> : vector<1000x128xf32>
    %dot_general3A_42 = tpu.matmul %max3A_37, %get3A_40, %dot_general3A_41 {dimension_numbers = #tpu.dot_dimension_numbers<[1], [0], [0], [1], [0, 0, 1, 1], [], []>, transpose_lhs_hint = false} : vector<1000x128xf32>, vector<128x128xf32>, vector<1000x128xf32> -> vector<1000x128xf32>
    %get3A_43 = arith.constant 0 : index
    %get3A_44 = arith.constant 0 : index
    %get3A_45 = vector.load %arg9[%get3A_43, %get3A_44] : memref<1x128xf32, #tpu.memory_space<vmem>>, vector<1x128xf32>
    %add3A_46 = vector.broadcast %get3A_45 : vector<1x128xf32> to vector<1000x128xf32>
    %add3A_47 = arith.addf %dot_general3A_42, %add3A_46 : vector<1000x128xf32>
    %max3A_48 = arith.constant 0.000000e+00 : f32
    %max3A_49 = vector.broadcast %max3A_48 : f32 to vector<1000x128xf32>
    %max3A_50 = arith.maximumf %add3A_47, %max3A_49 : vector<1000x128xf32>
    %get3A_51 = arith.constant 0 : index
    %get3A_52 = arith.constant 0 : index
    %get3A_53 = vector.load %arg10[%get3A_51, %get3A_52] : memref<128x128xf32, #tpu.memory_space<vmem>>, vector<128x128xf32>
    %dot_general3A_54 = arith.constant dense<0.000000e+00> : vector<1000x128xf32>
    %dot_general3A_55 = tpu.matmul %max3A_50, %get3A_53, %dot_general3A_54 {dimension_numbers = #tpu.dot_dimension_numbers<[1], [0], [0], [1], [0, 0, 1, 1], [], []>, transpose_lhs_hint = false} : vector<1000x128xf32>, vector<128x128xf32>, vector<1000x128xf32> -> vector<1000x128xf32>
    %get3A_56 = arith.constant 0 : index
    %get3A_57 = arith.constant 0 : index
    %get3A_58 = vector.load %arg11[%get3A_56, %get3A_57] : memref<1x128xf32, #tpu.memory_space<vmem>>, vector<1x128xf32>
    %add3A_59 = vector.broadcast %get3A_58 : vector<1x128xf32> to vector<1000x128xf32>
    %add3A_60 = arith.addf %dot_general3A_55, %add3A_59 : vector<1000x128xf32>
    %swap3A = arith.constant 0 : index
    %swap3A_61 = arith.constant 0 : index
    %swap3A_62 = vector.load %arg12[%swap3A, %swap3A_61] : memref<1000x128xf32, #tpu.memory_space<vmem>>, vector<1000x128xf32>
    tpu.vector_store %arg12[%swap3A, %swap3A_61], %add3A_60 {strides = array<i32>} : memref<1000x128xf32, #tpu.memory_space<vmem>>, vector<1000x128xf32>,
    return
  }
  func.func @transform_0(%arg0: i32) -> (i32, i32) {
    %c0_i32 = arith.constant 0 : i32
    %c0_i32_0 = arith.constant 0 : i32
    return %arg0, %c0_i32 : i32, i32
  }
  func.func @transform_1(%arg0: i32) -> (i32, i32) {
    %c0_i32 = arith.constant 0 : i32
    %c0_i32_0 = arith.constant 0 : i32
    return %arg0, %c0_i32 : i32, i32
  }
  func.func @transform_2(%arg0: i32) -> (i32, i32) {
    %c0_i32 = arith.constant 0 : i32
    %c0_i32_0 = arith.constant 0 : i32
    return %arg0, %c0_i32 : i32, i32
  }
  func.func @transform_3(%arg0: i32) -> (i32, i32) {
    %c0_i32 = arith.constant 0 : i32
    %c0_i32_0 = arith.constant 0 : i32
    %c0_i32_1 = arith.constant 0 : i32
    return %c0_i32, %c0_i32_0 : i32, i32
  }
  func.func @transform_4(%arg0: i32) -> (i32, i32) {
    %c0_i32 = arith.constant 0 : i32
    %c0_i32_0 = arith.constant 0 : i32
    %c0_i32_1 = arith.constant 0 : i32
    return %c0_i32, %c0_i32_0 : i32, i32
  }
  func.func @transform_5(%arg0: i32) -> (i32, i32) {
    %c0_i32 = arith.constant 0 : i32
    %c0_i32_0 = arith.constant 0 : i32
    %c0_i32_1 = arith.constant 0 : i32
    return %c0_i32, %c0_i32_0 : i32, i32
  }
  func.func @transform_6(%arg0: i32) -> (i32, i32) {
    %c0_i32 = arith.constant 0 : i32
    %c0_i32_0 = arith.constant 0 : i32
    %c0_i32_1 = arith.constant 0 : i32
    return %c0_i32, %c0_i32_0 : i32, i32
  }
  func.func @transform_7(%arg0: i32) -> (i32, i32) {
    %c0_i32 = arith.constant 0 : i32
    %c0_i32_0 = arith.constant 0 : i32
    %c0_i32_1 = arith.constant 0 : i32
    return %c0_i32, %c0_i32_0 : i32, i32
  }
  func.func @transform_8(%arg0: i32) -> (i32, i32) {
    %c0_i32 = arith.constant 0 : i32
    %c0_i32_0 = arith.constant 0 : i32
    %c0_i32_1 = arith.constant 0 : i32
    return %c0_i32, %c0_i32_0 : i32, i32
  }
  func.func @transform_9(%arg0: i32) -> (i32, i32) {
    %c0_i32 = arith.constant 0 : i32
    %c0_i32_0 = arith.constant 0 : i32
    %c0_i32_1 = arith.constant 0 : i32
    return %c0_i32, %c0_i32_0 : i32, i32
  }
  func.func @transform_10(%arg0: i32) -> (i32, i32) {
    %c0_i32 = arith.constant 0 : i32
    %c0_i32_0 = arith.constant 0 : i32
    %c0_i32_1 = arith.constant 0 : i32
    return %c0_i32, %c0_i32_0 : i32, i32
  }
  func.func @transform_11(%arg0: i32) -> (i32, i32) {
    %c0_i32 = arith.constant 0 : i32
    %c0_i32_0 = arith.constant 0 : i32
    return %arg0, %c0_i32 : i32, i32
  }
}

module attributes {stable_mosaic.version = 14 : i64} {
  func.func @_tables_body(%arg0: i32, %arg1: i32, %arg2: memref<1000x128xf32, #tpu.memory_space<vmem>>, %arg3: memref<1000x128xf32, #tpu.memory_space<vmem>>, %arg4: memref<128x128xf32, #tpu.memory_space<vmem>>, %arg5: memref<128x128xf32, #tpu.memory_space<vmem>>, %arg6: memref<1x1x128xf32, #tpu.memory_space<vmem>>, %arg7: memref<1000x256xf32, #tpu.memory_space<vmem>>, %arg8: memref<1000x256xf32, #tpu.memory_space<vmem>>) attributes {dimension_semantics = [#tpu.dimension_semantics<arbitrary>, #tpu.dimension_semantics<arbitrary>], iteration_bounds = array<i64: 2, 10>, scalar_prefetch = 0 : i64, scratch_operands = 0 : i64, tpu.core_type = #tpu.core_type<tc>, window_params = [{transform_indices = @transform_0, window_bounds = array<i64: 1000, 128>}, {transform_indices = @transform_1, window_bounds = array<i64: 1000, 128>}, {pipeline_mode = #tpu.pipeline_mode<synchronous>, transform_indices = @transform_2, window_bounds = array<i64: 128, 128>}, {pipeline_mode = #tpu.pipeline_mode<synchronous>, transform_indices = @transform_3, window_bounds = array<i64: 128, 128>}, {transform_indices = @transform_4, window_bounds = array<i64: 1, 1, 128>}, {transform_indices = @transform_5, window_bounds = array<i64: 1000, 256>}, {transform_indices = @transform_6, window_bounds = array<i64: 1000, 256>}]} {
    %get3A = arith.constant 0 : index
    %get3A_0 = arith.constant 0 : index
    %get3A_1 = vector.load %arg2[%get3A, %get3A_0] : memref<1000x128xf32, #tpu.memory_space<vmem>>, vector<1000x128xf32>
    %get3A_2 = arith.constant 0 : index
    %get3A_3 = arith.constant 0 : index
    %get3A_4 = vector.load %arg4[%get3A_2, %get3A_3] : memref<128x128xf32, #tpu.memory_space<vmem>>, vector<128x128xf32>
    %dot_general3A = arith.constant dense<0.000000e+00> : vector<1000x128xf32>
    %dot_general3A_5 = tpu.matmul %get3A_1, %get3A_4, %dot_general3A {dimension_numbers = #tpu.dot_dimension_numbers<[1], [0], [0], [1], [0, 0, 1, 1], [], []>, transpose_lhs_hint = false} : vector<1000x128xf32>, vector<128x128xf32>, vector<1000x128xf32> -> vector<1000x128xf32>
    %get3A_6 = arith.constant 0 : index
    %get3A_7 = arith.constant 0 : index
    %get3A_8 = vector.load %arg3[%get3A_6, %get3A_7] : memref<1000x128xf32, #tpu.memory_space<vmem>>, vector<1000x128xf32>
    %concatenate3A = tpu.concatenate %dot_general3A_5, %get3A_8 in 1 : vector<1000x128xf32>, vector<1000x128xf32> -> vector<1000x256xf32>
    %swap3A = arith.constant 0 : index
    %swap3A_9 = arith.constant 0 : index
    %swap3A_10 = vector.load %arg7[%swap3A, %swap3A_9] : memref<1000x256xf32, #tpu.memory_space<vmem>>, vector<1000x256xf32>
    tpu.vector_store %arg7[%swap3A, %swap3A_9], %concatenate3A {strides = array<i32>} : memref<1000x256xf32, #tpu.memory_space<vmem>>, vector<1000x256xf32>,
    %get3A_11 = arith.constant 0 : index
    %get3A_12 = arith.constant 0 : index
    %get3A_13 = vector.load %arg2[%get3A_11, %get3A_12] : memref<1000x128xf32, #tpu.memory_space<vmem>>, vector<1000x128xf32>
    %get3A_14 = arith.constant 0 : index
    %get3A_15 = arith.constant 0 : index
    %get3A_16 = vector.load %arg5[%get3A_14, %get3A_15] : memref<128x128xf32, #tpu.memory_space<vmem>>, vector<128x128xf32>
    %dot_general3A_17 = arith.constant dense<0.000000e+00> : vector<1000x128xf32>
    %dot_general3A_18 = tpu.matmul %get3A_13, %get3A_16, %dot_general3A_17 {dimension_numbers = #tpu.dot_dimension_numbers<[1], [0], [0], [1], [0, 0, 1, 1], [], []>, transpose_lhs_hint = false} : vector<1000x128xf32>, vector<128x128xf32>, vector<1000x128xf32> -> vector<1000x128xf32>
    %get3A_19 = arith.constant 0 : index
    %get3A_20 = arith.constant 0 : index
    %get3A_21 = arith.constant 0 : index
    %get3A_22 = vector.load %arg6[%get3A_19, %get3A_20, %get3A_21] : memref<1x1x128xf32, #tpu.memory_space<vmem>>, vector<1x1x128xf32>
    %get3A_23 = vector.shape_cast %get3A_22 : vector<1x1x128xf32> to vector<1x128xf32>
    %add3A = vector.broadcast %get3A_23 : vector<1x128xf32> to vector<1000x128xf32>
    %add3A_24 = arith.addf %dot_general3A_18, %add3A : vector<1000x128xf32>
    %get3A_25 = arith.constant 0 : index
    %get3A_26 = arith.constant 0 : index
    %get3A_27 = vector.load %arg3[%get3A_25, %get3A_26] : memref<1000x128xf32, #tpu.memory_space<vmem>>, vector<1000x128xf32>
    %concatenate3A_28 = tpu.concatenate %add3A_24, %get3A_27 in 1 : vector<1000x128xf32>, vector<1000x128xf32> -> vector<1000x256xf32>
    %swap3A_29 = arith.constant 0 : index
    %swap3A_30 = arith.constant 0 : index
    %swap3A_31 = vector.load %arg8[%swap3A_29, %swap3A_30] : memref<1000x256xf32, #tpu.memory_space<vmem>>, vector<1000x256xf32>
    tpu.vector_store %arg8[%swap3A_29, %swap3A_30], %concatenate3A_28 {strides = array<i32>} : memref<1000x256xf32, #tpu.memory_space<vmem>>, vector<1000x256xf32>,
    return
  }
  func.func @transform_0(%arg0: i32, %arg1: i32) -> (i32, i32) {
    %c0_i32 = arith.constant 0 : i32
    %c0_i32_0 = arith.constant 0 : i32
    return %arg1, %c0_i32 : i32, i32
  }
  func.func @transform_1(%arg0: i32, %arg1: i32) -> (i32, i32) {
    %c0_i32 = arith.constant 0 : i32
    %c0_i32_0 = arith.constant 0 : i32
    return %arg1, %c0_i32 : i32, i32
  }
  func.func @transform_2(%arg0: i32, %arg1: i32) -> (i32, i32) {
    %c0_i32 = arith.constant 0 : i32
    %c0_i32_0 = arith.constant 0 : i32
    %c0_i32_1 = arith.constant 0 : i32
    return %c0_i32, %c0_i32_0 : i32, i32
  }
  func.func @transform_3(%arg0: i32, %arg1: i32) -> (i32, i32) {
    %c0_i32 = arith.constant 0 : i32
    %c0_i32_0 = arith.constant 0 : i32
    %c0_i32_1 = arith.constant 0 : i32
    return %c0_i32, %c0_i32_0 : i32, i32
  }
  func.func @transform_4(%arg0: i32, %arg1: i32) -> (i32, i32, i32) {
    %c0_i32 = arith.constant 0 : i32
    %c0_i32_0 = arith.constant 0 : i32
    %c0_i32_1 = arith.constant 0 : i32
    return %arg0, %c0_i32, %c0_i32_0 : i32, i32, i32
  }
  func.func @transform_5(%arg0: i32, %arg1: i32) -> (i32, i32) {
    %c0_i32 = arith.constant 0 : i32
    %c0_i32_0 = arith.constant 0 : i32
    return %arg1, %c0_i32 : i32, i32
  }
  func.func @transform_6(%arg0: i32, %arg1: i32) -> (i32, i32) {
    %mul3A = arith.constant 10 : i32
    %mul3A_0 = arith.muli %arg0, %mul3A : i32
    %add3A = arith.addi %mul3A_0, %arg1 : i32
    %c0_i32 = arith.constant 0 : i32
    %c0_i32_1 = arith.constant 0 : i32
    return %add3A, %c0_i32 : i32, i32
  }
}

module attributes {stable_mosaic.version = 14 : i64} {
  func.func @_edge_body(%arg0: i32, %arg1: memref<1024x256xf32, #tpu.memory_space<vmem>>, %arg2: memref<1024x256xf32, #tpu.memory_space<vmem>>, %arg3: memref<1x128xf32, #tpu.memory_space<vmem>>, %arg4: memref<128x128xf32, #tpu.memory_space<vmem>>, %arg5: memref<1x128xf32, #tpu.memory_space<vmem>>, %arg6: memref<1x128xf32, #tpu.memory_space<vmem>>, %arg7: memref<1x1xf32, #tpu.memory_space<vmem>>, %arg8: memref<1024x128xf32, #tpu.memory_space<vmem>>, %arg9: memref<1024x128xf32, #tpu.memory_space<vmem>>) attributes {dimension_semantics = [#tpu.dimension_semantics<arbitrary>], iteration_bounds = array<i64: 160>, scalar_prefetch = 0 : i64, scratch_operands = 0 : i64, tpu.core_type = #tpu.core_type<tc>, window_params = [{transform_indices = @transform_0, window_bounds = array<i64: 1024, 256>}, {transform_indices = @transform_1, window_bounds = array<i64: 1024, 256>}, {pipeline_mode = #tpu.pipeline_mode<synchronous>, transform_indices = @transform_2, window_bounds = array<i64: 1, 128>}, {pipeline_mode = #tpu.pipeline_mode<synchronous>, transform_indices = @transform_3, window_bounds = array<i64: 128, 128>}, {pipeline_mode = #tpu.pipeline_mode<synchronous>, transform_indices = @transform_4, window_bounds = array<i64: 1, 128>}, {pipeline_mode = #tpu.pipeline_mode<synchronous>, transform_indices = @transform_5, window_bounds = array<i64: 1, 128>}, {pipeline_mode = #tpu.pipeline_mode<synchronous>, transform_indices = @transform_6, window_bounds = array<i64: 1, 1>}, {transform_indices = @transform_7, window_bounds = array<i64: 1024, 128>}, {transform_indices = @transform_8, window_bounds = array<i64: 1024, 128>}]} {
    %get3A = arith.constant 0 : index
    %get3A_0 = arith.constant 0 : index
    %get3A_1 = vector.load %arg1[%get3A, %get3A_0] : memref<1024x256xf32, #tpu.memory_space<vmem>>, vector<1024x256xf32>
    %get3A_2 = arith.constant 0 : index
    %get3A_3 = arith.constant 0 : index
    %get3A_4 = vector.load %arg2[%get3A_2, %get3A_3] : memref<1024x256xf32, #tpu.memory_space<vmem>>, vector<1024x256xf32>
    %slice3A = vector.extract_strided_slice %get3A_1 {offsets = [0, 128], sizes = [1024, 128], strides = [1, 1]} : vector<1024x256xf32> to vector<1024x128xf32>
    %slice3A_5 = vector.extract_strided_slice %get3A_4 {offsets = [0, 128], sizes = [1024, 128], strides = [1, 1]} : vector<1024x256xf32> to vector<1024x128xf32>
    %sub3A = arith.subf %slice3A, %slice3A_5 : vector<1024x128xf32>
    %mul3A = arith.mulf %sub3A, %sub3A : vector<1024x128xf32>
    %reduce_sum3A = arith.constant dense<0.000000e+00> : vector<1024xf32>
    %reduce_sum3A_6 = vector.multi_reduction <add>, %mul3A, %reduce_sum3A [1] : vector<1024x128xf32> to vector<1024xf32>
    %broadcast_in_dim3A = vector.shape_cast %reduce_sum3A_6 : vector<1024xf32> to vector<1024x1xf32>
    %slice3A_7 = vector.extract_strided_slice %get3A_1 {offsets = [0, 0], sizes = [1024, 128], strides = [1, 1]} : vector<1024x256xf32> to vector<1024x128xf32>
    %slice3A_8 = vector.extract_strided_slice %get3A_4 {offsets = [0, 0], sizes = [1024, 128], strides = [1, 1]} : vector<1024x256xf32> to vector<1024x128xf32>
    %add3A = arith.addf %slice3A_7, %slice3A_8 : vector<1024x128xf32>
    %get3A_9 = arith.constant 0 : index
    %get3A_10 = arith.constant 0 : index
    %get3A_11 = vector.load %arg3[%get3A_9, %get3A_10] : memref<1x128xf32, #tpu.memory_space<vmem>>, vector<1x128xf32>
    %mul3A_12 = vector.broadcast %broadcast_in_dim3A : vector<1024x1xf32> to vector<1024x128xf32>
    %mul3A_13 = vector.broadcast %get3A_11 : vector<1x128xf32> to vector<1024x128xf32>
    %mul3A_14 = arith.mulf %mul3A_12, %mul3A_13 : vector<1024x128xf32>
    %add3A_15 = arith.addf %add3A, %mul3A_14 : vector<1024x128xf32>
    %logistic3A = arith.negf %add3A_15 : vector<1024x128xf32>
    %logistic3A_16 = math.exp %logistic3A : vector<1024x128xf32>
    %logistic3A_17 = arith.constant 1.000000e+00 : f32
    %logistic3A_18 = vector.broadcast %logistic3A_17 : f32 to vector<1024x128xf32>
    %logistic3A_19 = arith.addf %logistic3A_18, %logistic3A_16 : vector<1024x128xf32>
    %logistic3A_20 = arith.divf %logistic3A_18, %logistic3A_19 : vector<1024x128xf32>
    %mul3A_21 = arith.mulf %add3A_15, %logistic3A_20 : vector<1024x128xf32>
    %get3A_22 = arith.constant 0 : index
    %get3A_23 = arith.constant 0 : index
    %get3A_24 = vector.load %arg4[%get3A_22, %get3A_23] : memref<128x128xf32, #tpu.memory_space<vmem>>, vector<128x128xf32>
    %dot_general3A = arith.constant dense<0.000000e+00> : vector<1024x128xf32>
    %dot_general3A_25 = tpu.matmul %mul3A_21, %get3A_24, %dot_general3A {dimension_numbers = #tpu.dot_dimension_numbers<[1], [0], [0], [1], [0, 0, 1, 1], [], []>, transpose_lhs_hint = false} : vector<1024x128xf32>, vector<128x128xf32>, vector<1024x128xf32> -> vector<1024x128xf32>
    %get3A_26 = arith.constant 0 : index
    %get3A_27 = arith.constant 0 : index
    %get3A_28 = vector.load %arg5[%get3A_26, %get3A_27] : memref<1x128xf32, #tpu.memory_space<vmem>>, vector<1x128xf32>
    %add3A_29 = vector.broadcast %get3A_28 : vector<1x128xf32> to vector<1024x128xf32>
    %add3A_30 = arith.addf %dot_general3A_25, %add3A_29 : vector<1024x128xf32>
    %logistic3A_31 = arith.negf %add3A_30 : vector<1024x128xf32>
    %logistic3A_32 = math.exp %logistic3A_31 : vector<1024x128xf32>
    %logistic3A_33 = arith.constant 1.000000e+00 : f32
    %logistic3A_34 = vector.broadcast %logistic3A_33 : f32 to vector<1024x128xf32>
    %logistic3A_35 = arith.addf %logistic3A_34, %logistic3A_32 : vector<1024x128xf32>
    %logistic3A_36 = arith.divf %logistic3A_34, %logistic3A_35 : vector<1024x128xf32>
    %mul3A_37 = arith.mulf %add3A_30, %logistic3A_36 : vector<1024x128xf32>
    %get3A_38 = arith.constant 0 : index
    %get3A_39 = arith.constant 0 : index
    %get3A_40 = vector.load %arg6[%get3A_38, %get3A_39] : memref<1x128xf32, #tpu.memory_space<vmem>>, vector<1x128xf32>
    %mul3A_41 = vector.broadcast %get3A_40 : vector<1x128xf32> to vector<1024x128xf32>
    %mul3A_42 = arith.mulf %mul3A_37, %mul3A_41 : vector<1024x128xf32>
    %reduce_sum3A_43 = arith.constant dense<0.000000e+00> : vector<1024xf32>
    %reduce_sum3A_44 = vector.multi_reduction <add>, %mul3A_42, %reduce_sum3A_43 [1] : vector<1024x128xf32> to vector<1024xf32>
    %broadcast_in_dim3A_45 = vector.shape_cast %reduce_sum3A_44 : vector<1024xf32> to vector<1024x1xf32>
    %get3A_46 = arith.constant 0 : index
    %get3A_47 = arith.constant 0 : index
    %get3A_48 = vector.load %arg7[%get3A_46, %get3A_47] : memref<1x1xf32, #tpu.memory_space<vmem>>, vector<1x1xf32>
    %add3A_49 = vector.broadcast %get3A_48 : vector<1x1xf32> to vector<1024x1xf32>
    %add3A_50 = arith.addf %broadcast_in_dim3A_45, %add3A_49 : vector<1024x1xf32>
    %iota3A = tpu.iota {dimensions = array<i32: 1>} : vector<1x128xi32>
    %eq3A = arith.constant 3 : i32
    %eq3A_51 = vector.broadcast %eq3A : i32 to vector<1x128xi32>
    %eq3A_52 = arith.cmpi eq, %iota3A, %eq3A_51 : vector<1x128xi32>
    %jit3A = arith.constant 1.000000e+00 : f32
    %jit3A_53 = arith.constant 0.000000e+00 : f32
    %broadcast_in_dim3A_54 = vector.broadcast %jit3A : f32 to vector<1x128xf32>
    %broadcast_in_dim3A_55 = vector.broadcast %jit3A_53 : f32 to vector<1x128xf32>
    %select_n3A = arith.select %eq3A_52, %broadcast_in_dim3A_54, %broadcast_in_dim3A_55 : vector<1x128xi1>, vector<1x128xf32>
    %swap3A = arith.constant 0 : index
    %swap3A_56 = arith.constant 0 : index
    %swap3A_57 = vector.load %arg8[%swap3A, %swap3A_56] : memref<1024x128xf32, #tpu.memory_space<vmem>>, vector<1024x128xf32>
    tpu.vector_store %arg8[%swap3A, %swap3A_56], %mul3A_37 {strides = array<i32>} : memref<1024x128xf32, #tpu.memory_space<vmem>>, vector<1024x128xf32>,
    %mul3A_58 = vector.broadcast %add3A_50 : vector<1024x1xf32> to vector<1024x128xf32>
    %mul3A_59 = arith.mulf %sub3A, %mul3A_58 : vector<1024x128xf32>
    %add3A_60 = vector.broadcast %select_n3A : vector<1x128xf32> to vector<1024x128xf32>
    %add3A_61 = arith.addf %mul3A_59, %add3A_60 : vector<1024x128xf32>
    %swap3A_62 = arith.constant 0 : index
    %swap3A_63 = arith.constant 0 : index
    %swap3A_64 = vector.load %arg9[%swap3A_62, %swap3A_63] : memref<1024x128xf32, #tpu.memory_space<vmem>>, vector<1024x128xf32>
    tpu.vector_store %arg9[%swap3A_62, %swap3A_63], %add3A_61 {strides = array<i32>} : memref<1024x128xf32, #tpu.memory_space<vmem>>, vector<1024x128xf32>,
    return
  }
  func.func @transform_0(%arg0: i32) -> (i32, i32) {
    %c0_i32 = arith.constant 0 : i32
    %c0_i32_0 = arith.constant 0 : i32
    return %arg0, %c0_i32 : i32, i32
  }
  func.func @transform_1(%arg0: i32) -> (i32, i32) {
    %c0_i32 = arith.constant 0 : i32
    %c0_i32_0 = arith.constant 0 : i32
    return %arg0, %c0_i32 : i32, i32
  }
  func.func @transform_2(%arg0: i32) -> (i32, i32) {
    %c0_i32 = arith.constant 0 : i32
    %c0_i32_0 = arith.constant 0 : i32
    %c0_i32_1 = arith.constant 0 : i32
    return %c0_i32, %c0_i32_0 : i32, i32
  }
  func.func @transform_3(%arg0: i32) -> (i32, i32) {
    %c0_i32 = arith.constant 0 : i32
    %c0_i32_0 = arith.constant 0 : i32
    %c0_i32_1 = arith.constant 0 : i32
    return %c0_i32, %c0_i32_0 : i32, i32
  }
  func.func @transform_4(%arg0: i32) -> (i32, i32) {
    %c0_i32 = arith.constant 0 : i32
    %c0_i32_0 = arith.constant 0 : i32
    %c0_i32_1 = arith.constant 0 : i32
    return %c0_i32, %c0_i32_0 : i32, i32
  }
  func.func @transform_5(%arg0: i32) -> (i32, i32) {
    %c0_i32 = arith.constant 0 : i32
    %c0_i32_0 = arith.constant 0 : i32
    %c0_i32_1 = arith.constant 0 : i32
    return %c0_i32, %c0_i32_0 : i32, i32
  }
  func.func @transform_6(%arg0: i32) -> (i32, i32) {
    %c0_i32 = arith.constant 0 : i32
    %c0_i32_0 = arith.constant 0 : i32
    %c0_i32_1 = arith.constant 0 : i32
    return %c0_i32, %c0_i32_0 : i32, i32
  }
  func.func @transform_7(%arg0: i32) -> (i32, i32) {
    %c0_i32 = arith.constant 0 : i32
    %c0_i32_0 = arith.constant 0 : i32
    return %arg0, %c0_i32 : i32, i32
  }
  func.func @transform_8(%arg0: i32) -> (i32, i32) {
    %c0_i32 = arith.constant 0 : i32
    %c0_i32_0 = arith.constant 0 : i32
    return %arg0, %c0_i32 : i32, i32
  }
}

module attributes {stable_mosaic.version = 14 : i64} {
  func.func @_update_body(%arg0: i32, %arg1: memref<1x1000x128xf32, #tpu.memory_space<vmem>>, %arg2: memref<1x1000x128xf32, #tpu.memory_space<vmem>>, %arg3: memref<1x1000x128xf32, #tpu.memory_space<vmem>>, %arg4: memref<1x1000x128xf32, #tpu.memory_space<vmem>>, %arg5: memref<1000x128xf32, #tpu.memory_space<vmem>>, %arg6: memref<1000x128xf32, #tpu.memory_space<vmem>>, %arg7: memref<128x128xf32, #tpu.memory_space<vmem>>, %arg8: memref<128x128xf32, #tpu.memory_space<vmem>>, %arg9: memref<1x128xf32, #tpu.memory_space<vmem>>, %arg10: memref<128x128xf32, #tpu.memory_space<vmem>>, %arg11: memref<1x128xf32, #tpu.memory_space<vmem>>, %arg12: memref<1000x128xf32, #tpu.memory_space<vmem>>, %arg13: memref<1000x128xf32, #tpu.memory_space<vmem>>) attributes {dimension_semantics = [#tpu.dimension_semantics<arbitrary>], iteration_bounds = array<i64: 10>, scalar_prefetch = 0 : i64, scratch_operands = 0 : i64, tpu.core_type = #tpu.core_type<tc>, window_params = [{transform_indices = @transform_0, window_bounds = array<i64: 1, 1000, 128>}, {transform_indices = @transform_1, window_bounds = array<i64: 1, 1000, 128>}, {transform_indices = @transform_2, window_bounds = array<i64: 1, 1000, 128>}, {transform_indices = @transform_3, window_bounds = array<i64: 1, 1000, 128>}, {transform_indices = @transform_4, window_bounds = array<i64: 1000, 128>}, {transform_indices = @transform_5, window_bounds = array<i64: 1000, 128>}, {pipeline_mode = #tpu.pipeline_mode<synchronous>, transform_indices = @transform_6, window_bounds = array<i64: 128, 128>}, {pipeline_mode = #tpu.pipeline_mode<synchronous>, transform_indices = @transform_7, window_bounds = array<i64: 128, 128>}, {pipeline_mode = #tpu.pipeline_mode<synchronous>, transform_indices = @transform_8, window_bounds = array<i64: 1, 128>}, {pipeline_mode = #tpu.pipeline_mode<synchronous>, transform_indices = @transform_9, window_bounds = array<i64: 128, 128>}, {pipeline_mode = #tpu.pipeline_mode<synchronous>, transform_indices = @transform_10, window_bounds = array<i64: 1, 128>}, {transform_indices = @transform_11, window_bounds = array<i64: 1000, 128>}, {transform_indices = @transform_12, window_bounds = array<i64: 1000, 128>}]} {
    %get3A = arith.constant 0 : index
    %get3A_0 = arith.constant 0 : index
    %get3A_1 = arith.constant 0 : index
    %get3A_2 = vector.load %arg1[%get3A, %get3A_0, %get3A_1] : memref<1x1000x128xf32, #tpu.memory_space<vmem>>, vector<1x1000x128xf32>
    %get3A_3 = vector.shape_cast %get3A_2 : vector<1x1000x128xf32> to vector<1000x128xf32>
    %get3A_4 = arith.constant 0 : index
    %get3A_5 = arith.constant 0 : index
    %get3A_6 = arith.constant 0 : index
    %get3A_7 = vector.load %arg2[%get3A_4, %get3A_5, %get3A_6] : memref<1x1000x128xf32, #tpu.memory_space<vmem>>, vector<1x1000x128xf32>
    %get3A_8 = vector.shape_cast %get3A_7 : vector<1x1000x128xf32> to vector<1000x128xf32>
    %add3A = arith.addf %get3A_3, %get3A_8 : vector<1000x128xf32>
    %get3A_9 = arith.constant 0 : index
    %get3A_10 = arith.constant 0 : index
    %get3A_11 = arith.constant 0 : index
    %get3A_12 = vector.load %arg3[%get3A_9, %get3A_10, %get3A_11] : memref<1x1000x128xf32, #tpu.memory_space<vmem>>, vector<1x1000x128xf32>
    %get3A_13 = vector.shape_cast %get3A_12 : vector<1x1000x128xf32> to vector<1000x128xf32>
    %get3A_14 = arith.constant 0 : index
    %get3A_15 = arith.constant 0 : index
    %get3A_16 = arith.constant 0 : index
    %get3A_17 = vector.load %arg4[%get3A_14, %get3A_15, %get3A_16] : memref<1x1000x128xf32, #tpu.memory_space<vmem>>, vector<1x1000x128xf32>
    %get3A_18 = vector.shape_cast %get3A_17 : vector<1x1000x128xf32> to vector<1000x128xf32>
    %add3A_19 = arith.addf %get3A_13, %get3A_18 : vector<1000x128xf32>
    %iota3A = tpu.iota {dimensions = array<i32: 1>} : vector<1x128xi32>
    %lt3A = arith.constant 3 : i32
    %lt3A_20 = vector.broadcast %lt3A : i32 to vector<1x128xi32>
    %lt3A_21 = arith.cmpi slt, %iota3A, %lt3A_20 : vector<1x128xi32>
    %jit3A = arith.constant 1.000000e+00 : f32
    %jit3A_22 = arith.constant 0.000000e+00 : f32
    %broadcast_in_dim3A = vector.broadcast %jit3A : f32 to vector<1x128xf32>
    %broadcast_in_dim3A_23 = vector.broadcast %jit3A_22 : f32 to vector<1x128xf32>
    %select_n3A = arith.select %lt3A_21, %broadcast_in_dim3A, %broadcast_in_dim3A_23 : vector<1x128xi1>, vector<1x128xf32>
    %slice3A = vector.extract_strided_slice %add3A_19 {offsets = [0, 3], sizes = [1000, 1], strides = [1, 1]} : vector<1000x128xf32> to vector<1000x1xf32>
    %get3A_24 = arith.constant 0 : index
    %get3A_25 = arith.constant 0 : index
    %get3A_26 = vector.load %arg6[%get3A_24, %get3A_25] : memref<1000x128xf32, #tpu.memory_space<vmem>>, vector<1000x128xf32>
    %mul3A = vector.broadcast %select_n3A : vector<1x128xf32> to vector<1000x128xf32>
    %mul3A_27 = arith.mulf %add3A_19, %mul3A : vector<1000x128xf32>
    %add3A_28 = arith.constant 1.000000e+00 : f32
    %add3A_29 = vector.broadcast %add3A_28 : f32 to vector<1000x1xf32>
    %add3A_30 = arith.addf %slice3A, %add3A_29 : vector<1000x1xf32>
    %div3A = vector.broadcast %add3A_30 : vector<1000x1xf32> to vector<1000x128xf32>
    %div3A_31 = arith.divf %mul3A_27, %div3A : vector<1000x128xf32>
    %add3A_32 = arith.addf %get3A_26, %div3A_31 : vector<1000x128xf32>
    %swap3A = arith.constant 0 : index
    %swap3A_33 = arith.constant 0 : index
    %swap3A_34 = vector.load %arg13[%swap3A, %swap3A_33] : memref<1000x128xf32, #tpu.memory_space<vmem>>, vector<1000x128xf32>
    tpu.vector_store %arg13[%swap3A, %swap3A_33], %add3A_32 {strides = array<i32>} : memref<1000x128xf32, #tpu.memory_space<vmem>>, vector<1000x128xf32>,
    %get3A_35 = arith.constant 0 : index
    %get3A_36 = arith.constant 0 : index
    %get3A_37 = vector.load %arg5[%get3A_35, %get3A_36] : memref<1000x128xf32, #tpu.memory_space<vmem>>, vector<1000x128xf32>
    %get3A_38 = arith.constant 0 : index
    %get3A_39 = arith.constant 0 : index
    %get3A_40 = vector.load %arg7[%get3A_38, %get3A_39] : memref<128x128xf32, #tpu.memory_space<vmem>>, vector<128x128xf32>
    %dot_general3A = arith.constant dense<0.000000e+00> : vector<1000x128xf32>
    %dot_general3A_41 = tpu.matmul %get3A_37, %get3A_40, %dot_general3A {dimension_numbers = #tpu.dot_dimension_numbers<[1], [0], [0], [1], [0, 0, 1, 1], [], []>, transpose_lhs_hint = false} : vector<1000x128xf32>, vector<128x128xf32>, vector<1000x128xf32> -> vector<1000x128xf32>
    %get3A_42 = arith.constant 0 : index
    %get3A_43 = arith.constant 0 : index
    %get3A_44 = vector.load %arg8[%get3A_42, %get3A_43] : memref<128x128xf32, #tpu.memory_space<vmem>>, vector<128x128xf32>
    %dot_general3A_45 = arith.constant dense<0.000000e+00> : vector<1000x128xf32>
    %dot_general3A_46 = tpu.matmul %add3A, %get3A_44, %dot_general3A_45 {dimension_numbers = #tpu.dot_dimension_numbers<[1], [0], [0], [1], [0, 0, 1, 1], [], []>, transpose_lhs_hint = false} : vector<1000x128xf32>, vector<128x128xf32>, vector<1000x128xf32> -> vector<1000x128xf32>
    %add3A_47 = arith.addf %dot_general3A_41, %dot_general3A_46 : vector<1000x128xf32>
    %get3A_48 = arith.constant 0 : index
    %get3A_49 = arith.constant 0 : index
    %get3A_50 = vector.load %arg9[%get3A_48, %get3A_49] : memref<1x128xf32, #tpu.memory_space<vmem>>, vector<1x128xf32>
    %add3A_51 = vector.broadcast %get3A_50 : vector<1x128xf32> to vector<1000x128xf32>
    %add3A_52 = arith.addf %add3A_47, %add3A_51 : vector<1000x128xf32>
    %logistic3A = arith.negf %add3A_52 : vector<1000x128xf32>
    %logistic3A_53 = math.exp %logistic3A : vector<1000x128xf32>
    %logistic3A_54 = arith.constant 1.000000e+00 : f32
    %logistic3A_55 = vector.broadcast %logistic3A_54 : f32 to vector<1000x128xf32>
    %logistic3A_56 = arith.addf %logistic3A_55, %logistic3A_53 : vector<1000x128xf32>
    %logistic3A_57 = arith.divf %logistic3A_55, %logistic3A_56 : vector<1000x128xf32>
    %mul3A_58 = arith.mulf %add3A_52, %logistic3A_57 : vector<1000x128xf32>
    %get3A_59 = arith.constant 0 : index
    %get3A_60 = arith.constant 0 : index
    %get3A_61 = vector.load %arg5[%get3A_59, %get3A_60] : memref<1000x128xf32, #tpu.memory_space<vmem>>, vector<1000x128xf32>
    %get3A_62 = arith.constant 0 : index
    %get3A_63 = arith.constant 0 : index
    %get3A_64 = vector.load %arg10[%get3A_62, %get3A_63] : memref<128x128xf32, #tpu.memory_space<vmem>>, vector<128x128xf32>
    %dot_general3A_65 = arith.constant dense<0.000000e+00> : vector<1000x128xf32>
    %dot_general3A_66 = tpu.matmul %mul3A_58, %get3A_64, %dot_general3A_65 {dimension_numbers = #tpu.dot_dimension_numbers<[1], [0], [0], [1], [0, 0, 1, 1], [], []>, transpose_lhs_hint = false} : vector<1000x128xf32>, vector<128x128xf32>, vector<1000x128xf32> -> vector<1000x128xf32>
    %add3A_67 = arith.addf %get3A_61, %dot_general3A_66 : vector<1000x128xf32>
    %get3A_68 = arith.constant 0 : index
    %get3A_69 = arith.constant 0 : index
    %get3A_70 = vector.load %arg11[%get3A_68, %get3A_69] : memref<1x128xf32, #tpu.memory_space<vmem>>, vector<1x128xf32>
    %add3A_71 = vector.broadcast %get3A_70 : vector<1x128xf32> to vector<1000x128xf32>
    %add3A_72 = arith.addf %add3A_67, %add3A_71 : vector<1000x128xf32>
    %swap3A_73 = arith.constant 0 : index
    %swap3A_74 = arith.constant 0 : index
    %swap3A_75 = vector.load %arg12[%swap3A_73, %swap3A_74] : memref<1000x128xf32, #tpu.memory_space<vmem>>, vector<1000x128xf32>
    tpu.vector_store %arg12[%swap3A_73, %swap3A_74], %add3A_72 {strides = array<i32>} : memref<1000x128xf32, #tpu.memory_space<vmem>>, vector<1000x128xf32>,
    return
  }
  func.func @transform_0(%arg0: i32) -> (i32, i32, i32) {
    %c0_i32 = arith.constant 0 : i32
    %c0_i32_0 = arith.constant 0 : i32
    %c0_i32_1 = arith.constant 0 : i32
    return %c0_i32, %arg0, %c0_i32_0 : i32, i32, i32
  }
  func.func @transform_1(%arg0: i32) -> (i32, i32, i32) {
    %c1_i32 = arith.constant 1 : i32
    %c0_i32 = arith.constant 0 : i32
    %c0_i32_0 = arith.constant 0 : i32
    return %c1_i32, %arg0, %c0_i32 : i32, i32, i32
  }
  func.func @transform_2(%arg0: i32) -> (i32, i32, i32) {
    %c0_i32 = arith.constant 0 : i32
    %c0_i32_0 = arith.constant 0 : i32
    %c0_i32_1 = arith.constant 0 : i32
    return %c0_i32, %arg0, %c0_i32_0 : i32, i32, i32
  }
  func.func @transform_3(%arg0: i32) -> (i32, i32, i32) {
    %c1_i32 = arith.constant 1 : i32
    %c0_i32 = arith.constant 0 : i32
    %c0_i32_0 = arith.constant 0 : i32
    return %c1_i32, %arg0, %c0_i32 : i32, i32, i32
  }
  func.func @transform_4(%arg0: i32) -> (i32, i32) {
    %c0_i32 = arith.constant 0 : i32
    %c0_i32_0 = arith.constant 0 : i32
    return %arg0, %c0_i32 : i32, i32
  }
  func.func @transform_5(%arg0: i32) -> (i32, i32) {
    %c0_i32 = arith.constant 0 : i32
    %c0_i32_0 = arith.constant 0 : i32
    return %arg0, %c0_i32 : i32, i32
  }
  func.func @transform_6(%arg0: i32) -> (i32, i32) {
    %c0_i32 = arith.constant 0 : i32
    %c0_i32_0 = arith.constant 0 : i32
    %c0_i32_1 = arith.constant 0 : i32
    return %c0_i32, %c0_i32_0 : i32, i32
  }
  func.func @transform_7(%arg0: i32) -> (i32, i32) {
    %c0_i32 = arith.constant 0 : i32
    %c0_i32_0 = arith.constant 0 : i32
    %c0_i32_1 = arith.constant 0 : i32
    return %c0_i32, %c0_i32_0 : i32, i32
  }
  func.func @transform_8(%arg0: i32) -> (i32, i32) {
    %c0_i32 = arith.constant 0 : i32
    %c0_i32_0 = arith.constant 0 : i32
    %c0_i32_1 = arith.constant 0 : i32
    return %c0_i32, %c0_i32_0 : i32, i32
  }
  func.func @transform_9(%arg0: i32) -> (i32, i32) {
    %c0_i32 = arith.constant 0 : i32
    %c0_i32_0 = arith.constant 0 : i32
    %c0_i32_1 = arith.constant 0 : i32
    return %c0_i32, %c0_i32_0 : i32, i32
  }
  func.func @transform_10(%arg0: i32) -> (i32, i32) {
    %c0_i32 = arith.constant 0 : i32
    %c0_i32_0 = arith.constant 0 : i32
    %c0_i32_1 = arith.constant 0 : i32
    return %c0_i32, %c0_i32_0 : i32, i32
  }
  func.func @transform_11(%arg0: i32) -> (i32, i32) {
    %c0_i32 = arith.constant 0 : i32
    %c0_i32_0 = arith.constant 0 : i32
    return %arg0, %c0_i32 : i32, i32
  }
  func.func @transform_12(%arg0: i32) -> (i32, i32) {
    %c0_i32 = arith.constant 0 : i32
    %c0_i32_0 = arith.constant 0 : i32
    return %arg0, %c0_i32 : i32, i32
  }
}

module attributes {stable_mosaic.version = 14 : i64} {
  func.func @_final_body(%arg0: i32, %arg1: memref<1000x128xf32, #tpu.memory_space<vmem>>, %arg2: memref<1000x128xf32, #tpu.memory_space<vmem>>, %arg3: memref<1000x1xf32, #tpu.memory_space<vmem>>, %arg4: memref<128x128xf32, #tpu.memory_space<vmem>>, %arg5: memref<1x128xf32, #tpu.memory_space<vmem>>, %arg6: memref<1000x128xf32, #tpu.memory_space<vmem>>, %arg7: memref<1000x128xf32, #tpu.memory_space<vmem>>) attributes {dimension_semantics = [#tpu.dimension_semantics<arbitrary>], iteration_bounds = array<i64: 10>, scalar_prefetch = 0 : i64, scratch_operands = 0 : i64, tpu.core_type = #tpu.core_type<tc>, window_params = [{transform_indices = @transform_0, window_bounds = array<i64: 1000, 128>}, {transform_indices = @transform_1, window_bounds = array<i64: 1000, 128>}, {transform_indices = @transform_2, window_bounds = array<i64: 1000, 1>}, {pipeline_mode = #tpu.pipeline_mode<synchronous>, transform_indices = @transform_3, window_bounds = array<i64: 128, 128>}, {pipeline_mode = #tpu.pipeline_mode<synchronous>, transform_indices = @transform_4, window_bounds = array<i64: 1, 128>}, {transform_indices = @transform_5, window_bounds = array<i64: 1000, 128>}, {transform_indices = @transform_6, window_bounds = array<i64: 1000, 128>}]} {
    %get3A = arith.constant 0 : index
    %get3A_0 = arith.constant 0 : index
    %get3A_1 = vector.load %arg1[%get3A, %get3A_0] : memref<1000x128xf32, #tpu.memory_space<vmem>>, vector<1000x128xf32>
    %get3A_2 = arith.constant 0 : index
    %get3A_3 = arith.constant 0 : index
    %get3A_4 = vector.load %arg4[%get3A_2, %get3A_3] : memref<128x128xf32, #tpu.memory_space<vmem>>, vector<128x128xf32>
    %dot_general3A = arith.constant dense<0.000000e+00> : vector<1000x128xf32>
    %dot_general3A_5 = tpu.matmul %get3A_1, %get3A_4, %dot_general3A {dimension_numbers = #tpu.dot_dimension_numbers<[1], [0], [0], [1], [0, 0, 1, 1], [], []>, transpose_lhs_hint = false} : vector<1000x128xf32>, vector<128x128xf32>, vector<1000x128xf32> -> vector<1000x128xf32>
    %get3A_6 = arith.constant 0 : index
    %get3A_7 = arith.constant 0 : index
    %get3A_8 = vector.load %arg5[%get3A_6, %get3A_7] : memref<1x128xf32, #tpu.memory_space<vmem>>, vector<1x128xf32>
    %add3A = vector.broadcast %get3A_8 : vector<1x128xf32> to vector<1000x128xf32>
    %add3A_9 = arith.addf %dot_general3A_5, %add3A : vector<1000x128xf32>
    %get3A_10 = arith.constant 0 : index
    %get3A_11 = arith.constant 0 : index
    %get3A_12 = vector.load %arg3[%get3A_10, %get3A_11] : memref<1000x1xf32, #tpu.memory_space<vmem>>, vector<1000x1xf32>
    %mul3A = vector.broadcast %get3A_12 : vector<1000x1xf32> to vector<1000x128xf32>
    %mul3A_13 = arith.mulf %add3A_9, %mul3A : vector<1000x128xf32>
    %swap3A = arith.constant 0 : index
    %swap3A_14 = arith.constant 0 : index
    %swap3A_15 = vector.load %arg6[%swap3A, %swap3A_14] : memref<1000x128xf32, #tpu.memory_space<vmem>>, vector<1000x128xf32>
    tpu.vector_store %arg6[%swap3A, %swap3A_14], %mul3A_13 {strides = array<i32>} : memref<1000x128xf32, #tpu.memory_space<vmem>>, vector<1000x128xf32>,
    %get3A_16 = arith.constant 0 : index
    %get3A_17 = arith.constant 0 : index
    %get3A_18 = vector.load %arg2[%get3A_16, %get3A_17] : memref<1000x128xf32, #tpu.memory_space<vmem>>, vector<1000x128xf32>
    %get3A_19 = arith.constant 0 : index
    %get3A_20 = arith.constant 0 : index
    %get3A_21 = vector.load %arg3[%get3A_19, %get3A_20] : memref<1000x1xf32, #tpu.memory_space<vmem>>, vector<1000x1xf32>
    %mul3A_22 = vector.broadcast %get3A_21 : vector<1000x1xf32> to vector<1000x128xf32>
    %mul3A_23 = arith.mulf %get3A_18, %mul3A_22 : vector<1000x128xf32>
    %swap3A_24 = arith.constant 0 : index
    %swap3A_25 = arith.constant 0 : index
    %swap3A_26 = vector.load %arg7[%swap3A_24, %swap3A_25] : memref<1000x128xf32, #tpu.memory_space<vmem>>, vector<1000x128xf32>
    tpu.vector_store %arg7[%swap3A_24, %swap3A_25], %mul3A_23 {strides = array<i32>} : memref<1000x128xf32, #tpu.memory_space<vmem>>, vector<1000x128xf32>,
    return
  }
  func.func @transform_0(%arg0: i32) -> (i32, i32) {
    %c0_i32 = arith.constant 0 : i32
    %c0_i32_0 = arith.constant 0 : i32
    return %arg0, %c0_i32 : i32, i32
  }
  func.func @transform_1(%arg0: i32) -> (i32, i32) {
    %c0_i32 = arith.constant 0 : i32
    %c0_i32_0 = arith.constant 0 : i32
    return %arg0, %c0_i32 : i32, i32
  }
  func.func @transform_2(%arg0: i32) -> (i32, i32) {
    %c0_i32 = arith.constant 0 : i32
    %c0_i32_0 = arith.constant 0 : i32
    return %arg0, %c0_i32 : i32, i32
  }
  func.func @transform_3(%arg0: i32) -> (i32, i32) {
    %c0_i32 = arith.constant 0 : i32
    %c0_i32_0 = arith.constant 0 : i32
    %c0_i32_1 = arith.constant 0 : i32
    return %c0_i32, %c0_i32_0 : i32, i32
  }
  func.func @transform_4(%arg0: i32) -> (i32, i32) {
    %c0_i32 = arith.constant 0 : i32
    %c0_i32_0 = arith.constant 0 : i32
    %c0_i32_1 = arith.constant 0 : i32
    return %c0_i32, %c0_i32_0 : i32, i32
  }
  func.func @transform_5(%arg0: i32) -> (i32, i32) {
    %c0_i32 = arith.constant 0 : i32
    %c0_i32_0 = arith.constant 0 : i32
    return %arg0, %c0_i32 : i32, i32
  }
  func.func @transform_6(%arg0: i32) -> (i32, i32) {
    %c0_i32 = arith.constant 0 : i32
    %c0_i32_0 = arith.constant 0 : i32
    return %arg0, %c0_i32 : i32, i32
  }
}

</mosaic_0001>

<sc_bundles>
// kernel: _run.19.cloned.1.call-start
scs
__scs_entry_jumppad:
0x0: {  	(pc) =	sbr.rel $0x88, $3  }
0x1: {  	(tag) =	ssettag $0x0;
	lr =	simm.s32 $0x1  }
0x2: {  	[smem:$0x3F73] =	sst lr;
	_ =	strace $0xD0000000  }
0x3: {  	_ = 	snop  }
0x4: {  	_ = 	snop  }
0x5: {  	_ = 	snop  }
0x6: {  	_ = 	snop  }
0x7: {  	_ = 	snop  }
__scs_overlays_trampoline_lowered:
0x8: {  	[smem:$0x3F82] =	sst s0  }
0x9: {  	[smem:$0x3F83] =	sst s1  }
0xa: {  	[smem:$0x3F84] =	sst s2  }
0xb: {  	[smem:$0x3F85] =	sst s3  }
0xc: {  	[smem:$0x3F86] =	sst s4  }
0xd: {  	[smem:$0x3F87] =	sst s5  }
0xe: {  	[smem:$0x3F88] =	sst s6  }
0xf: {  	[smem:$0x3F89] =	sst s7  }
0x10: {  	[smem:$0x3F8A] =	sst s8  }
0x11: {  	[smem:$0x3F8B] =	sst s9;
	s0 =	simm.s32 @!p0 $0x0  }
0x12: {  	s1 =	sld [smem:$0x3F71];
	s0 =	simm.s32 @p0 $0x1  }
0x13: {  	[smem:$0x3F8C] =	sst s0;
	s0 =	simm.s32 @!p1 $0x0  }
0x14: {  	s2 =	sld [smem:$0x3F70];
	s0 =	simm.s32 @p1 $0x1  }
0x15: {  	[smem:$0x3F8D] =	sst s0;
	s0 =	simm.s32 @!p2 $0x0  }
0x16: {  	s3 =	sld [smem:$0x3FDB];
	s0 =	simm.s32 @p2 $0x1  }
0x17: {  	s4 =	simm.s32 $0x1BF5;
	[smem:$0x3F8F] =	sst s0  }
0x18: {  	s0 =	sld [smem:$0x3F72];
	_ =	swait.ge [sflag:s4], $0x0  }
0x19: {  	s7 =	sld [smem:$0x3F73]  }
0x1a: {  	s8 =	sadd.s32 $0xFFFFE003, lr  }
0x1b: {  	s9 =	sadd.s32 $0xFFFFFEF7, lr;
	s5 =	simm.s32 $0xFFFFFFFF;
	p2 =	slt.u32 s8, $0xFFFFF086  }
0x1c: {  	p1 =	slt.u32 s9, $0xF7A;
	s5 =	simm.s32 @!p2 $0x0  }
0x1d: {  	s5 =	simm.s32 @p1 $0x1;
	p0 =	seq.s32 s7, s2  }
0x1e: {  	s7 =	smul.u32 @!p0 $0xF7A, s2;
	p2 =	seq.s32 @!p0 s5, $0x0  }
0x1f: {  	s9 =	smul.u32 $0xF7A, s1;
	s8 =	simm.s32 @!p0 $0x1BF5;
	p2 =	por !p2, p0  }
0x20: {  	[sflag:s8] =	ssyncset.s32 @!p0 $0xFFFFF086;
	s6 =	sadd.s32 @!p0 s3, s7;
	s7 =	simm.s32 @!p0 $0x108  }
0x21: {  	s3 =	sadd.s32 s3, s9;
	s6 =	sadd.s32 @!p0 $0x88, s6;
	s7 =	simm.s32 @p2 $0x1082  }
0x22: {  	[simem:s7], [sflag:s8] =	dma.local @!p0 [hbm:s6], $0xF7A  }
0x23: {  	s9 =	sor.u32 $0xD0000000, s2;
	s6 =	simm.s32 $0x108;
	_ =	swait.ge @!p0 [sflag:s8], $0x0  }
0x24: {  	s3 =	sadd.s32 $0x88, s3;
	s6 =	simm.s32 @!p1 $0x1082;
	[sflag:s4] =	ssyncset.s32 $0xFFFFF086  }
0x25: {  	[simem:s6], [sflag:s4] =	dma.local [hbm:s3], $0xF7A  }
0x26: {  	[smem:$0x3F73] =	sst s1;
	(tag) =	ssettag s2;
	_ =	strace s9  }
0x27: {  	s1 =	sld [smem:$0x3F83]  }
0x28: {  	s2 =	sld [smem:$0x3F84]  }
0x29: {  	s4 =	sld [smem:$0x3F86]  }
0x2a: {  	p0 =	seq.s32 s5, $0x0;
	s5 =	sld [smem:$0x3F87]  }
0x2b: {  	s6 =	sld [smem:$0x3F88]  }
0x2c: {  	s7 =	sld [smem:$0x3F89]  }
0x2d: {  	s3 =	simm.s32 $0x108;
	s8 =	sld [smem:$0x3F8A]  }
0x2e: {  	s3 =	simm.s32 @!p0 $0x1082;
	s9 =	sld [smem:$0x3F8B]  }
0x2f: {  	lr =	sadd.s32 s0, s3;
	s0 =	sld [smem:$0x3F82]  }
0x30: {  	s3 =	sld [smem:$0x3F85]  }
0x31: {  	[smem:$0x3F8E] =	sst s10  }
0x32: {  	s10 =	sld [smem:$0x3F8C];
	_ =	sdelay $0x3  }
0x33: {  	p0 =	seq.s32 s10, $0x1;
	s10 =	sld [smem:$0x3F8E];
	_ =	sdelay $0x3  }
0x34: {  	[smem:$0x3F8E] =	sst s10  }
0x35: {  	s10 =	sld [smem:$0x3F8D];
	_ =	sdelay $0x3  }
0x36: {  	p1 =	seq.s32 s10, $0x1;
	s10 =	sld [smem:$0x3F8E];
	_ =	sdelay $0x3  }
0x37: {  	[smem:$0x3F8E] =	sst s10  }
0x38: {  	s10 =	sld [smem:$0x3F8F]  }
0x39: {  	_ = 	snop;
	(pc) =	sbr.ind lr, $3  }
0x3a: {  	_ = 	snop  }
0x3b: {  	_ = 	snop  }
0x3c: {  	p2 =	seq.s32 s10, $0x1;
	s10 =	sld [smem:$0x3F8E]  }
0x3d: {  	_ =	shalt  }
0x3e: {  	_ =	shalt  }
0x3f: {  	_ =	shalt  }
0x40: {  	_ =	shalt  }
0x41: {  	_ =	shalt  }
0x42: {  	_ =	shalt  }
0x43: {  	_ =	shalt  }
0x44: {  	_ =	shalt  }
0x45: {  	_ =	shalt  }
0x46: {  	_ =	shalt  }
0x47: {  	_ =	shalt  }
0x48: {  	_ =	shalt  }
0x49: {  	_ =	shalt  }
0x4a: {  	_ =	shalt  }
0x4b: {  	_ =	shalt  }
0x4c: {  	_ =	shalt  }
0x4d: {  	_ =	shalt  }
0x4e: {  	_ =	shalt  }
0x4f: {  	_ =	shalt  }
0x50: {  	_ =	shalt  }
0x51: {  	_ =	shalt  }
0x52: {  	_ =	shalt  }
0x53: {  	_ =	shalt  }
0x54: {  	_ =	shalt  }
0x55: {  	_ =	shalt  }
0x56: {  	_ =	shalt  }
0x57: {  	_ =	shalt  }
0x58: {  	_ =	shalt  }
0x59: {  	_ =	shalt  }
0x5a: {  	_ =	shalt  }
0x5b: {  	_ =	shalt  }
0x5c: {  	_ =	shalt  }
0x5d: {  	_ =	shalt  }
0x5e: {  	_ =	shalt  }
0x5f: {  	_ =	shalt  }
0x60: {  	_ =	shalt  }
0x61: {  	_ =	shalt  }
0x62: {  	_ =	shalt  }
0x63: {  	_ =	shalt  }
0x64: {  	_ =	shalt  }
0x65: {  	_ =	shalt  }
0x66: {  	_ =	shalt  }
0x67: {  	_ =	shalt  }
0x68: {  	_ =	shalt  }
0x69: {  	_ =	shalt  }
0x6a: {  	_ =	shalt  }
0x6b: {  	_ =	shalt  }
0x6c: {  	_ =	shalt  }
0x6d: {  	_ =	shalt  }
0x6e: {  	_ =	shalt  }
0x6f: {  	_ =	shalt  }
0x70: {  	_ =	shalt  }
0x71: {  	_ =	shalt  }
0x72: {  	_ =	shalt  }
0x73: {  	_ =	shalt  }
0x74: {  	_ =	shalt  }
0x75: {  	_ =	shalt  }
0x76: {  	_ =	shalt  }
0x77: {  	_ =	shalt  }
0x78: {  	_ =	shalt  }
0x79: {  	_ =	shalt  }
0x7a: {  	_ =	shalt  }
0x7b: {  	_ =	shalt  }
0x7c: {  	_ =	shalt  }
0x7d: {  	_ =	shalt  }
0x7e: {  	_ =	shalt  }
0x7f: {  	_ =	shalt  }
0x80: {  	_ =	shalt  }
0x81: {  	_ =	shalt  }
0x82: {  	_ =	shalt  }
0x83: {  	_ =	shalt  }
0x84: {  	_ =	shalt  }
0x85: {  	_ =	shalt  }
0x86: {  	_ =	shalt  }
0x87: {  	_ =	shalt  }
.Lfunc_end0:
.L_simem_size_0:
called_computation_lowered:
.L_overlay_start_0:
0x88: {  	s2 =	sld [smem:$0x3FD9]  }
0x89: {  	s3 =	sld [smem:$0x3FFE];
	_ =	sdelay $0x1  }
0x8a: {  	s1 =	srdreg.scid  }
0x8b: {  	s0 =	sand.u32 $0x1, s1  }
0x8c: {  	s16 =	sshll.u32 s0, $0xA;
	s2 =	sadd.s32 s3, s2  }
0x8d: {  	s2 =	sadd.s32 s2, s16  }
0x8e: {  	[smem:$0x3F9A] =	sst s2  }
0x8f: {  	_ = 	snop  }
0x90: {  	(tm) =	ssettm $0x1  }
0x91: {  	s17 =	sld [smem:$0x3FFB];
	_ =	sdelay $0x3  }
0x92: {  	_ =	strace s17  }
0x93: {  	s2 =	sld [smem:$0x3FFC];
	_ =	sdelay $0x3  }
0x94: {  	_ =	strace s2  }
0x95: {  	s2 =	sld [smem:$0x3FFD];
	_ =	sdelay $0x3  }
0x96: {  	_ =	strace s2  }
0x97: {  	_ =	strace $0x8FFFFFFF  }
0x98: {  	s18 =	sld [smem:$0x3FDB];
	_ =	sdelay $0x1  }
0x99: {  	s19 =	simm.s32 $_scs_section_size  }
0x9a: {  	s4 =	simm.s32 $_size__tile_overlayer_lowered;
	s5 =	simm.s32 $_tile_overlayer_lowered  }
0x9b: {  	s22 =	simm.s32 $0x1BFF;
	s21 =	sshll.u32 s5, $0x1;
	s2 =	sadd.s32 s19, s18  }
0x9c: {  	s6 =	simm.s32 $0x0;
	s20 =	sshll.u32 s4, $0x1;
	s4 =	sadd.s32 s21, s2  }
0x9d: {  	[timem:s6], [sflag:s22] =	dma.local [hbm:s4], s20  }
0x9e: {  	_ =	swait.ge [sflag:s22], s20  }
0x9f: {  	s3 =	ssub.s32 $0x0, s20;
	[sflag:s22] =	ssyncset.done $0x0  }
0xa0: {  	[sflag:s22] =	ssyncadd.s32 s3;
	_ =	sdelay $0x1  }
0xa1: {  	s23 =	simm.s32 $0x1B8B  }
0xa2: {  	_ =	swait.ge [sflag:s23], $0x1  }
0xa3: {  	[sflag:s23] =	ssyncset.done $0x0  }
0xa4: {  	s25 =	simm.s32 $0x1B8E;
	s24 =	sld [smem:$0x3FFE];
	[sflag:s23] =	ssyncadd.s32 $0xFFFFFFFF  }
0xa5: {  	s26 =	simm.s32 $execute0_lowered;
	[smem:$0x3FD2] =	sst s25  }
0xa6: {  	s4 =	sshll.u32 s26, $0x1;
	_ =	strace $0x80000046;
	[dreg:$0x1] =	wrdreg $0xFFFFFFFF  }
0xa7: {  	s28 =	simm.s32 $_size_execute0_lowered;
	s2 =	sadd.s32 s2, s4;
	[dreg:$0x0] =	wrdreg $0x0  }
0xa8: {  	s4 =	sshll.u32 s28, $0x1;
	[dreg:$0x2] =	wrdreg s2  }
0xa9: {  	[dreg:$0x3] =	wrdreg s4  }
0xaa: {  	[dreg:$0x4] =	wrdreg $0xC0  }
0xab: {  	_ =	task [dreg:s6], $0x5FFFF  }
0xac: {  	[dreg:$0x1] =	wrdreg $0xFFFFFFFF  }
0xad: {  	[dreg:$0x0] =	wrdreg $0x60  }
0xae: {  	[dreg:$0x2] =	wrdreg s24  }
0xaf: {  	[dreg:$0x3] =	wrdreg $0x9  }
0xb0: {  	_ =	task.clear_ibuf [dreg:s6], $0x4FFFF;
	_ =	strace $0x90000046  }
0xb1: {  	s29 =	simm.s32 $0x9;
	_ =	strace $0x80000048  }
0xb2: {  	_ =	swait.ge [sflag:s29], $0x1  }
0xb3: {  	[sflag:s29] =	ssyncadd.s32 $0xFFFFFFFF  }
0xb4: {  	_ =	strace $0x90000048  }
0xb5: {  	_ =	sfence  }
0xb6: {  	s30 =	sld [smem:$0x0];
	_ =	sdelay $0x2  }
0xb7: {  	s31 =	sshll.u32 s1, $0xD;
	s1 =	sshrl.u32 s1, $0x2  }
0xb8: {  	s3 =	sand.u32 $0x4000, s31;
	s1 =	sadd.s32 s1, s30  }
0xb9: {  	s0 =	sor.u32 s3, s0;
	s1 =	sshll.u32 s1, $0x11  }
0xba: {  	s0 =	sor.u32 s1, s0  }
0xbb: {  	s0 =	sadd.s32 $0x8F2B, s0  }
0xbc: {  	[sflag:s0] =	ssyncadd.remote.s32 $0x1  }
0xbd: {  	_ =	sfence.sel $0xFFFF  }
0xbe: {  	[dreg:$0x0] =	wrdreg $0xFFFFFFFF;
	(pc) =	sbr.abs _section_cstart, $3  }
0xbf: {  	[dreg:$0x1] =	wrdreg $0xFFFFFFFF  }
0xc0: {  	_ =	task.clear_ibuf [dreg:s6], $0x2FFFF;
	_ =	strace $0x9FFFFFFF  }
0xc1: {  	(tm) =	ssettm $0x7FFFFFFF  }
tec
execute0_lowered:
.L_overlay_start_1:
0x0: {  	(tag) =	ssettag $0x1  }
0x1: {  	s0 =	rddreg [dreg:$0x0];
	s1 =	srdreg.scid  }
0x2: {  	s3 =	stileid.u32;
	s2 =	simm.s32 $0x0;
	s10 =	simm.s32 $0x3  }
0x3: {  	s17 =	simm.s32 $0x7800;
	s18 =	simm.s32 $0x8000;
	s19 =	simm.s32 $0x8800  }
0x4: {  	s20 =	simm.s32 $0xD000;
	s21 =	simm.s32 $0xD800;
	s22 =	simm.s32 $0xE000  }
0x5: {  	s23 =	simm.s32 $0xE800;
	s24 =	simm.s32 $0xF000;
	s25 =	simm.s32 $0xF800  }
0x6: {  	s28 =	simm.s32 $0x10800;
	s29 =	simm.s32 $0x1;
	s30 =	simm.s32 $0x2  }
0x7: {  	s31 =	simm.s32 $0x0;
	s1 =	sand.u32 $0x1, s1;
	s4 =	smul.u32 $0x280000, s3  }
0x8: {  	[smem:$0x7FF] =	sst s2;
	s3 =	sshll.u32 s3, $0x1;
	s5 =	smul.u32 $0x140000, s1  }
0x9: {  	_ =	strace $0x80000047;
	s6 =	sor.u32 s1, s3;
	s1 =	ssub.s32 $0x2, s1  }
0xa: {  	s3 =	sadd.s32 $0xE4000, s0;
	s6 =	smul.u32 $0x500, s6;
	s26 =	sshrl.u32 s1, $0x1  }
0xb: {  	s5 =	sadd.s32 s5, s4;
	s4 =	sadd.s32 $0x47C00, s0;
	s1 =	ssub.s32 s1, s26  }
0xc: {  	v2 =	vlaneseq.u32;
	s26 =	simm.s32 $0x10000;
	s5 =	sshrl.u32 s5, $0x3;
	s6 =	sadd.s32 s6, s0  }
0xd: {  	vm0 =	vmmov $0xffff;
	v1 =	vshrl.u32 v2, $0x3;
	s0 =	sadd.s32 s5, s0;
	s5 =	sadd.s32 $0xCA00, s6;
	s6 =	sadd.s32 $0x16A00, s6  }
0xe: {  	v0 =	vand.u32 $0x7, v2;
	v2 =	vor.u32 $0x8, v2;
	v1 =	vmul.u32 $0x8, v1;
	s7 =	smax.u32 s1, $0x1;
	s11 =	sadd.s32 $0x632200, s0;
	s1 =	sadd.s32 $0x132200, s0  }
.LBB2_1:
0xf: {  	[tilespmem:s2], [sflag:$0x3] =	stream.linear.gather [hbm4b:s5+s2], $0x2800, $0x38;
	[tilespmem:$0x15000] =	vst v63  }
0x10: {  	_ =	swait.ge [sflag:s10], $0x2800  }
0x11: {  	[sflag:s10] =	ssyncset.done $0x0  }
0x12: {  	s0 =	simm.s32 $0x2800;
	[sflag:s10] =	ssyncadd.s32 $0xFFFFD800  }
0x13: {  	[tilespmem:s0], [sflag:$0x3] =	stream.linear.gather [hbm4b:s6+s2], $0x2800, $0x38;
	[tilespmem:$0x15000] =	vst v63  }
0x14: {  	_ =	swait.ge [sflag:s10], $0x2800  }
0x15: {  	[sflag:s10] =	ssyncset.done $0x0  }
0x16: {  	[sflag:s10] =	ssyncadd.s32 $0xFFFFD800  }
0x17: {  	v3 =	vld [tilespmem:$0x0];
	_ =	sdelay $0x4  }
0x18: {  	v4 =	vshll.u32 v3, $0x1  }
0x19: {  	v3 =	vand.u32 $0x7, v3;
	v4 =	vand.u32 $0xFFFFFFF0, v4  }
0x1a: {  	v3 =	vor.u32 v3, v4  }
0x1b: {  	v4 =	vperm.xlane v3, v0;
	_ =	sdelay $0x1  }
0x1c: {  	v3 =	vperm.xlane v3, v2;
	v4 =	vadd.s32 v1, v4;
	_ =	sdelay $0x1  }
0x1d: {  	v3 =	vadd.s32 v1, v3;
	_ =	sdelay $0x1  }
0x1e: {  	s12 =	simm.s32 $0x5000  }
0x1f: {  	[tilespmem:s12], [sflag:$0x1] =	stream.indirect_vreg.gather [hbm4b:s3+s2], $0x80, v4, vm0, $0xb8;
	[tilespmem:$0x15000] =	vst v63  }
0x20: {  	s13 =	simm.s32 $0x5800  }
0x21: {  	[tilespmem:s13], [sflag:$0x1] =	stream.indirect_vreg.gather [hbm4b:s3+s2], $0x80, v3, vm0, $0xb8;
	[tilespmem:$0x15000] =	vst v63  }
0x22: {  	v3 =	vld [tilespmem:$0x10];
	_ =	sdelay $0x4  }
0x23: {  	v57 =	vshll.u32 v3, $0x1  }
0x24: {  	v3 =	vand.u32 $0x7, v3;
	v4 =	vand.u32 $0xFFFFFFF0, v57  }
0x25: {  	v3 =	vor.u32 v3, v4  }
0x26: {  	v4 =	vperm.xlane v3, v0;
	_ =	sdelay $0x1  }
0x27: {  	v3 =	vperm.xlane v3, v2;
	v4 =	vadd.s32 v1, v4;
	_ =	sdelay $0x1  }
0x28: {  	v3 =	vadd.s32 v1, v3;
	_ =	sdelay $0x1  }
0x29: {  	s14 =	simm.s32 $0x6000  }
0x2a: {  	[tilespmem:s14], [sflag:$0x1] =	stream.indirect_vreg.gather [hbm4b:s3+s2], $0x80, v4, vm0, $0xb8;
	[tilespmem:$0x15000] =	vst v63  }
0x2b: {  	s15 =	simm.s32 $0x6800  }
0x2c: {  	[tilespmem:s15], [sflag:$0x1] =	stream.indirect_vreg.gather [hbm4b:s3+s2], $0x80, v3, vm0, $0xb8;
	[tilespmem:$0x15000] =	vst v63  }
0x2d: {  	v3 =	vld [tilespmem:$0x20];
	_ =	sdelay $0x4  }
0x2e: {  	v58 =	vshll.u32 v3, $0x1  }
0x2f: {  	v3 =	vand.u32 $0x7, v3;
	v4 =	vand.u32 $0xFFFFFFF0, v58  }
0x30: {  	v3 =	vor.u32 v3, v4  }
0x31: {  	v4 =	vperm.xlane v3, v0;
	_ =	sdelay $0x1  }
0x32: {  	v3 =	vperm.xlane v3, v2;
	v4 =	vadd.s32 v1, v4;
	_ =	sdelay $0x1  }
0x33: {  	v3 =	vadd.s32 v1, v3;
	_ =	sdelay $0x1  }
0x34: {  	s16 =	simm.s32 $0x7000  }
0x35: {  	[tilespmem:s16], [sflag:$0x1] =	stream.indirect_vreg.gather [hbm4b:s3+s2], $0x80, v4, vm0, $0xb8;
	[tilespmem:$0x15000] =	vst v63  }
0x36: {  	_ = 	snop  }
0x37: {  	[tilespmem:s17], [sflag:$0x1] =	stream.indirect_vreg.gather [hbm4b:s3+s2], $0x80, v3, vm0, $0xb8;
	[tilespmem:$0x15000] =	vst v63  }
0x38: {  	v3 =	vld [tilespmem:$0x30];
	_ =	sdelay $0x4  }
0x39: {  	v59 =	vshll.u32 v3, $0x1  }
0x3a: {  	v3 =	vand.u32 $0x7, v3;
	v4 =	vand.u32 $0xFFFFFFF0, v59  }
0x3b: {  	v3 =	vor.u32 v3, v4  }
0x3c: {  	v4 =	vperm.xlane v3, v0;
	_ =	sdelay $0x1  }
0x3d: {  	v3 =	vperm.xlane v3, v2;
	v4 =	vadd.s32 v1, v4;
	_ =	sdelay $0x1  }
0x3e: {  	v3 =	vadd.s32 v1, v3;
	_ =	sdelay $0x2  }
0x3f: {  	[tilespmem:s18], [sflag:$0x1] =	stream.indirect_vreg.gather [hbm4b:s3+s2], $0x80, v4, vm0, $0xb8;
	[tilespmem:$0x15000] =	vst v63  }
0x40: {  	_ = 	snop  }
0x41: {  	[tilespmem:s19], [sflag:$0x1] =	stream.indirect_vreg.gather [hbm4b:s3+s2], $0x80, v3, vm0, $0xb8;
	[tilespmem:$0x15000] =	vst v63  }
0x42: {  	v3 =	vld [tilespmem:$0x2800];
	_ =	sdelay $0x4  }
0x43: {  	v60 =	vshll.u32 v3, $0x1  }
0x44: {  	v3 =	vand.u32 $0x7, v3;
	v4 =	vand.u32 $0xFFFFFFF0, v60  }
0x45: {  	v3 =	vor.u32 v3, v4  }
0x46: {  	v4 =	vperm.xlane v3, v0;
	_ =	sdelay $0x1  }
0x47: {  	v3 =	vperm.xlane v3, v2;
	v4 =	vadd.s32 v1, v4;
	_ =	sdelay $0x1  }
0x48: {  	v3 =	vadd.s32 v1, v3;
	_ =	sdelay $0x2  }
0x49: {  	[tilespmem:s20], [sflag:$0x2] =	stream.indirect_vreg.gather [hbm4b:s4+s2], $0x80, v4, vm0, $0xb8;
	[tilespmem:$0x15000] =	vst v63  }
0x4a: {  	_ = 	snop  }
0x4b: {  	[tilespmem:s21], [sflag:$0x2] =	stream.indirect_vreg.gather [hbm4b:s4+s2], $0x80, v3, vm0, $0xb8;
	[tilespmem:$0x15000] =	vst v63  }
0x4c: {  	v3 =	vld [tilespmem:$0x2810];
	_ =	sdelay $0x4  }
0x4d: {  	v61 =	vshll.u32 v3, $0x1  }
0x4e: {  	v3 =	vand.u32 $0x7, v3;
	v4 =	vand.u32 $0xFFFFFFF0, v61  }
0x4f: {  	v3 =	vor.u32 v3, v4  }
0x50: {  	v4 =	vperm.xlane v3, v0;
	_ =	sdelay $0x1  }
0x51: {  	v3 =	vperm.xlane v3, v2;
	v4 =	vadd.s32 v1, v4;
	_ =	sdelay $0x1  }
0x52: {  	v3 =	vadd.s32 v1, v3;
	_ =	sdelay $0x2  }
0x53: {  	[tilespmem:s22], [sflag:$0x2] =	stream.indirect_vreg.gather [hbm4b:s4+s2], $0x80, v4, vm0, $0xb8;
	[tilespmem:$0x15000] =	vst v63  }
0x54: {  	_ = 	snop  }
0x55: {  	[tilespmem:s23], [sflag:$0x2] =	stream.indirect_vreg.gather [hbm4b:s4+s2], $0x80, v3, vm0, $0xb8;
	[tilespmem:$0x15000] =	vst v63  }
0x56: {  	v3 =	vld [tilespmem:$0x2820];
	_ =	sdelay $0x4  }
0x57: {  	v62 =	vshll.u32 v3, $0x1  }
0x58: {  	v3 =	vand.u32 $0x7, v3;
	v4 =	vand.u32 $0xFFFFFFF0, v62  }
0x59: {  	v3 =	vor.u32 v3, v4  }
0x5a: {  	v4 =	vperm.xlane v3, v0;
	_ =	sdelay $0x1  }
0x5b: {  	v3 =	vperm.xlane v3, v2;
	v4 =	vadd.s32 v1, v4;
	_ =	sdelay $0x1  }
0x5c: {  	v3 =	vadd.s32 v1, v3;
	_ =	sdelay $0x2  }
0x5d: {  	[tilespmem:s24], [sflag:$0x2] =	stream.indirect_vreg.gather [hbm4b:s4+s2], $0x80, v4, vm0, $0xb8;
	[tilespmem:$0x15000] =	vst v63  }
0x5e: {  	_ = 	snop  }
0x5f: {  	[tilespmem:s25], [sflag:$0x2] =	stream.indirect_vreg.gather [hbm4b:s4+s2], $0x80, v3, vm0, $0xb8;
	[tilespmem:$0x15000] =	vst v63  }
0x60: {  	v3 =	vld [tilespmem:$0x2830];
	_ =	sdelay $0x4  }
0x61: {  	v63 =	vshll.u32 v3, $0x1  }
0x62: {  	v3 =	vand.u32 $0x7, v3;
	v4 =	vand.u32 $0xFFFFFFF0, v63  }
0x63: {  	v3 =	vor.u32 v3, v4  }
0x64: {  	v4 =	vperm.xlane v3, v0;
	_ =	sdelay $0x1  }
0x65: {  	v3 =	vperm.xlane v3, v2;
	v4 =	vadd.s32 v1, v4;
	_ =	sdelay $0x1  }
0x66: {  	v3 =	vadd.s32 v1, v3;
	_ =	sdelay $0x1  }
0x67: {  	s9 =	smov.u32 s1  }
0x68: {  	[tilespmem:s26], [sflag:$0x2] =	stream.indirect_vreg.gather [hbm4b:s4+s2], $0x80, v4, vm0, $0xb8;
	[tilespmem:$0x15000] =	vst v63  }
0x69: {  	s8 =	smov.u32 s11;
	s0 =	simm.s32 $0x1;
	s12 =	simm.s32 $0x0  }
0x6a: {  	[tilespmem:s28], [sflag:$0x2] =	stream.indirect_vreg.gather [hbm4b:s4+s2], $0x80, v3, vm0, $0xb8;
	[tilespmem:$0x15000] =	vst v63  }
.LBB2_2:
0x6b: {  	s13 =	smin.u32 s0, $0x4F  }
0x6c: {  	s15 =	sshll.u32 s13, $0x7  }
0x6d: {  	v3 =	vld [tilespmem:s15+$0x0];
	_ =	sdelay $0x4  }
0x6e: {  	v4 =	vshll.u32 v3, $0x1  }
0x6f: {  	v3 =	vand.u32 $0x7, v3;
	v4 =	vand.u32 $0xFFFFFFF0, v4  }
0x70: {  	v3 =	vor.u32 v3, v4  }
0x71: {  	v4 =	vperm.xlane v3, v0;
	_ =	sdelay $0x1  }
0x72: {  	v3 =	vperm.xlane v3, v2;
	v4 =	vadd.s32 v1, v4;
	_ =	sdelay $0x1  }
0x73: {  	s13 =	sadd.s32 $0x4000, s12;
	v3 =	vadd.s32 v1, v3  }
0x74: {  	s14 =	sand.u32 $0x4000, s13  }
0x75: {  	s16 =	sadd.s32 $0x5000, s14  }
0x76: {  	[tilespmem:s16], [sflag:$0x1] =	stream.indirect_vreg.gather [hbm4b:s3+s2], $0x80, v4, vm0, $0xb8;
	[tilespmem:$0x15000] =	vst v63  }
0x77: {  	s16 =	sadd.s32 $0x5800, s14  }
0x78: {  	[tilespmem:s16], [sflag:$0x1] =	stream.indirect_vreg.gather [hbm4b:s3+s2], $0x80, v3, vm0, $0xb8;
	[tilespmem:$0x15000] =	vst v63  }
0x79: {  	v3 =	vld [tilespmem:s15+$0x10];
	_ =	sdelay $0x4  }
0x7a: {  	v57 =	vshll.u32 v3, $0x1  }
0x7b: {  	v3 =	vand.u32 $0x7, v3;
	v4 =	vand.u32 $0xFFFFFFF0, v57  }
0x7c: {  	v3 =	vor.u32 v3, v4  }
0x7d: {  	v4 =	vperm.xlane v3, v0;
	_ =	sdelay $0x1  }
0x7e: {  	v3 =	vperm.xlane v3, v2;
	v4 =	vadd.s32 v1, v4;
	_ =	sdelay $0x1  }
0x7f: {  	v3 =	vadd.s32 v1, v3;
	_ =	sdelay $0x1  }
0x80: {  	s16 =	sadd.s32 $0x6000, s14  }
0x81: {  	[tilespmem:s16], [sflag:$0x1] =	stream.indirect_vreg.gather [hbm4b:s3+s2], $0x80, v4, vm0, $0xb8;
	[tilespmem:$0x15000] =	vst v63  }
0x82: {  	s16 =	sadd.s32 $0x6800, s14  }
0x83: {  	[tilespmem:s16], [sflag:$0x1] =	stream.indirect_vreg.gather [hbm4b:s3+s2], $0x80, v3, vm0, $0xb8;
	[tilespmem:$0x15000] =	vst v63  }
0x84: {  	v3 =	vld [tilespmem:s15+$0x20];
	_ =	sdelay $0x4  }
0x85: {  	v58 =	vshll.u32 v3, $0x1  }
0x86: {  	v3 =	vand.u32 $0x7, v3;
	v4 =	vand.u32 $0xFFFFFFF0, v58  }
0x87: {  	v3 =	vor.u32 v3, v4  }
0x88: {  	v4 =	vperm.xlane v3, v0;
	_ =	sdelay $0x1  }
0x89: {  	v3 =	vperm.xlane v3, v2;
	v4 =	vadd.s32 v1, v4;
	_ =	sdelay $0x1  }
0x8a: {  	v3 =	vadd.s32 v1, v3;
	_ =	sdelay $0x1  }
0x8b: {  	s16 =	sadd.s32 $0x7000, s14  }
0x8c: {  	[tilespmem:s16], [sflag:$0x1] =	stream.indirect_vreg.gather [hbm4b:s3+s2], $0x80, v4, vm0, $0xb8;
	[tilespmem:$0x15000] =	vst v63  }
0x8d: {  	s16 =	sadd.s32 $0x7800, s14  }
0x8e: {  	[tilespmem:s16], [sflag:$0x1] =	stream.indirect_vreg.gather [hbm4b:s3+s2], $0x80, v3, vm0, $0xb8;
	[tilespmem:$0x15000] =	vst v63  }
0x8f: {  	v3 =	vld [tilespmem:s15+$0x30];
	_ =	sdelay $0x4  }
0x90: {  	v59 =	vshll.u32 v3, $0x1  }
0x91: {  	v3 =	vand.u32 $0x7, v3;
	v4 =	vand.u32 $0xFFFFFFF0, v59  }
0x92: {  	v3 =	vor.u32 v3, v4  }
0x93: {  	v4 =	vperm.xlane v3, v0;
	_ =	sdelay $0x1  }
0x94: {  	v3 =	vperm.xlane v3, v2;
	v4 =	vadd.s32 v1, v4;
	_ =	sdelay $0x1  }
0x95: {  	v3 =	vadd.s32 v1, v3;
	_ =	sdelay $0x1  }
0x96: {  	s16 =	sor.u32 $0x8000, s14  }
0x97: {  	[tilespmem:s16], [sflag:$0x1] =	stream.indirect_vreg.gather [hbm4b:s3+s2], $0x80, v4, vm0, $0xb8;
	[tilespmem:$0x15000] =	vst v63  }
0x98: {  	s16 =	sor.u32 $0x8800, s14  }
0x99: {  	[tilespmem:s16], [sflag:$0x1] =	stream.indirect_vreg.gather [hbm4b:s3+s2], $0x80, v3, vm0, $0xb8;
	[tilespmem:$0x15000] =	vst v63  }
0x9a: {  	v3 =	vld [tilespmem:s15+$0x2800];
	_ =	sdelay $0x4  }
0x9b: {  	v60 =	vshll.u32 v3, $0x1  }
0x9c: {  	v3 =	vand.u32 $0x7, v3;
	v4 =	vand.u32 $0xFFFFFFF0, v60  }
0x9d: {  	v3 =	vor.u32 v3, v4  }
0x9e: {  	v4 =	vperm.xlane v3, v0;
	_ =	sdelay $0x1  }
0x9f: {  	v3 =	vperm.xlane v3, v2;
	v4 =	vadd.s32 v1, v4;
	_ =	sdelay $0x1  }
0xa0: {  	v3 =	vadd.s32 v1, v3;
	_ =	sdelay $0x1  }
0xa1: {  	s16 =	sadd.s32 $0xD000, s14  }
0xa2: {  	[tilespmem:s16], [sflag:$0x2] =	stream.indirect_vreg.gather [hbm4b:s4+s2], $0x80, v4, vm0, $0xb8;
	[tilespmem:$0x15000] =	vst v63  }
0xa3: {  	s16 =	sadd.s32 $0xD800, s14  }
0xa4: {  	[tilespmem:s16], [sflag:$0x2] =	stream.indirect_vreg.gather [hbm4b:s4+s2], $0x80, v3, vm0, $0xb8;
	[tilespmem:$0x15000] =	vst v63  }
0xa5: {  	v3 =	vld [tilespmem:s15+$0x2810];
	_ =	sdelay $0x4  }
0xa6: {  	v61 =	vshll.u32 v3, $0x1  }
0xa7: {  	v3 =	vand.u32 $0x7, v3;
	v4 =	vand.u32 $0xFFFFFFF0, v61  }
0xa8: {  	v3 =	vor.u32 v3, v4  }
0xa9: {  	v4 =	vperm.xlane v3, v0;
	_ =	sdelay $0x1  }
0xaa: {  	v3 =	vperm.xlane v3, v2;
	v4 =	vadd.s32 v1, v4;
	_ =	sdelay $0x1  }
0xab: {  	v3 =	vadd.s32 v1, v3;
	_ =	sdelay $0x1  }
0xac: {  	s16 =	sadd.s32 $0xE000, s14  }
0xad: {  	[tilespmem:s16], [sflag:$0x2] =	stream.indirect_vreg.gather [hbm4b:s4+s2], $0x80, v4, vm0, $0xb8;
	[tilespmem:$0x15000] =	vst v63  }
0xae: {  	s16 =	sadd.s32 $0xE800, s14  }
0xaf: {  	[tilespmem:s16], [sflag:$0x2] =	stream.indirect_vreg.gather [hbm4b:s4+s2], $0x80, v3, vm0, $0xb8;
	[tilespmem:$0x15000] =	vst v63  }
0xb0: {  	v3 =	vld [tilespmem:s15+$0x2820];
	_ =	sdelay $0x4  }
0xb1: {  	v62 =	vshll.u32 v3, $0x1  }
0xb2: {  	v3 =	vand.u32 $0x7, v3;
	v4 =	vand.u32 $0xFFFFFFF0, v62  }
0xb3: {  	v3 =	vor.u32 v3, v4  }
0xb4: {  	v4 =	vperm.xlane v3, v0;
	_ =	sdelay $0x1  }
0xb5: {  	v3 =	vperm.xlane v3, v2;
	v4 =	vadd.s32 v1, v4;
	_ =	sdelay $0x1  }
0xb6: {  	v3 =	vadd.s32 v1, v3;
	_ =	sdelay $0x1  }
0xb7: {  	s16 =	sadd.s32 $0xF000, s14  }
0xb8: {  	[tilespmem:s16], [sflag:$0x2] =	stream.indirect_vreg.gather [hbm4b:s4+s2], $0x80, v4, vm0, $0xb8;
	[tilespmem:$0x15000] =	vst v63  }
0xb9: {  	s16 =	sadd.s32 $0xF800, s14  }
0xba: {  	[tilespmem:s16], [sflag:$0x2] =	stream.indirect_vreg.gather [hbm4b:s4+s2], $0x80, v3, vm0, $0xb8;
	[tilespmem:$0x15000] =	vst v63  }
0xbb: {  	v3 =	vld [tilespmem:s15+$0x2830];
	_ =	sdelay $0x4  }
0xbc: {  	v63 =	vshll.u32 v3, $0x1  }
0xbd: {  	v3 =	vand.u32 $0x7, v3;
	v4 =	vand.u32 $0xFFFFFFF0, v63  }
0xbe: {  	v3 =	vor.u32 v3, v4  }
0xbf: {  	v4 =	vperm.xlane v3, v0;
	_ =	sdelay $0x1  }
0xc0: {  	v3 =	vperm.xlane v3, v2;
	v4 =	vadd.s32 v1, v4;
	_ =	sdelay $0x1  }
0xc1: {  	v3 =	vadd.s32 v1, v3;
	_ =	sdelay $0x1  }
0xc2: {  	s16 =	sor.u32 $0x10000, s14  }
0xc3: {  	[tilespmem:s16], [sflag:$0x2] =	stream.indirect_vreg.gather [hbm4b:s4+s2], $0x80, v4, vm0, $0xb8;
	[tilespmem:$0x15000] =	vst v63  }
0xc4: {  	s14 =	sor.u32 $0x10800, s14  }
0xc5: {  	[tilespmem:s14], [sflag:$0x2] =	stream.indirect_vreg.gather [hbm4b:s4+s2], $0x80, v3, vm0, $0xb8;
	[tilespmem:$0x15000] =	vst v63  }
0xc6: {  	_ =	swait.ge [sflag:s29], $0x4000  }
0xc7: {  	s14 =	sand.u32 $0x4000, s12;
	[sflag:s29] =	ssyncset.done $0x0  }
0xc8: {  	s16 =	sadd.s32 $0x5000, s14;
	[sflag:s29] =	ssyncadd.s32 $0xFFFFC000  }
0xc9: {  	[hbm4b:s9+s2] =	stream.linear.scatter [tilespmem:s16], [sflag:$0x3], $0x4000, $0x38;
	[tilespmem:$0x15000] =	vst v63  }
0xca: {  	_ =	swait.ge [sflag:s10], $0x4000  }
0xcb: {  	[sflag:s10] =	ssyncset.done $0x0  }
0xcc: {  	[sflag:s10] =	ssyncadd.s32 $0xFFFFC000  }
0xcd: {  	_ =	swait.ge [sflag:s30], $0x4000  }
0xce: {  	p0 =	sne.s32 s12, $0x13C000;
	[sflag:s30] =	ssyncset.done $0x0  }
.Ltmp0:
0xcf: {  	s14 =	sadd.s32 $0xD000, s14;
	[sflag:s30] =	ssyncadd.s32 $0xFFFFC000;
	(pc) =	sbr.rel @p0 .LBB2_2-.Ltmp0, $4  }
0xd0: {  	[hbm4b:s8+s2] =	stream.linear.scatter [tilespmem:s14], [sflag:$0x3], $0x4000, $0x38;
	[tilespmem:$0x15000] =	vst v63  }
0xd1: {  	_ =	swait.ge [sflag:s10], $0x4000  }
0xd2: {  	s0 =	sadd.s32 $0x1, s0;
	s12 =	smov.u32 s13;
	[sflag:s10] =	ssyncset.done $0x0  }
0xd3: {  	s9 =	sadd.s32 $0x800, s9;
	s8 =	sadd.s32 $0x800, s8;
	[sflag:s10] =	ssyncadd.s32 $0xFFFFC000  }
0xd4: {  	s31 =	sadd.s32 $0x1, s31  }
0xd5: {  	_ =	swait.ge [sflag:s29], $0x4000;
	p0 =	sne.s32 s31, s7  }
.Ltmp1:
0xd6: {  	[sflag:s29] =	ssyncset.done $0x0;
	(pc) =	sbr.rel @p0 .LBB2_1-.Ltmp1, $4  }
0xd7: {  	[sflag:s29] =	ssyncadd.s32 $0xFFFFC000  }
0xd8: {  	_ =	swait.ge [sflag:s30], $0x4000  }
0xd9: {  	[sflag:s30] =	ssyncset.done $0x0  }
0xda: {  	[sflag:s30] =	ssyncadd.s32 $0xFFFFC000  }
0xdb: {  	_ =	sfence.sel $0x180000  }
0xdc: {  	[bflag:$0x0] =	sbarrier.arrive $0xFFFF  }
0xdd: {  	_ =	strace $0x90000047  }
0xde: {  	s0 =	stileid.u32;
	[bflag:$0x2] =	sbarrier.arrive $0xFFFF  }
0xdf: {  	p0 =	sne.s32 s0, $0x0;
	s0 =	rddreg [dreg:$0x1]  }
0xe0: {  	s0 =	sadd.s32 @!p0 $0x100000, s0  }
0xe1: {  	[sflag:s0] =	ssyncadd.tile.s32 @!p0 $0x1;
	_ =	shalt  }
.Lfunc_end2:
_tile_overlayer_lowered:
.L_overlay_start_2:
0xe2: {  	(tag) =	ssettag $0x2  }
0xe3: {  	s0 =	rddreg [dreg:$0x0];
	s2 =	stileid.u32  }
0xe4: {  	s1 =	rddreg [dreg:$0x1];
	p0 =	sne.s32 s2, $0x0  }
0xe5: {  	s3 =	rddreg [dreg:$0x2];
	[bflag:$0x3] =	sbarrier.arrive $0xFFFF;
	s2 =	simm.s32 @!p0 $0x1C03  }
0xe6: {  	[timem:s3], [sflag:s2] =	dma.local @!p0 [hbm:s0], s1  }
0xe7: {  	s0 =	simm.s32 @!p0 $0x3  }
0xe8: {  	_ =	swait.ge @!p0 [sflag:s0], s1  }
0xe9: {  	s1 =	ssub.s32 @!p0 $0x0, s1;
	[sflag:s0] =	ssyncset.done @!p0 $0x0  }
0xea: {  	[sflag:s0] =	ssyncadd.s32 @!p0 s1  }
0xeb: {  	[bflag:$0x3] =	sbarrier.arrive $0xFFFF  }
0xec: {  	_ =	shalt  }

// kernel: _run.22.cloned.1.call-start
scs
__scs_entry_jumppad:
0x0: {  	(pc) =	sbr.rel $0x88, $3  }
0x1: {  	(tag) =	ssettag $0x0;
	lr =	simm.s32 $0x1  }
0x2: {  	[smem:$0x3F73] =	sst lr;
	_ =	strace $0xD0000000  }
0x3: {  	_ = 	snop  }
0x4: {  	_ = 	snop  }
0x5: {  	_ = 	snop  }
0x6: {  	_ = 	snop  }
0x7: {  	_ = 	snop  }
__scs_overlays_trampoline_lowered:
0x8: {  	[smem:$0x3F82] =	sst s0  }
0x9: {  	[smem:$0x3F83] =	sst s1  }
0xa: {  	[smem:$0x3F84] =	sst s2  }
0xb: {  	[smem:$0x3F85] =	sst s3  }
0xc: {  	[smem:$0x3F86] =	sst s4  }
0xd: {  	[smem:$0x3F87] =	sst s5  }
0xe: {  	[smem:$0x3F88] =	sst s6  }
0xf: {  	[smem:$0x3F89] =	sst s7  }
0x10: {  	[smem:$0x3F8A] =	sst s8  }
0x11: {  	[smem:$0x3F8B] =	sst s9;
	s0 =	simm.s32 @!p0 $0x0  }
0x12: {  	s1 =	sld [smem:$0x3F71];
	s0 =	simm.s32 @p0 $0x1  }
0x13: {  	[smem:$0x3F8C] =	sst s0;
	s0 =	simm.s32 @!p1 $0x0  }
0x14: {  	s2 =	sld [smem:$0x3F70];
	s0 =	simm.s32 @p1 $0x1  }
0x15: {  	[smem:$0x3F8D] =	sst s0;
	s0 =	simm.s32 @!p2 $0x0  }
0x16: {  	s3 =	sld [smem:$0x3FDB];
	s0 =	simm.s32 @p2 $0x1  }
0x17: {  	s4 =	simm.s32 $0x1BF5;
	[smem:$0x3F8F] =	sst s0  }
0x18: {  	s0 =	sld [smem:$0x3F72];
	_ =	swait.ge [sflag:s4], $0x0  }
0x19: {  	s7 =	sld [smem:$0x3F73]  }
0x1a: {  	s8 =	sadd.s32 $0xFFFFE003, lr  }
0x1b: {  	s9 =	sadd.s32 $0xFFFFFEF7, lr;
	s5 =	simm.s32 $0xFFFFFFFF;
	p2 =	slt.u32 s8, $0xFFFFF086  }
0x1c: {  	p1 =	slt.u32 s9, $0xF7A;
	s5 =	simm.s32 @!p2 $0x0  }
0x1d: {  	s5 =	simm.s32 @p1 $0x1;
	p0 =	seq.s32 s7, s2  }
0x1e: {  	s7 =	smul.u32 @!p0 $0xF7A, s2;
	p2 =	seq.s32 @!p0 s5, $0x0  }
0x1f: {  	s9 =	smul.u32 $0xF7A, s1;
	s8 =	simm.s32 @!p0 $0x1BF5;
	p2 =	por !p2, p0  }
0x20: {  	[sflag:s8] =	ssyncset.s32 @!p0 $0xFFFFF086;
	s6 =	sadd.s32 @!p0 s3, s7;
	s7 =	simm.s32 @!p0 $0x108  }
0x21: {  	s3 =	sadd.s32 s3, s9;
	s6 =	sadd.s32 @!p0 $0x88, s6;
	s7 =	simm.s32 @p2 $0x1082  }
0x22: {  	[simem:s7], [sflag:s8] =	dma.local @!p0 [hbm:s6], $0xF7A  }
0x23: {  	s9 =	sor.u32 $0xD0000000, s2;
	s6 =	simm.s32 $0x108;
	_ =	swait.ge @!p0 [sflag:s8], $0x0  }
0x24: {  	s3 =	sadd.s32 $0x88, s3;
	s6 =	simm.s32 @!p1 $0x1082;
	[sflag:s4] =	ssyncset.s32 $0xFFFFF086  }
0x25: {  	[simem:s6], [sflag:s4] =	dma.local [hbm:s3], $0xF7A  }
0x26: {  	[smem:$0x3F73] =	sst s1;
	(tag) =	ssettag s2;
	_ =	strace s9  }
0x27: {  	s1 =	sld [smem:$0x3F83]  }
0x28: {  	s2 =	sld [smem:$0x3F84]  }
0x29: {  	s4 =	sld [smem:$0x3F86]  }
0x2a: {  	p0 =	seq.s32 s5, $0x0;
	s5 =	sld [smem:$0x3F87]  }
0x2b: {  	s6 =	sld [smem:$0x3F88]  }
0x2c: {  	s7 =	sld [smem:$0x3F89]  }
0x2d: {  	s3 =	simm.s32 $0x108;
	s8 =	sld [smem:$0x3F8A]  }
0x2e: {  	s3 =	simm.s32 @!p0 $0x1082;
	s9 =	sld [smem:$0x3F8B]  }
0x2f: {  	lr =	sadd.s32 s0, s3;
	s0 =	sld [smem:$0x3F82]  }
0x30: {  	s3 =	sld [smem:$0x3F85]  }
0x31: {  	[smem:$0x3F8E] =	sst s10  }
0x32: {  	s10 =	sld [smem:$0x3F8C];
	_ =	sdelay $0x3  }
0x33: {  	p0 =	seq.s32 s10, $0x1;
	s10 =	sld [smem:$0x3F8E];
	_ =	sdelay $0x3  }
0x34: {  	[smem:$0x3F8E] =	sst s10  }
0x35: {  	s10 =	sld [smem:$0x3F8D];
	_ =	sdelay $0x3  }
0x36: {  	p1 =	seq.s32 s10, $0x1;
	s10 =	sld [smem:$0x3F8E];
	_ =	sdelay $0x3  }
0x37: {  	[smem:$0x3F8E] =	sst s10  }
0x38: {  	s10 =	sld [smem:$0x3F8F]  }
0x39: {  	_ = 	snop;
	(pc) =	sbr.ind lr, $3  }
0x3a: {  	_ = 	snop  }
0x3b: {  	_ = 	snop  }
0x3c: {  	p2 =	seq.s32 s10, $0x1;
	s10 =	sld [smem:$0x3F8E]  }
0x3d: {  	_ =	shalt  }
0x3e: {  	_ =	shalt  }
0x3f: {  	_ =	shalt  }
0x40: {  	_ =	shalt  }
0x41: {  	_ =	shalt  }
0x42: {  	_ =	shalt  }
0x43: {  	_ =	shalt  }
0x44: {  	_ =	shalt  }
0x45: {  	_ =	shalt  }
0x46: {  	_ =	shalt  }
0x47: {  	_ =	shalt  }
0x48: {  	_ =	shalt  }
0x49: {  	_ =	shalt  }
0x4a: {  	_ =	shalt  }
0x4b: {  	_ =	shalt  }
0x4c: {  	_ =	shalt  }
0x4d: {  	_ =	shalt  }
0x4e: {  	_ =	shalt  }
0x4f: {  	_ =	shalt  }
0x50: {  	_ =	shalt  }
0x51: {  	_ =	shalt  }
0x52: {  	_ =	shalt  }
0x53: {  	_ =	shalt  }
0x54: {  	_ =	shalt  }
0x55: {  	_ =	shalt  }
0x56: {  	_ =	shalt  }
0x57: {  	_ =	shalt  }
0x58: {  	_ =	shalt  }
0x59: {  	_ =	shalt  }
0x5a: {  	_ =	shalt  }
0x5b: {  	_ =	shalt  }
0x5c: {  	_ =	shalt  }
0x5d: {  	_ =	shalt  }
0x5e: {  	_ =	shalt  }
0x5f: {  	_ =	shalt  }
0x60: {  	_ =	shalt  }
0x61: {  	_ =	shalt  }
0x62: {  	_ =	shalt  }
0x63: {  	_ =	shalt  }
0x64: {  	_ =	shalt  }
0x65: {  	_ =	shalt  }
0x66: {  	_ =	shalt  }
0x67: {  	_ =	shalt  }
0x68: {  	_ =	shalt  }
0x69: {  	_ =	shalt  }
0x6a: {  	_ =	shalt  }
0x6b: {  	_ =	shalt  }
0x6c: {  	_ =	shalt  }
0x6d: {  	_ =	shalt  }
0x6e: {  	_ =	shalt  }
0x6f: {  	_ =	shalt  }
0x70: {  	_ =	shalt  }
0x71: {  	_ =	shalt  }
0x72: {  	_ =	shalt  }
0x73: {  	_ =	shalt  }
0x74: {  	_ =	shalt  }
0x75: {  	_ =	shalt  }
0x76: {  	_ =	shalt  }
0x77: {  	_ =	shalt  }
0x78: {  	_ =	shalt  }
0x79: {  	_ =	shalt  }
0x7a: {  	_ =	shalt  }
0x7b: {  	_ =	shalt  }
0x7c: {  	_ =	shalt  }
0x7d: {  	_ =	shalt  }
0x7e: {  	_ =	shalt  }
0x7f: {  	_ =	shalt  }
0x80: {  	_ =	shalt  }
0x81: {  	_ =	shalt  }
0x82: {  	_ =	shalt  }
0x83: {  	_ =	shalt  }
0x84: {  	_ =	shalt  }
0x85: {  	_ =	shalt  }
0x86: {  	_ =	shalt  }
0x87: {  	_ =	shalt  }
.Lfunc_end0:
.L_simem_size_0:
called_computation.1_lowered:
.L_overlay_start_0:
0x88: {  	s2 =	sld [smem:$0x3FD9]  }
0x89: {  	s3 =	sld [smem:$0x3FFE];
	_ =	sdelay $0x1  }
0x8a: {  	s1 =	srdreg.scid  }
0x8b: {  	s0 =	sand.u32 $0x1, s1  }
0x8c: {  	s16 =	sshll.u32 s0, $0xA;
	s2 =	sadd.s32 s3, s2  }
0x8d: {  	s2 =	sadd.s32 s2, s16  }
0x8e: {  	[smem:$0x3F9A] =	sst s2  }
0x8f: {  	_ = 	snop  }
0x90: {  	(tm) =	ssettm $0x1  }
0x91: {  	s17 =	sld [smem:$0x3FFB];
	_ =	sdelay $0x3  }
0x92: {  	_ =	strace s17  }
0x93: {  	s2 =	sld [smem:$0x3FFC];
	_ =	sdelay $0x3  }
0x94: {  	_ =	strace s2  }
0x95: {  	s2 =	sld [smem:$0x3FFD];
	_ =	sdelay $0x3  }
0x96: {  	_ =	strace s2  }
0x97: {  	_ =	strace $0x8FFFFFFF  }
0x98: {  	s18 =	sld [smem:$0x3FDB];
	_ =	sdelay $0x1  }
0x99: {  	s19 =	simm.s32 $_scs_section_size  }
0x9a: {  	s4 =	simm.s32 $_size__tile_overlayer_lowered;
	s5 =	simm.s32 $_tile_overlayer_lowered  }
0x9b: {  	s22 =	simm.s32 $0x1BFF;
	s21 =	sshll.u32 s5, $0x1;
	s2 =	sadd.s32 s19, s18  }
0x9c: {  	s6 =	simm.s32 $0x0;
	s20 =	sshll.u32 s4, $0x1;
	s4 =	sadd.s32 s21, s2  }
0x9d: {  	[timem:s6], [sflag:s22] =	dma.local [hbm:s4], s20  }
0x9e: {  	_ =	swait.ge [sflag:s22], s20  }
0x9f: {  	s3 =	ssub.s32 $0x0, s20;
	[sflag:s22] =	ssyncset.done $0x0  }
0xa0: {  	[sflag:s22] =	ssyncadd.s32 s3;
	_ =	sdelay $0x1  }
0xa1: {  	s23 =	simm.s32 $0x1B8B  }
0xa2: {  	_ =	swait.ge [sflag:s23], $0x1  }
0xa3: {  	[sflag:s23] =	ssyncset.done $0x0  }
0xa4: {  	s25 =	simm.s32 $0x1B8E;
	s24 =	sld [smem:$0x3FFE];
	[sflag:s23] =	ssyncadd.s32 $0xFFFFFFFF  }
0xa5: {  	s26 =	simm.s32 $execute0_lowered;
	[smem:$0x3FD2] =	sst s25  }
0xa6: {  	s4 =	sshll.u32 s26, $0x1;
	_ =	strace $0x80000049;
	[dreg:$0x1] =	wrdreg $0xFFFFFFFF  }
0xa7: {  	s28 =	simm.s32 $_size_execute0_lowered;
	s2 =	sadd.s32 s2, s4;
	[dreg:$0x0] =	wrdreg $0x0  }
0xa8: {  	s4 =	sshll.u32 s28, $0x1;
	[dreg:$0x2] =	wrdreg s2  }
0xa9: {  	[dreg:$0x3] =	wrdreg s4  }
0xaa: {  	[dreg:$0x4] =	wrdreg $0xC0  }
0xab: {  	_ =	task [dreg:s6], $0x5FFFF  }
0xac: {  	[dreg:$0x1] =	wrdreg $0xFFFFFFFF  }
0xad: {  	[dreg:$0x0] =	wrdreg $0x60  }
0xae: {  	[dreg:$0x2] =	wrdreg s24  }
0xaf: {  	[dreg:$0x3] =	wrdreg $0x94000  }
0xb0: {  	[dreg:$0x4] =	wrdreg $0x9  }
0xb1: {  	_ =	task.clear_ibuf [dreg:s6], $0x5FFFF;
	_ =	strace $0x90000049  }
0xb2: {  	s29 =	simm.s32 $0x9;
	_ =	strace $0x8000004B  }
0xb3: {  	_ =	swait.ge [sflag:s29], $0x1  }
0xb4: {  	[sflag:s29] =	ssyncadd.s32 $0xFFFFFFFF  }
0xb5: {  	_ =	strace $0x9000004B  }
0xb6: {  	_ =	sfence  }
0xb7: {  	s30 =	sld [smem:$0x0];
	_ =	sdelay $0x2  }
0xb8: {  	s31 =	sshll.u32 s1, $0xD;
	s1 =	sshrl.u32 s1, $0x2  }
0xb9: {  	s3 =	sand.u32 $0x4000, s31;
	s1 =	sadd.s32 s1, s30  }
0xba: {  	s0 =	sor.u32 s3, s0;
	s1 =	sshll.u32 s1, $0x11  }
0xbb: {  	s0 =	sor.u32 s1, s0  }
0xbc: {  	s0 =	sadd.s32 $0x8F2B, s0  }
0xbd: {  	[sflag:s0] =	ssyncadd.remote.s32 $0x1  }
0xbe: {  	_ =	sfence.sel $0xFFFF  }
0xbf: {  	[dreg:$0x0] =	wrdreg $0xFFFFFFFF;
	(pc) =	sbr.abs _section_cstart, $3  }
0xc0: {  	[dreg:$0x1] =	wrdreg $0xFFFFFFFF  }
0xc1: {  	_ =	task.clear_ibuf [dreg:s6], $0x2FFFF;
	_ =	strace $0x9FFFFFFF  }
0xc2: {  	(tm) =	ssettm $0x7FFFFFFF  }
0xc3: {  	_ =	shalt  }
tec
execute0_lowered:
.L_overlay_start_1:
0x0: {  	(tag) =	ssettag $0x1  }
0x1: {  	s7 =	rddreg [dreg:$0x0]  }
0x2: {  	s0 =	srdreg.scid;
	s2 =	rddreg [dreg:$0x1]  }
0x3: {  	s3 =	simm.s32 $0x0;
	s17 =	simm.s32 $0x1400;
	s18 =	simm.s32 $0x1  }
0x4: {  	s19 =	simm.s32 $0x80;
	s6 =	sand.u32 $0x1, s0;
	s0 =	stileid.u32  }
0x5: {  	s20 =	simm.s32 $0x0;
	s4 =	sadd.s32 $0xB37200, s7;
	s10 =	smul.u32 $0x13C00, s0  }
0x6: {  	[smem:$0x7FF] =	sst s3;
	s5 =	sadd.s32 $0xDB7200, s7;
	s11 =	smul.u32 $0x13C000, s6  }
0x7: {  	s1 =	sshll.u32 s6, $0x4;
	s12 =	smul.u32 $0x4F000, s0;
	s6 =	ssub.s32 $0x2, s6  }
0x8: {  	s15 =	sshll.u32 s0, $0x6;
	s9 =	sor.u32 s0, s1;
	s1 =	rddreg [dreg:$0x2]  }
0x9: {  	_ =	strace $0x8000004A;
	s29 =	sshrl.u32 s6, $0x1;
	s15 =	sor.u32 $0x1C02, s15  }
0xa: {  	s8 =	smul.u32 $0x280, s9;
	s11 =	sadd.s32 s10, s11;
	s10 =	sshrl.u32 s10, $0x3  }
0xb: {  	s30 =	sshrl.u32 s12, $0x2;
	s31 =	smul.u32 $0x14000, s9;
	s14 =	ssub.s32 s6, s29  }
0xc: {  	s9 =	smul.u32 $0xA0000, s9;
	s11 =	sshrl.u32 s11, $0x3;
	s10 =	sadd.s32 s10, s7  }
0xd: {  	s16 =	sadd.s32 s30, s2;
	s8 =	sadd.s32 s8, s7;
	s13 =	sadd.s32 s11, s7  }
0xe: {  	s7 =	sadd.s32 $0x47C00, s10;
	s11 =	sadd.s32 s5, s31;
	s16 =	sshrl.u32 s16, $0x3  }
0xf: {  	s6 =	sadd.s32 $0xB32200, s8;
	s8 =	sadd.s32 s4, s31;
	s10 =	sadd.s32 $0x6F400, s13  }
0x10: {  	s12 =	sadd.s32 $0xBE400, s13;
	s13 =	smax.u32 s14, $0x1;
	s14 =	simm.s32 $0x2  }
.LBB2_1:
0x11: {  	[tilespmem:s3], [sflag:$0x2] =	stream.linear.gather [hbm4b:s6+s3], $0x1400, $0x38;
	[tilespmem:$0x1D000] =	vst v63  }
0x12: {  	_ =	swait.ge [sflag:s14], $0x1400  }
0x13: {  	[sflag:s14] =	ssyncset.done $0x0  }
0x14: {  	[sflag:s14] =	ssyncadd.s32 $0xFFFFEC00  }
0x15: {  	[spmem:s16], [sflag:s15] =	dma.local [hbm:s7], $0x2780  }
0x16: {  	s21 =	smin.u32 s18, $0x27;
	_ =	swait.ge [sflag:s14], $0x2780  }
0x17: {  	s22 =	sshll.u32 s21, $0xE;
	[sflag:s14] =	ssyncset.done $0x0  }
0x18: {  	s21 =	simm.s32 $0x4000;
	s22 =	sadd.s32 s9, s22;
	[sflag:s14] =	ssyncadd.s32 $0xFFFFD880  }
0x19: {  	s23 =	sand.u32 $0x4000, s21;
	s22 =	sshrl.u32 s22, $0x3;
	[bflag:$0x0] =	sbarrier.arrive $0xFFFF  }
0x1a: {  	[tilespmem:s17], [sflag:$0x1] =	stream.linear.gather [hbm4b:s8+s3], $0x4000, $0x38;
	[tilespmem:$0x1D000] =	vst v63  }
0x1b: {  	s23 =	sor.u32 $0x1400, s23;
	s22 =	sadd.s32 s4, s22  }
0x1c: {  	[tilespmem:s23], [sflag:$0x1] =	stream.linear.gather [hbm4b:s22+s3], $0x4000, $0x38;
	[tilespmem:$0x1D000] =	vst v63  }
0x1d: {  	s25 =	simm.s32 $0x8000;
	_ =	swait.ge [sflag:s18], $0x4000  }
0x1e: {  	s30 =	sand.u32 $0x4000, s3;
	s22 =	simm.s32 $0x2;
	[sflag:s18] =	ssyncset.done $0x0  }
0x1f: {  	s23 =	sor.u32 $0x1400, s30;
	s26 =	smin.u32 s22, $0x27;
	[sflag:s18] =	ssyncadd.s32 $0xFFFFC000  }
0x20: {  	[spmem:s2] =	stream.indirect.scatter.add.f32 [tilespmem:s23], [sflag:$0x2], $0x80, s3, s19, $0xb8;
	[tilespmem:$0x1D000] =	vst v63  }
0x21: {  	s24 =	sand.u32 $0x4000, s25;
	s31 =	sshll.u32 s26, $0xE;
	_ =	swait.ge [sflag:s14], $0x4000  }
0x22: {  	s26 =	sadd.s32 s9, s31;
	s23 =	simm.s32 $0x80;
	[sflag:s14] =	ssyncset.done $0x0  }
.LBB2_2:
0x23: {  	s26 =	sshrl.u32 s26, $0x3;
	[sflag:s14] =	ssyncadd.s32 $0xFFFFC000  }
0x24: {  	s28 =	smov.u32 s25;
	s29 =	sadd.s32 $0x4000, s25;
	s30 =	sor.u32 $0x1400, s24  }
0x25: {  	p0 =	sne.s32 s25, $0x9C000;
	s24 =	sand.u32 $0x4000, s29;
	s26 =	sadd.s32 s4, s26  }
0x26: {  	[tilespmem:s30], [sflag:$0x1] =	stream.linear.gather [hbm4b:s26+s3], $0x4000, $0x38;
	[tilespmem:$0x1D000] =	vst v63  }
0x27: {  	s22 =	sadd.s32 $0x1, s22;
	s21 =	sand.u32 $0x4000, s21;
	_ =	swait.ge [sflag:s18], $0x4000  }
.Ltmp0:
0x28: {  	s25 =	smin.u32 s22, $0x27;
	[sflag:s18] =	ssyncset.done $0x0;
	(pc) =	sbr.rel @p0 .LBB2_2-.Ltmp0, $4  }
0x29: {  	s21 =	sor.u32 $0x1400, s21;
	s25 =	sshll.u32 s25, $0xE;
	[sflag:s18] =	ssyncadd.s32 $0xFFFFC000  }
0x2a: {  	[spmem:s2] =	stream.indirect.scatter.add.f32 [tilespmem:s21], [sflag:$0x2], $0x80, s23, s19, $0xb8;
	[tilespmem:$0x1D000] =	vst v63  }
0x2b: {  	s26 =	sadd.s32 s9, s25;
	s21 =	smov.u32 s28;
	_ =	swait.ge [sflag:s14], $0x4000  }
0x2c: {  	s25 =	smov.u32 s29;
	s23 =	sadd.s32 $0x80, s23;
	[sflag:s14] =	ssyncset.done $0x0  }
0x2d: {  	s22 =	sshrl.u32 s26, $0x3  }
0x2e: {  	[sflag:s14] =	ssyncadd.s32 $0xFFFFC000;
	s24 =	sor.u32 $0x1400, s24;
	s22 =	sadd.s32 s4, s22  }
0x2f: {  	[tilespmem:s24], [sflag:$0x1] =	stream.linear.gather [hbm4b:s22+s3], $0x4000, $0x38;
	[tilespmem:$0x1D000] =	vst v63  }
0x30: {  	_ =	swait.ge [sflag:s18], $0x4000  }
0x31: {  	s21 =	sand.u32 $0x4000, s21;
	[sflag:s18] =	ssyncset.done $0x0  }
0x32: {  	s21 =	sor.u32 $0x1400, s21;
	[sflag:s18] =	ssyncadd.s32 $0xFFFFC000  }
0x33: {  	[spmem:s2] =	stream.indirect.scatter.add.f32 [tilespmem:s21], [sflag:$0x2], $0x80, s23, s19, $0xb8;
	[tilespmem:$0x1D000] =	vst v63  }
0x34: {  	_ =	swait.ge [sflag:s14], $0x4000  }
0x35: {  	[sflag:s14] =	ssyncset.done $0x0  }
0x36: {  	s30 =	simm.s32 $0x1;
	[sflag:s14] =	ssyncadd.s32 $0xFFFFC000  }
0x37: {  	_ =	swait.ge [sflag:s30], $0x4000  }
0x38: {  	[sflag:s30] =	ssyncset.done $0x0  }
0x39: {  	[sflag:s30] =	ssyncadd.s32 $0xFFFFC000  }
0x3a: {  	[bflag:$0x0] =	sbarrier.arrive $0xFFFF  }
0x3b: {  	[hbm:s10], [sflag:s15] =	dma.local [spmem:s16], $0x2780  }
0x3c: {  	_ =	swait.ge [sflag:s14], $0x2780  }
0x3d: {  	[sflag:s14] =	ssyncset.done $0x0  }
0x3e: {  	[sflag:s14] =	ssyncadd.s32 $0xFFFFD880  }
0x3f: {  	[bflag:$0x0] =	sbarrier.arrive $0xFFFF  }
0x40: {  	[spmem:s16], [sflag:s15] =	dma.local [hbm:s7], $0x2780  }
0x41: {  	s21 =	smin.u32 s30, $0x27;
	_ =	swait.ge [sflag:s14], $0x2780  }
0x42: {  	s31 =	simm.s32 $0x0;
	s26 =	sshll.u32 s21, $0xE;
	[sflag:s14] =	ssyncset.done $0x0  }
0x43: {  	s21 =	simm.s32 $0x4000;
	s22 =	sadd.s32 s9, s26;
	[sflag:s14] =	ssyncadd.s32 $0xFFFFD880  }
0x44: {  	s28 =	sand.u32 $0x4000, s21;
	s22 =	sshrl.u32 s22, $0x3;
	[bflag:$0x0] =	sbarrier.arrive $0xFFFF  }
0x45: {  	[tilespmem:s17], [sflag:$0x1] =	stream.linear.gather [hbm4b:s11+s31], $0x4000, $0x38;
	[tilespmem:$0x1D000] =	vst v63  }
0x46: {  	s24 =	sor.u32 $0x1400, s28;
	s22 =	sadd.s32 s5, s22  }
0x47: {  	[tilespmem:s24], [sflag:$0x1] =	stream.linear.gather [hbm4b:s22+s3], $0x4000, $0x38;
	[tilespmem:$0x1D000] =	vst v63  }
0x48: {  	s25 =	simm.s32 $0x8000;
	_ =	swait.ge [sflag:s18], $0x4000  }
0x49: {  	s29 =	sand.u32 $0x4000, s31;
	s22 =	simm.s32 $0x2;
	[sflag:s18] =	ssyncset.done $0x0  }
0x4a: {  	s24 =	sor.u32 $0x1400, s29;
	s30 =	smin.u32 s22, $0x27;
	[sflag:s18] =	ssyncadd.s32 $0xFFFFC000  }
0x4b: {  	[spmem:s2] =	stream.indirect.scatter.add.f32 [tilespmem:s24], [sflag:$0x2], $0x80, s31, s19, $0xb8;
	[tilespmem:$0x1D000] =	vst v63  }
0x4c: {  	s23 =	simm.s32 $0x80;
	s31 =	sshll.u32 s30, $0xE;
	_ =	swait.ge [sflag:s14], $0x4000  }
0x4d: {  	s24 =	sand.u32 $0x4000, s25;
	s26 =	sadd.s32 s9, s31;
	[sflag:s14] =	ssyncset.done $0x0  }
.LBB2_4:
0x4e: {  	s26 =	sshrl.u32 s26, $0x3;
	[sflag:s14] =	ssyncadd.s32 $0xFFFFC000  }
0x4f: {  	s28 =	smov.u32 s25;
	s29 =	sadd.s32 $0x4000, s25;
	s30 =	sor.u32 $0x1400, s24  }
0x50: {  	p0 =	sne.s32 s25, $0x9C000;
	s24 =	sand.u32 $0x4000, s29;
	s26 =	sadd.s32 s5, s26  }
0x51: {  	[tilespmem:s30], [sflag:$0x1] =	stream.linear.gather [hbm4b:s26+s3], $0x4000, $0x38;
	[tilespmem:$0x1D000] =	vst v63  }
0x52: {  	s22 =	sadd.s32 $0x1, s22;
	s21 =	sand.u32 $0x4000, s21;
	_ =	swait.ge [sflag:s18], $0x4000  }
.Ltmp1:
0x53: {  	s25 =	smin.u32 s22, $0x27;
	[sflag:s18] =	ssyncset.done $0x0;
	(pc) =	sbr.rel @p0 .LBB2_4-.Ltmp1, $4  }
0x54: {  	s21 =	sor.u32 $0x1400, s21;
	s25 =	sshll.u32 s25, $0xE;
	[sflag:s18] =	ssyncadd.s32 $0xFFFFC000  }
0x55: {  	[spmem:s2] =	stream.indirect.scatter.add.f32 [tilespmem:s21], [sflag:$0x2], $0x80, s23, s19, $0xb8;
	[tilespmem:$0x1D000] =	vst v63  }
0x56: {  	s26 =	sadd.s32 s9, s25;
	s21 =	smov.u32 s28;
	_ =	swait.ge [sflag:s14], $0x4000  }
0x57: {  	s25 =	smov.u32 s29;
	s23 =	sadd.s32 $0x80, s23;
	[sflag:s14] =	ssyncset.done $0x0  }
0x58: {  	s22 =	sshrl.u32 s26, $0x3  }
0x59: {  	[sflag:s14] =	ssyncadd.s32 $0xFFFFC000;
	s24 =	sor.u32 $0x1400, s24;
	s22 =	sadd.s32 s5, s22  }
0x5a: {  	[tilespmem:s24], [sflag:$0x1] =	stream.linear.gather [hbm4b:s22+s3], $0x4000, $0x38;
	[tilespmem:$0x1D000] =	vst v63  }
0x5b: {  	_ =	swait.ge [sflag:s18], $0x4000  }
0x5c: {  	s21 =	sand.u32 $0x4000, s21;
	[sflag:s18] =	ssyncset.done $0x0  }
0x5d: {  	s21 =	sor.u32 $0x1400, s21;
	[sflag:s18] =	ssyncadd.s32 $0xFFFFC000  }
0x5e: {  	[spmem:s2] =	stream.indirect.scatter.add.f32 [tilespmem:s21], [sflag:$0x2], $0x80, s23, s19, $0xb8;
	[tilespmem:$0x1D000] =	vst v63  }
0x5f: {  	_ =	swait.ge [sflag:s14], $0x4000  }
0x60: {  	[sflag:s14] =	ssyncset.done $0x0  }
0x61: {  	[sflag:s14] =	ssyncadd.s32 $0xFFFFC000  }
0x62: {  	_ =	swait.ge [sflag:s18], $0x4000  }
0x63: {  	[sflag:s18] =	ssyncset.done $0x0  }
0x64: {  	s20 =	sadd.s32 $0x1, s20;
	[sflag:s18] =	ssyncadd.s32 $0xFFFFC000  }
0x65: {  	p0 =	sne.s32 s20, s13;
	[bflag:$0x0] =	sbarrier.arrive $0xFFFF  }
0x66: {  	[hbm:s12], [sflag:s15] =	dma.local [spmem:s16], $0x2780  }
.Ltmp2:
0x67: {  	_ =	swait.ge [sflag:s14], $0x2780;
	(pc) =	sbr.rel @p0 .LBB2_1-.Ltmp2, $3  }
0x68: {  	[sflag:s14] =	ssyncset.done $0x0  }
0x69: {  	[sflag:s14] =	ssyncadd.s32 $0xFFFFD880  }
0x6a: {  	[bflag:$0x0] =	sbarrier.arrive $0xFFFF;
	_ =	sdelay $0x1  }
0x6b: {  	_ =	sfence.sel $0x180000  }
0x6c: {  	[bflag:$0x0] =	sbarrier.arrive $0xFFFF  }
0x6d: {  	p0 =	sne.s32 s0, $0x0;
	_ =	strace $0x9000004A  }
0x6e: {  	s0 =	sadd.s32 @!p0 $0x100000, s1;
	[bflag:$0x2] =	sbarrier.arrive $0xFFFF  }
0x6f: {  	[sflag:s0] =	ssyncadd.tile.s32 @!p0 $0x1;
	_ =	shalt  }
.Lfunc_end2:
_tile_overlayer_lowered:
.L_overlay_start_2:
0x70: {  	(tag) =	ssettag $0x2  }
0x71: {  	s0 =	rddreg [dreg:$0x0];
	s2 =	stileid.u32  }
0x72: {  	s1 =	rddreg [dreg:$0x1];
	p0 =	sne.s32 s2, $0x0  }
0x73: {  	s3 =	rddreg [dreg:$0x2];
	[bflag:$0x3] =	sbarrier.arrive $0xFFFF;
	s2 =	simm.s32 @!p0 $0x1C02  }
0x74: {  	[timem:s3], [sflag:s2] =	dma.local @!p0 [hbm:s0], s1  }
0x75: {  	s0 =	simm.s32 @!p0 $0x2  }
0x76: {  	_ =	swait.ge @!p0 [sflag:s0], s1  }
0x77: {  	s1 =	ssub.s32 @!p0 $0x0, s1;
	[sflag:s0] =	ssyncset.done @!p0 $0x0  }
0x78: {  	[sflag:s0] =	ssyncadd.s32 @!p0 s1  }
0x79: {  	[bflag:$0x3] =	sbarrier.arrive $0xFFFF  }
0x7a: {  	_ =	shalt  }

// kernel: _run.25.cloned.1.call-start
scs
__scs_entry_jumppad:
0x0: {  	(pc) =	sbr.rel $0x88, $3  }
0x1: {  	(tag) =	ssettag $0x0;
	lr =	simm.s32 $0x1  }
0x2: {  	[smem:$0x3F73] =	sst lr;
	_ =	strace $0xD0000000  }
0x3: {  	_ = 	snop  }
0x4: {  	_ = 	snop  }
0x5: {  	_ = 	snop  }
0x6: {  	_ = 	snop  }
0x7: {  	_ = 	snop  }
__scs_overlays_trampoline_lowered:
0x8: {  	[smem:$0x3F82] =	sst s0  }
0x9: {  	[smem:$0x3F83] =	sst s1  }
0xa: {  	[smem:$0x3F84] =	sst s2  }
0xb: {  	[smem:$0x3F85] =	sst s3  }
0xc: {  	[smem:$0x3F86] =	sst s4  }
0xd: {  	[smem:$0x3F87] =	sst s5  }
0xe: {  	[smem:$0x3F88] =	sst s6  }
0xf: {  	[smem:$0x3F89] =	sst s7  }
0x10: {  	[smem:$0x3F8A] =	sst s8  }
0x11: {  	[smem:$0x3F8B] =	sst s9;
	s0 =	simm.s32 @!p0 $0x0  }
0x12: {  	s1 =	sld [smem:$0x3F71];
	s0 =	simm.s32 @p0 $0x1  }
0x13: {  	[smem:$0x3F8C] =	sst s0;
	s0 =	simm.s32 @!p1 $0x0  }
0x14: {  	s2 =	sld [smem:$0x3F70];
	s0 =	simm.s32 @p1 $0x1  }
0x15: {  	[smem:$0x3F8D] =	sst s0;
	s0 =	simm.s32 @!p2 $0x0  }
0x16: {  	s3 =	sld [smem:$0x3FDB];
	s0 =	simm.s32 @p2 $0x1  }
0x17: {  	s4 =	simm.s32 $0x1BF5;
	[smem:$0x3F8F] =	sst s0  }
0x18: {  	s0 =	sld [smem:$0x3F72];
	_ =	swait.ge [sflag:s4], $0x0  }
0x19: {  	s7 =	sld [smem:$0x3F73]  }
0x1a: {  	s8 =	sadd.s32 $0xFFFFE003, lr  }
0x1b: {  	s9 =	sadd.s32 $0xFFFFFEF7, lr;
	s5 =	simm.s32 $0xFFFFFFFF;
	p2 =	slt.u32 s8, $0xFFFFF086  }
0x1c: {  	p1 =	slt.u32 s9, $0xF7A;
	s5 =	simm.s32 @!p2 $0x0  }
0x1d: {  	s5 =	simm.s32 @p1 $0x1;
	p0 =	seq.s32 s7, s2  }
0x1e: {  	s7 =	smul.u32 @!p0 $0xF7A, s2;
	p2 =	seq.s32 @!p0 s5, $0x0  }
0x1f: {  	s9 =	smul.u32 $0xF7A, s1;
	s8 =	simm.s32 @!p0 $0x1BF5;
	p2 =	por !p2, p0  }
0x20: {  	[sflag:s8] =	ssyncset.s32 @!p0 $0xFFFFF086;
	s6 =	sadd.s32 @!p0 s3, s7;
	s7 =	simm.s32 @!p0 $0x108  }
0x21: {  	s3 =	sadd.s32 s3, s9;
	s6 =	sadd.s32 @!p0 $0x88, s6;
	s7 =	simm.s32 @p2 $0x1082  }
0x22: {  	[simem:s7], [sflag:s8] =	dma.local @!p0 [hbm:s6], $0xF7A  }
0x23: {  	s9 =	sor.u32 $0xD0000000, s2;
	s6 =	simm.s32 $0x108;
	_ =	swait.ge @!p0 [sflag:s8], $0x0  }
0x24: {  	s3 =	sadd.s32 $0x88, s3;
	s6 =	simm.s32 @!p1 $0x1082;
	[sflag:s4] =	ssyncset.s32 $0xFFFFF086  }
0x25: {  	[simem:s6], [sflag:s4] =	dma.local [hbm:s3], $0xF7A  }
0x26: {  	[smem:$0x3F73] =	sst s1;
	(tag) =	ssettag s2;
	_ =	strace s9  }
0x27: {  	s1 =	sld [smem:$0x3F83]  }
0x28: {  	s2 =	sld [smem:$0x3F84]  }
0x29: {  	s4 =	sld [smem:$0x3F86]  }
0x2a: {  	p0 =	seq.s32 s5, $0x0;
	s5 =	sld [smem:$0x3F87]  }
0x2b: {  	s6 =	sld [smem:$0x3F88]  }
0x2c: {  	s7 =	sld [smem:$0x3F89]  }
0x2d: {  	s3 =	simm.s32 $0x108;
	s8 =	sld [smem:$0x3F8A]  }
0x2e: {  	s3 =	simm.s32 @!p0 $0x1082;
	s9 =	sld [smem:$0x3F8B]  }
0x2f: {  	lr =	sadd.s32 s0, s3;
	s0 =	sld [smem:$0x3F82]  }
0x30: {  	s3 =	sld [smem:$0x3F85]  }
0x31: {  	[smem:$0x3F8E] =	sst s10  }
0x32: {  	s10 =	sld [smem:$0x3F8C];
	_ =	sdelay $0x3  }
0x33: {  	p0 =	seq.s32 s10, $0x1;
	s10 =	sld [smem:$0x3F8E];
	_ =	sdelay $0x3  }
0x34: {  	[smem:$0x3F8E] =	sst s10  }
0x35: {  	s10 =	sld [smem:$0x3F8D];
	_ =	sdelay $0x3  }
0x36: {  	p1 =	seq.s32 s10, $0x1;
	s10 =	sld [smem:$0x3F8E];
	_ =	sdelay $0x3  }
0x37: {  	[smem:$0x3F8E] =	sst s10  }
0x38: {  	s10 =	sld [smem:$0x3F8F]  }
0x39: {  	_ = 	snop;
	(pc) =	sbr.ind lr, $3  }
0x3a: {  	_ = 	snop  }
0x3b: {  	_ = 	snop  }
0x3c: {  	p2 =	seq.s32 s10, $0x1;
	s10 =	sld [smem:$0x3F8E]  }
0x3d: {  	_ =	shalt  }
0x3e: {  	_ =	shalt  }
0x3f: {  	_ =	shalt  }
0x40: {  	_ =	shalt  }
0x41: {  	_ =	shalt  }
0x42: {  	_ =	shalt  }
0x43: {  	_ =	shalt  }
0x44: {  	_ =	shalt  }
0x45: {  	_ =	shalt  }
0x46: {  	_ =	shalt  }
0x47: {  	_ =	shalt  }
0x48: {  	_ =	shalt  }
0x49: {  	_ =	shalt  }
0x4a: {  	_ =	shalt  }
0x4b: {  	_ =	shalt  }
0x4c: {  	_ =	shalt  }
0x4d: {  	_ =	shalt  }
0x4e: {  	_ =	shalt  }
0x4f: {  	_ =	shalt  }
0x50: {  	_ =	shalt  }
0x51: {  	_ =	shalt  }
0x52: {  	_ =	shalt  }
0x53: {  	_ =	shalt  }
0x54: {  	_ =	shalt  }
0x55: {  	_ =	shalt  }
0x56: {  	_ =	shalt  }
0x57: {  	_ =	shalt  }
0x58: {  	_ =	shalt  }
0x59: {  	_ =	shalt  }
0x5a: {  	_ =	shalt  }
0x5b: {  	_ =	shalt  }
0x5c: {  	_ =	shalt  }
0x5d: {  	_ =	shalt  }
0x5e: {  	_ =	shalt  }
0x5f: {  	_ =	shalt  }
0x60: {  	_ =	shalt  }
0x61: {  	_ =	shalt  }
0x62: {  	_ =	shalt  }
0x63: {  	_ =	shalt  }
0x64: {  	_ =	shalt  }
0x65: {  	_ =	shalt  }
0x66: {  	_ =	shalt  }
0x67: {  	_ =	shalt  }
0x68: {  	_ =	shalt  }
0x69: {  	_ =	shalt  }
0x6a: {  	_ =	shalt  }
0x6b: {  	_ =	shalt  }
0x6c: {  	_ =	shalt  }
0x6d: {  	_ =	shalt  }
0x6e: {  	_ =	shalt  }
0x6f: {  	_ =	shalt  }
0x70: {  	_ =	shalt  }
0x71: {  	_ =	shalt  }
0x72: {  	_ =	shalt  }
0x73: {  	_ =	shalt  }
0x74: {  	_ =	shalt  }
0x75: {  	_ =	shalt  }
0x76: {  	_ =	shalt  }
0x77: {  	_ =	shalt  }
0x78: {  	_ =	shalt  }
0x79: {  	_ =	shalt  }
0x7a: {  	_ =	shalt  }
0x7b: {  	_ =	shalt  }
0x7c: {  	_ =	shalt  }
0x7d: {  	_ =	shalt  }
0x7e: {  	_ =	shalt  }
0x7f: {  	_ =	shalt  }
0x80: {  	_ =	shalt  }
0x81: {  	_ =	shalt  }
0x82: {  	_ =	shalt  }
0x83: {  	_ =	shalt  }
0x84: {  	_ =	shalt  }
0x85: {  	_ =	shalt  }
0x86: {  	_ =	shalt  }
0x87: {  	_ =	shalt  }
.Lfunc_end0:
.L_simem_size_0:
called_computation.2_lowered:
.L_overlay_start_0:
0x88: {  	s2 =	sld [smem:$0x3FD9]  }
0x89: {  	s3 =	sld [smem:$0x3FFE];
	_ =	sdelay $0x1  }
0x8a: {  	s1 =	srdreg.scid  }
0x8b: {  	s0 =	sand.u32 $0x1, s1  }
0x8c: {  	s16 =	sshll.u32 s0, $0xA;
	s2 =	sadd.s32 s3, s2  }
0x8d: {  	s2 =	sadd.s32 s2, s16  }
0x8e: {  	[smem:$0x3F9A] =	sst s2  }
0x8f: {  	_ = 	snop  }
0x90: {  	(tm) =	ssettm $0x1  }
0x91: {  	s17 =	sld [smem:$0x3FFB];
	_ =	sdelay $0x3  }
0x92: {  	_ =	strace s17  }
0x93: {  	s2 =	sld [smem:$0x3FFC];
	_ =	sdelay $0x3  }
0x94: {  	_ =	strace s2  }
0x95: {  	s2 =	sld [smem:$0x3FFD];
	_ =	sdelay $0x3  }
0x96: {  	_ =	strace s2  }
0x97: {  	_ =	strace $0x8FFFFFFF  }
0x98: {  	s18 =	sld [smem:$0x3FDB];
	_ =	sdelay $0x1  }
0x99: {  	s19 =	simm.s32 $_scs_section_size  }
0x9a: {  	s4 =	simm.s32 $_size__tile_overlayer_lowered;
	s5 =	simm.s32 $_tile_overlayer_lowered  }
0x9b: {  	s22 =	simm.s32 $0x1BFF;
	s21 =	sshll.u32 s5, $0x1;
	s2 =	sadd.s32 s19, s18  }
0x9c: {  	s6 =	simm.s32 $0x0;
	s20 =	sshll.u32 s4, $0x1;
	s4 =	sadd.s32 s21, s2  }
0x9d: {  	[timem:s6], [sflag:s22] =	dma.local [hbm:s4], s20  }
0x9e: {  	_ =	swait.ge [sflag:s22], s20  }
0x9f: {  	s3 =	ssub.s32 $0x0, s20;
	[sflag:s22] =	ssyncset.done $0x0  }
0xa0: {  	[sflag:s22] =	ssyncadd.s32 s3;
	_ =	sdelay $0x1  }
0xa1: {  	s23 =	simm.s32 $0x1B8B  }
0xa2: {  	_ =	swait.ge [sflag:s23], $0x1  }
0xa3: {  	[sflag:s23] =	ssyncset.done $0x0  }
0xa4: {  	s25 =	simm.s32 $0x1B8E;
	s24 =	sld [smem:$0x3FFE];
	[sflag:s23] =	ssyncadd.s32 $0xFFFFFFFF  }
0xa5: {  	s26 =	simm.s32 $execute0_lowered;
	[smem:$0x3FD2] =	sst s25  }
0xa6: {  	s4 =	sshll.u32 s26, $0x1;
	_ =	strace $0x8000004C;
	[dreg:$0x1] =	wrdreg $0xFFFFFFFF  }
0xa7: {  	s28 =	simm.s32 $_size_execute0_lowered;
	s2 =	sadd.s32 s2, s4;
	[dreg:$0x0] =	wrdreg $0x0  }
0xa8: {  	s4 =	sshll.u32 s28, $0x1;
	[dreg:$0x2] =	wrdreg s2  }
0xa9: {  	[dreg:$0x3] =	wrdreg s4  }
0xaa: {  	[dreg:$0x4] =	wrdreg $0xC0  }
0xab: {  	_ =	task [dreg:s6], $0x5FFFF  }
0xac: {  	[dreg:$0x1] =	wrdreg $0xFFFFFFFF  }
0xad: {  	[dreg:$0x0] =	wrdreg $0x60  }
0xae: {  	[dreg:$0x2] =	wrdreg s24  }
0xaf: {  	[dreg:$0x3] =	wrdreg $0x9  }
0xb0: {  	_ =	task.clear_ibuf [dreg:s6], $0x4FFFF;
	_ =	strace $0x9000004C  }
0xb1: {  	s29 =	simm.s32 $0x9;
	_ =	strace $0x8000004E  }
0xb2: {  	_ =	swait.ge [sflag:s29], $0x1  }
0xb3: {  	[sflag:s29] =	ssyncadd.s32 $0xFFFFFFFF  }
0xb4: {  	_ =	strace $0x9000004E  }
0xb5: {  	_ =	sfence  }
0xb6: {  	s30 =	sld [smem:$0x0];
	_ =	sdelay $0x2  }
0xb7: {  	s31 =	sshll.u32 s1, $0xD;
	s1 =	sshrl.u32 s1, $0x2  }
0xb8: {  	s3 =	sand.u32 $0x4000, s31;
	s1 =	sadd.s32 s1, s30  }
0xb9: {  	s0 =	sor.u32 s3, s0;
	s1 =	sshll.u32 s1, $0x11  }
0xba: {  	s0 =	sor.u32 s1, s0  }
0xbb: {  	s0 =	sadd.s32 $0x8F2B, s0  }
0xbc: {  	[sflag:s0] =	ssyncadd.remote.s32 $0x1  }
0xbd: {  	_ =	sfence.sel $0xFFFF  }
0xbe: {  	[dreg:$0x0] =	wrdreg $0xFFFFFFFF;
	(pc) =	sbr.abs _section_cstart, $3  }
0xbf: {  	[dreg:$0x1] =	wrdreg $0xFFFFFFFF  }
0xc0: {  	_ =	task.clear_ibuf [dreg:s6], $0x2FFFF;
	_ =	strace $0x9FFFFFFF  }
0xc1: {  	(tm) =	ssettm $0x7FFFFFFF  }
tec
execute0_lowered:
.L_overlay_start_1:
0x0: {  	(tag) =	ssettag $0x1  }
0x1: {  	s0 =	rddreg [dreg:$0x0];
	s1 =	srdreg.scid  }
0x2: {  	s3 =	stileid.u32;
	s2 =	simm.s32 $0x0;
	s10 =	simm.s32 $0x3  }
0x3: {  	s17 =	simm.s32 $0x7800;
	s18 =	simm.s32 $0x8000;
	s19 =	simm.s32 $0x8800  }
0x4: {  	s20 =	simm.s32 $0xD000;
	s21 =	simm.s32 $0xD800;
	s22 =	simm.s32 $0xE000  }
0x5: {  	s23 =	simm.s32 $0xE800;
	s24 =	simm.s32 $0xF000;
	s25 =	simm.s32 $0xF800  }
0x6: {  	s28 =	simm.s32 $0x10800;
	s29 =	simm.s32 $0x1;
	s30 =	simm.s32 $0x2  }
0x7: {  	s31 =	simm.s32 $0x0;
	s1 =	sand.u32 $0x1, s1;
	s4 =	smul.u32 $0x280000, s3  }
0x8: {  	[smem:$0x7FF] =	sst s2;
	s3 =	sshll.u32 s3, $0x1;
	s5 =	smul.u32 $0x140000, s1  }
0x9: {  	_ =	strace $0x8000004D;
	s6 =	sor.u32 s1, s3;
	s1 =	ssub.s32 $0x2, s1  }
0xa: {  	s3 =	sadd.s32 $0x10B800, s0;
	s6 =	smul.u32 $0x500, s6;
	s26 =	sshrl.u32 s1, $0x1  }
0xb: {  	s5 =	sadd.s32 s5, s4;
	s4 =	sadd.s32 $0x6F400, s0;
	s1 =	ssub.s32 s1, s26  }
0xc: {  	v2 =	vlaneseq.u32;
	s26 =	simm.s32 $0x10000;
	s5 =	sshrl.u32 s5, $0x3;
	s6 =	sadd.s32 s6, s0  }
0xd: {  	vm0 =	vmmov $0xffff;
	v1 =	vshrl.u32 v2, $0x3;
	s0 =	sadd.s32 s5, s0;
	s5 =	sadd.s32 $0xCA00, s6;
	s6 =	sadd.s32 $0x16A00, s6  }
0xe: {  	v0 =	vand.u32 $0x7, v2;
	v2 =	vor.u32 $0x8, v2;
	v1 =	vmul.u32 $0x8, v1;
	s7 =	smax.u32 s1, $0x1;
	s11 =	sadd.s32 $0xB37200, s0;
	s1 =	sadd.s32 $0x159A00, s0  }
.LBB2_1:
0xf: {  	[tilespmem:s2], [sflag:$0x3] =	stream.linear.gather [hbm4b:s5+s2], $0x2800, $0x38;
	[tilespmem:$0x15000] =	vst v63  }
0x10: {  	_ =	swait.ge [sflag:s10], $0x2800  }
0x11: {  	[sflag:s10] =	ssyncset.done $0x0  }
0x12: {  	s0 =	simm.s32 $0x2800;
	[sflag:s10] =	ssyncadd.s32 $0xFFFFD800  }
0x13: {  	[tilespmem:s0], [sflag:$0x3] =	stream.linear.gather [hbm4b:s6+s2], $0x2800, $0x38;
	[tilespmem:$0x15000] =	vst v63  }
0x14: {  	_ =	swait.ge [sflag:s10], $0x2800  }
0x15: {  	[sflag:s10] =	ssyncset.done $0x0  }
0x16: {  	[sflag:s10] =	ssyncadd.s32 $0xFFFFD800  }
0x17: {  	v3 =	vld [tilespmem:$0x0];
	_ =	sdelay $0x4  }
0x18: {  	v4 =	vshll.u32 v3, $0x1  }
0x19: {  	v3 =	vand.u32 $0x7, v3;
	v4 =	vand.u32 $0xFFFFFFF0, v4  }
0x1a: {  	v3 =	vor.u32 v3, v4  }
0x1b: {  	v4 =	vperm.xlane v3, v0;
	_ =	sdelay $0x1  }
0x1c: {  	v3 =	vperm.xlane v3, v2;
	v4 =	vadd.s32 v1, v4;
	_ =	sdelay $0x1  }
0x1d: {  	v3 =	vadd.s32 v1, v3;
	_ =	sdelay $0x1  }
0x1e: {  	s12 =	simm.s32 $0x5000  }
0x1f: {  	[tilespmem:s12], [sflag:$0x1] =	stream.indirect_vreg.gather [hbm4b:s3+s2], $0x80, v4, vm0, $0xb8;
	[tilespmem:$0x15000] =	vst v63  }
0x20: {  	s13 =	simm.s32 $0x5800  }
0x21: {  	[tilespmem:s13], [sflag:$0x1] =	stream.indirect_vreg.gather [hbm4b:s3+s2], $0x80, v3, vm0, $0xb8;
	[tilespmem:$0x15000] =	vst v63  }
0x22: {  	v3 =	vld [tilespmem:$0x10];
	_ =	sdelay $0x4  }
0x23: {  	v57 =	vshll.u32 v3, $0x1  }
0x24: {  	v3 =	vand.u32 $0x7, v3;
	v4 =	vand.u32 $0xFFFFFFF0, v57  }
0x25: {  	v3 =	vor.u32 v3, v4  }
0x26: {  	v4 =	vperm.xlane v3, v0;
	_ =	sdelay $0x1  }
0x27: {  	v3 =	vperm.xlane v3, v2;
	v4 =	vadd.s32 v1, v4;
	_ =	sdelay $0x1  }
0x28: {  	v3 =	vadd.s32 v1, v3;
	_ =	sdelay $0x1  }
0x29: {  	s14 =	simm.s32 $0x6000  }
0x2a: {  	[tilespmem:s14], [sflag:$0x1] =	stream.indirect_vreg.gather [hbm4b:s3+s2], $0x80, v4, vm0, $0xb8;
	[tilespmem:$0x15000] =	vst v63  }
0x2b: {  	s15 =	simm.s32 $0x6800  }
0x2c: {  	[tilespmem:s15], [sflag:$0x1] =	stream.indirect_vreg.gather [hbm4b:s3+s2], $0x80, v3, vm0, $0xb8;
	[tilespmem:$0x15000] =	vst v63  }
0x2d: {  	v3 =	vld [tilespmem:$0x20];
	_ =	sdelay $0x4  }
0x2e: {  	v58 =	vshll.u32 v3, $0x1  }
0x2f: {  	v3 =	vand.u32 $0x7, v3;
	v4 =	vand.u32 $0xFFFFFFF0, v58  }
0x30: {  	v3 =	vor.u32 v3, v4  }
0x31: {  	v4 =	vperm.xlane v3, v0;
	_ =	sdelay $0x1  }
0x32: {  	v3 =	vperm.xlane v3, v2;
	v4 =	vadd.s32 v1, v4;
	_ =	sdelay $0x1  }
0x33: {  	v3 =	vadd.s32 v1, v3;
	_ =	sdelay $0x1  }
0x34: {  	s16 =	simm.s32 $0x7000  }
0x35: {  	[tilespmem:s16], [sflag:$0x1] =	stream.indirect_vreg.gather [hbm4b:s3+s2], $0x80, v4, vm0, $0xb8;
	[tilespmem:$0x15000] =	vst v63  }
0x36: {  	_ = 	snop  }
0x37: {  	[tilespmem:s17], [sflag:$0x1] =	stream.indirect_vreg.gather [hbm4b:s3+s2], $0x80, v3, vm0, $0xb8;
	[tilespmem:$0x15000] =	vst v63  }
0x38: {  	v3 =	vld [tilespmem:$0x30];
	_ =	sdelay $0x4  }
0x39: {  	v59 =	vshll.u32 v3, $0x1  }
0x3a: {  	v3 =	vand.u32 $0x7, v3;
	v4 =	vand.u32 $0xFFFFFFF0, v59  }
0x3b: {  	v3 =	vor.u32 v3, v4  }
0x3c: {  	v4 =	vperm.xlane v3, v0;
	_ =	sdelay $0x1  }
0x3d: {  	v3 =	vperm.xlane v3, v2;
	v4 =	vadd.s32 v1, v4;
	_ =	sdelay $0x1  }
0x3e: {  	v3 =	vadd.s32 v1, v3;
	_ =	sdelay $0x2  }
0x3f: {  	[tilespmem:s18], [sflag:$0x1] =	stream.indirect_vreg.gather [hbm4b:s3+s2], $0x80, v4, vm0, $0xb8;
	[tilespmem:$0x15000] =	vst v63  }
0x40: {  	_ = 	snop  }
0x41: {  	[tilespmem:s19], [sflag:$0x1] =	stream.indirect_vreg.gather [hbm4b:s3+s2], $0x80, v3, vm0, $0xb8;
	[tilespmem:$0x15000] =	vst v63  }
0x42: {  	v3 =	vld [tilespmem:$0x2800];
	_ =	sdelay $0x4  }
0x43: {  	v60 =	vshll.u32 v3, $0x1  }
0x44: {  	v3 =	vand.u32 $0x7, v3;
	v4 =	vand.u32 $0xFFFFFFF0, v60  }
0x45: {  	v3 =	vor.u32 v3, v4  }
0x46: {  	v4 =	vperm.xlane v3, v0;
	_ =	sdelay $0x1  }
0x47: {  	v3 =	vperm.xlane v3, v2;
	v4 =	vadd.s32 v1, v4;
	_ =	sdelay $0x1  }
0x48: {  	v3 =	vadd.s32 v1, v3;
	_ =	sdelay $0x2  }
0x49: {  	[tilespmem:s20], [sflag:$0x2] =	stream.indirect_vreg.gather [hbm4b:s4+s2], $0x80, v4, vm0, $0xb8;
	[tilespmem:$0x15000] =	vst v63  }
0x4a: {  	_ = 	snop  }
0x4b: {  	[tilespmem:s21], [sflag:$0x2] =	stream.indirect_vreg.gather [hbm4b:s4+s2], $0x80, v3, vm0, $0xb8;
	[tilespmem:$0x15000] =	vst v63  }
0x4c: {  	v3 =	vld [tilespmem:$0x2810];
	_ =	sdelay $0x4  }
0x4d: {  	v61 =	vshll.u32 v3, $0x1  }
0x4e: {  	v3 =	vand.u32 $0x7, v3;
	v4 =	vand.u32 $0xFFFFFFF0, v61  }
0x4f: {  	v3 =	vor.u32 v3, v4  }
0x50: {  	v4 =	vperm.xlane v3, v0;
	_ =	sdelay $0x1  }
0x51: {  	v3 =	vperm.xlane v3, v2;
	v4 =	vadd.s32 v1, v4;
	_ =	sdelay $0x1  }
0x52: {  	v3 =	vadd.s32 v1, v3;
	_ =	sdelay $0x2  }
0x53: {  	[tilespmem:s22], [sflag:$0x2] =	stream.indirect_vreg.gather [hbm4b:s4+s2], $0x80, v4, vm0, $0xb8;
	[tilespmem:$0x15000] =	vst v63  }
0x54: {  	_ = 	snop  }
0x55: {  	[tilespmem:s23], [sflag:$0x2] =	stream.indirect_vreg.gather [hbm4b:s4+s2], $0x80, v3, vm0, $0xb8;
	[tilespmem:$0x15000] =	vst v63  }
0x56: {  	v3 =	vld [tilespmem:$0x2820];
	_ =	sdelay $0x4  }
0x57: {  	v62 =	vshll.u32 v3, $0x1  }
0x58: {  	v3 =	vand.u32 $0x7, v3;
	v4 =	vand.u32 $0xFFFFFFF0, v62  }
0x59: {  	v3 =	vor.u32 v3, v4  }
0x5a: {  	v4 =	vperm.xlane v3, v0;
	_ =	sdelay $0x1  }
0x5b: {  	v3 =	vperm.xlane v3, v2;
	v4 =	vadd.s32 v1, v4;
	_ =	sdelay $0x1  }
0x5c: {  	v3 =	vadd.s32 v1, v3;
	_ =	sdelay $0x2  }
0x5d: {  	[tilespmem:s24], [sflag:$0x2] =	stream.indirect_vreg.gather [hbm4b:s4+s2], $0x80, v4, vm0, $0xb8;
	[tilespmem:$0x15000] =	vst v63  }
0x5e: {  	_ = 	snop  }
0x5f: {  	[tilespmem:s25], [sflag:$0x2] =	stream.indirect_vreg.gather [hbm4b:s4+s2], $0x80, v3, vm0, $0xb8;
	[tilespmem:$0x15000] =	vst v63  }
0x60: {  	v3 =	vld [tilespmem:$0x2830];
	_ =	sdelay $0x4  }
0x61: {  	v63 =	vshll.u32 v3, $0x1  }
0x62: {  	v3 =	vand.u32 $0x7, v3;
	v4 =	vand.u32 $0xFFFFFFF0, v63  }
0x63: {  	v3 =	vor.u32 v3, v4  }
0x64: {  	v4 =	vperm.xlane v3, v0;
	_ =	sdelay $0x1  }
0x65: {  	v3 =	vperm.xlane v3, v2;
	v4 =	vadd.s32 v1, v4;
	_ =	sdelay $0x1  }
0x66: {  	v3 =	vadd.s32 v1, v3;
	_ =	sdelay $0x1  }
0x67: {  	s9 =	smov.u32 s1  }
0x68: {  	[tilespmem:s26], [sflag:$0x2] =	stream.indirect_vreg.gather [hbm4b:s4+s2], $0x80, v4, vm0, $0xb8;
	[tilespmem:$0x15000] =	vst v63  }
0x69: {  	s8 =	smov.u32 s11;
	s0 =	simm.s32 $0x1;
	s12 =	simm.s32 $0x0  }
0x6a: {  	[tilespmem:s28], [sflag:$0x2] =	stream.indirect_vreg.gather [hbm4b:s4+s2], $0x80, v3, vm0, $0xb8;
	[tilespmem:$0x15000] =	vst v63  }
.LBB2_2:
0x6b: {  	s13 =	smin.u32 s0, $0x4F  }
0x6c: {  	s15 =	sshll.u32 s13, $0x7  }
0x6d: {  	v3 =	vld [tilespmem:s15+$0x0];
	_ =	sdelay $0x4  }
0x6e: {  	v4 =	vshll.u32 v3, $0x1  }
0x6f: {  	v3 =	vand.u32 $0x7, v3;
	v4 =	vand.u32 $0xFFFFFFF0, v4  }
0x70: {  	v3 =	vor.u32 v3, v4  }
0x71: {  	v4 =	vperm.xlane v3, v0;
	_ =	sdelay $0x1  }
0x72: {  	v3 =	vperm.xlane v3, v2;
	v4 =	vadd.s32 v1, v4;
	_ =	sdelay $0x1  }
0x73: {  	s13 =	sadd.s32 $0x4000, s12;
	v3 =	vadd.s32 v1, v3  }
0x74: {  	s14 =	sand.u32 $0x4000, s13  }
0x75: {  	s16 =	sadd.s32 $0x5000, s14  }
0x76: {  	[tilespmem:s16], [sflag:$0x1] =	stream.indirect_vreg.gather [hbm4b:s3+s2], $0x80, v4, vm0, $0xb8;
	[tilespmem:$0x15000] =	vst v63  }
0x77: {  	s16 =	sadd.s32 $0x5800, s14  }
0x78: {  	[tilespmem:s16], [sflag:$0x1] =	stream.indirect_vreg.gather [hbm4b:s3+s2], $0x80, v3, vm0, $0xb8;
	[tilespmem:$0x15000] =	vst v63  }
0x79: {  	v3 =	vld [tilespmem:s15+$0x10];
	_ =	sdelay $0x4  }
0x7a: {  	v57 =	vshll.u32 v3, $0x1  }
0x7b: {  	v3 =	vand.u32 $0x7, v3;
	v4 =	vand.u32 $0xFFFFFFF0, v57  }
0x7c: {  	v3 =	vor.u32 v3, v4  }
0x7d: {  	v4 =	vperm.xlane v3, v0;
	_ =	sdelay $0x1  }
0x7e: {  	v3 =	vperm.xlane v3, v2;
	v4 =	vadd.s32 v1, v4;
	_ =	sdelay $0x1  }
0x7f: {  	v3 =	vadd.s32 v1, v3;
	_ =	sdelay $0x1  }
0x80: {  	s16 =	sadd.s32 $0x6000, s14  }
0x81: {  	[tilespmem:s16], [sflag:$0x1] =	stream.indirect_vreg.gather [hbm4b:s3+s2], $0x80, v4, vm0, $0xb8;
	[tilespmem:$0x15000] =	vst v63  }
0x82: {  	s16 =	sadd.s32 $0x6800, s14  }
0x83: {  	[tilespmem:s16], [sflag:$0x1] =	stream.indirect_vreg.gather [hbm4b:s3+s2], $0x80, v3, vm0, $0xb8;
	[tilespmem:$0x15000] =	vst v63  }
0x84: {  	v3 =	vld [tilespmem:s15+$0x20];
	_ =	sdelay $0x4  }
0x85: {  	v58 =	vshll.u32 v3, $0x1  }
0x86: {  	v3 =	vand.u32 $0x7, v3;
	v4 =	vand.u32 $0xFFFFFFF0, v58  }
0x87: {  	v3 =	vor.u32 v3, v4  }
0x88: {  	v4 =	vperm.xlane v3, v0;
	_ =	sdelay $0x1  }
0x89: {  	v3 =	vperm.xlane v3, v2;
	v4 =	vadd.s32 v1, v4;
	_ =	sdelay $0x1  }
0x8a: {  	v3 =	vadd.s32 v1, v3;
	_ =	sdelay $0x1  }
0x8b: {  	s16 =	sadd.s32 $0x7000, s14  }
0x8c: {  	[tilespmem:s16], [sflag:$0x1] =	stream.indirect_vreg.gather [hbm4b:s3+s2], $0x80, v4, vm0, $0xb8;
	[tilespmem:$0x15000] =	vst v63  }
0x8d: {  	s16 =	sadd.s32 $0x7800, s14  }
0x8e: {  	[tilespmem:s16], [sflag:$0x1] =	stream.indirect_vreg.gather [hbm4b:s3+s2], $0x80, v3, vm0, $0xb8;
	[tilespmem:$0x15000] =	vst v63  }
0x8f: {  	v3 =	vld [tilespmem:s15+$0x30];
	_ =	sdelay $0x4  }
0x90: {  	v59 =	vshll.u32 v3, $0x1  }
0x91: {  	v3 =	vand.u32 $0x7, v3;
	v4 =	vand.u32 $0xFFFFFFF0, v59  }
0x92: {  	v3 =	vor.u32 v3, v4  }
0x93: {  	v4 =	vperm.xlane v3, v0;
	_ =	sdelay $0x1  }
0x94: {  	v3 =	vperm.xlane v3, v2;
	v4 =	vadd.s32 v1, v4;
	_ =	sdelay $0x1  }
0x95: {  	v3 =	vadd.s32 v1, v3;
	_ =	sdelay $0x1  }
0x96: {  	s16 =	sor.u32 $0x8000, s14  }
0x97: {  	[tilespmem:s16], [sflag:$0x1] =	stream.indirect_vreg.gather [hbm4b:s3+s2], $0x80, v4, vm0, $0xb8;
	[tilespmem:$0x15000] =	vst v63  }
0x98: {  	s16 =	sor.u32 $0x8800, s14  }
0x99: {  	[tilespmem:s16], [sflag:$0x1] =	stream.indirect_vreg.gather [hbm4b:s3+s2], $0x80, v3, vm0, $0xb8;
	[tilespmem:$0x15000] =	vst v63  }
0x9a: {  	v3 =	vld [tilespmem:s15+$0x2800];
	_ =	sdelay $0x4  }
0x9b: {  	v60 =	vshll.u32 v3, $0x1  }
0x9c: {  	v3 =	vand.u32 $0x7, v3;
	v4 =	vand.u32 $0xFFFFFFF0, v60  }
0x9d: {  	v3 =	vor.u32 v3, v4  }
0x9e: {  	v4 =	vperm.xlane v3, v0;
	_ =	sdelay $0x1  }
0x9f: {  	v3 =	vperm.xlane v3, v2;
	v4 =	vadd.s32 v1, v4;
	_ =	sdelay $0x1  }
0xa0: {  	v3 =	vadd.s32 v1, v3;
	_ =	sdelay $0x1  }
0xa1: {  	s16 =	sadd.s32 $0xD000, s14  }
0xa2: {  	[tilespmem:s16], [sflag:$0x2] =	stream.indirect_vreg.gather [hbm4b:s4+s2], $0x80, v4, vm0, $0xb8;
	[tilespmem:$0x15000] =	vst v63  }
0xa3: {  	s16 =	sadd.s32 $0xD800, s14  }
0xa4: {  	[tilespmem:s16], [sflag:$0x2] =	stream.indirect_vreg.gather [hbm4b:s4+s2], $0x80, v3, vm0, $0xb8;
	[tilespmem:$0x15000] =	vst v63  }
0xa5: {  	v3 =	vld [tilespmem:s15+$0x2810];
	_ =	sdelay $0x4  }
0xa6: {  	v61 =	vshll.u32 v3, $0x1  }
0xa7: {  	v3 =	vand.u32 $0x7, v3;
	v4 =	vand.u32 $0xFFFFFFF0, v61  }
0xa8: {  	v3 =	vor.u32 v3, v4  }
0xa9: {  	v4 =	vperm.xlane v3, v0;
	_ =	sdelay $0x1  }
0xaa: {  	v3 =	vperm.xlane v3, v2;
	v4 =	vadd.s32 v1, v4;
	_ =	sdelay $0x1  }
0xab: {  	v3 =	vadd.s32 v1, v3;
	_ =	sdelay $0x1  }
0xac: {  	s16 =	sadd.s32 $0xE000, s14  }
0xad: {  	[tilespmem:s16], [sflag:$0x2] =	stream.indirect_vreg.gather [hbm4b:s4+s2], $0x80, v4, vm0, $0xb8;
	[tilespmem:$0x15000] =	vst v63  }
0xae: {  	s16 =	sadd.s32 $0xE800, s14  }
0xaf: {  	[tilespmem:s16], [sflag:$0x2] =	stream.indirect_vreg.gather [hbm4b:s4+s2], $0x80, v3, vm0, $0xb8;
	[tilespmem:$0x15000] =	vst v63  }
0xb0: {  	v3 =	vld [tilespmem:s15+$0x2820];
	_ =	sdelay $0x4  }
0xb1: {  	v62 =	vshll.u32 v3, $0x1  }
0xb2: {  	v3 =	vand.u32 $0x7, v3;
	v4 =	vand.u32 $0xFFFFFFF0, v62  }
0xb3: {  	v3 =	vor.u32 v3, v4  }
0xb4: {  	v4 =	vperm.xlane v3, v0;
	_ =	sdelay $0x1  }
0xb5: {  	v3 =	vperm.xlane v3, v2;
	v4 =	vadd.s32 v1, v4;
	_ =	sdelay $0x1  }
0xb6: {  	v3 =	vadd.s32 v1, v3;
	_ =	sdelay $0x1  }
0xb7: {  	s16 =	sadd.s32 $0xF000, s14  }
0xb8: {  	[tilespmem:s16], [sflag:$0x2] =	stream.indirect_vreg.gather [hbm4b:s4+s2], $0x80, v4, vm0, $0xb8;
	[tilespmem:$0x15000] =	vst v63  }
0xb9: {  	s16 =	sadd.s32 $0xF800, s14  }
0xba: {  	[tilespmem:s16], [sflag:$0x2] =	stream.indirect_vreg.gather [hbm4b:s4+s2], $0x80, v3, vm0, $0xb8;
	[tilespmem:$0x15000] =	vst v63  }
0xbb: {  	v3 =	vld [tilespmem:s15+$0x2830];
	_ =	sdelay $0x4  }
0xbc: {  	v63 =	vshll.u32 v3, $0x1  }
0xbd: {  	v3 =	vand.u32 $0x7, v3;
	v4 =	vand.u32 $0xFFFFFFF0, v63  }
0xbe: {  	v3 =	vor.u32 v3, v4  }
0xbf: {  	v4 =	vperm.xlane v3, v0;
	_ =	sdelay $0x1  }
0xc0: {  	v3 =	vperm.xlane v3, v2;
	v4 =	vadd.s32 v1, v4;
	_ =	sdelay $0x1  }
0xc1: {  	v3 =	vadd.s32 v1, v3;
	_ =	sdelay $0x1  }
0xc2: {  	s16 =	sor.u32 $0x10000, s14  }
0xc3: {  	[tilespmem:s16], [sflag:$0x2] =	stream.indirect_vreg.gather [hbm4b:s4+s2], $0x80, v4, vm0, $0xb8;
	[tilespmem:$0x15000] =	vst v63  }
0xc4: {  	s14 =	sor.u32 $0x10800, s14  }
0xc5: {  	[tilespmem:s14], [sflag:$0x2] =	stream.indirect_vreg.gather [hbm4b:s4+s2], $0x80, v3, vm0, $0xb8;
	[tilespmem:$0x15000] =	vst v63  }
0xc6: {  	_ =	swait.ge [sflag:s29], $0x4000  }
0xc7: {  	s14 =	sand.u32 $0x4000, s12;
	[sflag:s29] =	ssyncset.done $0x0  }
0xc8: {  	s16 =	sadd.s32 $0x5000, s14;
	[sflag:s29] =	ssyncadd.s32 $0xFFFFC000  }
0xc9: {  	[hbm4b:s9+s2] =	stream.linear.scatter [tilespmem:s16], [sflag:$0x3], $0x4000, $0x38;
	[tilespmem:$0x15000] =	vst v63  }
0xca: {  	_ =	swait.ge [sflag:s10], $0x4000  }
0xcb: {  	[sflag:s10] =	ssyncset.done $0x0  }
0xcc: {  	[sflag:s10] =	ssyncadd.s32 $0xFFFFC000  }
0xcd: {  	_ =	swait.ge [sflag:s30], $0x4000  }
0xce: {  	p0 =	sne.s32 s12, $0x13C000;
	[sflag:s30] =	ssyncset.done $0x0  }
.Ltmp0:
0xcf: {  	s14 =	sadd.s32 $0xD000, s14;
	[sflag:s30] =	ssyncadd.s32 $0xFFFFC000;
	(pc) =	sbr.rel @p0 .LBB2_2-.Ltmp0, $4  }
0xd0: {  	[hbm4b:s8+s2] =	stream.linear.scatter [tilespmem:s14], [sflag:$0x3], $0x4000, $0x38;
	[tilespmem:$0x15000] =	vst v63  }
0xd1: {  	_ =	swait.ge [sflag:s10], $0x4000  }
0xd2: {  	s0 =	sadd.s32 $0x1, s0;
	s12 =	smov.u32 s13;
	[sflag:s10] =	ssyncset.done $0x0  }
0xd3: {  	s9 =	sadd.s32 $0x800, s9;
	s8 =	sadd.s32 $0x800, s8;
	[sflag:s10] =	ssyncadd.s32 $0xFFFFC000  }
0xd4: {  	s31 =	sadd.s32 $0x1, s31  }
0xd5: {  	_ =	swait.ge [sflag:s29], $0x4000;
	p0 =	sne.s32 s31, s7  }
.Ltmp1:
0xd6: {  	[sflag:s29] =	ssyncset.done $0x0;
	(pc) =	sbr.rel @p0 .LBB2_1-.Ltmp1, $4  }
0xd7: {  	[sflag:s29] =	ssyncadd.s32 $0xFFFFC000  }
0xd8: {  	_ =	swait.ge [sflag:s30], $0x4000  }
0xd9: {  	[sflag:s30] =	ssyncset.done $0x0  }
0xda: {  	[sflag:s30] =	ssyncadd.s32 $0xFFFFC000  }
0xdb: {  	_ =	sfence.sel $0x180000  }
0xdc: {  	[bflag:$0x0] =	sbarrier.arrive $0xFFFF  }
0xdd: {  	_ =	strace $0x9000004D  }
0xde: {  	s0 =	stileid.u32;
	[bflag:$0x2] =	sbarrier.arrive $0xFFFF  }
0xdf: {  	p0 =	sne.s32 s0, $0x0;
	s0 =	rddreg [dreg:$0x1]  }
0xe0: {  	s0 =	sadd.s32 @!p0 $0x100000, s0  }
0xe1: {  	[sflag:s0] =	ssyncadd.tile.s32 @!p0 $0x1;
	_ =	shalt  }
.Lfunc_end2:
_tile_overlayer_lowered:
.L_overlay_start_2:
0xe2: {  	(tag) =	ssettag $0x2  }
0xe3: {  	s0 =	rddreg [dreg:$0x0];
	s2 =	stileid.u32  }
0xe4: {  	s1 =	rddreg [dreg:$0x1];
	p0 =	sne.s32 s2, $0x0  }
0xe5: {  	s3 =	rddreg [dreg:$0x2];
	[bflag:$0x3] =	sbarrier.arrive $0xFFFF;
	s2 =	simm.s32 @!p0 $0x1C03  }
0xe6: {  	[timem:s3], [sflag:s2] =	dma.local @!p0 [hbm:s0], s1  }
0xe7: {  	s0 =	simm.s32 @!p0 $0x3  }
0xe8: {  	_ =	swait.ge @!p0 [sflag:s0], s1  }
0xe9: {  	s1 =	ssub.s32 @!p0 $0x0, s1;
	[sflag:s0] =	ssyncset.done @!p0 $0x0  }
0xea: {  	[sflag:s0] =	ssyncadd.s32 @!p0 s1  }
0xeb: {  	[bflag:$0x3] =	sbarrier.arrive $0xFFFF  }
0xec: {  	_ =	shalt  }

// kernel: _run.28.cloned.1.call-start
scs
__scs_entry_jumppad:
0x0: {  	(pc) =	sbr.rel $0x88, $3  }
0x1: {  	(tag) =	ssettag $0x0;
	lr =	simm.s32 $0x1  }
0x2: {  	[smem:$0x3F73] =	sst lr;
	_ =	strace $0xD0000000  }
0x3: {  	_ = 	snop  }
0x4: {  	_ = 	snop  }
0x5: {  	_ = 	snop  }
0x6: {  	_ = 	snop  }
0x7: {  	_ = 	snop  }
__scs_overlays_trampoline_lowered:
0x8: {  	[smem:$0x3F82] =	sst s0  }
0x9: {  	[smem:$0x3F83] =	sst s1  }
0xa: {  	[smem:$0x3F84] =	sst s2  }
0xb: {  	[smem:$0x3F85] =	sst s3  }
0xc: {  	[smem:$0x3F86] =	sst s4  }
0xd: {  	[smem:$0x3F87] =	sst s5  }
0xe: {  	[smem:$0x3F88] =	sst s6  }
0xf: {  	[smem:$0x3F89] =	sst s7  }
0x10: {  	[smem:$0x3F8A] =	sst s8  }
0x11: {  	[smem:$0x3F8B] =	sst s9;
	s0 =	simm.s32 @!p0 $0x0  }
0x12: {  	s1 =	sld [smem:$0x3F71];
	s0 =	simm.s32 @p0 $0x1  }
0x13: {  	[smem:$0x3F8C] =	sst s0;
	s0 =	simm.s32 @!p1 $0x0  }
0x14: {  	s2 =	sld [smem:$0x3F70];
	s0 =	simm.s32 @p1 $0x1  }
0x15: {  	[smem:$0x3F8D] =	sst s0;
	s0 =	simm.s32 @!p2 $0x0  }
0x16: {  	s3 =	sld [smem:$0x3FDB];
	s0 =	simm.s32 @p2 $0x1  }
0x17: {  	s4 =	simm.s32 $0x1BF5;
	[smem:$0x3F8F] =	sst s0  }
0x18: {  	s0 =	sld [smem:$0x3F72];
	_ =	swait.ge [sflag:s4], $0x0  }
0x19: {  	s7 =	sld [smem:$0x3F73]  }
0x1a: {  	s8 =	sadd.s32 $0xFFFFE003, lr  }
0x1b: {  	s9 =	sadd.s32 $0xFFFFFEF7, lr;
	s5 =	simm.s32 $0xFFFFFFFF;
	p2 =	slt.u32 s8, $0xFFFFF086  }
0x1c: {  	p1 =	slt.u32 s9, $0xF7A;
	s5 =	simm.s32 @!p2 $0x0  }
0x1d: {  	s5 =	simm.s32 @p1 $0x1;
	p0 =	seq.s32 s7, s2  }
0x1e: {  	s7 =	smul.u32 @!p0 $0xF7A, s2;
	p2 =	seq.s32 @!p0 s5, $0x0  }
0x1f: {  	s9 =	smul.u32 $0xF7A, s1;
	s8 =	simm.s32 @!p0 $0x1BF5;
	p2 =	por !p2, p0  }
0x20: {  	[sflag:s8] =	ssyncset.s32 @!p0 $0xFFFFF086;
	s6 =	sadd.s32 @!p0 s3, s7;
	s7 =	simm.s32 @!p0 $0x108  }
0x21: {  	s3 =	sadd.s32 s3, s9;
	s6 =	sadd.s32 @!p0 $0x88, s6;
	s7 =	simm.s32 @p2 $0x1082  }
0x22: {  	[simem:s7], [sflag:s8] =	dma.local @!p0 [hbm:s6], $0xF7A  }
0x23: {  	s9 =	sor.u32 $0xD0000000, s2;
	s6 =	simm.s32 $0x108;
	_ =	swait.ge @!p0 [sflag:s8], $0x0  }
0x24: {  	s3 =	sadd.s32 $0x88, s3;
	s6 =	simm.s32 @!p1 $0x1082;
	[sflag:s4] =	ssyncset.s32 $0xFFFFF086  }
0x25: {  	[simem:s6], [sflag:s4] =	dma.local [hbm:s3], $0xF7A  }
0x26: {  	[smem:$0x3F73] =	sst s1;
	(tag) =	ssettag s2;
	_ =	strace s9  }
0x27: {  	s1 =	sld [smem:$0x3F83]  }
0x28: {  	s2 =	sld [smem:$0x3F84]  }
0x29: {  	s4 =	sld [smem:$0x3F86]  }
0x2a: {  	p0 =	seq.s32 s5, $0x0;
	s5 =	sld [smem:$0x3F87]  }
0x2b: {  	s6 =	sld [smem:$0x3F88]  }
0x2c: {  	s7 =	sld [smem:$0x3F89]  }
0x2d: {  	s3 =	simm.s32 $0x108;
	s8 =	sld [smem:$0x3F8A]  }
0x2e: {  	s3 =	simm.s32 @!p0 $0x1082;
	s9 =	sld [smem:$0x3F8B]  }
0x2f: {  	lr =	sadd.s32 s0, s3;
	s0 =	sld [smem:$0x3F82]  }
0x30: {  	s3 =	sld [smem:$0x3F85]  }
0x31: {  	[smem:$0x3F8E] =	sst s10  }
0x32: {  	s10 =	sld [smem:$0x3F8C];
	_ =	sdelay $0x3  }
0x33: {  	p0 =	seq.s32 s10, $0x1;
	s10 =	sld [smem:$0x3F8E];
	_ =	sdelay $0x3  }
0x34: {  	[smem:$0x3F8E] =	sst s10  }
0x35: {  	s10 =	sld [smem:$0x3F8D];
	_ =	sdelay $0x3  }
0x36: {  	p1 =	seq.s32 s10, $0x1;
	s10 =	sld [smem:$0x3F8E];
	_ =	sdelay $0x3  }
0x37: {  	[smem:$0x3F8E] =	sst s10  }
0x38: {  	s10 =	sld [smem:$0x3F8F]  }
0x39: {  	_ = 	snop;
	(pc) =	sbr.ind lr, $3  }
0x3a: {  	_ = 	snop  }
0x3b: {  	_ = 	snop  }
0x3c: {  	p2 =	seq.s32 s10, $0x1;
	s10 =	sld [smem:$0x3F8E]  }
0x3d: {  	_ =	shalt  }
0x3e: {  	_ =	shalt  }
0x3f: {  	_ =	shalt  }
0x40: {  	_ =	shalt  }
0x41: {  	_ =	shalt  }
0x42: {  	_ =	shalt  }
0x43: {  	_ =	shalt  }
0x44: {  	_ =	shalt  }
0x45: {  	_ =	shalt  }
0x46: {  	_ =	shalt  }
0x47: {  	_ =	shalt  }
0x48: {  	_ =	shalt  }
0x49: {  	_ =	shalt  }
0x4a: {  	_ =	shalt  }
0x4b: {  	_ =	shalt  }
0x4c: {  	_ =	shalt  }
0x4d: {  	_ =	shalt  }
0x4e: {  	_ =	shalt  }
0x4f: {  	_ =	shalt  }
0x50: {  	_ =	shalt  }
0x51: {  	_ =	shalt  }
0x52: {  	_ =	shalt  }
0x53: {  	_ =	shalt  }
0x54: {  	_ =	shalt  }
0x55: {  	_ =	shalt  }
0x56: {  	_ =	shalt  }
0x57: {  	_ =	shalt  }
0x58: {  	_ =	shalt  }
0x59: {  	_ =	shalt  }
0x5a: {  	_ =	shalt  }
0x5b: {  	_ =	shalt  }
0x5c: {  	_ =	shalt  }
0x5d: {  	_ =	shalt  }
0x5e: {  	_ =	shalt  }
0x5f: {  	_ =	shalt  }
0x60: {  	_ =	shalt  }
0x61: {  	_ =	shalt  }
0x62: {  	_ =	shalt  }
0x63: {  	_ =	shalt  }
0x64: {  	_ =	shalt  }
0x65: {  	_ =	shalt  }
0x66: {  	_ =	shalt  }
0x67: {  	_ =	shalt  }
0x68: {  	_ =	shalt  }
0x69: {  	_ =	shalt  }
0x6a: {  	_ =	shalt  }
0x6b: {  	_ =	shalt  }
0x6c: {  	_ =	shalt  }
0x6d: {  	_ =	shalt  }
0x6e: {  	_ =	shalt  }
0x6f: {  	_ =	shalt  }
0x70: {  	_ =	shalt  }
0x71: {  	_ =	shalt  }
0x72: {  	_ =	shalt  }
0x73: {  	_ =	shalt  }
0x74: {  	_ =	shalt  }
0x75: {  	_ =	shalt  }
0x76: {  	_ =	shalt  }
0x77: {  	_ =	shalt  }
0x78: {  	_ =	shalt  }
0x79: {  	_ =	shalt  }
0x7a: {  	_ =	shalt  }
0x7b: {  	_ =	shalt  }
0x7c: {  	_ =	shalt  }
0x7d: {  	_ =	shalt  }
0x7e: {  	_ =	shalt  }
0x7f: {  	_ =	shalt  }
0x80: {  	_ =	shalt  }
0x81: {  	_ =	shalt  }
0x82: {  	_ =	shalt  }
0x83: {  	_ =	shalt  }
0x84: {  	_ =	shalt  }
0x85: {  	_ =	shalt  }
0x86: {  	_ =	shalt  }
0x87: {  	_ =	shalt  }
.Lfunc_end0:
.L_simem_size_0:
called_computation.3_lowered:
.L_overlay_start_0:
0x88: {  	s2 =	sld [smem:$0x3FD9]  }
0x89: {  	s3 =	sld [smem:$0x3FFE];
	_ =	sdelay $0x1  }
0x8a: {  	s1 =	srdreg.scid  }
0x8b: {  	s0 =	sand.u32 $0x1, s1  }
0x8c: {  	s16 =	sshll.u32 s0, $0xA;
	s2 =	sadd.s32 s3, s2  }
0x8d: {  	s2 =	sadd.s32 s2, s16  }
0x8e: {  	[smem:$0x3F9A] =	sst s2  }
0x8f: {  	_ = 	snop  }
0x90: {  	(tm) =	ssettm $0x1  }
0x91: {  	s17 =	sld [smem:$0x3FFB];
	_ =	sdelay $0x3  }
0x92: {  	_ =	strace s17  }
0x93: {  	s2 =	sld [smem:$0x3FFC];
	_ =	sdelay $0x3  }
0x94: {  	_ =	strace s2  }
0x95: {  	s2 =	sld [smem:$0x3FFD];
	_ =	sdelay $0x3  }
0x96: {  	_ =	strace s2  }
0x97: {  	_ =	strace $0x8FFFFFFF  }
0x98: {  	s18 =	sld [smem:$0x3FDB];
	_ =	sdelay $0x1  }
0x99: {  	s19 =	simm.s32 $_scs_section_size  }
0x9a: {  	s4 =	simm.s32 $_size__tile_overlayer_lowered;
	s5 =	simm.s32 $_tile_overlayer_lowered  }
0x9b: {  	s22 =	simm.s32 $0x1BFF;
	s21 =	sshll.u32 s5, $0x1;
	s2 =	sadd.s32 s19, s18  }
0x9c: {  	s6 =	simm.s32 $0x0;
	s20 =	sshll.u32 s4, $0x1;
	s4 =	sadd.s32 s21, s2  }
0x9d: {  	[timem:s6], [sflag:s22] =	dma.local [hbm:s4], s20  }
0x9e: {  	_ =	swait.ge [sflag:s22], s20  }
0x9f: {  	s3 =	ssub.s32 $0x0, s20;
	[sflag:s22] =	ssyncset.done $0x0  }
0xa0: {  	[sflag:s22] =	ssyncadd.s32 s3;
	_ =	sdelay $0x1  }
0xa1: {  	s23 =	simm.s32 $0x1B8B  }
0xa2: {  	_ =	swait.ge [sflag:s23], $0x1  }
0xa3: {  	[sflag:s23] =	ssyncset.done $0x0  }
0xa4: {  	s25 =	simm.s32 $0x1B8E;
	s24 =	sld [smem:$0x3FFE];
	[sflag:s23] =	ssyncadd.s32 $0xFFFFFFFF  }
0xa5: {  	s26 =	simm.s32 $execute0_lowered;
	[smem:$0x3FD2] =	sst s25  }
0xa6: {  	s4 =	sshll.u32 s26, $0x1;
	_ =	strace $0x8000004F;
	[dreg:$0x1] =	wrdreg $0xFFFFFFFF  }
0xa7: {  	s28 =	simm.s32 $_size_execute0_lowered;
	s2 =	sadd.s32 s2, s4;
	[dreg:$0x0] =	wrdreg $0x0  }
0xa8: {  	s4 =	sshll.u32 s28, $0x1;
	[dreg:$0x2] =	wrdreg s2  }
0xa9: {  	[dreg:$0x3] =	wrdreg s4  }
0xaa: {  	[dreg:$0x4] =	wrdreg $0xC0  }
0xab: {  	_ =	task [dreg:s6], $0x5FFFF  }
0xac: {  	[dreg:$0x1] =	wrdreg $0xFFFFFFFF  }
0xad: {  	[dreg:$0x0] =	wrdreg $0x60  }
0xae: {  	[dreg:$0x2] =	wrdreg s24  }
0xaf: {  	[dreg:$0x3] =	wrdreg $0x94000  }
0xb0: {  	[dreg:$0x4] =	wrdreg $0x9  }
0xb1: {  	_ =	task.clear_ibuf [dreg:s6], $0x5FFFF;
	_ =	strace $0x9000004F  }
0xb2: {  	s29 =	simm.s32 $0x9;
	_ =	strace $0x80000051  }
0xb3: {  	_ =	swait.ge [sflag:s29], $0x1  }
0xb4: {  	[sflag:s29] =	ssyncadd.s32 $0xFFFFFFFF  }
0xb5: {  	_ =	strace $0x90000051  }
0xb6: {  	_ =	sfence  }
0xb7: {  	s30 =	sld [smem:$0x0];
	_ =	sdelay $0x2  }
0xb8: {  	s31 =	sshll.u32 s1, $0xD;
	s1 =	sshrl.u32 s1, $0x2  }
0xb9: {  	s3 =	sand.u32 $0x4000, s31;
	s1 =	sadd.s32 s1, s30  }
0xba: {  	s0 =	sor.u32 s3, s0;
	s1 =	sshll.u32 s1, $0x11  }
0xbb: {  	s0 =	sor.u32 s1, s0  }
0xbc: {  	s0 =	sadd.s32 $0x8F2B, s0  }
0xbd: {  	[sflag:s0] =	ssyncadd.remote.s32 $0x1  }
0xbe: {  	_ =	sfence.sel $0xFFFF  }
0xbf: {  	[dreg:$0x0] =	wrdreg $0xFFFFFFFF;
	(pc) =	sbr.abs _section_cstart, $3  }
0xc0: {  	[dreg:$0x1] =	wrdreg $0xFFFFFFFF  }
0xc1: {  	_ =	task.clear_ibuf [dreg:s6], $0x2FFFF;
	_ =	strace $0x9FFFFFFF  }
0xc2: {  	(tm) =	ssettm $0x7FFFFFFF  }
0xc3: {  	_ =	shalt  }
tec
execute0_lowered:
.L_overlay_start_1:
0x0: {  	(tag) =	ssettag $0x1  }
0x1: {  	s7 =	rddreg [dreg:$0x0]  }
0x2: {  	s0 =	srdreg.scid;
	s2 =	rddreg [dreg:$0x1]  }
0x3: {  	s3 =	simm.s32 $0x0;
	s17 =	simm.s32 $0x1400;
	s18 =	simm.s32 $0x1  }
0x4: {  	s19 =	simm.s32 $0x80;
	s6 =	sand.u32 $0x1, s0;
	s0 =	stileid.u32  }
0x5: {  	s20 =	simm.s32 $0x0;
	s4 =	sadd.s32 $0x659A00, s7;
	s10 =	smul.u32 $0x13C00, s0  }
0x6: {  	[smem:$0x7FF] =	sst s3;
	s5 =	sadd.s32 $0x1037200, s7;
	s11 =	smul.u32 $0x13C000, s6  }
0x7: {  	s1 =	sshll.u32 s6, $0x4;
	s12 =	smul.u32 $0x4F000, s0;
	s6 =	ssub.s32 $0x2, s6  }
0x8: {  	s15 =	sshll.u32 s0, $0x6;
	s9 =	sor.u32 s0, s1;
	s1 =	rddreg [dreg:$0x2]  }
0x9: {  	_ =	strace $0x80000050;
	s29 =	sshrl.u32 s6, $0x1;
	s15 =	sor.u32 $0x1C02, s15  }
0xa: {  	s8 =	smul.u32 $0x280, s9;
	s11 =	sadd.s32 s10, s11;
	s10 =	sshrl.u32 s10, $0x3  }
0xb: {  	s30 =	sshrl.u32 s12, $0x2;
	s31 =	smul.u32 $0x14000, s9;
	s14 =	ssub.s32 s6, s29  }
0xc: {  	s9 =	smul.u32 $0xA0000, s9;
	s11 =	sshrl.u32 s11, $0x3;
	s10 =	sadd.s32 s10, s7  }
0xd: {  	s16 =	sadd.s32 s30, s2;
	s8 =	sadd.s32 s8, s7;
	s13 =	sadd.s32 s11, s7  }
0xe: {  	s7 =	sadd.s32 $0x47C00, s10;
	s11 =	sadd.s32 s5, s31;
	s16 =	sshrl.u32 s16, $0x3  }
0xf: {  	s6 =	sadd.s32 $0xB32200, s8;
	s8 =	sadd.s32 s4, s31;
	s10 =	sadd.s32 $0x8D9A00, s13  }
0x10: {  	s12 =	sadd.s32 $0x928A00, s13;
	s13 =	smax.u32 s14, $0x1;
	s14 =	simm.s32 $0x2  }
.LBB2_1:
0x11: {  	[tilespmem:s3], [sflag:$0x2] =	stream.linear.gather [hbm4b:s6+s3], $0x1400, $0x38;
	[tilespmem:$0x1D000] =	vst v63  }
0x12: {  	_ =	swait.ge [sflag:s14], $0x1400  }
0x13: {  	[sflag:s14] =	ssyncset.done $0x0  }
0x14: {  	[sflag:s14] =	ssyncadd.s32 $0xFFFFEC00  }
0x15: {  	[spmem:s16], [sflag:s15] =	dma.local [hbm:s7], $0x2780  }
0x16: {  	s21 =	smin.u32 s18, $0x27;
	_ =	swait.ge [sflag:s14], $0x2780  }
0x17: {  	s22 =	sshll.u32 s21, $0xE;
	[sflag:s14] =	ssyncset.done $0x0  }
0x18: {  	s21 =	simm.s32 $0x4000;
	s22 =	sadd.s32 s9, s22;
	[sflag:s14] =	ssyncadd.s32 $0xFFFFD880  }
0x19: {  	s23 =	sand.u32 $0x4000, s21;
	s22 =	sshrl.u32 s22, $0x3;
	[bflag:$0x0] =	sbarrier.arrive $0xFFFF  }
0x1a: {  	[tilespmem:s17], [sflag:$0x1] =	stream.linear.gather [hbm4b:s8+s3], $0x4000, $0x38;
	[tilespmem:$0x1D000] =	vst v63  }
0x1b: {  	s23 =	sor.u32 $0x1400, s23;
	s22 =	sadd.s32 s4, s22  }
0x1c: {  	[tilespmem:s23], [sflag:$0x1] =	stream.linear.gather [hbm4b:s22+s3], $0x4000, $0x38;
	[tilespmem:$0x1D000] =	vst v63  }
0x1d: {  	s25 =	simm.s32 $0x8000;
	_ =	swait.ge [sflag:s18], $0x4000  }
0x1e: {  	s30 =	sand.u32 $0x4000, s3;
	s22 =	simm.s32 $0x2;
	[sflag:s18] =	ssyncset.done $0x0  }
0x1f: {  	s23 =	sor.u32 $0x1400, s30;
	s26 =	smin.u32 s22, $0x27;
	[sflag:s18] =	ssyncadd.s32 $0xFFFFC000  }
0x20: {  	[spmem:s2] =	stream.indirect.scatter.add.f32 [tilespmem:s23], [sflag:$0x2], $0x80, s3, s19, $0xb8;
	[tilespmem:$0x1D000] =	vst v63  }
0x21: {  	s24 =	sand.u32 $0x4000, s25;
	s31 =	sshll.u32 s26, $0xE;
	_ =	swait.ge [sflag:s14], $0x4000  }
0x22: {  	s26 =	sadd.s32 s9, s31;
	s23 =	simm.s32 $0x80;
	[sflag:s14] =	ssyncset.done $0x0  }
.LBB2_2:
0x23: {  	s26 =	sshrl.u32 s26, $0x3;
	[sflag:s14] =	ssyncadd.s32 $0xFFFFC000  }
0x24: {  	s28 =	smov.u32 s25;
	s29 =	sadd.s32 $0x4000, s25;
	s30 =	sor.u32 $0x1400, s24  }
0x25: {  	p0 =	sne.s32 s25, $0x9C000;
	s24 =	sand.u32 $0x4000, s29;
	s26 =	sadd.s32 s4, s26  }
0x26: {  	[tilespmem:s30], [sflag:$0x1] =	stream.linear.gather [hbm4b:s26+s3], $0x4000, $0x38;
	[tilespmem:$0x1D000] =	vst v63  }
0x27: {  	s22 =	sadd.s32 $0x1, s22;
	s21 =	sand.u32 $0x4000, s21;
	_ =	swait.ge [sflag:s18], $0x4000  }
.Ltmp0:
0x28: {  	s25 =	smin.u32 s22, $0x27;
	[sflag:s18] =	ssyncset.done $0x0;
	(pc) =	sbr.rel @p0 .LBB2_2-.Ltmp0, $4  }
0x29: {  	s21 =	sor.u32 $0x1400, s21;
	s25 =	sshll.u32 s25, $0xE;
	[sflag:s18] =	ssyncadd.s32 $0xFFFFC000  }
0x2a: {  	[spmem:s2] =	stream.indirect.scatter.add.f32 [tilespmem:s21], [sflag:$0x2], $0x80, s23, s19, $0xb8;
	[tilespmem:$0x1D000] =	vst v63  }
0x2b: {  	s26 =	sadd.s32 s9, s25;
	s21 =	smov.u32 s28;
	_ =	swait.ge [sflag:s14], $0x4000  }
0x2c: {  	s25 =	smov.u32 s29;
	s23 =	sadd.s32 $0x80, s23;
	[sflag:s14] =	ssyncset.done $0x0  }
0x2d: {  	s22 =	sshrl.u32 s26, $0x3  }
0x2e: {  	[sflag:s14] =	ssyncadd.s32 $0xFFFFC000;
	s24 =	sor.u32 $0x1400, s24;
	s22 =	sadd.s32 s4, s22  }
0x2f: {  	[tilespmem:s24], [sflag:$0x1] =	stream.linear.gather [hbm4b:s22+s3], $0x4000, $0x38;
	[tilespmem:$0x1D000] =	vst v63  }
0x30: {  	_ =	swait.ge [sflag:s18], $0x4000  }
0x31: {  	s21 =	sand.u32 $0x4000, s21;
	[sflag:s18] =	ssyncset.done $0x0  }
0x32: {  	s21 =	sor.u32 $0x1400, s21;
	[sflag:s18] =	ssyncadd.s32 $0xFFFFC000  }
0x33: {  	[spmem:s2] =	stream.indirect.scatter.add.f32 [tilespmem:s21], [sflag:$0x2], $0x80, s23, s19, $0xb8;
	[tilespmem:$0x1D000] =	vst v63  }
0x34: {  	_ =	swait.ge [sflag:s14], $0x4000  }
0x35: {  	[sflag:s14] =	ssyncset.done $0x0  }
0x36: {  	s30 =	simm.s32 $0x1;
	[sflag:s14] =	ssyncadd.s32 $0xFFFFC000  }
0x37: {  	_ =	swait.ge [sflag:s30], $0x4000  }
0x38: {  	[sflag:s30] =	ssyncset.done $0x0  }
0x39: {  	[sflag:s30] =	ssyncadd.s32 $0xFFFFC000  }
0x3a: {  	[bflag:$0x0] =	sbarrier.arrive $0xFFFF  }
0x3b: {  	[hbm:s10], [sflag:s15] =	dma.local [spmem:s16], $0x2780  }
0x3c: {  	_ =	swait.ge [sflag:s14], $0x2780  }
0x3d: {  	[sflag:s14] =	ssyncset.done $0x0  }
0x3e: {  	[sflag:s14] =	ssyncadd.s32 $0xFFFFD880  }
0x3f: {  	[bflag:$0x0] =	sbarrier.arrive $0xFFFF  }
0x40: {  	[spmem:s16], [sflag:s15] =	dma.local [hbm:s7], $0x2780  }
0x41: {  	s21 =	smin.u32 s30, $0x27;
	_ =	swait.ge [sflag:s14], $0x2780  }
0x42: {  	s31 =	simm.s32 $0x0;
	s26 =	sshll.u32 s21, $0xE;
	[sflag:s14] =	ssyncset.done $0x0  }
0x43: {  	s21 =	simm.s32 $0x4000;
	s22 =	sadd.s32 s9, s26;
	[sflag:s14] =	ssyncadd.s32 $0xFFFFD880  }
0x44: {  	s28 =	sand.u32 $0x4000, s21;
	s22 =	sshrl.u32 s22, $0x3;
	[bflag:$0x0] =	sbarrier.arrive $0xFFFF  }
0x45: {  	[tilespmem:s17], [sflag:$0x1] =	stream.linear.gather [hbm4b:s11+s31], $0x4000, $0x38;
	[tilespmem:$0x1D000] =	vst v63  }
0x46: {  	s24 =	sor.u32 $0x1400, s28;
	s22 =	sadd.s32 s5, s22  }
0x47: {  	[tilespmem:s24], [sflag:$0x1] =	stream.linear.gather [hbm4b:s22+s3], $0x4000, $0x38;
	[tilespmem:$0x1D000] =	vst v63  }
0x48: {  	s25 =	simm.s32 $0x8000;
	_ =	swait.ge [sflag:s18], $0x4000  }
0x49: {  	s29 =	sand.u32 $0x4000, s31;
	s22 =	simm.s32 $0x2;
	[sflag:s18] =	ssyncset.done $0x0  }
0x4a: {  	s24 =	sor.u32 $0x1400, s29;
	s30 =	smin.u32 s22, $0x27;
	[sflag:s18] =	ssyncadd.s32 $0xFFFFC000  }
0x4b: {  	[spmem:s2] =	stream.indirect.scatter.add.f32 [tilespmem:s24], [sflag:$0x2], $0x80, s31, s19, $0xb8;
	[tilespmem:$0x1D000] =	vst v63  }
0x4c: {  	s23 =	simm.s32 $0x80;
	s31 =	sshll.u32 s30, $0xE;
	_ =	swait.ge [sflag:s14], $0x4000  }
0x4d: {  	s24 =	sand.u32 $0x4000, s25;
	s26 =	sadd.s32 s9, s31;
	[sflag:s14] =	ssyncset.done $0x0  }
.LBB2_4:
0x4e: {  	s26 =	sshrl.u32 s26, $0x3;
	[sflag:s14] =	ssyncadd.s32 $0xFFFFC000  }
0x4f: {  	s28 =	smov.u32 s25;
	s29 =	sadd.s32 $0x4000, s25;
	s30 =	sor.u32 $0x1400, s24  }
0x50: {  	p0 =	sne.s32 s25, $0x9C000;
	s24 =	sand.u32 $0x4000, s29;
	s26 =	sadd.s32 s5, s26  }
0x51: {  	[tilespmem:s30], [sflag:$0x1] =	stream.linear.gather [hbm4b:s26+s3], $0x4000, $0x38;
	[tilespmem:$0x1D000] =	vst v63  }
0x52: {  	s22 =	sadd.s32 $0x1, s22;
	s21 =	sand.u32 $0x4000, s21;
	_ =	swait.ge [sflag:s18], $0x4000  }
.Ltmp1:
0x53: {  	s25 =	smin.u32 s22, $0x27;
	[sflag:s18] =	ssyncset.done $0x0;
	(pc) =	sbr.rel @p0 .LBB2_4-.Ltmp1, $4  }
0x54: {  	s21 =	sor.u32 $0x1400, s21;
	s25 =	sshll.u32 s25, $0xE;
	[sflag:s18] =	ssyncadd.s32 $0xFFFFC000  }
0x55: {  	[spmem:s2] =	stream.indirect.scatter.add.f32 [tilespmem:s21], [sflag:$0x2], $0x80, s23, s19, $0xb8;
	[tilespmem:$0x1D000] =	vst v63  }
0x56: {  	s26 =	sadd.s32 s9, s25;
	s21 =	smov.u32 s28;
	_ =	swait.ge [sflag:s14], $0x4000  }
0x57: {  	s25 =	smov.u32 s29;
	s23 =	sadd.s32 $0x80, s23;
	[sflag:s14] =	ssyncset.done $0x0  }
0x58: {  	s22 =	sshrl.u32 s26, $0x3  }
0x59: {  	[sflag:s14] =	ssyncadd.s32 $0xFFFFC000;
	s24 =	sor.u32 $0x1400, s24;
	s22 =	sadd.s32 s5, s22  }
0x5a: {  	[tilespmem:s24], [sflag:$0x1] =	stream.linear.gather [hbm4b:s22+s3], $0x4000, $0x38;
	[tilespmem:$0x1D000] =	vst v63  }
0x5b: {  	_ =	swait.ge [sflag:s18], $0x4000  }
0x5c: {  	s21 =	sand.u32 $0x4000, s21;
	[sflag:s18] =	ssyncset.done $0x0  }
0x5d: {  	s21 =	sor.u32 $0x1400, s21;
	[sflag:s18] =	ssyncadd.s32 $0xFFFFC000  }
0x5e: {  	[spmem:s2] =	stream.indirect.scatter.add.f32 [tilespmem:s21], [sflag:$0x2], $0x80, s23, s19, $0xb8;
	[tilespmem:$0x1D000] =	vst v63  }
0x5f: {  	_ =	swait.ge [sflag:s14], $0x4000  }
0x60: {  	[sflag:s14] =	ssyncset.done $0x0  }
0x61: {  	[sflag:s14] =	ssyncadd.s32 $0xFFFFC000  }
0x62: {  	_ =	swait.ge [sflag:s18], $0x4000  }
0x63: {  	[sflag:s18] =	ssyncset.done $0x0  }
0x64: {  	s20 =	sadd.s32 $0x1, s20;
	[sflag:s18] =	ssyncadd.s32 $0xFFFFC000  }
0x65: {  	p0 =	sne.s32 s20, s13;
	[bflag:$0x0] =	sbarrier.arrive $0xFFFF  }
0x66: {  	[hbm:s12], [sflag:s15] =	dma.local [spmem:s16], $0x2780  }
.Ltmp2:
0x67: {  	_ =	swait.ge [sflag:s14], $0x2780;
	(pc) =	sbr.rel @p0 .LBB2_1-.Ltmp2, $3  }
0x68: {  	[sflag:s14] =	ssyncset.done $0x0  }
0x69: {  	[sflag:s14] =	ssyncadd.s32 $0xFFFFD880  }
0x6a: {  	[bflag:$0x0] =	sbarrier.arrive $0xFFFF;
	_ =	sdelay $0x1  }
0x6b: {  	_ =	sfence.sel $0x180000  }
0x6c: {  	[bflag:$0x0] =	sbarrier.arrive $0xFFFF  }
0x6d: {  	p0 =	sne.s32 s0, $0x0;
	_ =	strace $0x90000050  }
0x6e: {  	s0 =	sadd.s32 @!p0 $0x100000, s1;
	[bflag:$0x2] =	sbarrier.arrive $0xFFFF  }
0x6f: {  	[sflag:s0] =	ssyncadd.tile.s32 @!p0 $0x1;
	_ =	shalt  }
.Lfunc_end2:
_tile_overlayer_lowered:
.L_overlay_start_2:
0x70: {  	(tag) =	ssettag $0x2  }
0x71: {  	s0 =	rddreg [dreg:$0x0];
	s2 =	stileid.u32  }
0x72: {  	s1 =	rddreg [dreg:$0x1];
	p0 =	sne.s32 s2, $0x0  }
0x73: {  	s3 =	rddreg [dreg:$0x2];
	[bflag:$0x3] =	sbarrier.arrive $0xFFFF;
	s2 =	simm.s32 @!p0 $0x1C02  }
0x74: {  	[timem:s3], [sflag:s2] =	dma.local @!p0 [hbm:s0], s1  }
0x75: {  	s0 =	simm.s32 @!p0 $0x2  }
0x76: {  	_ =	swait.ge @!p0 [sflag:s0], s1  }
0x77: {  	s1 =	ssub.s32 @!p0 $0x0, s1;
	[sflag:s0] =	ssyncset.done @!p0 $0x0  }
0x78: {  	[sflag:s0] =	ssyncadd.s32 @!p0 s1  }
0x79: {  	[bflag:$0x3] =	sbarrier.arrive $0xFFFF  }
0x7a: {  	_ =	shalt  }

// kernel: _run.31.cloned.1.call-start
scs
__scs_entry_jumppad:
0x0: {  	(pc) =	sbr.rel $0x88, $3  }
0x1: {  	(tag) =	ssettag $0x0;
	lr =	simm.s32 $0x1  }
0x2: {  	[smem:$0x3F73] =	sst lr;
	_ =	strace $0xD0000000  }
0x3: {  	_ = 	snop  }
0x4: {  	_ = 	snop  }
0x5: {  	_ = 	snop  }
0x6: {  	_ = 	snop  }
0x7: {  	_ = 	snop  }
__scs_overlays_trampoline_lowered:
0x8: {  	[smem:$0x3F82] =	sst s0  }
0x9: {  	[smem:$0x3F83] =	sst s1  }
0xa: {  	[smem:$0x3F84] =	sst s2  }
0xb: {  	[smem:$0x3F85] =	sst s3  }
0xc: {  	[smem:$0x3F86] =	sst s4  }
0xd: {  	[smem:$0x3F87] =	sst s5  }
0xe: {  	[smem:$0x3F88] =	sst s6  }
0xf: {  	[smem:$0x3F89] =	sst s7  }
0x10: {  	[smem:$0x3F8A] =	sst s8  }
0x11: {  	[smem:$0x3F8B] =	sst s9;
	s0 =	simm.s32 @!p0 $0x0  }
0x12: {  	s1 =	sld [smem:$0x3F71];
	s0 =	simm.s32 @p0 $0x1  }
0x13: {  	[smem:$0x3F8C] =	sst s0;
	s0 =	simm.s32 @!p1 $0x0  }
0x14: {  	s2 =	sld [smem:$0x3F70];
	s0 =	simm.s32 @p1 $0x1  }
0x15: {  	[smem:$0x3F8D] =	sst s0;
	s0 =	simm.s32 @!p2 $0x0  }
0x16: {  	s3 =	sld [smem:$0x3FDB];
	s0 =	simm.s32 @p2 $0x1  }
0x17: {  	s4 =	simm.s32 $0x1BF5;
	[smem:$0x3F8F] =	sst s0  }
0x18: {  	s0 =	sld [smem:$0x3F72];
	_ =	swait.ge [sflag:s4], $0x0  }
0x19: {  	s7 =	sld [smem:$0x3F73]  }
0x1a: {  	s8 =	sadd.s32 $0xFFFFE003, lr  }
0x1b: {  	s9 =	sadd.s32 $0xFFFFFEF7, lr;
	s5 =	simm.s32 $0xFFFFFFFF;
	p2 =	slt.u32 s8, $0xFFFFF086  }
0x1c: {  	p1 =	slt.u32 s9, $0xF7A;
	s5 =	simm.s32 @!p2 $0x0  }
0x1d: {  	s5 =	simm.s32 @p1 $0x1;
	p0 =	seq.s32 s7, s2  }
0x1e: {  	s7 =	smul.u32 @!p0 $0xF7A, s2;
	p2 =	seq.s32 @!p0 s5, $0x0  }
0x1f: {  	s9 =	smul.u32 $0xF7A, s1;
	s8 =	simm.s32 @!p0 $0x1BF5;
	p2 =	por !p2, p0  }
0x20: {  	[sflag:s8] =	ssyncset.s32 @!p0 $0xFFFFF086;
	s6 =	sadd.s32 @!p0 s3, s7;
	s7 =	simm.s32 @!p0 $0x108  }
0x21: {  	s3 =	sadd.s32 s3, s9;
	s6 =	sadd.s32 @!p0 $0x88, s6;
	s7 =	simm.s32 @p2 $0x1082  }
0x22: {  	[simem:s7], [sflag:s8] =	dma.local @!p0 [hbm:s6], $0xF7A  }
0x23: {  	s9 =	sor.u32 $0xD0000000, s2;
	s6 =	simm.s32 $0x108;
	_ =	swait.ge @!p0 [sflag:s8], $0x0  }
0x24: {  	s3 =	sadd.s32 $0x88, s3;
	s6 =	simm.s32 @!p1 $0x1082;
	[sflag:s4] =	ssyncset.s32 $0xFFFFF086  }
0x25: {  	[simem:s6], [sflag:s4] =	dma.local [hbm:s3], $0xF7A  }
0x26: {  	[smem:$0x3F73] =	sst s1;
	(tag) =	ssettag s2;
	_ =	strace s9  }
0x27: {  	s1 =	sld [smem:$0x3F83]  }
0x28: {  	s2 =	sld [smem:$0x3F84]  }
0x29: {  	s4 =	sld [smem:$0x3F86]  }
0x2a: {  	p0 =	seq.s32 s5, $0x0;
	s5 =	sld [smem:$0x3F87]  }
0x2b: {  	s6 =	sld [smem:$0x3F88]  }
0x2c: {  	s7 =	sld [smem:$0x3F89]  }
0x2d: {  	s3 =	simm.s32 $0x108;
	s8 =	sld [smem:$0x3F8A]  }
0x2e: {  	s3 =	simm.s32 @!p0 $0x1082;
	s9 =	sld [smem:$0x3F8B]  }
0x2f: {  	lr =	sadd.s32 s0, s3;
	s0 =	sld [smem:$0x3F82]  }
0x30: {  	s3 =	sld [smem:$0x3F85]  }
0x31: {  	[smem:$0x3F8E] =	sst s10  }
0x32: {  	s10 =	sld [smem:$0x3F8C];
	_ =	sdelay $0x3  }
0x33: {  	p0 =	seq.s32 s10, $0x1;
	s10 =	sld [smem:$0x3F8E];
	_ =	sdelay $0x3  }
0x34: {  	[smem:$0x3F8E] =	sst s10  }
0x35: {  	s10 =	sld [smem:$0x3F8D];
	_ =	sdelay $0x3  }
0x36: {  	p1 =	seq.s32 s10, $0x1;
	s10 =	sld [smem:$0x3F8E];
	_ =	sdelay $0x3  }
0x37: {  	[smem:$0x3F8E] =	sst s10  }
0x38: {  	s10 =	sld [smem:$0x3F8F]  }
0x39: {  	_ = 	snop;
	(pc) =	sbr.ind lr, $3  }
0x3a: {  	_ = 	snop  }
0x3b: {  	_ = 	snop  }
0x3c: {  	p2 =	seq.s32 s10, $0x1;
	s10 =	sld [smem:$0x3F8E]  }
0x3d: {  	_ =	shalt  }
0x3e: {  	_ =	shalt  }
0x3f: {  	_ =	shalt  }
0x40: {  	_ =	shalt  }
0x41: {  	_ =	shalt  }
0x42: {  	_ =	shalt  }
0x43: {  	_ =	shalt  }
0x44: {  	_ =	shalt  }
0x45: {  	_ =	shalt  }
0x46: {  	_ =	shalt  }
0x47: {  	_ =	shalt  }
0x48: {  	_ =	shalt  }
0x49: {  	_ =	shalt  }
0x4a: {  	_ =	shalt  }
0x4b: {  	_ =	shalt  }
0x4c: {  	_ =	shalt  }
0x4d: {  	_ =	shalt  }
0x4e: {  	_ =	shalt  }
0x4f: {  	_ =	shalt  }
0x50: {  	_ =	shalt  }
0x51: {  	_ =	shalt  }
0x52: {  	_ =	shalt  }
0x53: {  	_ =	shalt  }
0x54: {  	_ =	shalt  }
0x55: {  	_ =	shalt  }
0x56: {  	_ =	shalt  }
0x57: {  	_ =	shalt  }
0x58: {  	_ =	shalt  }
0x59: {  	_ =	shalt  }
0x5a: {  	_ =	shalt  }
0x5b: {  	_ =	shalt  }
0x5c: {  	_ =	shalt  }
0x5d: {  	_ =	shalt  }
0x5e: {  	_ =	shalt  }
0x5f: {  	_ =	shalt  }
0x60: {  	_ =	shalt  }
0x61: {  	_ =	shalt  }
0x62: {  	_ =	shalt  }
0x63: {  	_ =	shalt  }
0x64: {  	_ =	shalt  }
0x65: {  	_ =	shalt  }
0x66: {  	_ =	shalt  }
0x67: {  	_ =	shalt  }
0x68: {  	_ =	shalt  }
0x69: {  	_ =	shalt  }
0x6a: {  	_ =	shalt  }
0x6b: {  	_ =	shalt  }
0x6c: {  	_ =	shalt  }
0x6d: {  	_ =	shalt  }
0x6e: {  	_ =	shalt  }
0x6f: {  	_ =	shalt  }
0x70: {  	_ =	shalt  }
0x71: {  	_ =	shalt  }
0x72: {  	_ =	shalt  }
0x73: {  	_ =	shalt  }
0x74: {  	_ =	shalt  }
0x75: {  	_ =	shalt  }
0x76: {  	_ =	shalt  }
0x77: {  	_ =	shalt  }
0x78: {  	_ =	shalt  }
0x79: {  	_ =	shalt  }
0x7a: {  	_ =	shalt  }
0x7b: {  	_ =	shalt  }
0x7c: {  	_ =	shalt  }
0x7d: {  	_ =	shalt  }
0x7e: {  	_ =	shalt  }
0x7f: {  	_ =	shalt  }
0x80: {  	_ =	shalt  }
0x81: {  	_ =	shalt  }
0x82: {  	_ =	shalt  }
0x83: {  	_ =	shalt  }
0x84: {  	_ =	shalt  }
0x85: {  	_ =	shalt  }
0x86: {  	_ =	shalt  }
0x87: {  	_ =	shalt  }
.Lfunc_end0:
.L_simem_size_0:
called_computation.4_lowered:
.L_overlay_start_0:
0x88: {  	s2 =	sld [smem:$0x3FD9]  }
0x89: {  	s3 =	sld [smem:$0x3FFE];
	_ =	sdelay $0x1  }
0x8a: {  	s1 =	srdreg.scid  }
0x8b: {  	s0 =	sand.u32 $0x1, s1  }
0x8c: {  	s16 =	sshll.u32 s0, $0xA;
	s2 =	sadd.s32 s3, s2  }
0x8d: {  	s2 =	sadd.s32 s2, s16  }
0x8e: {  	[smem:$0x3F9A] =	sst s2  }
0x8f: {  	_ = 	snop  }
0x90: {  	(tm) =	ssettm $0x1  }
0x91: {  	s17 =	sld [smem:$0x3FFB];
	_ =	sdelay $0x3  }
0x92: {  	_ =	strace s17  }
0x93: {  	s2 =	sld [smem:$0x3FFC];
	_ =	sdelay $0x3  }
0x94: {  	_ =	strace s2  }
0x95: {  	s2 =	sld [smem:$0x3FFD];
	_ =	sdelay $0x3  }
0x96: {  	_ =	strace s2  }
0x97: {  	_ =	strace $0x8FFFFFFF  }
0x98: {  	s18 =	sld [smem:$0x3FDB];
	_ =	sdelay $0x1  }
0x99: {  	s19 =	simm.s32 $_scs_section_size  }
0x9a: {  	s4 =	simm.s32 $_size__tile_overlayer_lowered;
	s5 =	simm.s32 $_tile_overlayer_lowered  }
0x9b: {  	s22 =	simm.s32 $0x1BFF;
	s21 =	sshll.u32 s5, $0x1;
	s2 =	sadd.s32 s19, s18  }
0x9c: {  	s6 =	simm.s32 $0x0;
	s20 =	sshll.u32 s4, $0x1;
	s4 =	sadd.s32 s21, s2  }
0x9d: {  	[timem:s6], [sflag:s22] =	dma.local [hbm:s4], s20  }
0x9e: {  	_ =	swait.ge [sflag:s22], s20  }
0x9f: {  	s3 =	ssub.s32 $0x0, s20;
	[sflag:s22] =	ssyncset.done $0x0  }
0xa0: {  	[sflag:s22] =	ssyncadd.s32 s3;
	_ =	sdelay $0x1  }
0xa1: {  	s23 =	simm.s32 $0x1B8B  }
0xa2: {  	_ =	swait.ge [sflag:s23], $0x1  }
0xa3: {  	[sflag:s23] =	ssyncset.done $0x0  }
0xa4: {  	s25 =	simm.s32 $0x1B8E;
	s24 =	sld [smem:$0x3FFE];
	[sflag:s23] =	ssyncadd.s32 $0xFFFFFFFF  }
0xa5: {  	s26 =	simm.s32 $execute0_lowered;
	[smem:$0x3FD2] =	sst s25  }
0xa6: {  	s4 =	sshll.u32 s26, $0x1;
	_ =	strace $0x80000052;
	[dreg:$0x1] =	wrdreg $0xFFFFFFFF  }
0xa7: {  	s28 =	simm.s32 $_size_execute0_lowered;
	s2 =	sadd.s32 s2, s4;
	[dreg:$0x0] =	wrdreg $0x0  }
0xa8: {  	s4 =	sshll.u32 s28, $0x1;
	[dreg:$0x2] =	wrdreg s2  }
0xa9: {  	[dreg:$0x3] =	wrdreg s4  }
0xaa: {  	[dreg:$0x4] =	wrdreg $0xC0  }
0xab: {  	_ =	task [dreg:s6], $0x5FFFF  }
0xac: {  	[dreg:$0x1] =	wrdreg $0xFFFFFFFF  }
0xad: {  	[dreg:$0x0] =	wrdreg $0x60  }
0xae: {  	[dreg:$0x2] =	wrdreg s24  }
0xaf: {  	[dreg:$0x3] =	wrdreg $0x9  }
0xb0: {  	_ =	task.clear_ibuf [dreg:s6], $0x4FFFF;
	_ =	strace $0x90000052  }
0xb1: {  	s29 =	simm.s32 $0x9;
	_ =	strace $0x80000054  }
0xb2: {  	_ =	swait.ge [sflag:s29], $0x1  }
0xb3: {  	[sflag:s29] =	ssyncadd.s32 $0xFFFFFFFF  }
0xb4: {  	_ =	strace $0x90000054  }
0xb5: {  	_ =	sfence  }
0xb6: {  	s30 =	sld [smem:$0x0];
	_ =	sdelay $0x2  }
0xb7: {  	s31 =	sshll.u32 s1, $0xD;
	s1 =	sshrl.u32 s1, $0x2  }
0xb8: {  	s3 =	sand.u32 $0x4000, s31;
	s1 =	sadd.s32 s1, s30  }
0xb9: {  	s0 =	sor.u32 s3, s0;
	s1 =	sshll.u32 s1, $0x11  }
0xba: {  	s0 =	sor.u32 s1, s0  }
0xbb: {  	s0 =	sadd.s32 $0x8F2B, s0  }
0xbc: {  	[sflag:s0] =	ssyncadd.remote.s32 $0x1  }
0xbd: {  	_ =	sfence.sel $0xFFFF  }
0xbe: {  	[dreg:$0x0] =	wrdreg $0xFFFFFFFF;
	(pc) =	sbr.abs _section_cstart, $3  }
0xbf: {  	[dreg:$0x1] =	wrdreg $0xFFFFFFFF  }
0xc0: {  	_ =	task.clear_ibuf [dreg:s6], $0x2FFFF;
	_ =	strace $0x9FFFFFFF  }
0xc1: {  	(tm) =	ssettm $0x7FFFFFFF  }
tec
execute0_lowered:
.L_overlay_start_1:
0x0: {  	(tag) =	ssettag $0x1  }
0x1: {  	s0 =	rddreg [dreg:$0x0];
	s1 =	srdreg.scid  }
0x2: {  	s3 =	stileid.u32;
	s2 =	simm.s32 $0x0;
	s10 =	simm.s32 $0x3  }
0x3: {  	s17 =	simm.s32 $0x7800;
	s18 =	simm.s32 $0x8000;
	s19 =	simm.s32 $0x8800  }
0x4: {  	s20 =	simm.s32 $0xD000;
	s21 =	simm.s32 $0xD800;
	s22 =	simm.s32 $0xE000  }
0x5: {  	s23 =	simm.s32 $0xE800;
	s24 =	simm.s32 $0xF000;
	s25 =	simm.s32 $0xF800  }
0x6: {  	s28 =	simm.s32 $0x10800;
	s29 =	simm.s32 $0x1;
	s30 =	simm.s32 $0x2  }
0x7: {  	s31 =	simm.s32 $0x0;
	s1 =	sand.u32 $0x1, s1;
	s4 =	smul.u32 $0x280000, s3  }
0x8: {  	[smem:$0x7FF] =	sst s2;
	s3 =	sshll.u32 s3, $0x1;
	s5 =	smul.u32 $0x140000, s1  }
0x9: {  	_ =	strace $0x80000053;
	s6 =	sor.u32 s1, s3;
	s1 =	ssub.s32 $0x2, s1  }
0xa: {  	s3 =	sadd.s32 $0x10B800, s0;
	s6 =	smul.u32 $0x500, s6;
	s26 =	sshrl.u32 s1, $0x1  }
0xb: {  	s5 =	sadd.s32 s5, s4;
	s4 =	sadd.s32 $0x6F400, s0;
	s1 =	ssub.s32 s1, s26  }
0xc: {  	v2 =	vlaneseq.u32;
	s26 =	simm.s32 $0x10000;
	s5 =	sshrl.u32 s5, $0x3;
	s6 =	sadd.s32 s6, s0  }
0xd: {  	vm0 =	vmmov $0xffff;
	v1 =	vshrl.u32 v2, $0x3;
	s0 =	sadd.s32 s5, s0;
	s5 =	sadd.s32 $0xCA00, s6;
	s6 =	sadd.s32 $0x16A00, s6  }
0xe: {  	v0 =	vand.u32 $0x7, v2;
	v2 =	vor.u32 $0x8, v2;
	v1 =	vmul.u32 $0x8, v1;
	s7 =	smax.u32 s1, $0x1;
	s11 =	sadd.s32 $0xB37200, s0;
	s1 =	sadd.s32 $0x159A00, s0  }
.LBB2_1:
0xf: {  	[tilespmem:s2], [sflag:$0x3] =	stream.linear.gather [hbm4b:s5+s2], $0x2800, $0x38;
	[tilespmem:$0x15000] =	vst v63  }
0x10: {  	_ =	swait.ge [sflag:s10], $0x2800  }
0x11: {  	[sflag:s10] =	ssyncset.done $0x0  }
0x12: {  	s0 =	simm.s32 $0x2800;
	[sflag:s10] =	ssyncadd.s32 $0xFFFFD800  }
0x13: {  	[tilespmem:s0], [sflag:$0x3] =	stream.linear.gather [hbm4b:s6+s2], $0x2800, $0x38;
	[tilespmem:$0x15000] =	vst v63  }
0x14: {  	_ =	swait.ge [sflag:s10], $0x2800  }
0x15: {  	[sflag:s10] =	ssyncset.done $0x0  }
0x16: {  	[sflag:s10] =	ssyncadd.s32 $0xFFFFD800  }
0x17: {  	v3 =	vld [tilespmem:$0x0];
	_ =	sdelay $0x4  }
0x18: {  	v4 =	vshll.u32 v3, $0x1  }
0x19: {  	v3 =	vand.u32 $0x7, v3;
	v4 =	vand.u32 $0xFFFFFFF0, v4  }
0x1a: {  	v3 =	vor.u32 v3, v4  }
0x1b: {  	v4 =	vperm.xlane v3, v0;
	_ =	sdelay $0x1  }
0x1c: {  	v3 =	vperm.xlane v3, v2;
	v4 =	vadd.s32 v1, v4;
	_ =	sdelay $0x1  }
0x1d: {  	v3 =	vadd.s32 v1, v3;
	_ =	sdelay $0x1  }
0x1e: {  	s12 =	simm.s32 $0x5000  }
0x1f: {  	[tilespmem:s12], [sflag:$0x1] =	stream.indirect_vreg.gather [hbm4b:s3+s2], $0x80, v4, vm0, $0xb8;
	[tilespmem:$0x15000] =	vst v63  }
0x20: {  	s13 =	simm.s32 $0x5800  }
0x21: {  	[tilespmem:s13], [sflag:$0x1] =	stream.indirect_vreg.gather [hbm4b:s3+s2], $0x80, v3, vm0, $0xb8;
	[tilespmem:$0x15000] =	vst v63  }
0x22: {  	v3 =	vld [tilespmem:$0x10];
	_ =	sdelay $0x4  }
0x23: {  	v57 =	vshll.u32 v3, $0x1  }
0x24: {  	v3 =	vand.u32 $0x7, v3;
	v4 =	vand.u32 $0xFFFFFFF0, v57  }
0x25: {  	v3 =	vor.u32 v3, v4  }
0x26: {  	v4 =	vperm.xlane v3, v0;
	_ =	sdelay $0x1  }
0x27: {  	v3 =	vperm.xlane v3, v2;
	v4 =	vadd.s32 v1, v4;
	_ =	sdelay $0x1  }
0x28: {  	v3 =	vadd.s32 v1, v3;
	_ =	sdelay $0x1  }
0x29: {  	s14 =	simm.s32 $0x6000  }
0x2a: {  	[tilespmem:s14], [sflag:$0x1] =	stream.indirect_vreg.gather [hbm4b:s3+s2], $0x80, v4, vm0, $0xb8;
	[tilespmem:$0x15000] =	vst v63  }
0x2b: {  	s15 =	simm.s32 $0x6800  }
0x2c: {  	[tilespmem:s15], [sflag:$0x1] =	stream.indirect_vreg.gather [hbm4b:s3+s2], $0x80, v3, vm0, $0xb8;
	[tilespmem:$0x15000] =	vst v63  }
0x2d: {  	v3 =	vld [tilespmem:$0x20];
	_ =	sdelay $0x4  }
0x2e: {  	v58 =	vshll.u32 v3, $0x1  }
0x2f: {  	v3 =	vand.u32 $0x7, v3;
	v4 =	vand.u32 $0xFFFFFFF0, v58  }
0x30: {  	v3 =	vor.u32 v3, v4  }
0x31: {  	v4 =	vperm.xlane v3, v0;
	_ =	sdelay $0x1  }
0x32: {  	v3 =	vperm.xlane v3, v2;
	v4 =	vadd.s32 v1, v4;
	_ =	sdelay $0x1  }
0x33: {  	v3 =	vadd.s32 v1, v3;
	_ =	sdelay $0x1  }
0x34: {  	s16 =	simm.s32 $0x7000  }
0x35: {  	[tilespmem:s16], [sflag:$0x1] =	stream.indirect_vreg.gather [hbm4b:s3+s2], $0x80, v4, vm0, $0xb8;
	[tilespmem:$0x15000] =	vst v63  }
0x36: {  	_ = 	snop  }
0x37: {  	[tilespmem:s17], [sflag:$0x1] =	stream.indirect_vreg.gather [hbm4b:s3+s2], $0x80, v3, vm0, $0xb8;
	[tilespmem:$0x15000] =	vst v63  }
0x38: {  	v3 =	vld [tilespmem:$0x30];
	_ =	sdelay $0x4  }
0x39: {  	v59 =	vshll.u32 v3, $0x1  }
0x3a: {  	v3 =	vand.u32 $0x7, v3;
	v4 =	vand.u32 $0xFFFFFFF0, v59  }
0x3b: {  	v3 =	vor.u32 v3, v4  }
0x3c: {  	v4 =	vperm.xlane v3, v0;
	_ =	sdelay $0x1  }
0x3d: {  	v3 =	vperm.xlane v3, v2;
	v4 =	vadd.s32 v1, v4;
	_ =	sdelay $0x1  }
0x3e: {  	v3 =	vadd.s32 v1, v3;
	_ =	sdelay $0x2  }
0x3f: {  	[tilespmem:s18], [sflag:$0x1] =	stream.indirect_vreg.gather [hbm4b:s3+s2], $0x80, v4, vm0, $0xb8;
	[tilespmem:$0x15000] =	vst v63  }
0x40: {  	_ = 	snop  }
0x41: {  	[tilespmem:s19], [sflag:$0x1] =	stream.indirect_vreg.gather [hbm4b:s3+s2], $0x80, v3, vm0, $0xb8;
	[tilespmem:$0x15000] =	vst v63  }
0x42: {  	v3 =	vld [tilespmem:$0x2800];
	_ =	sdelay $0x4  }
0x43: {  	v60 =	vshll.u32 v3, $0x1  }
0x44: {  	v3 =	vand.u32 $0x7, v3;
	v4 =	vand.u32 $0xFFFFFFF0, v60  }
0x45: {  	v3 =	vor.u32 v3, v4  }
0x46: {  	v4 =	vperm.xlane v3, v0;
	_ =	sdelay $0x1  }
0x47: {  	v3 =	vperm.xlane v3, v2;
	v4 =	vadd.s32 v1, v4;
	_ =	sdelay $0x1  }
0x48: {  	v3 =	vadd.s32 v1, v3;
	_ =	sdelay $0x2  }
0x49: {  	[tilespmem:s20], [sflag:$0x2] =	stream.indirect_vreg.gather [hbm4b:s4+s2], $0x80, v4, vm0, $0xb8;
	[tilespmem:$0x15000] =	vst v63  }
0x4a: {  	_ = 	snop  }
0x4b: {  	[tilespmem:s21], [sflag:$0x2] =	stream.indirect_vreg.gather [hbm4b:s4+s2], $0x80, v3, vm0, $0xb8;
	[tilespmem:$0x15000] =	vst v63  }
0x4c: {  	v3 =	vld [tilespmem:$0x2810];
	_ =	sdelay $0x4  }
0x4d: {  	v61 =	vshll.u32 v3, $0x1  }
0x4e: {  	v3 =	vand.u32 $0x7, v3;
	v4 =	vand.u32 $0xFFFFFFF0, v61  }
0x4f: {  	v3 =	vor.u32 v3, v4  }
0x50: {  	v4 =	vperm.xlane v3, v0;
	_ =	sdelay $0x1  }
0x51: {  	v3 =	vperm.xlane v3, v2;
	v4 =	vadd.s32 v1, v4;
	_ =	sdelay $0x1  }
0x52: {  	v3 =	vadd.s32 v1, v3;
	_ =	sdelay $0x2  }
0x53: {  	[tilespmem:s22], [sflag:$0x2] =	stream.indirect_vreg.gather [hbm4b:s4+s2], $0x80, v4, vm0, $0xb8;
	[tilespmem:$0x15000] =	vst v63  }
0x54: {  	_ = 	snop  }
0x55: {  	[tilespmem:s23], [sflag:$0x2] =	stream.indirect_vreg.gather [hbm4b:s4+s2], $0x80, v3, vm0, $0xb8;
	[tilespmem:$0x15000] =	vst v63  }
0x56: {  	v3 =	vld [tilespmem:$0x2820];
	_ =	sdelay $0x4  }
0x57: {  	v62 =	vshll.u32 v3, $0x1  }
0x58: {  	v3 =	vand.u32 $0x7, v3;
	v4 =	vand.u32 $0xFFFFFFF0, v62  }
0x59: {  	v3 =	vor.u32 v3, v4  }
0x5a: {  	v4 =	vperm.xlane v3, v0;
	_ =	sdelay $0x1  }
0x5b: {  	v3 =	vperm.xlane v3, v2;
	v4 =	vadd.s32 v1, v4;
	_ =	sdelay $0x1  }
0x5c: {  	v3 =	vadd.s32 v1, v3;
	_ =	sdelay $0x2  }
0x5d: {  	[tilespmem:s24], [sflag:$0x2] =	stream.indirect_vreg.gather [hbm4b:s4+s2], $0x80, v4, vm0, $0xb8;
	[tilespmem:$0x15000] =	vst v63  }
0x5e: {  	_ = 	snop  }
0x5f: {  	[tilespmem:s25], [sflag:$0x2] =	stream.indirect_vreg.gather [hbm4b:s4+s2], $0x80, v3, vm0, $0xb8;
	[tilespmem:$0x15000] =	vst v63  }
0x60: {  	v3 =	vld [tilespmem:$0x2830];
	_ =	sdelay $0x4  }
0x61: {  	v63 =	vshll.u32 v3, $0x1  }
0x62: {  	v3 =	vand.u32 $0x7, v3;
	v4 =	vand.u32 $0xFFFFFFF0, v63  }
0x63: {  	v3 =	vor.u32 v3, v4  }
0x64: {  	v4 =	vperm.xlane v3, v0;
	_ =	sdelay $0x1  }
0x65: {  	v3 =	vperm.xlane v3, v2;
	v4 =	vadd.s32 v1, v4;
	_ =	sdelay $0x1  }
0x66: {  	v3 =	vadd.s32 v1, v3;
	_ =	sdelay $0x1  }
0x67: {  	s9 =	smov.u32 s1  }
0x68: {  	[tilespmem:s26], [sflag:$0x2] =	stream.indirect_vreg.gather [hbm4b:s4+s2], $0x80, v4, vm0, $0xb8;
	[tilespmem:$0x15000] =	vst v63  }
0x69: {  	s8 =	smov.u32 s11;
	s0 =	simm.s32 $0x1;
	s12 =	simm.s32 $0x0  }
0x6a: {  	[tilespmem:s28], [sflag:$0x2] =	stream.indirect_vreg.gather [hbm4b:s4+s2], $0x80, v3, vm0, $0xb8;
	[tilespmem:$0x15000] =	vst v63  }
.LBB2_2:
0x6b: {  	s13 =	smin.u32 s0, $0x4F  }
0x6c: {  	s15 =	sshll.u32 s13, $0x7  }
0x6d: {  	v3 =	vld [tilespmem:s15+$0x0];
	_ =	sdelay $0x4  }
0x6e: {  	v4 =	vshll.u32 v3, $0x1  }
0x6f: {  	v3 =	vand.u32 $0x7, v3;
	v4 =	vand.u32 $0xFFFFFFF0, v4  }
0x70: {  	v3 =	vor.u32 v3, v4  }
0x71: {  	v4 =	vperm.xlane v3, v0;
	_ =	sdelay $0x1  }
0x72: {  	v3 =	vperm.xlane v3, v2;
	v4 =	vadd.s32 v1, v4;
	_ =	sdelay $0x1  }
0x73: {  	s13 =	sadd.s32 $0x4000, s12;
	v3 =	vadd.s32 v1, v3  }
0x74: {  	s14 =	sand.u32 $0x4000, s13  }
0x75: {  	s16 =	sadd.s32 $0x5000, s14  }
0x76: {  	[tilespmem:s16], [sflag:$0x1] =	stream.indirect_vreg.gather [hbm4b:s3+s2], $0x80, v4, vm0, $0xb8;
	[tilespmem:$0x15000] =	vst v63  }
0x77: {  	s16 =	sadd.s32 $0x5800, s14  }
0x78: {  	[tilespmem:s16], [sflag:$0x1] =	stream.indirect_vreg.gather [hbm4b:s3+s2], $0x80, v3, vm0, $0xb8;
	[tilespmem:$0x15000] =	vst v63  }
0x79: {  	v3 =	vld [tilespmem:s15+$0x10];
	_ =	sdelay $0x4  }
0x7a: {  	v57 =	vshll.u32 v3, $0x1  }
0x7b: {  	v3 =	vand.u32 $0x7, v3;
	v4 =	vand.u32 $0xFFFFFFF0, v57  }
0x7c: {  	v3 =	vor.u32 v3, v4  }
0x7d: {  	v4 =	vperm.xlane v3, v0;
	_ =	sdelay $0x1  }
0x7e: {  	v3 =	vperm.xlane v3, v2;
	v4 =	vadd.s32 v1, v4;
	_ =	sdelay $0x1  }
0x7f: {  	v3 =	vadd.s32 v1, v3;
	_ =	sdelay $0x1  }
0x80: {  	s16 =	sadd.s32 $0x6000, s14  }
0x81: {  	[tilespmem:s16], [sflag:$0x1] =	stream.indirect_vreg.gather [hbm4b:s3+s2], $0x80, v4, vm0, $0xb8;
	[tilespmem:$0x15000] =	vst v63  }
0x82: {  	s16 =	sadd.s32 $0x6800, s14  }
0x83: {  	[tilespmem:s16], [sflag:$0x1] =	stream.indirect_vreg.gather [hbm4b:s3+s2], $0x80, v3, vm0, $0xb8;
	[tilespmem:$0x15000] =	vst v63  }
0x84: {  	v3 =	vld [tilespmem:s15+$0x20];
	_ =	sdelay $0x4  }
0x85: {  	v58 =	vshll.u32 v3, $0x1  }
0x86: {  	v3 =	vand.u32 $0x7, v3;
	v4 =	vand.u32 $0xFFFFFFF0, v58  }
0x87: {  	v3 =	vor.u32 v3, v4  }
0x88: {  	v4 =	vperm.xlane v3, v0;
	_ =	sdelay $0x1  }
0x89: {  	v3 =	vperm.xlane v3, v2;
	v4 =	vadd.s32 v1, v4;
	_ =	sdelay $0x1  }
0x8a: {  	v3 =	vadd.s32 v1, v3;
	_ =	sdelay $0x1  }
0x8b: {  	s16 =	sadd.s32 $0x7000, s14  }
0x8c: {  	[tilespmem:s16], [sflag:$0x1] =	stream.indirect_vreg.gather [hbm4b:s3+s2], $0x80, v4, vm0, $0xb8;
	[tilespmem:$0x15000] =	vst v63  }
0x8d: {  	s16 =	sadd.s32 $0x7800, s14  }
0x8e: {  	[tilespmem:s16], [sflag:$0x1] =	stream.indirect_vreg.gather [hbm4b:s3+s2], $0x80, v3, vm0, $0xb8;
	[tilespmem:$0x15000] =	vst v63  }
0x8f: {  	v3 =	vld [tilespmem:s15+$0x30];
	_ =	sdelay $0x4  }
0x90: {  	v59 =	vshll.u32 v3, $0x1  }
0x91: {  	v3 =	vand.u32 $0x7, v3;
	v4 =	vand.u32 $0xFFFFFFF0, v59  }
0x92: {  	v3 =	vor.u32 v3, v4  }
0x93: {  	v4 =	vperm.xlane v3, v0;
	_ =	sdelay $0x1  }
0x94: {  	v3 =	vperm.xlane v3, v2;
	v4 =	vadd.s32 v1, v4;
	_ =	sdelay $0x1  }
0x95: {  	v3 =	vadd.s32 v1, v3;
	_ =	sdelay $0x1  }
0x96: {  	s16 =	sor.u32 $0x8000, s14  }
0x97: {  	[tilespmem:s16], [sflag:$0x1] =	stream.indirect_vreg.gather [hbm4b:s3+s2], $0x80, v4, vm0, $0xb8;
	[tilespmem:$0x15000] =	vst v63  }
0x98: {  	s16 =	sor.u32 $0x8800, s14  }
0x99: {  	[tilespmem:s16], [sflag:$0x1] =	stream.indirect_vreg.gather [hbm4b:s3+s2], $0x80, v3, vm0, $0xb8;
	[tilespmem:$0x15000] =	vst v63  }
0x9a: {  	v3 =	vld [tilespmem:s15+$0x2800];
	_ =	sdelay $0x4  }
0x9b: {  	v60 =	vshll.u32 v3, $0x1  }
0x9c: {  	v3 =	vand.u32 $0x7, v3;
	v4 =	vand.u32 $0xFFFFFFF0, v60  }
0x9d: {  	v3 =	vor.u32 v3, v4  }
0x9e: {  	v4 =	vperm.xlane v3, v0;
	_ =	sdelay $0x1  }
0x9f: {  	v3 =	vperm.xlane v3, v2;
	v4 =	vadd.s32 v1, v4;
	_ =	sdelay $0x1  }
0xa0: {  	v3 =	vadd.s32 v1, v3;
	_ =	sdelay $0x1  }
0xa1: {  	s16 =	sadd.s32 $0xD000, s14  }
0xa2: {  	[tilespmem:s16], [sflag:$0x2] =	stream.indirect_vreg.gather [hbm4b:s4+s2], $0x80, v4, vm0, $0xb8;
	[tilespmem:$0x15000] =	vst v63  }
0xa3: {  	s16 =	sadd.s32 $0xD800, s14  }
0xa4: {  	[tilespmem:s16], [sflag:$0x2] =	stream.indirect_vreg.gather [hbm4b:s4+s2], $0x80, v3, vm0, $0xb8;
	[tilespmem:$0x15000] =	vst v63  }
0xa5: {  	v3 =	vld [tilespmem:s15+$0x2810];
	_ =	sdelay $0x4  }
0xa6: {  	v61 =	vshll.u32 v3, $0x1  }
0xa7: {  	v3 =	vand.u32 $0x7, v3;
	v4 =	vand.u32 $0xFFFFFFF0, v61  }
0xa8: {  	v3 =	vor.u32 v3, v4  }
0xa9: {  	v4 =	vperm.xlane v3, v0;
	_ =	sdelay $0x1  }
0xaa: {  	v3 =	vperm.xlane v3, v2;
	v4 =	vadd.s32 v1, v4;
	_ =	sdelay $0x1  }
0xab: {  	v3 =	vadd.s32 v1, v3;
	_ =	sdelay $0x1  }
0xac: {  	s16 =	sadd.s32 $0xE000, s14  }
0xad: {  	[tilespmem:s16], [sflag:$0x2] =	stream.indirect_vreg.gather [hbm4b:s4+s2], $0x80, v4, vm0, $0xb8;
	[tilespmem:$0x15000] =	vst v63  }
0xae: {  	s16 =	sadd.s32 $0xE800, s14  }
0xaf: {  	[tilespmem:s16], [sflag:$0x2] =	stream.indirect_vreg.gather [hbm4b:s4+s2], $0x80, v3, vm0, $0xb8;
	[tilespmem:$0x15000] =	vst v63  }
0xb0: {  	v3 =	vld [tilespmem:s15+$0x2820];
	_ =	sdelay $0x4  }
0xb1: {  	v62 =	vshll.u32 v3, $0x1  }
0xb2: {  	v3 =	vand.u32 $0x7, v3;
	v4 =	vand.u32 $0xFFFFFFF0, v62  }
0xb3: {  	v3 =	vor.u32 v3, v4  }
0xb4: {  	v4 =	vperm.xlane v3, v0;
	_ =	sdelay $0x1  }
0xb5: {  	v3 =	vperm.xlane v3, v2;
	v4 =	vadd.s32 v1, v4;
	_ =	sdelay $0x1  }
0xb6: {  	v3 =	vadd.s32 v1, v3;
	_ =	sdelay $0x1  }
0xb7: {  	s16 =	sadd.s32 $0xF000, s14  }
0xb8: {  	[tilespmem:s16], [sflag:$0x2] =	stream.indirect_vreg.gather [hbm4b:s4+s2], $0x80, v4, vm0, $0xb8;
	[tilespmem:$0x15000] =	vst v63  }
0xb9: {  	s16 =	sadd.s32 $0xF800, s14  }
0xba: {  	[tilespmem:s16], [sflag:$0x2] =	stream.indirect_vreg.gather [hbm4b:s4+s2], $0x80, v3, vm0, $0xb8;
	[tilespmem:$0x15000] =	vst v63  }
0xbb: {  	v3 =	vld [tilespmem:s15+$0x2830];
	_ =	sdelay $0x4  }
0xbc: {  	v63 =	vshll.u32 v3, $0x1  }
0xbd: {  	v3 =	vand.u32 $0x7, v3;
	v4 =	vand.u32 $0xFFFFFFF0, v63  }
0xbe: {  	v3 =	vor.u32 v3, v4  }
0xbf: {  	v4 =	vperm.xlane v3, v0;
	_ =	sdelay $0x1  }
0xc0: {  	v3 =	vperm.xlane v3, v2;
	v4 =	vadd.s32 v1, v4;
	_ =	sdelay $0x1  }
0xc1: {  	v3 =	vadd.s32 v1, v3;
	_ =	sdelay $0x1  }
0xc2: {  	s16 =	sor.u32 $0x10000, s14  }
0xc3: {  	[tilespmem:s16], [sflag:$0x2] =	stream.indirect_vreg.gather [hbm4b:s4+s2], $0x80, v4, vm0, $0xb8;
	[tilespmem:$0x15000] =	vst v63  }
0xc4: {  	s14 =	sor.u32 $0x10800, s14  }
0xc5: {  	[tilespmem:s14], [sflag:$0x2] =	stream.indirect_vreg.gather [hbm4b:s4+s2], $0x80, v3, vm0, $0xb8;
	[tilespmem:$0x15000] =	vst v63  }
0xc6: {  	_ =	swait.ge [sflag:s29], $0x4000  }
0xc7: {  	s14 =	sand.u32 $0x4000, s12;
	[sflag:s29] =	ssyncset.done $0x0  }
0xc8: {  	s16 =	sadd.s32 $0x5000, s14;
	[sflag:s29] =	ssyncadd.s32 $0xFFFFC000  }
0xc9: {  	[hbm4b:s9+s2] =	stream.linear.scatter [tilespmem:s16], [sflag:$0x3], $0x4000, $0x38;
	[tilespmem:$0x15000] =	vst v63  }
0xca: {  	_ =	swait.ge [sflag:s10], $0x4000  }
0xcb: {  	[sflag:s10] =	ssyncset.done $0x0  }
0xcc: {  	[sflag:s10] =	ssyncadd.s32 $0xFFFFC000  }
0xcd: {  	_ =	swait.ge [sflag:s30], $0x4000  }
0xce: {  	p0 =	sne.s32 s12, $0x13C000;
	[sflag:s30] =	ssyncset.done $0x0  }
.Ltmp0:
0xcf: {  	s14 =	sadd.s32 $0xD000, s14;
	[sflag:s30] =	ssyncadd.s32 $0xFFFFC000;
	(pc) =	sbr.rel @p0 .LBB2_2-.Ltmp0, $4  }
0xd0: {  	[hbm4b:s8+s2] =	stream.linear.scatter [tilespmem:s14], [sflag:$0x3], $0x4000, $0x38;
	[tilespmem:$0x15000] =	vst v63  }
0xd1: {  	_ =	swait.ge [sflag:s10], $0x4000  }
0xd2: {  	s0 =	sadd.s32 $0x1, s0;
	s12 =	smov.u32 s13;
	[sflag:s10] =	ssyncset.done $0x0  }
0xd3: {  	s9 =	sadd.s32 $0x800, s9;
	s8 =	sadd.s32 $0x800, s8;
	[sflag:s10] =	ssyncadd.s32 $0xFFFFC000  }
0xd4: {  	s31 =	sadd.s32 $0x1, s31  }
0xd5: {  	_ =	swait.ge [sflag:s29], $0x4000;
	p0 =	sne.s32 s31, s7  }
.Ltmp1:
0xd6: {  	[sflag:s29] =	ssyncset.done $0x0;
	(pc) =	sbr.rel @p0 .LBB2_1-.Ltmp1, $4  }
0xd7: {  	[sflag:s29] =	ssyncadd.s32 $0xFFFFC000  }
0xd8: {  	_ =	swait.ge [sflag:s30], $0x4000  }
0xd9: {  	[sflag:s30] =	ssyncset.done $0x0  }
0xda: {  	[sflag:s30] =	ssyncadd.s32 $0xFFFFC000  }
0xdb: {  	_ =	sfence.sel $0x180000  }
0xdc: {  	[bflag:$0x0] =	sbarrier.arrive $0xFFFF  }
0xdd: {  	_ =	strace $0x90000053  }
0xde: {  	s0 =	stileid.u32;
	[bflag:$0x2] =	sbarrier.arrive $0xFFFF  }
0xdf: {  	p0 =	sne.s32 s0, $0x0;
	s0 =	rddreg [dreg:$0x1]  }
0xe0: {  	s0 =	sadd.s32 @!p0 $0x100000, s0  }
0xe1: {  	[sflag:s0] =	ssyncadd.tile.s32 @!p0 $0x1;
	_ =	shalt  }
.Lfunc_end2:
_tile_overlayer_lowered:
.L_overlay_start_2:
0xe2: {  	(tag) =	ssettag $0x2  }
0xe3: {  	s0 =	rddreg [dreg:$0x0];
	s2 =	stileid.u32  }
0xe4: {  	s1 =	rddreg [dreg:$0x1];
	p0 =	sne.s32 s2, $0x0  }
0xe5: {  	s3 =	rddreg [dreg:$0x2];
	[bflag:$0x3] =	sbarrier.arrive $0xFFFF;
	s2 =	simm.s32 @!p0 $0x1C03  }
0xe6: {  	[timem:s3], [sflag:s2] =	dma.local @!p0 [hbm:s0], s1  }
0xe7: {  	s0 =	simm.s32 @!p0 $0x3  }
0xe8: {  	_ =	swait.ge @!p0 [sflag:s0], s1  }
0xe9: {  	s1 =	ssub.s32 @!p0 $0x0, s1;
	[sflag:s0] =	ssyncset.done @!p0 $0x0  }
0xea: {  	[sflag:s0] =	ssyncadd.s32 @!p0 s1  }
0xeb: {  	[bflag:$0x3] =	sbarrier.arrive $0xFFFF  }
0xec: {  	_ =	shalt  }

// kernel: _run.34.cloned.1.call-start
scs
__scs_entry_jumppad:
0x0: {  	(pc) =	sbr.rel $0x88, $3  }
0x1: {  	(tag) =	ssettag $0x0;
	lr =	simm.s32 $0x1  }
0x2: {  	[smem:$0x3F73] =	sst lr;
	_ =	strace $0xD0000000  }
0x3: {  	_ = 	snop  }
0x4: {  	_ = 	snop  }
0x5: {  	_ = 	snop  }
0x6: {  	_ = 	snop  }
0x7: {  	_ = 	snop  }
__scs_overlays_trampoline_lowered:
0x8: {  	[smem:$0x3F82] =	sst s0  }
0x9: {  	[smem:$0x3F83] =	sst s1  }
0xa: {  	[smem:$0x3F84] =	sst s2  }
0xb: {  	[smem:$0x3F85] =	sst s3  }
0xc: {  	[smem:$0x3F86] =	sst s4  }
0xd: {  	[smem:$0x3F87] =	sst s5  }
0xe: {  	[smem:$0x3F88] =	sst s6  }
0xf: {  	[smem:$0x3F89] =	sst s7  }
0x10: {  	[smem:$0x3F8A] =	sst s8  }
0x11: {  	[smem:$0x3F8B] =	sst s9;
	s0 =	simm.s32 @!p0 $0x0  }
0x12: {  	s1 =	sld [smem:$0x3F71];
	s0 =	simm.s32 @p0 $0x1  }
0x13: {  	[smem:$0x3F8C] =	sst s0;
	s0 =	simm.s32 @!p1 $0x0  }
0x14: {  	s2 =	sld [smem:$0x3F70];
	s0 =	simm.s32 @p1 $0x1  }
0x15: {  	[smem:$0x3F8D] =	sst s0;
	s0 =	simm.s32 @!p2 $0x0  }
0x16: {  	s3 =	sld [smem:$0x3FDB];
	s0 =	simm.s32 @p2 $0x1  }
0x17: {  	s4 =	simm.s32 $0x1BF5;
	[smem:$0x3F8F] =	sst s0  }
0x18: {  	s0 =	sld [smem:$0x3F72];
	_ =	swait.ge [sflag:s4], $0x0  }
0x19: {  	s7 =	sld [smem:$0x3F73]  }
0x1a: {  	s8 =	sadd.s32 $0xFFFFE003, lr  }
0x1b: {  	s9 =	sadd.s32 $0xFFFFFEF7, lr;
	s5 =	simm.s32 $0xFFFFFFFF;
	p2 =	slt.u32 s8, $0xFFFFF086  }
0x1c: {  	p1 =	slt.u32 s9, $0xF7A;
	s5 =	simm.s32 @!p2 $0x0  }
0x1d: {  	s5 =	simm.s32 @p1 $0x1;
	p0 =	seq.s32 s7, s2  }
0x1e: {  	s7 =	smul.u32 @!p0 $0xF7A, s2;
	p2 =	seq.s32 @!p0 s5, $0x0  }
0x1f: {  	s9 =	smul.u32 $0xF7A, s1;
	s8 =	simm.s32 @!p0 $0x1BF5;
	p2 =	por !p2, p0  }
0x20: {  	[sflag:s8] =	ssyncset.s32 @!p0 $0xFFFFF086;
	s6 =	sadd.s32 @!p0 s3, s7;
	s7 =	simm.s32 @!p0 $0x108  }
0x21: {  	s3 =	sadd.s32 s3, s9;
	s6 =	sadd.s32 @!p0 $0x88, s6;
	s7 =	simm.s32 @p2 $0x1082  }
0x22: {  	[simem:s7], [sflag:s8] =	dma.local @!p0 [hbm:s6], $0xF7A  }
0x23: {  	s9 =	sor.u32 $0xD0000000, s2;
	s6 =	simm.s32 $0x108;
	_ =	swait.ge @!p0 [sflag:s8], $0x0  }
0x24: {  	s3 =	sadd.s32 $0x88, s3;
	s6 =	simm.s32 @!p1 $0x1082;
	[sflag:s4] =	ssyncset.s32 $0xFFFFF086  }
0x25: {  	[simem:s6], [sflag:s4] =	dma.local [hbm:s3], $0xF7A  }
0x26: {  	[smem:$0x3F73] =	sst s1;
	(tag) =	ssettag s2;
	_ =	strace s9  }
0x27: {  	s1 =	sld [smem:$0x3F83]  }
0x28: {  	s2 =	sld [smem:$0x3F84]  }
0x29: {  	s4 =	sld [smem:$0x3F86]  }
0x2a: {  	p0 =	seq.s32 s5, $0x0;
	s5 =	sld [smem:$0x3F87]  }
0x2b: {  	s6 =	sld [smem:$0x3F88]  }
0x2c: {  	s7 =	sld [smem:$0x3F89]  }
0x2d: {  	s3 =	simm.s32 $0x108;
	s8 =	sld [smem:$0x3F8A]  }
0x2e: {  	s3 =	simm.s32 @!p0 $0x1082;
	s9 =	sld [smem:$0x3F8B]  }
0x2f: {  	lr =	sadd.s32 s0, s3;
	s0 =	sld [smem:$0x3F82]  }
0x30: {  	s3 =	sld [smem:$0x3F85]  }
0x31: {  	[smem:$0x3F8E] =	sst s10  }
0x32: {  	s10 =	sld [smem:$0x3F8C];
	_ =	sdelay $0x3  }
0x33: {  	p0 =	seq.s32 s10, $0x1;
	s10 =	sld [smem:$0x3F8E];
	_ =	sdelay $0x3  }
0x34: {  	[smem:$0x3F8E] =	sst s10  }
0x35: {  	s10 =	sld [smem:$0x3F8D];
	_ =	sdelay $0x3  }
0x36: {  	p1 =	seq.s32 s10, $0x1;
	s10 =	sld [smem:$0x3F8E];
	_ =	sdelay $0x3  }
0x37: {  	[smem:$0x3F8E] =	sst s10  }
0x38: {  	s10 =	sld [smem:$0x3F8F]  }
0x39: {  	_ = 	snop;
	(pc) =	sbr.ind lr, $3  }
0x3a: {  	_ = 	snop  }
0x3b: {  	_ = 	snop  }
0x3c: {  	p2 =	seq.s32 s10, $0x1;
	s10 =	sld [smem:$0x3F8E]  }
0x3d: {  	_ =	shalt  }
0x3e: {  	_ =	shalt  }
0x3f: {  	_ =	shalt  }
0x40: {  	_ =	shalt  }
0x41: {  	_ =	shalt  }
0x42: {  	_ =	shalt  }
0x43: {  	_ =	shalt  }
0x44: {  	_ =	shalt  }
0x45: {  	_ =	shalt  }
0x46: {  	_ =	shalt  }
0x47: {  	_ =	shalt  }
0x48: {  	_ =	shalt  }
0x49: {  	_ =	shalt  }
0x4a: {  	_ =	shalt  }
0x4b: {  	_ =	shalt  }
0x4c: {  	_ =	shalt  }
0x4d: {  	_ =	shalt  }
0x4e: {  	_ =	shalt  }
0x4f: {  	_ =	shalt  }
0x50: {  	_ =	shalt  }
0x51: {  	_ =	shalt  }
0x52: {  	_ =	shalt  }
0x53: {  	_ =	shalt  }
0x54: {  	_ =	shalt  }
0x55: {  	_ =	shalt  }
0x56: {  	_ =	shalt  }
0x57: {  	_ =	shalt  }
0x58: {  	_ =	shalt  }
0x59: {  	_ =	shalt  }
0x5a: {  	_ =	shalt  }
0x5b: {  	_ =	shalt  }
0x5c: {  	_ =	shalt  }
0x5d: {  	_ =	shalt  }
0x5e: {  	_ =	shalt  }
0x5f: {  	_ =	shalt  }
0x60: {  	_ =	shalt  }
0x61: {  	_ =	shalt  }
0x62: {  	_ =	shalt  }
0x63: {  	_ =	shalt  }
0x64: {  	_ =	shalt  }
0x65: {  	_ =	shalt  }
0x66: {  	_ =	shalt  }
0x67: {  	_ =	shalt  }
0x68: {  	_ =	shalt  }
0x69: {  	_ =	shalt  }
0x6a: {  	_ =	shalt  }
0x6b: {  	_ =	shalt  }
0x6c: {  	_ =	shalt  }
0x6d: {  	_ =	shalt  }
0x6e: {  	_ =	shalt  }
0x6f: {  	_ =	shalt  }
0x70: {  	_ =	shalt  }
0x71: {  	_ =	shalt  }
0x72: {  	_ =	shalt  }
0x73: {  	_ =	shalt  }
0x74: {  	_ =	shalt  }
0x75: {  	_ =	shalt  }
0x76: {  	_ =	shalt  }
0x77: {  	_ =	shalt  }
0x78: {  	_ =	shalt  }
0x79: {  	_ =	shalt  }
0x7a: {  	_ =	shalt  }
0x7b: {  	_ =	shalt  }
0x7c: {  	_ =	shalt  }
0x7d: {  	_ =	shalt  }
0x7e: {  	_ =	shalt  }
0x7f: {  	_ =	shalt  }
0x80: {  	_ =	shalt  }
0x81: {  	_ =	shalt  }
0x82: {  	_ =	shalt  }
0x83: {  	_ =	shalt  }
0x84: {  	_ =	shalt  }
0x85: {  	_ =	shalt  }
0x86: {  	_ =	shalt  }
0x87: {  	_ =	shalt  }
.Lfunc_end0:
.L_simem_size_0:
called_computation.5_lowered:
.L_overlay_start_0:
0x88: {  	s2 =	sld [smem:$0x3FD9]  }
0x89: {  	s3 =	sld [smem:$0x3FFE];
	_ =	sdelay $0x1  }
0x8a: {  	s1 =	srdreg.scid  }
0x8b: {  	s0 =	sand.u32 $0x1, s1  }
0x8c: {  	s16 =	sshll.u32 s0, $0xA;
	s2 =	sadd.s32 s3, s2  }
0x8d: {  	s2 =	sadd.s32 s2, s16  }
0x8e: {  	[smem:$0x3F9A] =	sst s2  }
0x8f: {  	_ = 	snop  }
0x90: {  	(tm) =	ssettm $0x1  }
0x91: {  	s17 =	sld [smem:$0x3FFB];
	_ =	sdelay $0x3  }
0x92: {  	_ =	strace s17  }
0x93: {  	s2 =	sld [smem:$0x3FFC];
	_ =	sdelay $0x3  }
0x94: {  	_ =	strace s2  }
0x95: {  	s2 =	sld [smem:$0x3FFD];
	_ =	sdelay $0x3  }
0x96: {  	_ =	strace s2  }
0x97: {  	_ =	strace $0x8FFFFFFF  }
0x98: {  	s18 =	sld [smem:$0x3FDB];
	_ =	sdelay $0x1  }
0x99: {  	s19 =	simm.s32 $_scs_section_size  }
0x9a: {  	s4 =	simm.s32 $_size__tile_overlayer_lowered;
	s5 =	simm.s32 $_tile_overlayer_lowered  }
0x9b: {  	s22 =	simm.s32 $0x1BFF;
	s21 =	sshll.u32 s5, $0x1;
	s2 =	sadd.s32 s19, s18  }
0x9c: {  	s6 =	simm.s32 $0x0;
	s20 =	sshll.u32 s4, $0x1;
	s4 =	sadd.s32 s21, s2  }
0x9d: {  	[timem:s6], [sflag:s22] =	dma.local [hbm:s4], s20  }
0x9e: {  	_ =	swait.ge [sflag:s22], s20  }
0x9f: {  	s3 =	ssub.s32 $0x0, s20;
	[sflag:s22] =	ssyncset.done $0x0  }
0xa0: {  	[sflag:s22] =	ssyncadd.s32 s3;
	_ =	sdelay $0x1  }
0xa1: {  	s23 =	simm.s32 $0x1B8B  }
0xa2: {  	_ =	swait.ge [sflag:s23], $0x1  }
0xa3: {  	[sflag:s23] =	ssyncset.done $0x0  }
0xa4: {  	s25 =	simm.s32 $0x1B8E;
	s24 =	sld [smem:$0x3FFE];
	[sflag:s23] =	ssyncadd.s32 $0xFFFFFFFF  }
0xa5: {  	s26 =	simm.s32 $execute0_lowered;
	[smem:$0x3FD2] =	sst s25  }
0xa6: {  	s4 =	sshll.u32 s26, $0x1;
	_ =	strace $0x80000055;
	[dreg:$0x1] =	wrdreg $0xFFFFFFFF  }
0xa7: {  	s28 =	simm.s32 $_size_execute0_lowered;
	s2 =	sadd.s32 s2, s4;
	[dreg:$0x0] =	wrdreg $0x0  }
0xa8: {  	s4 =	sshll.u32 s28, $0x1;
	[dreg:$0x2] =	wrdreg s2  }
0xa9: {  	[dreg:$0x3] =	wrdreg s4  }
0xaa: {  	[dreg:$0x4] =	wrdreg $0xC0  }
0xab: {  	_ =	task [dreg:s6], $0x5FFFF  }
0xac: {  	[dreg:$0x1] =	wrdreg $0xFFFFFFFF  }
0xad: {  	[dreg:$0x0] =	wrdreg $0x60  }
0xae: {  	[dreg:$0x2] =	wrdreg s24  }
0xaf: {  	[dreg:$0x3] =	wrdreg $0x94000  }
0xb0: {  	[dreg:$0x4] =	wrdreg $0x9  }
0xb1: {  	_ =	task.clear_ibuf [dreg:s6], $0x5FFFF;
	_ =	strace $0x90000055  }
0xb2: {  	s29 =	simm.s32 $0x9;
	_ =	strace $0x80000057  }
0xb3: {  	_ =	swait.ge [sflag:s29], $0x1  }
0xb4: {  	[sflag:s29] =	ssyncadd.s32 $0xFFFFFFFF  }
0xb5: {  	_ =	strace $0x90000057  }
0xb6: {  	_ =	sfence  }
0xb7: {  	s30 =	sld [smem:$0x0];
	_ =	sdelay $0x2  }
0xb8: {  	s31 =	sshll.u32 s1, $0xD;
	s1 =	sshrl.u32 s1, $0x2  }
0xb9: {  	s3 =	sand.u32 $0x4000, s31;
	s1 =	sadd.s32 s1, s30  }
0xba: {  	s0 =	sor.u32 s3, s0;
	s1 =	sshll.u32 s1, $0x11  }
0xbb: {  	s0 =	sor.u32 s1, s0  }
0xbc: {  	s0 =	sadd.s32 $0x8F2B, s0  }
0xbd: {  	[sflag:s0] =	ssyncadd.remote.s32 $0x1  }
0xbe: {  	_ =	sfence.sel $0xFFFF  }
0xbf: {  	[dreg:$0x0] =	wrdreg $0xFFFFFFFF;
	(pc) =	sbr.abs _section_cstart, $3  }
0xc0: {  	[dreg:$0x1] =	wrdreg $0xFFFFFFFF  }
0xc1: {  	_ =	task.clear_ibuf [dreg:s6], $0x2FFFF;
	_ =	strace $0x9FFFFFFF  }
0xc2: {  	(tm) =	ssettm $0x7FFFFFFF  }
0xc3: {  	_ =	shalt  }
tec
execute0_lowered:
.L_overlay_start_1:
0x0: {  	(tag) =	ssettag $0x1  }
0x1: {  	s7 =	rddreg [dreg:$0x0]  }
0x2: {  	s0 =	srdreg.scid;
	s2 =	rddreg [dreg:$0x1]  }
0x3: {  	s3 =	simm.s32 $0x0;
	s17 =	simm.s32 $0x1400;
	s18 =	simm.s32 $0x1  }
0x4: {  	s19 =	simm.s32 $0x80;
	s6 =	sand.u32 $0x1, s0;
	s0 =	stileid.u32  }
0x5: {  	s20 =	simm.s32 $0x0;
	s4 =	sadd.s32 $0x659A00, s7;
	s10 =	smul.u32 $0x13C00, s0  }
0x6: {  	[smem:$0x7FF] =	sst s3;
	s5 =	sadd.s32 $0x1037200, s7;
	s11 =	smul.u32 $0x13C000, s6  }
0x7: {  	s1 =	sshll.u32 s6, $0x4;
	s12 =	smul.u32 $0x4F000, s0;
	s6 =	ssub.s32 $0x2, s6  }
0x8: {  	s15 =	sshll.u32 s0, $0x6;
	s9 =	sor.u32 s0, s1;
	s1 =	rddreg [dreg:$0x2]  }
0x9: {  	_ =	strace $0x80000056;
	s29 =	sshrl.u32 s6, $0x1;
	s15 =	sor.u32 $0x1C02, s15  }
0xa: {  	s8 =	smul.u32 $0x280, s9;
	s11 =	sadd.s32 s10, s11;
	s10 =	sshrl.u32 s10, $0x3  }
0xb: {  	s30 =	sshrl.u32 s12, $0x2;
	s31 =	smul.u32 $0x14000, s9;
	s14 =	ssub.s32 s6, s29  }
0xc: {  	s9 =	smul.u32 $0xA0000, s9;
	s11 =	sshrl.u32 s11, $0x3;
	s10 =	sadd.s32 s10, s7  }
0xd: {  	s16 =	sadd.s32 s30, s2;
	s8 =	sadd.s32 s8, s7;
	s13 =	sadd.s32 s11, s7  }
0xe: {  	s7 =	sadd.s32 $0x47C00, s10;
	s11 =	sadd.s32 s5, s31;
	s16 =	sshrl.u32 s16, $0x3  }
0xf: {  	s6 =	sadd.s32 $0xB32200, s8;
	s8 =	sadd.s32 s4, s31;
	s10 =	sadd.s32 $0x8D9A00, s13  }
0x10: {  	s12 =	sadd.s32 $0x928A00, s13;
	s13 =	smax.u32 s14, $0x1;
	s14 =	simm.s32 $0x2  }
.LBB2_1:
0x11: {  	[tilespmem:s3], [sflag:$0x2] =	stream.linear.gather [hbm4b:s6+s3], $0x1400, $0x38;
	[tilespmem:$0x1D000] =	vst v63  }
0x12: {  	_ =	swait.ge [sflag:s14], $0x1400  }
0x13: {  	[sflag:s14] =	ssyncset.done $0x0  }
0x14: {  	[sflag:s14] =	ssyncadd.s32 $0xFFFFEC00  }
0x15: {  	[spmem:s16], [sflag:s15] =	dma.local [hbm:s7], $0x2780  }
0x16: {  	s21 =	smin.u32 s18, $0x27;
	_ =	swait.ge [sflag:s14], $0x2780  }
0x17: {  	s22 =	sshll.u32 s21, $0xE;
	[sflag:s14] =	ssyncset.done $0x0  }
0x18: {  	s21 =	simm.s32 $0x4000;
	s22 =	sadd.s32 s9, s22;
	[sflag:s14] =	ssyncadd.s32 $0xFFFFD880  }
0x19: {  	s23 =	sand.u32 $0x4000, s21;
	s22 =	sshrl.u32 s22, $0x3;
	[bflag:$0x0] =	sbarrier.arrive $0xFFFF  }
0x1a: {  	[tilespmem:s17], [sflag:$0x1] =	stream.linear.gather [hbm4b:s8+s3], $0x4000, $0x38;
	[tilespmem:$0x1D000] =	vst v63  }
0x1b: {  	s23 =	sor.u32 $0x1400, s23;
	s22 =	sadd.s32 s4, s22  }
0x1c: {  	[tilespmem:s23], [sflag:$0x1] =	stream.linear.gather [hbm4b:s22+s3], $0x4000, $0x38;
	[tilespmem:$0x1D000] =	vst v63  }
0x1d: {  	s25 =	simm.s32 $0x8000;
	_ =	swait.ge [sflag:s18], $0x4000  }
0x1e: {  	s30 =	sand.u32 $0x4000, s3;
	s22 =	simm.s32 $0x2;
	[sflag:s18] =	ssyncset.done $0x0  }
0x1f: {  	s23 =	sor.u32 $0x1400, s30;
	s26 =	smin.u32 s22, $0x27;
	[sflag:s18] =	ssyncadd.s32 $0xFFFFC000  }
0x20: {  	[spmem:s2] =	stream.indirect.scatter.add.f32 [tilespmem:s23], [sflag:$0x2], $0x80, s3, s19, $0xb8;
	[tilespmem:$0x1D000] =	vst v63  }
0x21: {  	s24 =	sand.u32 $0x4000, s25;
	s31 =	sshll.u32 s26, $0xE;
	_ =	swait.ge [sflag:s14], $0x4000  }
0x22: {  	s26 =	sadd.s32 s9, s31;
	s23 =	simm.s32 $0x80;
	[sflag:s14] =	ssyncset.done $0x0  }
.LBB2_2:
0x23: {  	s26 =	sshrl.u32 s26, $0x3;
	[sflag:s14] =	ssyncadd.s32 $0xFFFFC000  }
0x24: {  	s28 =	smov.u32 s25;
	s29 =	sadd.s32 $0x4000, s25;
	s30 =	sor.u32 $0x1400, s24  }
0x25: {  	p0 =	sne.s32 s25, $0x9C000;
	s24 =	sand.u32 $0x4000, s29;
	s26 =	sadd.s32 s4, s26  }
0x26: {  	[tilespmem:s30], [sflag:$0x1] =	stream.linear.gather [hbm4b:s26+s3], $0x4000, $0x38;
	[tilespmem:$0x1D000] =	vst v63  }
0x27: {  	s22 =	sadd.s32 $0x1, s22;
	s21 =	sand.u32 $0x4000, s21;
	_ =	swait.ge [sflag:s18], $0x4000  }
.Ltmp0:
0x28: {  	s25 =	smin.u32 s22, $0x27;
	[sflag:s18] =	ssyncset.done $0x0;
	(pc) =	sbr.rel @p0 .LBB2_2-.Ltmp0, $4  }
0x29: {  	s21 =	sor.u32 $0x1400, s21;
	s25 =	sshll.u32 s25, $0xE;
	[sflag:s18] =	ssyncadd.s32 $0xFFFFC000  }
0x2a: {  	[spmem:s2] =	stream.indirect.scatter.add.f32 [tilespmem:s21], [sflag:$0x2], $0x80, s23, s19, $0xb8;
	[tilespmem:$0x1D000] =	vst v63  }
0x2b: {  	s26 =	sadd.s32 s9, s25;
	s21 =	smov.u32 s28;
	_ =	swait.ge [sflag:s14], $0x4000  }
0x2c: {  	s25 =	smov.u32 s29;
	s23 =	sadd.s32 $0x80, s23;
	[sflag:s14] =	ssyncset.done $0x0  }
0x2d: {  	s22 =	sshrl.u32 s26, $0x3  }
0x2e: {  	[sflag:s14] =	ssyncadd.s32 $0xFFFFC000;
	s24 =	sor.u32 $0x1400, s24;
	s22 =	sadd.s32 s4, s22  }
0x2f: {  	[tilespmem:s24], [sflag:$0x1] =	stream.linear.gather [hbm4b:s22+s3], $0x4000, $0x38;
	[tilespmem:$0x1D000] =	vst v63  }
0x30: {  	_ =	swait.ge [sflag:s18], $0x4000  }
0x31: {  	s21 =	sand.u32 $0x4000, s21;
	[sflag:s18] =	ssyncset.done $0x0  }
0x32: {  	s21 =	sor.u32 $0x1400, s21;
	[sflag:s18] =	ssyncadd.s32 $0xFFFFC000  }
0x33: {  	[spmem:s2] =	stream.indirect.scatter.add.f32 [tilespmem:s21], [sflag:$0x2], $0x80, s23, s19, $0xb8;
	[tilespmem:$0x1D000] =	vst v63  }
0x34: {  	_ =	swait.ge [sflag:s14], $0x4000  }
0x35: {  	[sflag:s14] =	ssyncset.done $0x0  }
0x36: {  	s30 =	simm.s32 $0x1;
	[sflag:s14] =	ssyncadd.s32 $0xFFFFC000  }
0x37: {  	_ =	swait.ge [sflag:s30], $0x4000  }
0x38: {  	[sflag:s30] =	ssyncset.done $0x0  }
0x39: {  	[sflag:s30] =	ssyncadd.s32 $0xFFFFC000  }
0x3a: {  	[bflag:$0x0] =	sbarrier.arrive $0xFFFF  }
0x3b: {  	[hbm:s10], [sflag:s15] =	dma.local [spmem:s16], $0x2780  }
0x3c: {  	_ =	swait.ge [sflag:s14], $0x2780  }
0x3d: {  	[sflag:s14] =	ssyncset.done $0x0  }
0x3e: {  	[sflag:s14] =	ssyncadd.s32 $0xFFFFD880  }
0x3f: {  	[bflag:$0x0] =	sbarrier.arrive $0xFFFF  }
0x40: {  	[spmem:s16], [sflag:s15] =	dma.local [hbm:s7], $0x2780  }
0x41: {  	s21 =	smin.u32 s30, $0x27;
	_ =	swait.ge [sflag:s14], $0x2780  }
0x42: {  	s31 =	simm.s32 $0x0;
	s26 =	sshll.u32 s21, $0xE;
	[sflag:s14] =	ssyncset.done $0x0  }
0x43: {  	s21 =	simm.s32 $0x4000;
	s22 =	sadd.s32 s9, s26;
	[sflag:s14] =	ssyncadd.s32 $0xFFFFD880  }
0x44: {  	s28 =	sand.u32 $0x4000, s21;
	s22 =	sshrl.u32 s22, $0x3;
	[bflag:$0x0] =	sbarrier.arrive $0xFFFF  }
0x45: {  	[tilespmem:s17], [sflag:$0x1] =	stream.linear.gather [hbm4b:s11+s31], $0x4000, $0x38;
	[tilespmem:$0x1D000] =	vst v63  }
0x46: {  	s24 =	sor.u32 $0x1400, s28;
	s22 =	sadd.s32 s5, s22  }
0x47: {  	[tilespmem:s24], [sflag:$0x1] =	stream.linear.gather [hbm4b:s22+s3], $0x4000, $0x38;
	[tilespmem:$0x1D000] =	vst v63  }
0x48: {  	s25 =	simm.s32 $0x8000;
	_ =	swait.ge [sflag:s18], $0x4000  }
0x49: {  	s29 =	sand.u32 $0x4000, s31;
	s22 =	simm.s32 $0x2;
	[sflag:s18] =	ssyncset.done $0x0  }
0x4a: {  	s24 =	sor.u32 $0x1400, s29;
	s30 =	smin.u32 s22, $0x27;
	[sflag:s18] =	ssyncadd.s32 $0xFFFFC000  }
0x4b: {  	[spmem:s2] =	stream.indirect.scatter.add.f32 [tilespmem:s24], [sflag:$0x2], $0x80, s31, s19, $0xb8;
	[tilespmem:$0x1D000] =	vst v63  }
0x4c: {  	s23 =	simm.s32 $0x80;
	s31 =	sshll.u32 s30, $0xE;
	_ =	swait.ge [sflag:s14], $0x4000  }
0x4d: {  	s24 =	sand.u32 $0x4000, s25;
	s26 =	sadd.s32 s9, s31;
	[sflag:s14] =	ssyncset.done $0x0  }
.LBB2_4:
0x4e: {  	s26 =	sshrl.u32 s26, $0x3;
	[sflag:s14] =	ssyncadd.s32 $0xFFFFC000  }
0x4f: {  	s28 =	smov.u32 s25;
	s29 =	sadd.s32 $0x4000, s25;
	s30 =	sor.u32 $0x1400, s24  }
0x50: {  	p0 =	sne.s32 s25, $0x9C000;
	s24 =	sand.u32 $0x4000, s29;
	s26 =	sadd.s32 s5, s26  }
0x51: {  	[tilespmem:s30], [sflag:$0x1] =	stream.linear.gather [hbm4b:s26+s3], $0x4000, $0x38;
	[tilespmem:$0x1D000] =	vst v63  }
0x52: {  	s22 =	sadd.s32 $0x1, s22;
	s21 =	sand.u32 $0x4000, s21;
	_ =	swait.ge [sflag:s18], $0x4000  }
.Ltmp1:
0x53: {  	s25 =	smin.u32 s22, $0x27;
	[sflag:s18] =	ssyncset.done $0x0;
	(pc) =	sbr.rel @p0 .LBB2_4-.Ltmp1, $4  }
0x54: {  	s21 =	sor.u32 $0x1400, s21;
	s25 =	sshll.u32 s25, $0xE;
	[sflag:s18] =	ssyncadd.s32 $0xFFFFC000  }
0x55: {  	[spmem:s2] =	stream.indirect.scatter.add.f32 [tilespmem:s21], [sflag:$0x2], $0x80, s23, s19, $0xb8;
	[tilespmem:$0x1D000] =	vst v63  }
0x56: {  	s26 =	sadd.s32 s9, s25;
	s21 =	smov.u32 s28;
	_ =	swait.ge [sflag:s14], $0x4000  }
0x57: {  	s25 =	smov.u32 s29;
	s23 =	sadd.s32 $0x80, s23;
	[sflag:s14] =	ssyncset.done $0x0  }
0x58: {  	s22 =	sshrl.u32 s26, $0x3  }
0x59: {  	[sflag:s14] =	ssyncadd.s32 $0xFFFFC000;
	s24 =	sor.u32 $0x1400, s24;
	s22 =	sadd.s32 s5, s22  }
0x5a: {  	[tilespmem:s24], [sflag:$0x1] =	stream.linear.gather [hbm4b:s22+s3], $0x4000, $0x38;
	[tilespmem:$0x1D000] =	vst v63  }
0x5b: {  	_ =	swait.ge [sflag:s18], $0x4000  }
0x5c: {  	s21 =	sand.u32 $0x4000, s21;
	[sflag:s18] =	ssyncset.done $0x0  }
0x5d: {  	s21 =	sor.u32 $0x1400, s21;
	[sflag:s18] =	ssyncadd.s32 $0xFFFFC000  }
0x5e: {  	[spmem:s2] =	stream.indirect.scatter.add.f32 [tilespmem:s21], [sflag:$0x2], $0x80, s23, s19, $0xb8;
	[tilespmem:$0x1D000] =	vst v63  }
0x5f: {  	_ =	swait.ge [sflag:s14], $0x4000  }
0x60: {  	[sflag:s14] =	ssyncset.done $0x0  }
0x61: {  	[sflag:s14] =	ssyncadd.s32 $0xFFFFC000  }
0x62: {  	_ =	swait.ge [sflag:s18], $0x4000  }
0x63: {  	[sflag:s18] =	ssyncset.done $0x0  }
0x64: {  	s20 =	sadd.s32 $0x1, s20;
	[sflag:s18] =	ssyncadd.s32 $0xFFFFC000  }
0x65: {  	p0 =	sne.s32 s20, s13;
	[bflag:$0x0] =	sbarrier.arrive $0xFFFF  }
0x66: {  	[hbm:s12], [sflag:s15] =	dma.local [spmem:s16], $0x2780  }
.Ltmp2:
0x67: {  	_ =	swait.ge [sflag:s14], $0x2780;
	(pc) =	sbr.rel @p0 .LBB2_1-.Ltmp2, $3  }
0x68: {  	[sflag:s14] =	ssyncset.done $0x0  }
0x69: {  	[sflag:s14] =	ssyncadd.s32 $0xFFFFD880  }
0x6a: {  	[bflag:$0x0] =	sbarrier.arrive $0xFFFF;
	_ =	sdelay $0x1  }
0x6b: {  	_ =	sfence.sel $0x180000  }
0x6c: {  	[bflag:$0x0] =	sbarrier.arrive $0xFFFF  }
0x6d: {  	p0 =	sne.s32 s0, $0x0;
	_ =	strace $0x90000056  }
0x6e: {  	s0 =	sadd.s32 @!p0 $0x100000, s1;
	[bflag:$0x2] =	sbarrier.arrive $0xFFFF  }
0x6f: {  	[sflag:s0] =	ssyncadd.tile.s32 @!p0 $0x1;
	_ =	shalt  }
.Lfunc_end2:
_tile_overlayer_lowered:
.L_overlay_start_2:
0x70: {  	(tag) =	ssettag $0x2  }
0x71: {  	s0 =	rddreg [dreg:$0x0];
	s2 =	stileid.u32  }
0x72: {  	s1 =	rddreg [dreg:$0x1];
	p0 =	sne.s32 s2, $0x0  }
0x73: {  	s3 =	rddreg [dreg:$0x2];
	[bflag:$0x3] =	sbarrier.arrive $0xFFFF;
	s2 =	simm.s32 @!p0 $0x1C02  }
0x74: {  	[timem:s3], [sflag:s2] =	dma.local @!p0 [hbm:s0], s1  }
0x75: {  	s0 =	simm.s32 @!p0 $0x2  }
0x76: {  	_ =	swait.ge @!p0 [sflag:s0], s1  }
0x77: {  	s1 =	ssub.s32 @!p0 $0x0, s1;
	[sflag:s0] =	ssyncset.done @!p0 $0x0  }
0x78: {  	[sflag:s0] =	ssyncadd.s32 @!p0 s1  }
0x79: {  	[bflag:$0x3] =	sbarrier.arrive $0xFFFF  }
0x7a: {  	_ =	shalt  }

</sc_bundles>
